<compile_context>
chip_gen: v7x
topology: tpu7x:2x2x1
jax: 0.10.2.dev20260603
libtpu: 0.0.44.dev20260713+nightly
codegen_flags: <defaults>
</compile_context>

<pallas_src>
import functools

import jax
import jax.numpy as jnp
from jax import lax
from jax.experimental import pallas as pl
from jax.experimental.pallas import tpu as pltpu
from jax.experimental.pallas import tpu_sc as plsc

N = 10000
E = 160000
D_IN = 256
D_H = 512
D_OUT = 40
DC = 128
DC2 = 128
NC = 2
NS = 16
RPT = N // NS
B = 128
EP = 1280
EB = EP // NS
HEB = EB // 2
N16 = N + 16

_mesh = functools.partial(
    plsc.VectorSubcoreMesh, core_axis_name="c", subcore_axis_name="s")


def _fill_const(buf, rows, cols, val):
  nz = cols // 16

  def body(r, _):
    for j in range(nz):
      buf[r, j * 16:(j + 1) * 16] = jnp.full((16,), val, jnp.float32)
    return 0

  lax.fori_loop(0, rows, body, 0)


def _zero_acc(zbuf, acc, r0):
  for j in range(5):
    pltpu.sync_copy(zbuf, acc.at[pl.ds(r0 + j * 125, 125)])


def _pipelined_pass(tab, acc, src_hbm, dst_hbm, e0, idx, m0, m1, g0, g1,
                    s0, s1, i0, i1, nb):

  def ifire(t, p, isem):
    sv, dv = idx[p]
    pltpu.async_copy(src_hbm.at[pl.ds(e0 + t * B, B)], sv, isem)
    pltpu.async_copy(dst_hbm.at[pl.ds(e0 + t * B, B)], dv, isem)

  def iwait(t, p, isem):
    sv, dv = idx[p]
    pltpu.make_async_copy(src_hbm.at[pl.ds(e0 + t * B, B)], sv, isem).wait()
    pltpu.make_async_copy(dst_hbm.at[pl.ds(e0 + t * B, B)], dv, isem).wait()

  def gfire(p, m, g):
    pltpu.async_copy(tab.at[idx[p][0]], m, g)

  def gwait(p, m, g):
    pltpu.make_async_copy(tab.at[idx[p][0]], m, g).wait()

  def sfire(p, m, sem):
    pltpu.async_copy(m, acc.at[idx[p][1]], sem, add=True)

  def swait(p, m, sem):
    pltpu.make_async_copy(m, acc.at[idx[p][1]], sem).wait()

  pltpu.sync_copy(src_hbm.at[pl.ds(e0, B)], idx[0][0])
  pltpu.sync_copy(dst_hbm.at[pl.ds(e0, B)], idx[0][1])
  pltpu.sync_copy(src_hbm.at[pl.ds(e0 + B, B)], idx[1][0])
  pltpu.sync_copy(dst_hbm.at[pl.ds(e0 + B, B)], idx[1][1])
  gfire(0, m0, g0)
  gfire(1, m1, g1)
  ifire(2, 2, i0)
  ifire(3, 3, i1)

  def body(i, _):
    t0 = 4 * i

    gwait(0, m0, g0)
    sfire(0, m0, s0)
    gwait(1, m1, g1)
    sfire(1, m1, s1)

    swait(0, m0, s0)
    iwait(t0 + 2, 2, i0)
    gfire(2, m0, g0)

    @pl.when(t0 + 4 < nb)
    def _():
      ifire(t0 + 4, 0, i0)

    swait(1, m1, s1)
    iwait(t0 + 3, 3, i1)
    gfire(3, m1, g1)

    @pl.when(t0 + 5 < nb)
    def _():
      ifire(t0 + 5, 1, i1)

    gwait(2, m0, g0)
    sfire(2, m0, s0)
    gwait(3, m1, g1)
    sfire(3, m1, s1)

    swait(2, m0, s0)

    @pl.when(t0 + 4 < nb)
    def _():
      iwait(t0 + 4, 0, i0)
      gfire(0, m0, g0)

    @pl.when(t0 + 6 < nb)
    def _():
      ifire(t0 + 6, 2, i0)

    swait(3, m1, s1)

    @pl.when(t0 + 5 < nb)
    def _():
      iwait(t0 + 5, 1, i1)
      gfire(1, m1, g1)

    @pl.when(t0 + 7 < nb)
    def _():
      ifire(t0 + 7, 3, i1)

    return 0

  lax.fori_loop(0, nb // 4, body, 0)


def _hist_call(ef_hbm_flat):

  @functools.partial(
      pl.kernel,
      out_type=jax.ShapeDtypeStruct((2, NS, RPT, DC), jnp.float32),
      mesh=_mesh(),
      scratch_types=[
          pltpu.VMEM((B,), jnp.int32),
          pltpu.VMEM((B,), jnp.int32),
          pltpu.VMEM((B, DC), jnp.float32),
          pltpu.VMEM((125, DC), jnp.float32),
          pltpu.VMEM_SHARED((N16, DC), jnp.float32),
          pltpu.SemaphoreType.DMA,
          pltpu.SemaphoreType.DMA,
      ],
  )
  def k(ef_hbm, out_hbm, dv0, dv1, onesb, zbuf, acc, s0, s1):
    cid = lax.axis_index("c")
    sid = lax.axis_index("s")
    _fill_const(onesb, B, DC, 1.0)
    _fill_const(zbuf, 125, DC, 0.0)
    r0 = sid * RPT
    _zero_acc(zbuf, acc, r0)
    e0 = cid * (EP * B) + sid * (EB * B)
    plsc.subcore_barrier()

    def loadidx(t, dv):
      pltpu.sync_copy(ef_hbm.at[pl.ds(e0 + t * B, B)], dv)

    def sfire(dv, sem):
      pltpu.async_copy(onesb, acc.at[dv], sem, add=True)

    def swait(dv, sem):
      pltpu.make_async_copy(onesb, acc.at[dv], sem).wait()

    loadidx(0, dv0)
    sfire(dv0, s0)
    loadidx(1, dv1)
    sfire(dv1, s1)

    def body(i, _):
      t0 = 2 * i
      t1 = t0 + 1
      swait(dv0, s0)

      @pl.when(t0 + 2 < EB)
      def _():
        loadidx(t0 + 2, dv0)
        sfire(dv0, s0)

      swait(dv1, s1)

      @pl.when(t1 + 2 < EB)
      def _():
        loadidx(t1 + 2, dv1)
        sfire(dv1, s1)

      return 0

    lax.fori_loop(0, EB // 2, body, 0)
    plsc.subcore_barrier()
    pltpu.sync_copy(acc.at[pl.ds(r0, RPT)], out_hbm.at[cid, sid])

  return k(ef_hbm_flat)


def _agg_cols_call(src1d, dst1d, tables):
  nt = len(tables)
  cpc = nt // 2

  @functools.partial(
      pl.kernel,
      out_type=[jax.ShapeDtypeStruct((NS, RPT, DC), jnp.float32)] * nt,
      mesh=_mesh(),
      scratch_types=[pltpu.VMEM((B,), jnp.int32)] * 8 + [
          pltpu.VMEM((B, DC), jnp.float32),
          pltpu.VMEM((B, DC), jnp.float32),
          pltpu.VMEM((125, DC), jnp.float32),
          pltpu.VMEM_SHARED((N16, DC), jnp.float32),
      ] + [pltpu.SemaphoreType.DMA] * 6,
  )
  def k(src_hbm, dst_hbm, *rest):
    tabs = rest[:nt]
    outs = rest[nt:2 * nt]
    (sv0, dv0, sv1, dv1, sv2, dv2, sv3, dv3, m0, m1, zbuf, acc,
     g0, g1, s0, s1, i0, i1) = rest[2 * nt:]
    idx = [(sv0, dv0), (sv1, dv1), (sv2, dv2), (sv3, dv3)]
    cid = lax.axis_index("c")
    sid = lax.axis_index("s")
    _fill_const(zbuf, 125, DC, 0.0)
    r0 = sid * RPT
    e0 = sid * (EB * B)

    def copy_out(out):
      pltpu.sync_copy(acc.at[pl.ds(r0, RPT)], out.at[sid])

    def do_chunk(tab):
      _pipelined_pass(tab, acc, src_hbm, dst_hbm, e0, idx, m0, m1,
                      g0, g1, s0, s1, i0, i1, EB)

    _zero_acc(zbuf, acc, r0)
    plsc.subcore_barrier()
    for i in range(cpc):
      @pl.when(cid == 0)
      def _():
        do_chunk(tabs[i])

      @pl.when(cid == 1)
      def _():
        do_chunk(tabs[cpc + i])

      plsc.subcore_barrier()

      @pl.when(cid == 0)
      def _():
        copy_out(outs[i])

      @pl.when(cid == 1)
      def _():
        copy_out(outs[cpc + i])

      if i < cpc - 1:
        _zero_acc(zbuf, acc, r0)
        plsc.subcore_barrier()

  return k(src1d, dst1d, *tables)


def _agg_edges_call(src1d, dst1d, table):
  eb = EP // (NC * NS)

  @functools.partial(
      pl.kernel,
      out_type=jax.ShapeDtypeStruct((2, NS, RPT, DC2), jnp.float32),
      mesh=_mesh(),
      scratch_types=[pltpu.VMEM((B,), jnp.int32)] * 8 + [
          pltpu.VMEM((B, DC2), jnp.float32),
          pltpu.VMEM((B, DC2), jnp.float32),
          pltpu.VMEM((125, DC2), jnp.float32),
          pltpu.VMEM_SHARED((N16, DC2), jnp.float32),
      ] + [pltpu.SemaphoreType.DMA] * 6,
  )
  def k(src_hbm, dst_hbm, tab, out_hbm, sv0, dv0, sv1, dv1, sv2, dv2, sv3,
        dv3, m0, m1, zbuf, acc, g0, g1, s0, s1, i0, i1):
    idx = [(sv0, dv0), (sv1, dv1), (sv2, dv2), (sv3, dv3)]
    cid = lax.axis_index("c")
    sid = lax.axis_index("s")
    _fill_const(zbuf, 125, DC2, 0.0)
    r0 = sid * RPT
    e0 = (cid * NS + sid) * (eb * B)
    _zero_acc(zbuf, acc, r0)
    plsc.subcore_barrier()
    _pipelined_pass(tab, acc, src_hbm, dst_hbm, e0, idx, m0, m1,
                    g0, g1, s0, s1, i0, i1, eb)
    plsc.subcore_barrier()
    pltpu.sync_copy(acc.at[pl.ds(r0, RPT)], out_hbm.at[cid, sid])

  return k(src1d, dst1d, table)



_R = 1000


def _norms(hist_blk):
  deg_o = hist_blk[0, :, 0:1]
  deg_i = hist_blk[1, :, 0:1]
  return (lax.rsqrt(jnp.maximum(deg_o, 1.0)),
          lax.rsqrt(jnp.maximum(deg_i, 1.0)))


def _ep0_call(x, hist):

  def body(x_ref, h_ref, o0_ref, o1_ref):
    no, _ = _norms(h_ref[...])
    xs = x_ref[...] * no
    o0_ref[...] = xs[:, :DC]
    o1_ref[...] = xs[:, DC:]

  return pl.pallas_call(
      body,
      grid=(N // _R,),
      in_specs=[
          pl.BlockSpec((_R, D_IN), lambda i: (i, 0)),
          pl.BlockSpec((2, _R, DC), lambda i: (0, i, 0)),
      ],
      out_specs=[pl.BlockSpec((_R, DC), lambda i: (i, 0))] * 2,
      out_shape=[jax.ShapeDtypeStruct((N16, DC), jnp.float32)] * 2,
  )(x, hist)


def _mm0_call(a0, a1, hist, w0, b0):

  def body(a0_ref, a1_ref, h_ref, w_ref, b_ref, *o_refs):
    no, ni = _norms(h_ref[...])
    a = jnp.concatenate([a0_ref[...], a1_ref[...]], axis=1) * ni
    h = jnp.dot(a, w_ref[...], preferred_element_type=jnp.float32)
    h = jnp.maximum(h + b_ref[...], 0.0) * no
    for j in range(4):
      o_refs[j][...] = h[:, j * DC:(j + 1) * DC]

  return pl.pallas_call(
      body,
      grid=(N // _R,),
      in_specs=[
          pl.BlockSpec((_R, DC), lambda i: (i, 0)),
          pl.BlockSpec((_R, DC), lambda i: (i, 0)),
          pl.BlockSpec((2, _R, DC), lambda i: (0, i, 0)),
          pl.BlockSpec((D_IN, D_H), lambda i: (0, 0)),
          pl.BlockSpec((1, D_H), lambda i: (0, 0)),
      ],
      out_specs=[pl.BlockSpec((_R, DC), lambda i: (i, 0))] * 4,
      out_shape=[jax.ShapeDtypeStruct((N16, DC), jnp.float32)] * 4,
  )(a0, a1, hist, w0, b0)


def _mm12_call(aggs, hist, w1, b1, w2p):

  def body(a0_ref, a1_ref, a2_ref, a3_ref, h_ref, w1_ref, b1_ref, w2_ref,
           o_ref):
    no, ni = _norms(h_ref[...])
    a = jnp.concatenate(
        [a0_ref[...], a1_ref[...], a2_ref[...], a3_ref[...]], axis=1) * ni
    t = jnp.dot(a, w1_ref[...], preferred_element_type=jnp.float32)
    t = jnp.maximum(t + b1_ref[...], 0.0) * no
    o_ref[...] = jnp.dot(t, w2_ref[...], preferred_element_type=jnp.float32)

  return pl.pallas_call(
      body,
      grid=(N // _R,),
      in_specs=[pl.BlockSpec((_R, DC), lambda i: (i, 0))] * 4 + [
          pl.BlockSpec((2, _R, DC), lambda i: (0, i, 0)),
          pl.BlockSpec((D_H, D_H), lambda i: (0, 0)),
          pl.BlockSpec((1, D_H), lambda i: (0, 0)),
          pl.BlockSpec((D_H, DC2), lambda i: (0, 0)),
      ],
      out_specs=pl.BlockSpec((_R, DC2), lambda i: (i, 0)),
      out_shape=jax.ShapeDtypeStruct((N16, DC2), jnp.float32),
  )(*aggs, hist, w1, b1, w2p)


def _final_call(p, hist, b2):

  def body(p_ref, h_ref, b_ref, o_ref):
    _, ni = _norms(h_ref[...])
    s = (p_ref[0] + p_ref[1])[:, :D_OUT]
    o_ref[...] = s * ni + b_ref[...]

  return pl.pallas_call(
      body,
      grid=(N // _R,),
      in_specs=[
          pl.BlockSpec((2, _R, DC2), lambda i: (0, i, 0)),
          pl.BlockSpec((2, _R, DC), lambda i: (0, i, 0)),
          pl.BlockSpec((1, D_OUT), lambda i: (0, 0)),
      ],
      out_specs=pl.BlockSpec((_R, D_OUT), lambda i: (i, 0)),
      out_shape=jax.ShapeDtypeStruct((N, D_OUT), jnp.float32),
  )(p, hist, b2)


def kernel(features, edge_index, W0, b0, W1, b1, W2, b2):
  ei = edge_index.astype(jnp.int32)
  pad = N + (jnp.arange(EP * B - E, dtype=jnp.int32) % 16)
  src1d = jnp.concatenate([ei[0], pad])
  dst1d = jnp.concatenate([ei[1], pad])
  hist = _hist_call(jnp.concatenate([src1d, dst1d])).reshape(2, N, DC)

  xs0, xs1 = _ep0_call(features, hist)
  a00, a01 = _agg_cols_call(src1d, dst1d, [xs0, xs1])
  h1 = _mm0_call(a00.reshape(N, DC), a01.reshape(N, DC), hist, W0,
                 b0.reshape(1, D_H))

  a1 = _agg_cols_call(src1d, dst1d, list(h1))
  a1 = [a.reshape(N, DC) for a in a1]
  w2p = jnp.concatenate(
      [W2, jnp.zeros((D_H, DC2 - D_OUT), jnp.float32)], axis=1)
  m2 = _mm12_call(a1, hist, W1, b1.reshape(1, D_H), w2p)

  p = _agg_edges_call(src1d, dst1d, m2).reshape(2, N, DC2)
  return _final_call(p, hist, b2.reshape(1, D_OUT))

# --- scband reference (transcript-rebuilt; emitter-appended) ---
"""Pipeline reference for scband-gcn-8263517078028 (READ-ONLY COPY).

The authoritative reference and input builder live on the scoring server;
editing this copy changes nothing except your own understanding.
"""

import jax, jax.numpy as jnp
import numpy as np

N = 10000
E = 160000
D_IN = 256
D_H = 512
D_OUT = 40


def setup_inputs(seed: int = 0) -> dict:
    key = jax.random.key(seed)
    ks = jax.random.split(key, 9)
    features = jax.random.normal(ks[0], (N, D_IN), dtype=jnp.float32)
    edge_index = jax.random.randint(ks[1], (2, E), 0, N)
    W0 = jax.random.normal(ks[2], (D_IN, D_H), dtype=jnp.float32) * (1.0 / np.sqrt(D_IN))
    b0 = jnp.zeros((D_H,), dtype=jnp.float32)
    W1 = jax.random.normal(ks[3], (D_H, D_H), dtype=jnp.float32) * (1.0 / np.sqrt(D_H))
    b1 = jnp.zeros((D_H,), dtype=jnp.float32)
    W2 = jax.random.normal(ks[4], (D_H, D_OUT), dtype=jnp.float32) * (1.0 / np.sqrt(D_H))
    b2 = jnp.zeros((D_OUT,), dtype=jnp.float32)
    return {"features": features, "edge_index": edge_index,
            "W0": W0, "b0": b0, "W1": W1, "b1": b1, "W2": W2, "b2": b2}


def _gcn_layer(h, W, b, src, dst, activation):
    # DGL GraphConv with norm='both': D_out^{-1/2} on source side,
    # sum-aggregate over edges, D_in^{-1/2} on destination side, then bias.
    ones = jnp.ones((E,), dtype=jnp.float32)
    deg_out = jax.ops.segment_sum(ones, src, num_segments=N)
    deg_in = jax.ops.segment_sum(ones, dst, num_segments=N)
    norm_out = jnp.clip(deg_out, 1.0, None) ** -0.5
    norm_in = jnp.clip(deg_in, 1.0, None) ** -0.5
    h = h * norm_out[:, None]
    h = h @ W
    msgs = jnp.take(h, src, axis=0)
    agg = jax.ops.segment_sum(msgs, dst, num_segments=N)
    out = agg * norm_in[:, None] + b
    if activation:
        out = jax.nn.relu(out)
    return out


def reference(features, edge_index, W0, b0, W1, b1, W2, b2):
    src = edge_index[0]
    dst = edge_index[1]
    # dropout is identity at inference time (eval mode)
    h = _gcn_layer(features, W0, b0, src, dst, activation=True)
    h = _gcn_layer(h, W1, b1, src, dst, activation=True)
    h = _gcn_layer(h, W2, b2, src, dst, activation=False)
    return h

if __name__ == "__main__":
    import jax
    _d = setup_inputs()
    print(jax.jit(kernel)(*tuple(_d.values())))

</pallas_src>

<mosaic_0001>
#map = affine_map<(d0, d1) -> (0)>
#map1 = affine_map<(d0, d1) -> (0, 0, 0, 0)>
module attributes {stable_mosaic.version = 14 : i64} {
  func.func @k(%arg0: i32, %arg1: i32, %arg2: memref<327680xi32, #tpu.memory_space<hbm>>, %arg3: memref<2x16x625x128xf32, #tpu.memory_space<hbm>>, %arg4: memref<128xi32, #tpu.memory_space<vmem>>, %arg5: memref<128xi32, #tpu.memory_space<vmem>>, %arg6: memref<128x128xf32, #tpu.memory_space<vmem>>, %arg7: memref<125x128xf32, #tpu.memory_space<vmem>>, %arg8: memref<10016x128xf32, #tpu.memory_space<vmem_shared>>, %arg9: memref<!tpu.dma_semaphore, #tpu.memory_space<semaphore_mem>>, %arg10: memref<!tpu.dma_semaphore, #tpu.memory_space<semaphore_mem>>) attributes {dimension_semantics = [#tpu.dimension_semantics<core_parallel>, #tpu.dimension_semantics<subcore_parallel>], iteration_bounds = array<i64: 2, 16>, scalar_prefetch = 0 : i64, scratch_operands = 7 : i64, tpu.core_type = #tpu.core_type<sc_vector_subcore>, window_params = [{transform_indices = #map}, {transform_indices = #map1}]} {
    %scan3A = arith.constant 0 : i32
    %scan3A_0 = arith.constant 0 : i32
    %scan3A_1 = arith.constant 128 : i32
    %scan3A_2 = arith.addi %scan3A_0, %scan3A_1 : i32
    %scan3A_3 = arith.constant 1 : i32
    %scan3A_4 = scf.for %scan3A_45 = %scan3A_0 to %scan3A_2 step %scan3A_3 iter_args(%scan3A_46 = %scan3A) -> (i32)  : i32 {
      %broadcast_in_dim3A = arith.constant 1.000000e+00 : f32
      %broadcast_in_dim3A_47 = vector.broadcast %broadcast_in_dim3A : f32 to vector<16xf32>
      %swap3A = arith.index_cast %scan3A_45 : i32 to index
      %swap3A_48 = arith.constant 0 : index
      %swap3A_49 = tpu.vector_load %arg6[%swap3A, %swap3A_48] {strides = array<i32>} : memref<128x128xf32, #tpu.memory_space<vmem>>, vector<1x16xf32>,
      %swap3A_50 = vector.shape_cast %swap3A_49 : vector<1x16xf32> to vector<16xf32>
      %swap3A_51 = vector.shape_cast %broadcast_in_dim3A_47 : vector<16xf32> to vector<1x16xf32>
      tpu.vector_store %arg6[%swap3A, %swap3A_48], %swap3A_51 {strides = array<i32>} : memref<128x128xf32, #tpu.memory_space<vmem>>, vector<1x16xf32>,
      %broadcast_in_dim3A_52 = arith.constant 1.000000e+00 : f32
      %broadcast_in_dim3A_53 = vector.broadcast %broadcast_in_dim3A_52 : f32 to vector<16xf32>
      %swap3A_54 = arith.index_cast %scan3A_45 : i32 to index
      %swap3A_55 = arith.constant 16 : index
      %swap3A_56 = tpu.vector_load %arg6[%swap3A_54, %swap3A_55] {strides = array<i32>} : memref<128x128xf32, #tpu.memory_space<vmem>>, vector<1x16xf32>,
      %swap3A_57 = vector.shape_cast %swap3A_56 : vector<1x16xf32> to vector<16xf32>
      %swap3A_58 = vector.shape_cast %broadcast_in_dim3A_53 : vector<16xf32> to vector<1x16xf32>
      tpu.vector_store %arg6[%swap3A_54, %swap3A_55], %swap3A_58 {strides = array<i32>} : memref<128x128xf32, #tpu.memory_space<vmem>>, vector<1x16xf32>,
      %broadcast_in_dim3A_59 = arith.constant 1.000000e+00 : f32
      %broadcast_in_dim3A_60 = vector.broadcast %broadcast_in_dim3A_59 : f32 to vector<16xf32>
      %swap3A_61 = arith.index_cast %scan3A_45 : i32 to index
      %swap3A_62 = arith.constant 32 : index
      %swap3A_63 = tpu.vector_load %arg6[%swap3A_61, %swap3A_62] {strides = array<i32>} : memref<128x128xf32, #tpu.memory_space<vmem>>, vector<1x16xf32>,
      %swap3A_64 = vector.shape_cast %swap3A_63 : vector<1x16xf32> to vector<16xf32>
      %swap3A_65 = vector.shape_cast %broadcast_in_dim3A_60 : vector<16xf32> to vector<1x16xf32>
      tpu.vector_store %arg6[%swap3A_61, %swap3A_62], %swap3A_65 {strides = array<i32>} : memref<128x128xf32, #tpu.memory_space<vmem>>, vector<1x16xf32>,
      %broadcast_in_dim3A_66 = arith.constant 1.000000e+00 : f32
      %broadcast_in_dim3A_67 = vector.broadcast %broadcast_in_dim3A_66 : f32 to vector<16xf32>
      %swap3A_68 = arith.index_cast %scan3A_45 : i32 to index
      %swap3A_69 = arith.constant 48 : index
      %swap3A_70 = tpu.vector_load %arg6[%swap3A_68, %swap3A_69] {strides = array<i32>} : memref<128x128xf32, #tpu.memory_space<vmem>>, vector<1x16xf32>,
      %swap3A_71 = vector.shape_cast %swap3A_70 : vector<1x16xf32> to vector<16xf32>
      %swap3A_72 = vector.shape_cast %broadcast_in_dim3A_67 : vector<16xf32> to vector<1x16xf32>
      tpu.vector_store %arg6[%swap3A_68, %swap3A_69], %swap3A_72 {strides = array<i32>} : memref<128x128xf32, #tpu.memory_space<vmem>>, vector<1x16xf32>,
      %broadcast_in_dim3A_73 = arith.constant 1.000000e+00 : f32
      %broadcast_in_dim3A_74 = vector.broadcast %broadcast_in_dim3A_73 : f32 to vector<16xf32>
      %swap3A_75 = arith.index_cast %scan3A_45 : i32 to index
      %swap3A_76 = arith.constant 64 : index
      %swap3A_77 = tpu.vector_load %arg6[%swap3A_75, %swap3A_76] {strides = array<i32>} : memref<128x128xf32, #tpu.memory_space<vmem>>, vector<1x16xf32>,
      %swap3A_78 = vector.shape_cast %swap3A_77 : vector<1x16xf32> to vector<16xf32>
      %swap3A_79 = vector.shape_cast %broadcast_in_dim3A_74 : vector<16xf32> to vector<1x16xf32>
      tpu.vector_store %arg6[%swap3A_75, %swap3A_76], %swap3A_79 {strides = array<i32>} : memref<128x128xf32, #tpu.memory_space<vmem>>, vector<1x16xf32>,
      %broadcast_in_dim3A_80 = arith.constant 1.000000e+00 : f32
      %broadcast_in_dim3A_81 = vector.broadcast %broadcast_in_dim3A_80 : f32 to vector<16xf32>
      %swap3A_82 = arith.index_cast %scan3A_45 : i32 to index
      %swap3A_83 = arith.constant 80 : index
      %swap3A_84 = tpu.vector_load %arg6[%swap3A_82, %swap3A_83] {strides = array<i32>} : memref<128x128xf32, #tpu.memory_space<vmem>>, vector<1x16xf32>,
      %swap3A_85 = vector.shape_cast %swap3A_84 : vector<1x16xf32> to vector<16xf32>
      %swap3A_86 = vector.shape_cast %broadcast_in_dim3A_81 : vector<16xf32> to vector<1x16xf32>
      tpu.vector_store %arg6[%swap3A_82, %swap3A_83], %swap3A_86 {strides = array<i32>} : memref<128x128xf32, #tpu.memory_space<vmem>>, vector<1x16xf32>,
      %broadcast_in_dim3A_87 = arith.constant 1.000000e+00 : f32
      %broadcast_in_dim3A_88 = vector.broadcast %broadcast_in_dim3A_87 : f32 to vector<16xf32>
      %swap3A_89 = arith.index_cast %scan3A_45 : i32 to index
      %swap3A_90 = arith.constant 96 : index
      %swap3A_91 = tpu.vector_load %arg6[%swap3A_89, %swap3A_90] {strides = array<i32>} : memref<128x128xf32, #tpu.memory_space<vmem>>, vector<1x16xf32>,
      %swap3A_92 = vector.shape_cast %swap3A_91 : vector<1x16xf32> to vector<16xf32>
      %swap3A_93 = vector.shape_cast %broadcast_in_dim3A_88 : vector<16xf32> to vector<1x16xf32>
      tpu.vector_store %arg6[%swap3A_89, %swap3A_90], %swap3A_93 {strides = array<i32>} : memref<128x128xf32, #tpu.memory_space<vmem>>, vector<1x16xf32>,
      %broadcast_in_dim3A_94 = arith.constant 1.000000e+00 : f32
      %broadcast_in_dim3A_95 = vector.broadcast %broadcast_in_dim3A_94 : f32 to vector<16xf32>
      %swap3A_96 = arith.index_cast %scan3A_45 : i32 to index
      %swap3A_97 = arith.constant 112 : index
      %swap3A_98 = tpu.vector_load %arg6[%swap3A_96, %swap3A_97] {strides = array<i32>} : memref<128x128xf32, #tpu.memory_space<vmem>>, vector<1x16xf32>,
      %swap3A_99 = vector.shape_cast %swap3A_98 : vector<1x16xf32> to vector<16xf32>
      %swap3A_100 = vector.shape_cast %broadcast_in_dim3A_95 : vector<16xf32> to vector<1x16xf32>
      tpu.vector_store %arg6[%swap3A_96, %swap3A_97], %swap3A_100 {strides = array<i32>} : memref<128x128xf32, #tpu.memory_space<vmem>>, vector<1x16xf32>,
      %scan3A_101 = arith.constant 0 : i32
      scf.yield %scan3A_101 : i32
    }
    %scan3A_5 = arith.constant 128 : i32
    %scan3A_6 = arith.constant 0 : i32
    %scan3A_7 = arith.constant 0 : i32
    %scan3A_8 = arith.constant 125 : i32
    %scan3A_9 = arith.addi %scan3A_7, %scan3A_8 : i32
    %scan3A_10 = arith.constant 1 : i32
    %scan3A_11 = scf.for %scan3A_45 = %scan3A_7 to %scan3A_9 step %scan3A_10 iter_args(%scan3A_46 = %scan3A_6) -> (i32)  : i32 {
      %broadcast_in_dim3A = arith.constant 0.000000e+00 : f32
      %broadcast_in_dim3A_47 = vector.broadcast %broadcast_in_dim3A : f32 to vector<16xf32>
      %swap3A = arith.index_cast %scan3A_45 : i32 to index
      %swap3A_48 = arith.constant 0 : index
      %swap3A_49 = tpu.vector_load %arg7[%swap3A, %swap3A_48] {strides = array<i32>} : memref<125x128xf32, #tpu.memory_space<vmem>>, vector<1x16xf32>,
      %swap3A_50 = vector.shape_cast %swap3A_49 : vector<1x16xf32> to vector<16xf32>
      %swap3A_51 = vector.shape_cast %broadcast_in_dim3A_47 : vector<16xf32> to vector<1x16xf32>
      tpu.vector_store %arg7[%swap3A, %swap3A_48], %swap3A_51 {strides = array<i32>} : memref<125x128xf32, #tpu.memory_space<vmem>>, vector<1x16xf32>,
      %broadcast_in_dim3A_52 = arith.constant 0.000000e+00 : f32
      %broadcast_in_dim3A_53 = vector.broadcast %broadcast_in_dim3A_52 : f32 to vector<16xf32>
      %swap3A_54 = arith.index_cast %scan3A_45 : i32 to index
      %swap3A_55 = arith.constant 16 : index
      %swap3A_56 = tpu.vector_load %arg7[%swap3A_54, %swap3A_55] {strides = array<i32>} : memref<125x128xf32, #tpu.memory_space<vmem>>, vector<1x16xf32>,
      %swap3A_57 = vector.shape_cast %swap3A_56 : vector<1x16xf32> to vector<16xf32>
      %swap3A_58 = vector.shape_cast %broadcast_in_dim3A_53 : vector<16xf32> to vector<1x16xf32>
      tpu.vector_store %arg7[%swap3A_54, %swap3A_55], %swap3A_58 {strides = array<i32>} : memref<125x128xf32, #tpu.memory_space<vmem>>, vector<1x16xf32>,
      %broadcast_in_dim3A_59 = arith.constant 0.000000e+00 : f32
      %broadcast_in_dim3A_60 = vector.broadcast %broadcast_in_dim3A_59 : f32 to vector<16xf32>
      %swap3A_61 = arith.index_cast %scan3A_45 : i32 to index
      %swap3A_62 = arith.constant 32 : index
      %swap3A_63 = tpu.vector_load %arg7[%swap3A_61, %swap3A_62] {strides = array<i32>} : memref<125x128xf32, #tpu.memory_space<vmem>>, vector<1x16xf32>,
      %swap3A_64 = vector.shape_cast %swap3A_63 : vector<1x16xf32> to vector<16xf32>
      %swap3A_65 = vector.shape_cast %broadcast_in_dim3A_60 : vector<16xf32> to vector<1x16xf32>
      tpu.vector_store %arg7[%swap3A_61, %swap3A_62], %swap3A_65 {strides = array<i32>} : memref<125x128xf32, #tpu.memory_space<vmem>>, vector<1x16xf32>,
      %broadcast_in_dim3A_66 = arith.constant 0.000000e+00 : f32
      %broadcast_in_dim3A_67 = vector.broadcast %broadcast_in_dim3A_66 : f32 to vector<16xf32>
      %swap3A_68 = arith.index_cast %scan3A_45 : i32 to index
      %swap3A_69 = arith.constant 48 : index
      %swap3A_70 = tpu.vector_load %arg7[%swap3A_68, %swap3A_69] {strides = array<i32>} : memref<125x128xf32, #tpu.memory_space<vmem>>, vector<1x16xf32>,
      %swap3A_71 = vector.shape_cast %swap3A_70 : vector<1x16xf32> to vector<16xf32>
      %swap3A_72 = vector.shape_cast %broadcast_in_dim3A_67 : vector<16xf32> to vector<1x16xf32>
      tpu.vector_store %arg7[%swap3A_68, %swap3A_69], %swap3A_72 {strides = array<i32>} : memref<125x128xf32, #tpu.memory_space<vmem>>, vector<1x16xf32>,
      %broadcast_in_dim3A_73 = arith.constant 0.000000e+00 : f32
      %broadcast_in_dim3A_74 = vector.broadcast %broadcast_in_dim3A_73 : f32 to vector<16xf32>
      %swap3A_75 = arith.index_cast %scan3A_45 : i32 to index
      %swap3A_76 = arith.constant 64 : index
      %swap3A_77 = tpu.vector_load %arg7[%swap3A_75, %swap3A_76] {strides = array<i32>} : memref<125x128xf32, #tpu.memory_space<vmem>>, vector<1x16xf32>,
      %swap3A_78 = vector.shape_cast %swap3A_77 : vector<1x16xf32> to vector<16xf32>
      %swap3A_79 = vector.shape_cast %broadcast_in_dim3A_74 : vector<16xf32> to vector<1x16xf32>
      tpu.vector_store %arg7[%swap3A_75, %swap3A_76], %swap3A_79 {strides = array<i32>} : memref<125x128xf32, #tpu.memory_space<vmem>>, vector<1x16xf32>,
      %broadcast_in_dim3A_80 = arith.constant 0.000000e+00 : f32
      %broadcast_in_dim3A_81 = vector.broadcast %broadcast_in_dim3A_80 : f32 to vector<16xf32>
      %swap3A_82 = arith.index_cast %scan3A_45 : i32 to index
      %swap3A_83 = arith.constant 80 : index
      %swap3A_84 = tpu.vector_load %arg7[%swap3A_82, %swap3A_83] {strides = array<i32>} : memref<125x128xf32, #tpu.memory_space<vmem>>, vector<1x16xf32>,
      %swap3A_85 = vector.shape_cast %swap3A_84 : vector<1x16xf32> to vector<16xf32>
      %swap3A_86 = vector.shape_cast %broadcast_in_dim3A_81 : vector<16xf32> to vector<1x16xf32>
      tpu.vector_store %arg7[%swap3A_82, %swap3A_83], %swap3A_86 {strides = array<i32>} : memref<125x128xf32, #tpu.memory_space<vmem>>, vector<1x16xf32>,
      %broadcast_in_dim3A_87 = arith.constant 0.000000e+00 : f32
      %broadcast_in_dim3A_88 = vector.broadcast %broadcast_in_dim3A_87 : f32 to vector<16xf32>
      %swap3A_89 = arith.index_cast %scan3A_45 : i32 to index
      %swap3A_90 = arith.constant 96 : index
      %swap3A_91 = tpu.vector_load %arg7[%swap3A_89, %swap3A_90] {strides = array<i32>} : memref<125x128xf32, #tpu.memory_space<vmem>>, vector<1x16xf32>,
      %swap3A_92 = vector.shape_cast %swap3A_91 : vector<1x16xf32> to vector<16xf32>
      %swap3A_93 = vector.shape_cast %broadcast_in_dim3A_88 : vector<16xf32> to vector<1x16xf32>
      tpu.vector_store %arg7[%swap3A_89, %swap3A_90], %swap3A_93 {strides = array<i32>} : memref<125x128xf32, #tpu.memory_space<vmem>>, vector<1x16xf32>,
      %broadcast_in_dim3A_94 = arith.constant 0.000000e+00 : f32
      %broadcast_in_dim3A_95 = vector.broadcast %broadcast_in_dim3A_94 : f32 to vector<16xf32>
      %swap3A_96 = arith.index_cast %scan3A_45 : i32 to index
      %swap3A_97 = arith.constant 112 : index
      %swap3A_98 = tpu.vector_load %arg7[%swap3A_96, %swap3A_97] {strides = array<i32>} : memref<125x128xf32, #tpu.memory_space<vmem>>, vector<1x16xf32>,
      %swap3A_99 = vector.shape_cast %swap3A_98 : vector<1x16xf32> to vector<16xf32>
      %swap3A_100 = vector.shape_cast %broadcast_in_dim3A_95 : vector<16xf32> to vector<1x16xf32>
      tpu.vector_store %arg7[%swap3A_96, %swap3A_97], %swap3A_100 {strides = array<i32>} : memref<125x128xf32, #tpu.memory_space<vmem>>, vector<1x16xf32>,
      %scan3A_101 = arith.constant 0 : i32
      scf.yield %scan3A_101 : i32
    }
    %scan3A_12 = arith.constant 125 : i32
    %mul3A = arith.constant 625 : i32
    %mul3A_13 = arith.muli %arg1, %mul3A : i32
    %add3A = arith.constant 0 : i32
    %add3A_14 = arith.addi %mul3A_13, %add3A : i32
    "tpu.region"() ({
      %run_scoped3A = tpu.sem_alloc : memref<!tpu.dma_semaphore, #tpu.memory_space<semaphore_mem>>
      %dma_start3A_45 = arith.constant 0 : i32
      %dma_start3A_46 = tpu.memref_slice %arg8[%add3A_14, %dma_start3A_45] : memref<10016x128xf32, #tpu.memory_space<vmem_shared>> -> memref<125x128xf32, #tpu.memory_space<vmem_shared>>
      %dma_start3A_47 = arith.constant 0 : i32
      %dma_start3A_48 = tpu.memref_slice %arg8[%add3A_14, %dma_start3A_47] : memref<10016x128xf32, #tpu.memory_space<vmem_shared>> -> memref<125x128xf32, #tpu.memory_space<vmem_shared>>
      tpu.enqueue_dma source(%arg7 : memref<125x128xf32, #tpu.memory_space<vmem>>) target(%dma_start3A_48 : memref<125x128xf32, #tpu.memory_space<vmem_shared>>) target_semaphore(%run_scoped3A : memref<!tpu.dma_semaphore, #tpu.memory_space<semaphore_mem>>)
      %dma_wait3A = arith.constant 0 : i32
      %dma_wait3A_49 = tpu.memref_slice %arg8[%add3A_14, %dma_wait3A] : memref<10016x128xf32, #tpu.memory_space<vmem_shared>> -> memref<125x128xf32, #tpu.memory_space<vmem_shared>>
      %dma_wait3A_50 = arith.constant 0 : i32
      %dma_wait3A_51 = tpu.memref_slice %arg8[%add3A_14, %dma_wait3A_50] : memref<10016x128xf32, #tpu.memory_space<vmem_shared>> -> memref<125x128xf32, #tpu.memory_space<vmem_shared>>
      tpu.wait_dma2 semaphore(%run_scoped3A : memref<!tpu.dma_semaphore, #tpu.memory_space<semaphore_mem>>) src(%arg7 : memref<125x128xf32, #tpu.memory_space<vmem>>) dst(%dma_wait3A_51 : memref<125x128xf32, #tpu.memory_space<vmem_shared>>)
      tpu.yield
    }) : () -> ()
    %add3A_15 = arith.constant 125 : i32
    %add3A_16 = arith.addi %mul3A_13, %add3A_15 : i32
    "tpu.region"() ({
      %run_scoped3A = tpu.sem_alloc : memref<!tpu.dma_semaphore, #tpu.memory_space<semaphore_mem>>
      %dma_start3A_45 = arith.constant 0 : i32
      %dma_start3A_46 = tpu.memref_slice %arg8[%add3A_16, %dma_start3A_45] : memref<10016x128xf32, #tpu.memory_space<vmem_shared>> -> memref<125x128xf32, #tpu.memory_space<vmem_shared>>
      %dma_start3A_47 = arith.constant 0 : i32
      %dma_start3A_48 = tpu.memref_slice %arg8[%add3A_16, %dma_start3A_47] : memref<10016x128xf32, #tpu.memory_space<vmem_shared>> -> memref<125x128xf32, #tpu.memory_space<vmem_shared>>
      tpu.enqueue_dma source(%arg7 : memref<125x128xf32, #tpu.memory_space<vmem>>) target(%dma_start3A_48 : memref<125x128xf32, #tpu.memory_space<vmem_shared>>) target_semaphore(%run_scoped3A : memref<!tpu.dma_semaphore, #tpu.memory_space<semaphore_mem>>)
      %dma_wait3A = arith.constant 0 : i32
      %dma_wait3A_49 = tpu.memref_slice %arg8[%add3A_16, %dma_wait3A] : memref<10016x128xf32, #tpu.memory_space<vmem_shared>> -> memref<125x128xf32, #tpu.memory_space<vmem_shared>>
      %dma_wait3A_50 = arith.constant 0 : i32
      %dma_wait3A_51 = tpu.memref_slice %arg8[%add3A_16, %dma_wait3A_50] : memref<10016x128xf32, #tpu.memory_space<vmem_shared>> -> memref<125x128xf32, #tpu.memory_space<vmem_shared>>
      tpu.wait_dma2 semaphore(%run_scoped3A : memref<!tpu.dma_semaphore, #tpu.memory_space<semaphore_mem>>) src(%arg7 : memref<125x128xf32, #tpu.memory_space<vmem>>) dst(%dma_wait3A_51 : memref<125x128xf32, #tpu.memory_space<vmem_shared>>)
      tpu.yield
    }) : () -> ()
    %add3A_17 = arith.constant 250 : i32
    %add3A_18 = arith.addi %mul3A_13, %add3A_17 : i32
    "tpu.region"() ({
      %run_scoped3A = tpu.sem_alloc : memref<!tpu.dma_semaphore, #tpu.memory_space<semaphore_mem>>
      %dma_start3A_45 = arith.constant 0 : i32
      %dma_start3A_46 = tpu.memref_slice %arg8[%add3A_18, %dma_start3A_45] : memref<10016x128xf32, #tpu.memory_space<vmem_shared>> -> memref<125x128xf32, #tpu.memory_space<vmem_shared>>
      %dma_start3A_47 = arith.constant 0 : i32
      %dma_start3A_48 = tpu.memref_slice %arg8[%add3A_18, %dma_start3A_47] : memref<10016x128xf32, #tpu.memory_space<vmem_shared>> -> memref<125x128xf32, #tpu.memory_space<vmem_shared>>
      tpu.enqueue_dma source(%arg7 : memref<125x128xf32, #tpu.memory_space<vmem>>) target(%dma_start3A_48 : memref<125x128xf32, #tpu.memory_space<vmem_shared>>) target_semaphore(%run_scoped3A : memref<!tpu.dma_semaphore, #tpu.memory_space<semaphore_mem>>)
      %dma_wait3A = arith.constant 0 : i32
      %dma_wait3A_49 = tpu.memref_slice %arg8[%add3A_18, %dma_wait3A] : memref<10016x128xf32, #tpu.memory_space<vmem_shared>> -> memref<125x128xf32, #tpu.memory_space<vmem_shared>>
      %dma_wait3A_50 = arith.constant 0 : i32
      %dma_wait3A_51 = tpu.memref_slice %arg8[%add3A_18, %dma_wait3A_50] : memref<10016x128xf32, #tpu.memory_space<vmem_shared>> -> memref<125x128xf32, #tpu.memory_space<vmem_shared>>
      tpu.wait_dma2 semaphore(%run_scoped3A : memref<!tpu.dma_semaphore, #tpu.memory_space<semaphore_mem>>) src(%arg7 : memref<125x128xf32, #tpu.memory_space<vmem>>) dst(%dma_wait3A_51 : memref<125x128xf32, #tpu.memory_space<vmem_shared>>)
      tpu.yield
    }) : () -> ()
    %add3A_19 = arith.constant 375 : i32
    %add3A_20 = arith.addi %mul3A_13, %add3A_19 : i32
    "tpu.region"() ({
      %run_scoped3A = tpu.sem_alloc : memref<!tpu.dma_semaphore, #tpu.memory_space<semaphore_mem>>
      %dma_start3A_45 = arith.constant 0 : i32
      %dma_start3A_46 = tpu.memref_slice %arg8[%add3A_20, %dma_start3A_45] : memref<10016x128xf32, #tpu.memory_space<vmem_shared>> -> memref<125x128xf32, #tpu.memory_space<vmem_shared>>
      %dma_start3A_47 = arith.constant 0 : i32
      %dma_start3A_48 = tpu.memref_slice %arg8[%add3A_20, %dma_start3A_47] : memref<10016x128xf32, #tpu.memory_space<vmem_shared>> -> memref<125x128xf32, #tpu.memory_space<vmem_shared>>
      tpu.enqueue_dma source(%arg7 : memref<125x128xf32, #tpu.memory_space<vmem>>) target(%dma_start3A_48 : memref<125x128xf32, #tpu.memory_space<vmem_shared>>) target_semaphore(%run_scoped3A : memref<!tpu.dma_semaphore, #tpu.memory_space<semaphore_mem>>)
      %dma_wait3A = arith.constant 0 : i32
      %dma_wait3A_49 = tpu.memref_slice %arg8[%add3A_20, %dma_wait3A] : memref<10016x128xf32, #tpu.memory_space<vmem_shared>> -> memref<125x128xf32, #tpu.memory_space<vmem_shared>>
      %dma_wait3A_50 = arith.constant 0 : i32
      %dma_wait3A_51 = tpu.memref_slice %arg8[%add3A_20, %dma_wait3A_50] : memref<10016x128xf32, #tpu.memory_space<vmem_shared>> -> memref<125x128xf32, #tpu.memory_space<vmem_shared>>
      tpu.wait_dma2 semaphore(%run_scoped3A : memref<!tpu.dma_semaphore, #tpu.memory_space<semaphore_mem>>) src(%arg7 : memref<125x128xf32, #tpu.memory_space<vmem>>) dst(%dma_wait3A_51 : memref<125x128xf32, #tpu.memory_space<vmem_shared>>)
      tpu.yield
    }) : () -> ()
    %add3A_21 = arith.constant 500 : i32
    %add3A_22 = arith.addi %mul3A_13, %add3A_21 : i32
    "tpu.region"() ({
      %run_scoped3A = tpu.sem_alloc : memref<!tpu.dma_semaphore, #tpu.memory_space<semaphore_mem>>
      %dma_start3A_45 = arith.constant 0 : i32
      %dma_start3A_46 = tpu.memref_slice %arg8[%add3A_22, %dma_start3A_45] : memref<10016x128xf32, #tpu.memory_space<vmem_shared>> -> memref<125x128xf32, #tpu.memory_space<vmem_shared>>
      %dma_start3A_47 = arith.constant 0 : i32
      %dma_start3A_48 = tpu.memref_slice %arg8[%add3A_22, %dma_start3A_47] : memref<10016x128xf32, #tpu.memory_space<vmem_shared>> -> memref<125x128xf32, #tpu.memory_space<vmem_shared>>
      tpu.enqueue_dma source(%arg7 : memref<125x128xf32, #tpu.memory_space<vmem>>) target(%dma_start3A_48 : memref<125x128xf32, #tpu.memory_space<vmem_shared>>) target_semaphore(%run_scoped3A : memref<!tpu.dma_semaphore, #tpu.memory_space<semaphore_mem>>)
      %dma_wait3A = arith.constant 0 : i32
      %dma_wait3A_49 = tpu.memref_slice %arg8[%add3A_22, %dma_wait3A] : memref<10016x128xf32, #tpu.memory_space<vmem_shared>> -> memref<125x128xf32, #tpu.memory_space<vmem_shared>>
      %dma_wait3A_50 = arith.constant 0 : i32
      %dma_wait3A_51 = tpu.memref_slice %arg8[%add3A_22, %dma_wait3A_50] : memref<10016x128xf32, #tpu.memory_space<vmem_shared>> -> memref<125x128xf32, #tpu.memory_space<vmem_shared>>
      tpu.wait_dma2 semaphore(%run_scoped3A : memref<!tpu.dma_semaphore, #tpu.memory_space<semaphore_mem>>) src(%arg7 : memref<125x128xf32, #tpu.memory_space<vmem>>) dst(%dma_wait3A_51 : memref<125x128xf32, #tpu.memory_space<vmem_shared>>)
      tpu.yield
    }) : () -> ()
    %mul3A_23 = arith.constant 163840 : i32
    %mul3A_24 = arith.muli %arg0, %mul3A_23 : i32
    %mul3A_25 = arith.constant 10240 : i32
    %mul3A_26 = arith.muli %arg1, %mul3A_25 : i32
    %add3A_27 = arith.addi %mul3A_24, %mul3A_26 : i32
    %barrier3A = arith.constant 0 : index
    tpu.barrier barrier_id(%barrier3A)
    %add3A_28 = arith.constant 0 : i32
    %add3A_29 = arith.addi %add3A_27, %add3A_28 : i32
    "tpu.region"() ({
      %run_scoped3A = tpu.sem_alloc : memref<!tpu.dma_semaphore, #tpu.memory_space<semaphore_mem>>
      %dma_start3A_45 = tpu.memref_slice %arg2[%add3A_29] : memref<327680xi32, #tpu.memory_space<hbm>> -> memref<128xi32, #tpu.memory_space<hbm>>
      %dma_start3A_46 = tpu.memref_slice %arg2[%add3A_29] : memref<327680xi32, #tpu.memory_space<hbm>> -> memref<128xi32, #tpu.memory_space<hbm>>
      tpu.enqueue_dma source(%dma_start3A_46 : memref<128xi32, #tpu.memory_space<hbm>>) target(%arg4 : memref<128xi32, #tpu.memory_space<vmem>>) target_semaphore(%run_scoped3A : memref<!tpu.dma_semaphore, #tpu.memory_space<semaphore_mem>>)
      %dma_wait3A = tpu.memref_slice %arg2[%add3A_29] : memref<327680xi32, #tpu.memory_space<hbm>> -> memref<128xi32, #tpu.memory_space<hbm>>
      %dma_wait3A_47 = tpu.memref_slice %arg2[%add3A_29] : memref<327680xi32, #tpu.memory_space<hbm>> -> memref<128xi32, #tpu.memory_space<hbm>>
      tpu.wait_dma2 semaphore(%run_scoped3A : memref<!tpu.dma_semaphore, #tpu.memory_space<semaphore_mem>>) src(%dma_wait3A_47 : memref<128xi32, #tpu.memory_space<hbm>>) dst(%arg4 : memref<128xi32, #tpu.memory_space<vmem>>)
      tpu.yield
    }) : () -> ()
    %dma_start3A = arith.constant 0 : i32
    %dma_start3A_30 = arith.constant 0 : i32
    %dma_start3A_31 = tpu.memref_slice %arg8[%dma_start3A, %dma_start3A_30] : memref<10016x128xf32, #tpu.memory_space<vmem_shared>> -> memref<10016x128xf32, #tpu.memory_space<vmem_shared>>
    tpu.enqueue_indirect_dma source(%arg6 : memref<128x128xf32, #tpu.memory_space<vmem>>) target(%dma_start3A_31 : memref<10016x128xf32, #tpu.memory_space<vmem_shared>>) offsets(%arg4 : memref<128xi32, #tpu.memory_space<vmem>>) semaphore(%arg9 : memref<!tpu.dma_semaphore, #tpu.memory_space<semaphore_mem>>) {add = true}
    %add3A_32 = arith.constant 128 : i32
    %add3A_33 = arith.addi %add3A_27, %add3A_32 : i32
    "tpu.region"() ({
      %run_scoped3A = tpu.sem_alloc : memref<!tpu.dma_semaphore, #tpu.memory_space<semaphore_mem>>
      %dma_start3A_45 = tpu.memref_slice %arg2[%add3A_33] : memref<327680xi32, #tpu.memory_space<hbm>> -> memref<128xi32, #tpu.memory_space<hbm>>
      %dma_start3A_46 = tpu.memref_slice %arg2[%add3A_33] : memref<327680xi32, #tpu.memory_space<hbm>> -> memref<128xi32, #tpu.memory_space<hbm>>
      tpu.enqueue_dma source(%dma_start3A_46 : memref<128xi32, #tpu.memory_space<hbm>>) target(%arg5 : memref<128xi32, #tpu.memory_space<vmem>>) target_semaphore(%run_scoped3A : memref<!tpu.dma_semaphore, #tpu.memory_space<semaphore_mem>>)
      %dma_wait3A = tpu.memref_slice %arg2[%add3A_33] : memref<327680xi32, #tpu.memory_space<hbm>> -> memref<128xi32, #tpu.memory_space<hbm>>
      %dma_wait3A_47 = tpu.memref_slice %arg2[%add3A_33] : memref<327680xi32, #tpu.memory_space<hbm>> -> memref<128xi32, #tpu.memory_space<hbm>>
      tpu.wait_dma2 semaphore(%run_scoped3A : memref<!tpu.dma_semaphore, #tpu.memory_space<semaphore_mem>>) src(%dma_wait3A_47 : memref<128xi32, #tpu.memory_space<hbm>>) dst(%arg5 : memref<128xi32, #tpu.memory_space<vmem>>)
      tpu.yield
    }) : () -> ()
    %dma_start3A_34 = arith.constant 0 : i32
    %dma_start3A_35 = arith.constant 0 : i32
    %dma_start3A_36 = tpu.memref_slice %arg8[%dma_start3A_34, %dma_start3A_35] : memref<10016x128xf32, #tpu.memory_space<vmem_shared>> -> memref<10016x128xf32, #tpu.memory_space<vmem_shared>>
    tpu.enqueue_indirect_dma source(%arg6 : memref<128x128xf32, #tpu.memory_space<vmem>>) target(%dma_start3A_36 : memref<10016x128xf32, #tpu.memory_space<vmem_shared>>) offsets(%arg5 : memref<128xi32, #tpu.memory_space<vmem>>) semaphore(%arg10 : memref<!tpu.dma_semaphore, #tpu.memory_space<semaphore_mem>>) {add = true}
    %scan3A_37 = arith.constant 0 : i32
    %scan3A_38 = arith.constant 0 : i32
    %scan3A_39 = arith.constant 40 : i32
    %scan3A_40 = arith.addi %scan3A_38, %scan3A_39 : i32
    %scan3A_41 = arith.constant 1 : i32
    %scan3A_42 = scf.for %scan3A_45 = %scan3A_38 to %scan3A_40 step %scan3A_41 iter_args(%scan3A_46 = %scan3A_37) -> (i32)  : i32 {
      %mul3A_47 = arith.constant 2 : i32
      %mul3A_48 = arith.muli %mul3A_47, %scan3A_45 : i32
      %add3A_49 = arith.constant 1 : i32
      %add3A_50 = arith.addi %mul3A_48, %add3A_49 : i32
      %dma_wait3A = arith.constant 0 : i32
      %dma_wait3A_51 = arith.constant 0 : i32
      %dma_wait3A_52 = tpu.memref_slice %arg8[%dma_wait3A, %dma_wait3A_51] : memref<10016x128xf32, #tpu.memory_space<vmem_shared>> -> memref<10016x128xf32, #tpu.memory_space<vmem_shared>>
      tpu.wait_indirect_dma semaphore(%arg9 : memref<!tpu.dma_semaphore, #tpu.memory_space<semaphore_mem>>) src(%arg6 : memref<128x128xf32, #tpu.memory_space<vmem>>) dst(%dma_wait3A_52 : memref<10016x128xf32, #tpu.memory_space<vmem_shared>>)
      %add3A_53 = arith.constant 2 : i32
      %add3A_54 = arith.addi %mul3A_48, %add3A_53 : i32
      %lt3A = arith.constant 80 : i32
      %lt3A_55 = arith.cmpi slt, %add3A_54, %lt3A : i32
      %convert_element_type3A = arith.extui %lt3A_55 : i1 to i32
      %cond3A = arith.constant 0 : i32
      %cond3A_56 = arith.cmpi ne, %convert_element_type3A, %cond3A : i32
      scf.if %cond3A_56 {
        %add3A_68 = arith.constant 2 : i32
        %add3A_69 = arith.addi %mul3A_48, %add3A_68 : i32
        %mul3A_70 = arith.constant 128 : i32
        %mul3A_71 = arith.muli %add3A_69, %mul3A_70 : i32
        %add3A_72 = arith.addi %add3A_27, %mul3A_71 : i32
        "tpu.region"() ({
          %run_scoped3A = tpu.sem_alloc : memref<!tpu.dma_semaphore, #tpu.memory_space<semaphore_mem>>
          %dma_start3A_76 = tpu.memref_slice %arg2[%add3A_72] : memref<327680xi32, #tpu.memory_space<hbm>> -> memref<128xi32, #tpu.memory_space<hbm>>
          %dma_start3A_77 = tpu.memref_slice %arg2[%add3A_72] : memref<327680xi32, #tpu.memory_space<hbm>> -> memref<128xi32, #tpu.memory_space<hbm>>
          tpu.enqueue_dma source(%dma_start3A_77 : memref<128xi32, #tpu.memory_space<hbm>>) target(%arg4 : memref<128xi32, #tpu.memory_space<vmem>>) target_semaphore(%run_scoped3A : memref<!tpu.dma_semaphore, #tpu.memory_space<semaphore_mem>>)
          %dma_wait3A_78 = tpu.memref_slice %arg2[%add3A_72] : memref<327680xi32, #tpu.memory_space<hbm>> -> memref<128xi32, #tpu.memory_space<hbm>>
          %dma_wait3A_79 = tpu.memref_slice %arg2[%add3A_72] : memref<327680xi32, #tpu.memory_space<hbm>> -> memref<128xi32, #tpu.memory_space<hbm>>
          tpu.wait_dma2 semaphore(%run_scoped3A : memref<!tpu.dma_semaphore, #tpu.memory_space<semaphore_mem>>) src(%dma_wait3A_79 : memref<128xi32, #tpu.memory_space<hbm>>) dst(%arg4 : memref<128xi32, #tpu.memory_space<vmem>>)
          tpu.yield
        }) : () -> ()
        %dma_start3A_73 = arith.constant 0 : i32
        %dma_start3A_74 = arith.constant 0 : i32
        %dma_start3A_75 = tpu.memref_slice %arg8[%dma_start3A_73, %dma_start3A_74] : memref<10016x128xf32, #tpu.memory_space<vmem_shared>> -> memref<10016x128xf32, #tpu.memory_space<vmem_shared>>
        tpu.enqueue_indirect_dma source(%arg6 : memref<128x128xf32, #tpu.memory_space<vmem>>) target(%dma_start3A_75 : memref<10016x128xf32, #tpu.memory_space<vmem_shared>>) offsets(%arg4 : memref<128xi32, #tpu.memory_space<vmem>>) semaphore(%arg9 : memref<!tpu.dma_semaphore, #tpu.memory_space<semaphore_mem>>) {add = true}
      } else {
      }
      %dma_wait3A_57 = arith.constant 0 : i32
      %dma_wait3A_58 = arith.constant 0 : i32
      %dma_wait3A_59 = tpu.memref_slice %arg8[%dma_wait3A_57, %dma_wait3A_58] : memref<10016x128xf32, #tpu.memory_space<vmem_shared>> -> memref<10016x128xf32, #tpu.memory_space<vmem_shared>>
      tpu.wait_indirect_dma semaphore(%arg10 : memref<!tpu.dma_semaphore, #tpu.memory_space<semaphore_mem>>) src(%arg6 : memref<128x128xf32, #tpu.memory_space<vmem>>) dst(%dma_wait3A_59 : memref<10016x128xf32, #tpu.memory_space<vmem_shared>>)
      %add3A_60 = arith.constant 2 : i32
      %add3A_61 = arith.addi %add3A_50, %add3A_60 : i32
      %lt3A_62 = arith.constant 80 : i32
      %lt3A_63 = arith.cmpi slt, %add3A_61, %lt3A_62 : i32
      %convert_element_type3A_64 = arith.extui %lt3A_63 : i1 to i32
      %cond3A_65 = arith.constant 0 : i32
      %cond3A_66 = arith.cmpi ne, %convert_element_type3A_64, %cond3A_65 : i32
      scf.if %cond3A_66 {
        %add3A_68 = arith.constant 2 : i32
        %add3A_69 = arith.addi %add3A_50, %add3A_68 : i32
        %mul3A_70 = arith.constant 128 : i32
        %mul3A_71 = arith.muli %add3A_69, %mul3A_70 : i32
        %add3A_72 = arith.addi %add3A_27, %mul3A_71 : i32
        "tpu.region"() ({
          %run_scoped3A = tpu.sem_alloc : memref<!tpu.dma_semaphore, #tpu.memory_space<semaphore_mem>>
          %dma_start3A_76 = tpu.memref_slice %arg2[%add3A_72] : memref<327680xi32, #tpu.memory_space<hbm>> -> memref<128xi32, #tpu.memory_space<hbm>>
          %dma_start3A_77 = tpu.memref_slice %arg2[%add3A_72] : memref<327680xi32, #tpu.memory_space<hbm>> -> memref<128xi32, #tpu.memory_space<hbm>>
          tpu.enqueue_dma source(%dma_start3A_77 : memref<128xi32, #tpu.memory_space<hbm>>) target(%arg5 : memref<128xi32, #tpu.memory_space<vmem>>) target_semaphore(%run_scoped3A : memref<!tpu.dma_semaphore, #tpu.memory_space<semaphore_mem>>)
          %dma_wait3A_78 = tpu.memref_slice %arg2[%add3A_72] : memref<327680xi32, #tpu.memory_space<hbm>> -> memref<128xi32, #tpu.memory_space<hbm>>
          %dma_wait3A_79 = tpu.memref_slice %arg2[%add3A_72] : memref<327680xi32, #tpu.memory_space<hbm>> -> memref<128xi32, #tpu.memory_space<hbm>>
          tpu.wait_dma2 semaphore(%run_scoped3A : memref<!tpu.dma_semaphore, #tpu.memory_space<semaphore_mem>>) src(%dma_wait3A_79 : memref<128xi32, #tpu.memory_space<hbm>>) dst(%arg5 : memref<128xi32, #tpu.memory_space<vmem>>)
          tpu.yield
        }) : () -> ()
        %dma_start3A_73 = arith.constant 0 : i32
        %dma_start3A_74 = arith.constant 0 : i32
        %dma_start3A_75 = tpu.memref_slice %arg8[%dma_start3A_73, %dma_start3A_74] : memref<10016x128xf32, #tpu.memory_space<vmem_shared>> -> memref<10016x128xf32, #tpu.memory_space<vmem_shared>>
        tpu.enqueue_indirect_dma source(%arg6 : memref<128x128xf32, #tpu.memory_space<vmem>>) target(%dma_start3A_75 : memref<10016x128xf32, #tpu.memory_space<vmem_shared>>) offsets(%arg5 : memref<128xi32, #tpu.memory_space<vmem>>) semaphore(%arg10 : memref<!tpu.dma_semaphore, #tpu.memory_space<semaphore_mem>>) {add = true}
      } else {
      }
      %scan3A_67 = arith.constant 0 : i32
      scf.yield %scan3A_67 : i32
    }
    %scan3A_43 = arith.constant 40 : i32
    %barrier3A_44 = arith.constant 0 : index
    tpu.barrier barrier_id(%barrier3A_44)
    "tpu.region"() ({
      %run_scoped3A = tpu.sem_alloc : memref<!tpu.dma_semaphore, #tpu.memory_space<semaphore_mem>>
      %dma_start3A_45 = arith.constant 0 : i32
      %dma_start3A_46 = arith.constant 0 : i32
      %dma_start3A_47 = tpu.memref_slice %arg3[%arg0, %arg1, %dma_start3A_45, %dma_start3A_46] : memref<2x16x625x128xf32, #tpu.memory_space<hbm>> -> memref<1x1x625x128xf32, #tpu.memory_space<hbm>>
      %dma_start3A_48 = tpu.memref_squeeze %dma_start3A_47 : memref<1x1x625x128xf32, #tpu.memory_space<hbm>> -> memref<625x128xf32, #tpu.memory_space<hbm>>
      %dma_start3A_49 = arith.constant 0 : i32
      %dma_start3A_50 = tpu.memref_slice %arg8[%mul3A_13, %dma_start3A_49] : memref<10016x128xf32, #tpu.memory_space<vmem_shared>> -> memref<625x128xf32, #tpu.memory_space<vmem_shared>>
      tpu.enqueue_dma source(%dma_start3A_50 : memref<625x128xf32, #tpu.memory_space<vmem_shared>>) target(%dma_start3A_48 : memref<625x128xf32, #tpu.memory_space<hbm>>) target_semaphore(%run_scoped3A : memref<!tpu.dma_semaphore, #tpu.memory_space<semaphore_mem>>)
      %dma_wait3A = arith.constant 0 : i32
      %dma_wait3A_51 = arith.constant 0 : i32
      %dma_wait3A_52 = tpu.memref_slice %arg3[%arg0, %arg1, %dma_wait3A, %dma_wait3A_51] : memref<2x16x625x128xf32, #tpu.memory_space<hbm>> -> memref<1x1x625x128xf32, #tpu.memory_space<hbm>>
      %dma_wait3A_53 = tpu.memref_squeeze %dma_wait3A_52 : memref<1x1x625x128xf32, #tpu.memory_space<hbm>> -> memref<625x128xf32, #tpu.memory_space<hbm>>
      %dma_wait3A_54 = arith.constant 0 : i32
      %dma_wait3A_55 = tpu.memref_slice %arg8[%mul3A_13, %dma_wait3A_54] : memref<10016x128xf32, #tpu.memory_space<vmem_shared>> -> memref<625x128xf32, #tpu.memory_space<vmem_shared>>
      tpu.wait_dma2 semaphore(%run_scoped3A : memref<!tpu.dma_semaphore, #tpu.memory_space<semaphore_mem>>) src(%dma_wait3A_55 : memref<625x128xf32, #tpu.memory_space<vmem_shared>>) dst(%dma_wait3A_53 : memref<625x128xf32, #tpu.memory_space<hbm>>)
      tpu.yield
    }) : () -> ()
    return
  }
}

#map = affine_map<(d0, d1) -> (0)>
#map1 = affine_map<(d0, d1) -> (0, 0)>
#map2 = affine_map<(d0, d1) -> (0, 0, 0, 0)>
module attributes {stable_mosaic.version = 14 : i64} {
  func.func @k(%arg0: i32, %arg1: i32, %arg2: memref<163840xi32, #tpu.memory_space<hbm>>, %arg3: memref<163840xi32, #tpu.memory_space<hbm>>, %arg4: memref<10016x128xf32, #tpu.memory_space<hbm>>, %arg5: memref<2x16x625x128xf32, #tpu.memory_space<hbm>>, %arg6: memref<128xi32, #tpu.memory_space<vmem>>, %arg7: memref<128xi32, #tpu.memory_space<vmem>>, %arg8: memref<128xi32, #tpu.memory_space<vmem>>, %arg9: memref<128xi32, #tpu.memory_space<vmem>>, %arg10: memref<128xi32, #tpu.memory_space<vmem>>, %arg11: memref<128xi32, #tpu.memory_space<vmem>>, %arg12: memref<128xi32, #tpu.memory_space<vmem>>, %arg13: memref<128xi32, #tpu.memory_space<vmem>>, %arg14: memref<128x128xf32, #tpu.memory_space<vmem>>, %arg15: memref<128x128xf32, #tpu.memory_space<vmem>>, %arg16: memref<125x128xf32, #tpu.memory_space<vmem>>, %arg17: memref<10016x128xf32, #tpu.memory_space<vmem_shared>>, %arg18: memref<!tpu.dma_semaphore, #tpu.memory_space<semaphore_mem>>, %arg19: memref<!tpu.dma_semaphore, #tpu.memory_space<semaphore_mem>>, %arg20: memref<!tpu.dma_semaphore, #tpu.memory_space<semaphore_mem>>, %arg21: memref<!tpu.dma_semaphore, #tpu.memory_space<semaphore_mem>>, %arg22: memref<!tpu.dma_semaphore, #tpu.memory_space<semaphore_mem>>, %arg23: memref<!tpu.dma_semaphore, #tpu.memory_space<semaphore_mem>>) attributes {dimension_semantics = [#tpu.dimension_semantics<core_parallel>, #tpu.dimension_semantics<subcore_parallel>], iteration_bounds = array<i64: 2, 16>, scalar_prefetch = 0 : i64, scratch_operands = 18 : i64, tpu.core_type = #tpu.core_type<sc_vector_subcore>, window_params = [{transform_indices = #map}, {transform_indices = #map}, {transform_indices = #map1}, {transform_indices = #map2}]} {
    %scan3A = arith.constant 0 : i32
    %scan3A_0 = arith.constant 0 : i32
    %scan3A_1 = arith.constant 125 : i32
    %scan3A_2 = arith.addi %scan3A_0, %scan3A_1 : i32
    %scan3A_3 = arith.constant 1 : i32
    %scan3A_4 = scf.for %scan3A_54 = %scan3A_0 to %scan3A_2 step %scan3A_3 iter_args(%scan3A_55 = %scan3A) -> (i32)  : i32 {
      %broadcast_in_dim3A = arith.constant 0.000000e+00 : f32
      %broadcast_in_dim3A_56 = vector.broadcast %broadcast_in_dim3A : f32 to vector<16xf32>
      %swap3A = arith.index_cast %scan3A_54 : i32 to index
      %swap3A_57 = arith.constant 0 : index
      %swap3A_58 = tpu.vector_load %arg16[%swap3A, %swap3A_57] {strides = array<i32>} : memref<125x128xf32, #tpu.memory_space<vmem>>, vector<1x16xf32>,
      %swap3A_59 = vector.shape_cast %swap3A_58 : vector<1x16xf32> to vector<16xf32>
      %swap3A_60 = vector.shape_cast %broadcast_in_dim3A_56 : vector<16xf32> to vector<1x16xf32>
      tpu.vector_store %arg16[%swap3A, %swap3A_57], %swap3A_60 {strides = array<i32>} : memref<125x128xf32, #tpu.memory_space<vmem>>, vector<1x16xf32>,
      %broadcast_in_dim3A_61 = arith.constant 0.000000e+00 : f32
      %broadcast_in_dim3A_62 = vector.broadcast %broadcast_in_dim3A_61 : f32 to vector<16xf32>
      %swap3A_63 = arith.index_cast %scan3A_54 : i32 to index
      %swap3A_64 = arith.constant 16 : index
      %swap3A_65 = tpu.vector_load %arg16[%swap3A_63, %swap3A_64] {strides = array<i32>} : memref<125x128xf32, #tpu.memory_space<vmem>>, vector<1x16xf32>,
      %swap3A_66 = vector.shape_cast %swap3A_65 : vector<1x16xf32> to vector<16xf32>
      %swap3A_67 = vector.shape_cast %broadcast_in_dim3A_62 : vector<16xf32> to vector<1x16xf32>
      tpu.vector_store %arg16[%swap3A_63, %swap3A_64], %swap3A_67 {strides = array<i32>} : memref<125x128xf32, #tpu.memory_space<vmem>>, vector<1x16xf32>,
      %broadcast_in_dim3A_68 = arith.constant 0.000000e+00 : f32
      %broadcast_in_dim3A_69 = vector.broadcast %broadcast_in_dim3A_68 : f32 to vector<16xf32>
      %swap3A_70 = arith.index_cast %scan3A_54 : i32 to index
      %swap3A_71 = arith.constant 32 : index
      %swap3A_72 = tpu.vector_load %arg16[%swap3A_70, %swap3A_71] {strides = array<i32>} : memref<125x128xf32, #tpu.memory_space<vmem>>, vector<1x16xf32>,
      %swap3A_73 = vector.shape_cast %swap3A_72 : vector<1x16xf32> to vector<16xf32>
      %swap3A_74 = vector.shape_cast %broadcast_in_dim3A_69 : vector<16xf32> to vector<1x16xf32>
      tpu.vector_store %arg16[%swap3A_70, %swap3A_71], %swap3A_74 {strides = array<i32>} : memref<125x128xf32, #tpu.memory_space<vmem>>, vector<1x16xf32>,
      %broadcast_in_dim3A_75 = arith.constant 0.000000e+00 : f32
      %broadcast_in_dim3A_76 = vector.broadcast %broadcast_in_dim3A_75 : f32 to vector<16xf32>
      %swap3A_77 = arith.index_cast %scan3A_54 : i32 to index
      %swap3A_78 = arith.constant 48 : index
      %swap3A_79 = tpu.vector_load %arg16[%swap3A_77, %swap3A_78] {strides = array<i32>} : memref<125x128xf32, #tpu.memory_space<vmem>>, vector<1x16xf32>,
      %swap3A_80 = vector.shape_cast %swap3A_79 : vector<1x16xf32> to vector<16xf32>
      %swap3A_81 = vector.shape_cast %broadcast_in_dim3A_76 : vector<16xf32> to vector<1x16xf32>
      tpu.vector_store %arg16[%swap3A_77, %swap3A_78], %swap3A_81 {strides = array<i32>} : memref<125x128xf32, #tpu.memory_space<vmem>>, vector<1x16xf32>,
      %broadcast_in_dim3A_82 = arith.constant 0.000000e+00 : f32
      %broadcast_in_dim3A_83 = vector.broadcast %broadcast_in_dim3A_82 : f32 to vector<16xf32>
      %swap3A_84 = arith.index_cast %scan3A_54 : i32 to index
      %swap3A_85 = arith.constant 64 : index
      %swap3A_86 = tpu.vector_load %arg16[%swap3A_84, %swap3A_85] {strides = array<i32>} : memref<125x128xf32, #tpu.memory_space<vmem>>, vector<1x16xf32>,
      %swap3A_87 = vector.shape_cast %swap3A_86 : vector<1x16xf32> to vector<16xf32>
      %swap3A_88 = vector.shape_cast %broadcast_in_dim3A_83 : vector<16xf32> to vector<1x16xf32>
      tpu.vector_store %arg16[%swap3A_84, %swap3A_85], %swap3A_88 {strides = array<i32>} : memref<125x128xf32, #tpu.memory_space<vmem>>, vector<1x16xf32>,
      %broadcast_in_dim3A_89 = arith.constant 0.000000e+00 : f32
      %broadcast_in_dim3A_90 = vector.broadcast %broadcast_in_dim3A_89 : f32 to vector<16xf32>
      %swap3A_91 = arith.index_cast %scan3A_54 : i32 to index
      %swap3A_92 = arith.constant 80 : index
      %swap3A_93 = tpu.vector_load %arg16[%swap3A_91, %swap3A_92] {strides = array<i32>} : memref<125x128xf32, #tpu.memory_space<vmem>>, vector<1x16xf32>,
      %swap3A_94 = vector.shape_cast %swap3A_93 : vector<1x16xf32> to vector<16xf32>
      %swap3A_95 = vector.shape_cast %broadcast_in_dim3A_90 : vector<16xf32> to vector<1x16xf32>
      tpu.vector_store %arg16[%swap3A_91, %swap3A_92], %swap3A_95 {strides = array<i32>} : memref<125x128xf32, #tpu.memory_space<vmem>>, vector<1x16xf32>,
      %broadcast_in_dim3A_96 = arith.constant 0.000000e+00 : f32
      %broadcast_in_dim3A_97 = vector.broadcast %broadcast_in_dim3A_96 : f32 to vector<16xf32>
      %swap3A_98 = arith.index_cast %scan3A_54 : i32 to index
      %swap3A_99 = arith.constant 96 : index
      %swap3A_100 = tpu.vector_load %arg16[%swap3A_98, %swap3A_99] {strides = array<i32>} : memref<125x128xf32, #tpu.memory_space<vmem>>, vector<1x16xf32>,
      %swap3A_101 = vector.shape_cast %swap3A_100 : vector<1x16xf32> to vector<16xf32>
      %swap3A_102 = vector.shape_cast %broadcast_in_dim3A_97 : vector<16xf32> to vector<1x16xf32>
      tpu.vector_store %arg16[%swap3A_98, %swap3A_99], %swap3A_102 {strides = array<i32>} : memref<125x128xf32, #tpu.memory_space<vmem>>, vector<1x16xf32>,
      %broadcast_in_dim3A_103 = arith.constant 0.000000e+00 : f32
      %broadcast_in_dim3A_104 = vector.broadcast %broadcast_in_dim3A_103 : f32 to vector<16xf32>
      %swap3A_105 = arith.index_cast %scan3A_54 : i32 to index
      %swap3A_106 = arith.constant 112 : index
      %swap3A_107 = tpu.vector_load %arg16[%swap3A_105, %swap3A_106] {strides = array<i32>} : memref<125x128xf32, #tpu.memory_space<vmem>>, vector<1x16xf32>,
      %swap3A_108 = vector.shape_cast %swap3A_107 : vector<1x16xf32> to vector<16xf32>
      %swap3A_109 = vector.shape_cast %broadcast_in_dim3A_104 : vector<16xf32> to vector<1x16xf32>
      tpu.vector_store %arg16[%swap3A_105, %swap3A_106], %swap3A_109 {strides = array<i32>} : memref<125x128xf32, #tpu.memory_space<vmem>>, vector<1x16xf32>,
      %scan3A_110 = arith.constant 0 : i32
      scf.yield %scan3A_110 : i32
    }
    %scan3A_5 = arith.constant 125 : i32
    %mul3A = arith.constant 625 : i32
    %mul3A_6 = arith.muli %arg1, %mul3A : i32
    %mul3A_7 = arith.constant 16 : i32
    %mul3A_8 = arith.muli %arg0, %mul3A_7 : i32
    %add3A = arith.addi %mul3A_8, %arg1 : i32
    %mul3A_9 = arith.constant 5120 : i32
    %mul3A_10 = arith.muli %add3A, %mul3A_9 : i32
    %add3A_11 = arith.constant 0 : i32
    %add3A_12 = arith.addi %mul3A_6, %add3A_11 : i32
    "tpu.region"() ({
      %run_scoped3A = tpu.sem_alloc : memref<!tpu.dma_semaphore, #tpu.memory_space<semaphore_mem>>
      %dma_start3A_54 = arith.constant 0 : i32
      %dma_start3A_55 = tpu.memref_slice %arg17[%add3A_12, %dma_start3A_54] : memref<10016x128xf32, #tpu.memory_space<vmem_shared>> -> memref<125x128xf32, #tpu.memory_space<vmem_shared>>
      %dma_start3A_56 = arith.constant 0 : i32
      %dma_start3A_57 = tpu.memref_slice %arg17[%add3A_12, %dma_start3A_56] : memref<10016x128xf32, #tpu.memory_space<vmem_shared>> -> memref<125x128xf32, #tpu.memory_space<vmem_shared>>
      tpu.enqueue_dma source(%arg16 : memref<125x128xf32, #tpu.memory_space<vmem>>) target(%dma_start3A_57 : memref<125x128xf32, #tpu.memory_space<vmem_shared>>) target_semaphore(%run_scoped3A : memref<!tpu.dma_semaphore, #tpu.memory_space<semaphore_mem>>)
      %dma_wait3A = arith.constant 0 : i32
      %dma_wait3A_58 = tpu.memref_slice %arg17[%add3A_12, %dma_wait3A] : memref<10016x128xf32, #tpu.memory_space<vmem_shared>> -> memref<125x128xf32, #tpu.memory_space<vmem_shared>>
      %dma_wait3A_59 = arith.constant 0 : i32
      %dma_wait3A_60 = tpu.memref_slice %arg17[%add3A_12, %dma_wait3A_59] : memref<10016x128xf32, #tpu.memory_space<vmem_shared>> -> memref<125x128xf32, #tpu.memory_space<vmem_shared>>
      tpu.wait_dma2 semaphore(%run_scoped3A : memref<!tpu.dma_semaphore, #tpu.memory_space<semaphore_mem>>) src(%arg16 : memref<125x128xf32, #tpu.memory_space<vmem>>) dst(%dma_wait3A_60 : memref<125x128xf32, #tpu.memory_space<vmem_shared>>)
      tpu.yield
    }) : () -> ()
    %add3A_13 = arith.constant 125 : i32
    %add3A_14 = arith.addi %mul3A_6, %add3A_13 : i32
    "tpu.region"() ({
      %run_scoped3A = tpu.sem_alloc : memref<!tpu.dma_semaphore, #tpu.memory_space<semaphore_mem>>
      %dma_start3A_54 = arith.constant 0 : i32
      %dma_start3A_55 = tpu.memref_slice %arg17[%add3A_14, %dma_start3A_54] : memref<10016x128xf32, #tpu.memory_space<vmem_shared>> -> memref<125x128xf32, #tpu.memory_space<vmem_shared>>
      %dma_start3A_56 = arith.constant 0 : i32
      %dma_start3A_57 = tpu.memref_slice %arg17[%add3A_14, %dma_start3A_56] : memref<10016x128xf32, #tpu.memory_space<vmem_shared>> -> memref<125x128xf32, #tpu.memory_space<vmem_shared>>
      tpu.enqueue_dma source(%arg16 : memref<125x128xf32, #tpu.memory_space<vmem>>) target(%dma_start3A_57 : memref<125x128xf32, #tpu.memory_space<vmem_shared>>) target_semaphore(%run_scoped3A : memref<!tpu.dma_semaphore, #tpu.memory_space<semaphore_mem>>)
      %dma_wait3A = arith.constant 0 : i32
      %dma_wait3A_58 = tpu.memref_slice %arg17[%add3A_14, %dma_wait3A] : memref<10016x128xf32, #tpu.memory_space<vmem_shared>> -> memref<125x128xf32, #tpu.memory_space<vmem_shared>>
      %dma_wait3A_59 = arith.constant 0 : i32
      %dma_wait3A_60 = tpu.memref_slice %arg17[%add3A_14, %dma_wait3A_59] : memref<10016x128xf32, #tpu.memory_space<vmem_shared>> -> memref<125x128xf32, #tpu.memory_space<vmem_shared>>
      tpu.wait_dma2 semaphore(%run_scoped3A : memref<!tpu.dma_semaphore, #tpu.memory_space<semaphore_mem>>) src(%arg16 : memref<125x128xf32, #tpu.memory_space<vmem>>) dst(%dma_wait3A_60 : memref<125x128xf32, #tpu.memory_space<vmem_shared>>)
      tpu.yield
    }) : () -> ()
    %add3A_15 = arith.constant 250 : i32
    %add3A_16 = arith.addi %mul3A_6, %add3A_15 : i32
    "tpu.region"() ({
      %run_scoped3A = tpu.sem_alloc : memref<!tpu.dma_semaphore, #tpu.memory_space<semaphore_mem>>
      %dma_start3A_54 = arith.constant 0 : i32
      %dma_start3A_55 = tpu.memref_slice %arg17[%add3A_16, %dma_start3A_54] : memref<10016x128xf32, #tpu.memory_space<vmem_shared>> -> memref<125x128xf32, #tpu.memory_space<vmem_shared>>
      %dma_start3A_56 = arith.constant 0 : i32
      %dma_start3A_57 = tpu.memref_slice %arg17[%add3A_16, %dma_start3A_56] : memref<10016x128xf32, #tpu.memory_space<vmem_shared>> -> memref<125x128xf32, #tpu.memory_space<vmem_shared>>
      tpu.enqueue_dma source(%arg16 : memref<125x128xf32, #tpu.memory_space<vmem>>) target(%dma_start3A_57 : memref<125x128xf32, #tpu.memory_space<vmem_shared>>) target_semaphore(%run_scoped3A : memref<!tpu.dma_semaphore, #tpu.memory_space<semaphore_mem>>)
      %dma_wait3A = arith.constant 0 : i32
      %dma_wait3A_58 = tpu.memref_slice %arg17[%add3A_16, %dma_wait3A] : memref<10016x128xf32, #tpu.memory_space<vmem_shared>> -> memref<125x128xf32, #tpu.memory_space<vmem_shared>>
      %dma_wait3A_59 = arith.constant 0 : i32
      %dma_wait3A_60 = tpu.memref_slice %arg17[%add3A_16, %dma_wait3A_59] : memref<10016x128xf32, #tpu.memory_space<vmem_shared>> -> memref<125x128xf32, #tpu.memory_space<vmem_shared>>
      tpu.wait_dma2 semaphore(%run_scoped3A : memref<!tpu.dma_semaphore, #tpu.memory_space<semaphore_mem>>) src(%arg16 : memref<125x128xf32, #tpu.memory_space<vmem>>) dst(%dma_wait3A_60 : memref<125x128xf32, #tpu.memory_space<vmem_shared>>)
      tpu.yield
    }) : () -> ()
    %add3A_17 = arith.constant 375 : i32
    %add3A_18 = arith.addi %mul3A_6, %add3A_17 : i32
    "tpu.region"() ({
      %run_scoped3A = tpu.sem_alloc : memref<!tpu.dma_semaphore, #tpu.memory_space<semaphore_mem>>
      %dma_start3A_54 = arith.constant 0 : i32
      %dma_start3A_55 = tpu.memref_slice %arg17[%add3A_18, %dma_start3A_54] : memref<10016x128xf32, #tpu.memory_space<vmem_shared>> -> memref<125x128xf32, #tpu.memory_space<vmem_shared>>
      %dma_start3A_56 = arith.constant 0 : i32
      %dma_start3A_57 = tpu.memref_slice %arg17[%add3A_18, %dma_start3A_56] : memref<10016x128xf32, #tpu.memory_space<vmem_shared>> -> memref<125x128xf32, #tpu.memory_space<vmem_shared>>
      tpu.enqueue_dma source(%arg16 : memref<125x128xf32, #tpu.memory_space<vmem>>) target(%dma_start3A_57 : memref<125x128xf32, #tpu.memory_space<vmem_shared>>) target_semaphore(%run_scoped3A : memref<!tpu.dma_semaphore, #tpu.memory_space<semaphore_mem>>)
      %dma_wait3A = arith.constant 0 : i32
      %dma_wait3A_58 = tpu.memref_slice %arg17[%add3A_18, %dma_wait3A] : memref<10016x128xf32, #tpu.memory_space<vmem_shared>> -> memref<125x128xf32, #tpu.memory_space<vmem_shared>>
      %dma_wait3A_59 = arith.constant 0 : i32
      %dma_wait3A_60 = tpu.memref_slice %arg17[%add3A_18, %dma_wait3A_59] : memref<10016x128xf32, #tpu.memory_space<vmem_shared>> -> memref<125x128xf32, #tpu.memory_space<vmem_shared>>
      tpu.wait_dma2 semaphore(%run_scoped3A : memref<!tpu.dma_semaphore, #tpu.memory_space<semaphore_mem>>) src(%arg16 : memref<125x128xf32, #tpu.memory_space<vmem>>) dst(%dma_wait3A_60 : memref<125x128xf32, #tpu.memory_space<vmem_shared>>)
      tpu.yield
    }) : () -> ()
    %add3A_19 = arith.constant 500 : i32
    %add3A_20 = arith.addi %mul3A_6, %add3A_19 : i32
    "tpu.region"() ({
      %run_scoped3A = tpu.sem_alloc : memref<!tpu.dma_semaphore, #tpu.memory_space<semaphore_mem>>
      %dma_start3A_54 = arith.constant 0 : i32
      %dma_start3A_55 = tpu.memref_slice %arg17[%add3A_20, %dma_start3A_54] : memref<10016x128xf32, #tpu.memory_space<vmem_shared>> -> memref<125x128xf32, #tpu.memory_space<vmem_shared>>
      %dma_start3A_56 = arith.constant 0 : i32
      %dma_start3A_57 = tpu.memref_slice %arg17[%add3A_20, %dma_start3A_56] : memref<10016x128xf32, #tpu.memory_space<vmem_shared>> -> memref<125x128xf32, #tpu.memory_space<vmem_shared>>
      tpu.enqueue_dma source(%arg16 : memref<125x128xf32, #tpu.memory_space<vmem>>) target(%dma_start3A_57 : memref<125x128xf32, #tpu.memory_space<vmem_shared>>) target_semaphore(%run_scoped3A : memref<!tpu.dma_semaphore, #tpu.memory_space<semaphore_mem>>)
      %dma_wait3A = arith.constant 0 : i32
      %dma_wait3A_58 = tpu.memref_slice %arg17[%add3A_20, %dma_wait3A] : memref<10016x128xf32, #tpu.memory_space<vmem_shared>> -> memref<125x128xf32, #tpu.memory_space<vmem_shared>>
      %dma_wait3A_59 = arith.constant 0 : i32
      %dma_wait3A_60 = tpu.memref_slice %arg17[%add3A_20, %dma_wait3A_59] : memref<10016x128xf32, #tpu.memory_space<vmem_shared>> -> memref<125x128xf32, #tpu.memory_space<vmem_shared>>
      tpu.wait_dma2 semaphore(%run_scoped3A : memref<!tpu.dma_semaphore, #tpu.memory_space<semaphore_mem>>) src(%arg16 : memref<125x128xf32, #tpu.memory_space<vmem>>) dst(%dma_wait3A_60 : memref<125x128xf32, #tpu.memory_space<vmem_shared>>)
      tpu.yield
    }) : () -> ()
    %barrier3A = arith.constant 0 : index
    tpu.barrier barrier_id(%barrier3A)
    "tpu.region"() ({
      %run_scoped3A = tpu.sem_alloc : memref<!tpu.dma_semaphore, #tpu.memory_space<semaphore_mem>>
      %dma_start3A_54 = tpu.memref_slice %arg2[%mul3A_10] : memref<163840xi32, #tpu.memory_space<hbm>> -> memref<128xi32, #tpu.memory_space<hbm>>
      %dma_start3A_55 = tpu.memref_slice %arg2[%mul3A_10] : memref<163840xi32, #tpu.memory_space<hbm>> -> memref<128xi32, #tpu.memory_space<hbm>>
      tpu.enqueue_dma source(%dma_start3A_55 : memref<128xi32, #tpu.memory_space<hbm>>) target(%arg6 : memref<128xi32, #tpu.memory_space<vmem>>) target_semaphore(%run_scoped3A : memref<!tpu.dma_semaphore, #tpu.memory_space<semaphore_mem>>)
      %dma_wait3A = tpu.memref_slice %arg2[%mul3A_10] : memref<163840xi32, #tpu.memory_space<hbm>> -> memref<128xi32, #tpu.memory_space<hbm>>
      %dma_wait3A_56 = tpu.memref_slice %arg2[%mul3A_10] : memref<163840xi32, #tpu.memory_space<hbm>> -> memref<128xi32, #tpu.memory_space<hbm>>
      tpu.wait_dma2 semaphore(%run_scoped3A : memref<!tpu.dma_semaphore, #tpu.memory_space<semaphore_mem>>) src(%dma_wait3A_56 : memref<128xi32, #tpu.memory_space<hbm>>) dst(%arg6 : memref<128xi32, #tpu.memory_space<vmem>>)
      tpu.yield
    }) : () -> ()
    "tpu.region"() ({
      %run_scoped3A = tpu.sem_alloc : memref<!tpu.dma_semaphore, #tpu.memory_space<semaphore_mem>>
      %dma_start3A_54 = tpu.memref_slice %arg3[%mul3A_10] : memref<163840xi32, #tpu.memory_space<hbm>> -> memref<128xi32, #tpu.memory_space<hbm>>
      %dma_start3A_55 = tpu.memref_slice %arg3[%mul3A_10] : memref<163840xi32, #tpu.memory_space<hbm>> -> memref<128xi32, #tpu.memory_space<hbm>>
      tpu.enqueue_dma source(%dma_start3A_55 : memref<128xi32, #tpu.memory_space<hbm>>) target(%arg7 : memref<128xi32, #tpu.memory_space<vmem>>) target_semaphore(%run_scoped3A : memref<!tpu.dma_semaphore, #tpu.memory_space<semaphore_mem>>)
      %dma_wait3A = tpu.memref_slice %arg3[%mul3A_10] : memref<163840xi32, #tpu.memory_space<hbm>> -> memref<128xi32, #tpu.memory_space<hbm>>
      %dma_wait3A_56 = tpu.memref_slice %arg3[%mul3A_10] : memref<163840xi32, #tpu.memory_space<hbm>> -> memref<128xi32, #tpu.memory_space<hbm>>
      tpu.wait_dma2 semaphore(%run_scoped3A : memref<!tpu.dma_semaphore, #tpu.memory_space<semaphore_mem>>) src(%dma_wait3A_56 : memref<128xi32, #tpu.memory_space<hbm>>) dst(%arg7 : memref<128xi32, #tpu.memory_space<vmem>>)
      tpu.yield
    }) : () -> ()
    %add3A_21 = arith.constant 128 : i32
    %add3A_22 = arith.addi %mul3A_10, %add3A_21 : i32
    "tpu.region"() ({
      %run_scoped3A = tpu.sem_alloc : memref<!tpu.dma_semaphore, #tpu.memory_space<semaphore_mem>>
      %dma_start3A_54 = tpu.memref_slice %arg2[%add3A_22] : memref<163840xi32, #tpu.memory_space<hbm>> -> memref<128xi32, #tpu.memory_space<hbm>>
      %dma_start3A_55 = tpu.memref_slice %arg2[%add3A_22] : memref<163840xi32, #tpu.memory_space<hbm>> -> memref<128xi32, #tpu.memory_space<hbm>>
      tpu.enqueue_dma source(%dma_start3A_55 : memref<128xi32, #tpu.memory_space<hbm>>) target(%arg8 : memref<128xi32, #tpu.memory_space<vmem>>) target_semaphore(%run_scoped3A : memref<!tpu.dma_semaphore, #tpu.memory_space<semaphore_mem>>)
      %dma_wait3A = tpu.memref_slice %arg2[%add3A_22] : memref<163840xi32, #tpu.memory_space<hbm>> -> memref<128xi32, #tpu.memory_space<hbm>>
      %dma_wait3A_56 = tpu.memref_slice %arg2[%add3A_22] : memref<163840xi32, #tpu.memory_space<hbm>> -> memref<128xi32, #tpu.memory_space<hbm>>
      tpu.wait_dma2 semaphore(%run_scoped3A : memref<!tpu.dma_semaphore, #tpu.memory_space<semaphore_mem>>) src(%dma_wait3A_56 : memref<128xi32, #tpu.memory_space<hbm>>) dst(%arg8 : memref<128xi32, #tpu.memory_space<vmem>>)
      tpu.yield
    }) : () -> ()
    %add3A_23 = arith.constant 128 : i32
    %add3A_24 = arith.addi %mul3A_10, %add3A_23 : i32
    "tpu.region"() ({
      %run_scoped3A = tpu.sem_alloc : memref<!tpu.dma_semaphore, #tpu.memory_space<semaphore_mem>>
      %dma_start3A_54 = tpu.memref_slice %arg3[%add3A_24] : memref<163840xi32, #tpu.memory_space<hbm>> -> memref<128xi32, #tpu.memory_space<hbm>>
      %dma_start3A_55 = tpu.memref_slice %arg3[%add3A_24] : memref<163840xi32, #tpu.memory_space<hbm>> -> memref<128xi32, #tpu.memory_space<hbm>>
      tpu.enqueue_dma source(%dma_start3A_55 : memref<128xi32, #tpu.memory_space<hbm>>) target(%arg9 : memref<128xi32, #tpu.memory_space<vmem>>) target_semaphore(%run_scoped3A : memref<!tpu.dma_semaphore, #tpu.memory_space<semaphore_mem>>)
      %dma_wait3A = tpu.memref_slice %arg3[%add3A_24] : memref<163840xi32, #tpu.memory_space<hbm>> -> memref<128xi32, #tpu.memory_space<hbm>>
      %dma_wait3A_56 = tpu.memref_slice %arg3[%add3A_24] : memref<163840xi32, #tpu.memory_space<hbm>> -> memref<128xi32, #tpu.memory_space<hbm>>
      tpu.wait_dma2 semaphore(%run_scoped3A : memref<!tpu.dma_semaphore, #tpu.memory_space<semaphore_mem>>) src(%dma_wait3A_56 : memref<128xi32, #tpu.memory_space<hbm>>) dst(%arg9 : memref<128xi32, #tpu.memory_space<vmem>>)
      tpu.yield
    }) : () -> ()
    %dma_start3A = arith.constant 0 : i32
    %dma_start3A_25 = arith.constant 0 : i32
    %dma_start3A_26 = tpu.memref_slice %arg4[%dma_start3A, %dma_start3A_25] : memref<10016x128xf32, #tpu.memory_space<hbm>> -> memref<10016x128xf32, #tpu.memory_space<hbm>>
    tpu.enqueue_indirect_dma source(%dma_start3A_26 : memref<10016x128xf32, #tpu.memory_space<hbm>>) target(%arg14 : memref<128x128xf32, #tpu.memory_space<vmem>>) offsets(%arg6 : memref<128xi32, #tpu.memory_space<vmem>>) semaphore(%arg18 : memref<!tpu.dma_semaphore, #tpu.memory_space<semaphore_mem>>)
    %dma_start3A_27 = arith.constant 0 : i32
    %dma_start3A_28 = arith.constant 0 : i32
    %dma_start3A_29 = tpu.memref_slice %arg4[%dma_start3A_27, %dma_start3A_28] : memref<10016x128xf32, #tpu.memory_space<hbm>> -> memref<10016x128xf32, #tpu.memory_space<hbm>>
    tpu.enqueue_indirect_dma source(%dma_start3A_29 : memref<10016x128xf32, #tpu.memory_space<hbm>>) target(%arg15 : memref<128x128xf32, #tpu.memory_space<vmem>>) offsets(%arg8 : memref<128xi32, #tpu.memory_space<vmem>>) semaphore(%arg19 : memref<!tpu.dma_semaphore, #tpu.memory_space<semaphore_mem>>)
    %add3A_30 = arith.constant 256 : i32
    %add3A_31 = arith.addi %mul3A_10, %add3A_30 : i32
    %dma_start3A_32 = tpu.memref_slice %arg2[%add3A_31] : memref<163840xi32, #tpu.memory_space<hbm>> -> memref<128xi32, #tpu.memory_space<hbm>>
    %dma_start3A_33 = tpu.memref_slice %arg2[%add3A_31] : memref<163840xi32, #tpu.memory_space<hbm>> -> memref<128xi32, #tpu.memory_space<hbm>>
    tpu.enqueue_dma source(%dma_start3A_33 : memref<128xi32, #tpu.memory_space<hbm>>) target(%arg10 : memref<128xi32, #tpu.memory_space<vmem>>) target_semaphore(%arg22 : memref<!tpu.dma_semaphore, #tpu.memory_space<semaphore_mem>>)
    %add3A_34 = arith.constant 256 : i32
    %add3A_35 = arith.addi %mul3A_10, %add3A_34 : i32
    %dma_start3A_36 = tpu.memref_slice %arg3[%add3A_35] : memref<163840xi32, #tpu.memory_space<hbm>> -> memref<128xi32, #tpu.memory_space<hbm>>
    %dma_start3A_37 = tpu.memref_slice %arg3[%add3A_35] : memref<163840xi32, #tpu.memory_space<hbm>> -> memref<128xi32, #tpu.memory_space<hbm>>
    tpu.enqueue_dma source(%dma_start3A_37 : memref<128xi32, #tpu.memory_space<hbm>>) target(%arg11 : memref<128xi32, #tpu.memory_space<vmem>>) target_semaphore(%arg22 : memref<!tpu.dma_semaphore, #tpu.memory_space<semaphore_mem>>)
    %add3A_38 = arith.constant 384 : i32
    %add3A_39 = arith.addi %mul3A_10, %add3A_38 : i32
    %dma_start3A_40 = tpu.memref_slice %arg2[%add3A_39] : memref<163840xi32, #tpu.memory_space<hbm>> -> memref<128xi32, #tpu.memory_space<hbm>>
    %dma_start3A_41 = tpu.memref_slice %arg2[%add3A_39] : memref<163840xi32, #tpu.memory_space<hbm>> -> memref<128xi32, #tpu.memory_space<hbm>>
    tpu.enqueue_dma source(%dma_start3A_41 : memref<128xi32, #tpu.memory_space<hbm>>) target(%arg12 : memref<128xi32, #tpu.memory_space<vmem>>) target_semaphore(%arg23 : memref<!tpu.dma_semaphore, #tpu.memory_space<semaphore_mem>>)
    %add3A_42 = arith.constant 384 : i32
    %add3A_43 = arith.addi %mul3A_10, %add3A_42 : i32
    %dma_start3A_44 = tpu.memref_slice %arg3[%add3A_43] : memref<163840xi32, #tpu.memory_space<hbm>> -> memref<128xi32, #tpu.memory_space<hbm>>
    %dma_start3A_45 = tpu.memref_slice %arg3[%add3A_43] : memref<163840xi32, #tpu.memory_space<hbm>> -> memref<128xi32, #tpu.memory_space<hbm>>
    tpu.enqueue_dma source(%dma_start3A_45 : memref<128xi32, #tpu.memory_space<hbm>>) target(%arg13 : memref<128xi32, #tpu.memory_space<vmem>>) target_semaphore(%arg23 : memref<!tpu.dma_semaphore, #tpu.memory_space<semaphore_mem>>)
    %scan3A_46 = arith.constant 0 : i32
    %scan3A_47 = arith.constant 0 : i32
    %scan3A_48 = arith.constant 10 : i32
    %scan3A_49 = arith.addi %scan3A_47, %scan3A_48 : i32
    %scan3A_50 = arith.constant 1 : i32
    %scan3A_51 = scf.for %scan3A_54 = %scan3A_47 to %scan3A_49 step %scan3A_50 iter_args(%scan3A_55 = %scan3A_46) -> (i32)  : i32 {
      %mul3A_56 = arith.constant 4 : i32
      %mul3A_57 = arith.muli %mul3A_56, %scan3A_54 : i32
      %dma_wait3A = arith.constant 0 : i32
      %dma_wait3A_58 = arith.constant 0 : i32
      %dma_wait3A_59 = tpu.memref_slice %arg4[%dma_wait3A, %dma_wait3A_58] : memref<10016x128xf32, #tpu.memory_space<hbm>> -> memref<10016x128xf32, #tpu.memory_space<hbm>>
      tpu.wait_indirect_dma semaphore(%arg18 : memref<!tpu.dma_semaphore, #tpu.memory_space<semaphore_mem>>) src(%dma_wait3A_59 : memref<10016x128xf32, #tpu.memory_space<hbm>>) dst(%arg14 : memref<128x128xf32, #tpu.memory_space<vmem>>)
      %dma_start3A_60 = arith.constant 0 : i32
      %dma_start3A_61 = arith.constant 0 : i32
      %dma_start3A_62 = tpu.memref_slice %arg17[%dma_start3A_60, %dma_start3A_61] : memref<10016x128xf32, #tpu.memory_space<vmem_shared>> -> memref<10016x128xf32, #tpu.memory_space<vmem_shared>>
      tpu.enqueue_indirect_dma source(%arg14 : memref<128x128xf32, #tpu.memory_space<vmem>>) target(%dma_start3A_62 : memref<10016x128xf32, #tpu.memory_space<vmem_shared>>) offsets(%arg7 : memref<128xi32, #tpu.memory_space<vmem>>) semaphore(%arg20 : memref<!tpu.dma_semaphore, #tpu.memory_space<semaphore_mem>>) {add = true}
      %dma_wait3A_63 = arith.constant 0 : i32
      %dma_wait3A_64 = arith.constant 0 : i32
      %dma_wait3A_65 = tpu.memref_slice %arg4[%dma_wait3A_63, %dma_wait3A_64] : memref<10016x128xf32, #tpu.memory_space<hbm>> -> memref<10016x128xf32, #tpu.memory_space<hbm>>
      tpu.wait_indirect_dma semaphore(%arg19 : memref<!tpu.dma_semaphore, #tpu.memory_space<semaphore_mem>>) src(%dma_wait3A_65 : memref<10016x128xf32, #tpu.memory_space<hbm>>) dst(%arg15 : memref<128x128xf32, #tpu.memory_space<vmem>>)
      %dma_start3A_66 = arith.constant 0 : i32
      %dma_start3A_67 = arith.constant 0 : i32
      %dma_start3A_68 = tpu.memref_slice %arg17[%dma_start3A_66, %dma_start3A_67] : memref<10016x128xf32, #tpu.memory_space<vmem_shared>> -> memref<10016x128xf32, #tpu.memory_space<vmem_shared>>
      tpu.enqueue_indirect_dma source(%arg15 : memref<128x128xf32, #tpu.memory_space<vmem>>) target(%dma_start3A_68 : memref<10016x128xf32, #tpu.memory_space<vmem_shared>>) offsets(%arg9 : memref<128xi32, #tpu.memory_space<vmem>>) semaphore(%arg21 : memref<!tpu.dma_semaphore, #tpu.memory_space<semaphore_mem>>) {add = true}
      %dma_wait3A_69 = arith.constant 0 : i32
      %dma_wait3A_70 = arith.constant 0 : i32
      %dma_wait3A_71 = tpu.memref_slice %arg17[%dma_wait3A_69, %dma_wait3A_70] : memref<10016x128xf32, #tpu.memory_space<vmem_shared>> -> memref<10016x128xf32, #tpu.memory_space<vmem_shared>>
      tpu.wait_indirect_dma semaphore(%arg20 : memref<!tpu.dma_semaphore, #tpu.memory_space<semaphore_mem>>) src(%arg14 : memref<128x128xf32, #tpu.memory_space<vmem>>) dst(%dma_wait3A_71 : memref<10016x128xf32, #tpu.memory_space<vmem_shared>>)
      %add3A_72 = arith.constant 2 : i32
      %add3A_73 = arith.addi %mul3A_57, %add3A_72 : i32
      %mul3A_74 = arith.constant 128 : i32
      %mul3A_75 = arith.muli %add3A_73, %mul3A_74 : i32
      %add3A_76 = arith.addi %mul3A_10, %mul3A_75 : i32
      %dma_wait3A_77 = tpu.memref_slice %arg2[%add3A_76] : memref<163840xi32, #tpu.memory_space<hbm>> -> memref<128xi32, #tpu.memory_space<hbm>>
      %dma_wait3A_78 = tpu.memref_slice %arg2[%add3A_76] : memref<163840xi32, #tpu.memory_space<hbm>> -> memref<128xi32, #tpu.memory_space<hbm>>
      tpu.wait_dma2 semaphore(%arg22 : memref<!tpu.dma_semaphore, #tpu.memory_space<semaphore_mem>>) src(%dma_wait3A_78 : memref<128xi32, #tpu.memory_space<hbm>>) dst(%arg10 : memref<128xi32, #tpu.memory_space<vmem>>)
      %mul3A_79 = arith.constant 128 : i32
      %mul3A_80 = arith.muli %add3A_73, %mul3A_79 : i32
      %add3A_81 = arith.addi %mul3A_10, %mul3A_80 : i32
      %dma_wait3A_82 = tpu.memref_slice %arg3[%add3A_81] : memref<163840xi32, #tpu.memory_space<hbm>> -> memref<128xi32, #tpu.memory_space<hbm>>
      %dma_wait3A_83 = tpu.memref_slice %arg3[%add3A_81] : memref<163840xi32, #tpu.memory_space<hbm>> -> memref<128xi32, #tpu.memory_space<hbm>>
      tpu.wait_dma2 semaphore(%arg22 : memref<!tpu.dma_semaphore, #tpu.memory_space<semaphore_mem>>) src(%dma_wait3A_83 : memref<128xi32, #tpu.memory_space<hbm>>) dst(%arg11 : memref<128xi32, #tpu.memory_space<vmem>>)
      %dma_start3A_84 = arith.constant 0 : i32
      %dma_start3A_85 = arith.constant 0 : i32
      %dma_start3A_86 = tpu.memref_slice %arg4[%dma_start3A_84, %dma_start3A_85] : memref<10016x128xf32, #tpu.memory_space<hbm>> -> memref<10016x128xf32, #tpu.memory_space<hbm>>
      tpu.enqueue_indirect_dma source(%dma_start3A_86 : memref<10016x128xf32, #tpu.memory_space<hbm>>) target(%arg14 : memref<128x128xf32, #tpu.memory_space<vmem>>) offsets(%arg10 : memref<128xi32, #tpu.memory_space<vmem>>) semaphore(%arg18 : memref<!tpu.dma_semaphore, #tpu.memory_space<semaphore_mem>>)
      %add3A_87 = arith.constant 4 : i32
      %add3A_88 = arith.addi %mul3A_57, %add3A_87 : i32
      %lt3A = arith.constant 40 : i32
      %lt3A_89 = arith.cmpi slt, %add3A_88, %lt3A : i32
      %convert_element_type3A = arith.extui %lt3A_89 : i1 to i32
      %cond3A = arith.constant 0 : i32
      %cond3A_90 = arith.cmpi ne, %convert_element_type3A, %cond3A : i32
      scf.if %cond3A_90 {
        %add3A_163 = arith.constant 4 : i32
        %add3A_164 = arith.addi %mul3A_57, %add3A_163 : i32
        %mul3A_165 = arith.constant 128 : i32
        %mul3A_166 = arith.muli %add3A_164, %mul3A_165 : i32
        %add3A_167 = arith.addi %mul3A_10, %mul3A_166 : i32
        %dma_start3A_168 = tpu.memref_slice %arg2[%add3A_167] : memref<163840xi32, #tpu.memory_space<hbm>> -> memref<128xi32, #tpu.memory_space<hbm>>
        %dma_start3A_169 = tpu.memref_slice %arg2[%add3A_167] : memref<163840xi32, #tpu.memory_space<hbm>> -> memref<128xi32, #tpu.memory_space<hbm>>
        tpu.enqueue_dma source(%dma_start3A_169 : memref<128xi32, #tpu.memory_space<hbm>>) target(%arg6 : memref<128xi32, #tpu.memory_space<vmem>>) target_semaphore(%arg22 : memref<!tpu.dma_semaphore, #tpu.memory_space<semaphore_mem>>)
        %mul3A_170 = arith.constant 128 : i32
        %mul3A_171 = arith.muli %add3A_164, %mul3A_170 : i32
        %add3A_172 = arith.addi %mul3A_10, %mul3A_171 : i32
        %dma_start3A_173 = tpu.memref_slice %arg3[%add3A_172] : memref<163840xi32, #tpu.memory_space<hbm>> -> memref<128xi32, #tpu.memory_space<hbm>>
        %dma_start3A_174 = tpu.memref_slice %arg3[%add3A_172] : memref<163840xi32, #tpu.memory_space<hbm>> -> memref<128xi32, #tpu.memory_space<hbm>>
        tpu.enqueue_dma source(%dma_start3A_174 : memref<128xi32, #tpu.memory_space<hbm>>) target(%arg7 : memref<128xi32, #tpu.memory_space<vmem>>) target_semaphore(%arg22 : memref<!tpu.dma_semaphore, #tpu.memory_space<semaphore_mem>>)
      } else {
      }
      %dma_wait3A_91 = arith.constant 0 : i32
      %dma_wait3A_92 = arith.constant 0 : i32
      %dma_wait3A_93 = tpu.memref_slice %arg17[%dma_wait3A_91, %dma_wait3A_92] : memref<10016x128xf32, #tpu.memory_space<vmem_shared>> -> memref<10016x128xf32, #tpu.memory_space<vmem_shared>>
      tpu.wait_indirect_dma semaphore(%arg21 : memref<!tpu.dma_semaphore, #tpu.memory_space<semaphore_mem>>) src(%arg15 : memref<128x128xf32, #tpu.memory_space<vmem>>) dst(%dma_wait3A_93 : memref<10016x128xf32, #tpu.memory_space<vmem_shared>>)
      %add3A_94 = arith.constant 3 : i32
      %add3A_95 = arith.addi %mul3A_57, %add3A_94 : i32
      %mul3A_96 = arith.constant 128 : i32
      %mul3A_97 = arith.muli %add3A_95, %mul3A_96 : i32
      %add3A_98 = arith.addi %mul3A_10, %mul3A_97 : i32
      %dma_wait3A_99 = tpu.memref_slice %arg2[%add3A_98] : memref<163840xi32, #tpu.memory_space<hbm>> -> memref<128xi32, #tpu.memory_space<hbm>>
      %dma_wait3A_100 = tpu.memref_slice %arg2[%add3A_98] : memref<163840xi32, #tpu.memory_space<hbm>> -> memref<128xi32, #tpu.memory_space<hbm>>
      tpu.wait_dma2 semaphore(%arg23 : memref<!tpu.dma_semaphore, #tpu.memory_space<semaphore_mem>>) src(%dma_wait3A_100 : memref<128xi32, #tpu.memory_space<hbm>>) dst(%arg12 : memref<128xi32, #tpu.memory_space<vmem>>)
      %mul3A_101 = arith.constant 128 : i32
      %mul3A_102 = arith.muli %add3A_95, %mul3A_101 : i32
      %add3A_103 = arith.addi %mul3A_10, %mul3A_102 : i32
      %dma_wait3A_104 = tpu.memref_slice %arg3[%add3A_103] : memref<163840xi32, #tpu.memory_space<hbm>> -> memref<128xi32, #tpu.memory_space<hbm>>
      %dma_wait3A_105 = tpu.memref_slice %arg3[%add3A_103] : memref<163840xi32, #tpu.memory_space<hbm>> -> memref<128xi32, #tpu.memory_space<hbm>>
      tpu.wait_dma2 semaphore(%arg23 : memref<!tpu.dma_semaphore, #tpu.memory_space<semaphore_mem>>) src(%dma_wait3A_105 : memref<128xi32, #tpu.memory_space<hbm>>) dst(%arg13 : memref<128xi32, #tpu.memory_space<vmem>>)
      %dma_start3A_106 = arith.constant 0 : i32
      %dma_start3A_107 = arith.constant 0 : i32
      %dma_start3A_108 = tpu.memref_slice %arg4[%dma_start3A_106, %dma_start3A_107] : memref<10016x128xf32, #tpu.memory_space<hbm>> -> memref<10016x128xf32, #tpu.memory_space<hbm>>
      tpu.enqueue_indirect_dma source(%dma_start3A_108 : memref<10016x128xf32, #tpu.memory_space<hbm>>) target(%arg15 : memref<128x128xf32, #tpu.memory_space<vmem>>) offsets(%arg12 : memref<128xi32, #tpu.memory_space<vmem>>) semaphore(%arg19 : memref<!tpu.dma_semaphore, #tpu.memory_space<semaphore_mem>>)
      %add3A_109 = arith.constant 5 : i32
      %add3A_110 = arith.addi %mul3A_57, %add3A_109 : i32
      %lt3A_111 = arith.constant 40 : i32
      %lt3A_112 = arith.cmpi slt, %add3A_110, %lt3A_111 : i32
      %convert_element_type3A_113 = arith.extui %lt3A_112 : i1 to i32
      %cond3A_114 = arith.constant 0 : i32
      %cond3A_115 = arith.cmpi ne, %convert_element_type3A_113, %cond3A_114 : i32
      scf.if %cond3A_115 {
        %add3A_163 = arith.constant 5 : i32
        %add3A_164 = arith.addi %mul3A_57, %add3A_163 : i32
        %mul3A_165 = arith.constant 128 : i32
        %mul3A_166 = arith.muli %add3A_164, %mul3A_165 : i32
        %add3A_167 = arith.addi %mul3A_10, %mul3A_166 : i32
        %dma_start3A_168 = tpu.memref_slice %arg2[%add3A_167] : memref<163840xi32, #tpu.memory_space<hbm>> -> memref<128xi32, #tpu.memory_space<hbm>>
        %dma_start3A_169 = tpu.memref_slice %arg2[%add3A_167] : memref<163840xi32, #tpu.memory_space<hbm>> -> memref<128xi32, #tpu.memory_space<hbm>>
        tpu.enqueue_dma source(%dma_start3A_169 : memref<128xi32, #tpu.memory_space<hbm>>) target(%arg8 : memref<128xi32, #tpu.memory_space<vmem>>) target_semaphore(%arg23 : memref<!tpu.dma_semaphore, #tpu.memory_space<semaphore_mem>>)
        %mul3A_170 = arith.constant 128 : i32
        %mul3A_171 = arith.muli %add3A_164, %mul3A_170 : i32
        %add3A_172 = arith.addi %mul3A_10, %mul3A_171 : i32
        %dma_start3A_173 = tpu.memref_slice %arg3[%add3A_172] : memref<163840xi32, #tpu.memory_space<hbm>> -> memref<128xi32, #tpu.memory_space<hbm>>
        %dma_start3A_174 = tpu.memref_slice %arg3[%add3A_172] : memref<163840xi32, #tpu.memory_space<hbm>> -> memref<128xi32, #tpu.memory_space<hbm>>
        tpu.enqueue_dma source(%dma_start3A_174 : memref<128xi32, #tpu.memory_space<hbm>>) target(%arg9 : memref<128xi32, #tpu.memory_space<vmem>>) target_semaphore(%arg23 : memref<!tpu.dma_semaphore, #tpu.memory_space<semaphore_mem>>)
      } else {
      }
      %dma_wait3A_116 = arith.constant 0 : i32
      %dma_wait3A_117 = arith.constant 0 : i32
      %dma_wait3A_118 = tpu.memref_slice %arg4[%dma_wait3A_116, %dma_wait3A_117] : memref<10016x128xf32, #tpu.memory_space<hbm>> -> memref<10016x128xf32, #tpu.memory_space<hbm>>
      tpu.wait_indirect_dma semaphore(%arg18 : memref<!tpu.dma_semaphore, #tpu.memory_space<semaphore_mem>>) src(%dma_wait3A_118 : memref<10016x128xf32, #tpu.memory_space<hbm>>) dst(%arg14 : memref<128x128xf32, #tpu.memory_space<vmem>>)
      %dma_start3A_119 = arith.constant 0 : i32
      %dma_start3A_120 = arith.constant 0 : i32
      %dma_start3A_121 = tpu.memref_slice %arg17[%dma_start3A_119, %dma_start3A_120] : memref<10016x128xf32, #tpu.memory_space<vmem_shared>> -> memref<10016x128xf32, #tpu.memory_space<vmem_shared>>
      tpu.enqueue_indirect_dma source(%arg14 : memref<128x128xf32, #tpu.memory_space<vmem>>) target(%dma_start3A_121 : memref<10016x128xf32, #tpu.memory_space<vmem_shared>>) offsets(%arg11 : memref<128xi32, #tpu.memory_space<vmem>>) semaphore(%arg20 : memref<!tpu.dma_semaphore, #tpu.memory_space<semaphore_mem>>) {add = true}
      %dma_wait3A_122 = arith.constant 0 : i32
      %dma_wait3A_123 = arith.constant 0 : i32
      %dma_wait3A_124 = tpu.memref_slice %arg4[%dma_wait3A_122, %dma_wait3A_123] : memref<10016x128xf32, #tpu.memory_space<hbm>> -> memref<10016x128xf32, #tpu.memory_space<hbm>>
      tpu.wait_indirect_dma semaphore(%arg19 : memref<!tpu.dma_semaphore, #tpu.memory_space<semaphore_mem>>) src(%dma_wait3A_124 : memref<10016x128xf32, #tpu.memory_space<hbm>>) dst(%arg15 : memref<128x128xf32, #tpu.memory_space<vmem>>)
      %dma_start3A_125 = arith.constant 0 : i32
      %dma_start3A_126 = arith.constant 0 : i32
      %dma_start3A_127 = tpu.memref_slice %arg17[%dma_start3A_125, %dma_start3A_126] : memref<10016x128xf32, #tpu.memory_space<vmem_shared>> -> memref<10016x128xf32, #tpu.memory_space<vmem_shared>>
      tpu.enqueue_indirect_dma source(%arg15 : memref<128x128xf32, #tpu.memory_space<vmem>>) target(%dma_start3A_127 : memref<10016x128xf32, #tpu.memory_space<vmem_shared>>) offsets(%arg13 : memref<128xi32, #tpu.memory_space<vmem>>) semaphore(%arg21 : memref<!tpu.dma_semaphore, #tpu.memory_space<semaphore_mem>>) {add = true}
      %dma_wait3A_128 = arith.constant 0 : i32
      %dma_wait3A_129 = arith.constant 0 : i32
      %dma_wait3A_130 = tpu.memref_slice %arg17[%dma_wait3A_128, %dma_wait3A_129] : memref<10016x128xf32, #tpu.memory_space<vmem_shared>> -> memref<10016x128xf32, #tpu.memory_space<vmem_shared>>
      tpu.wait_indirect_dma semaphore(%arg20 : memref<!tpu.dma_semaphore, #tpu.memory_space<semaphore_mem>>) src(%arg14 : memref<128x128xf32, #tpu.memory_space<vmem>>) dst(%dma_wait3A_130 : memref<10016x128xf32, #tpu.memory_space<vmem_shared>>)
      %add3A_131 = arith.constant 4 : i32
      %add3A_132 = arith.addi %mul3A_57, %add3A_131 : i32
      %lt3A_133 = arith.constant 40 : i32
      %lt3A_134 = arith.cmpi slt, %add3A_132, %lt3A_133 : i32
      %convert_element_type3A_135 = arith.extui %lt3A_134 : i1 to i32
      %cond3A_136 = arith.constant 0 : i32
      %cond3A_137 = arith.cmpi ne, %convert_element_type3A_135, %cond3A_136 : i32
      scf.if %cond3A_137 {
        %add3A_163 = arith.constant 4 : i32
        %add3A_164 = arith.addi %mul3A_57, %add3A_163 : i32
        %mul3A_165 = arith.constant 128 : i32
        %mul3A_166 = arith.muli %add3A_164, %mul3A_165 : i32
        %add3A_167 = arith.addi %mul3A_10, %mul3A_166 : i32
        %dma_wait3A_168 = tpu.memref_slice %arg2[%add3A_167] : memref<163840xi32, #tpu.memory_space<hbm>> -> memref<128xi32, #tpu.memory_space<hbm>>
        %dma_wait3A_169 = tpu.memref_slice %arg2[%add3A_167] : memref<163840xi32, #tpu.memory_space<hbm>> -> memref<128xi32, #tpu.memory_space<hbm>>
        tpu.wait_dma2 semaphore(%arg22 : memref<!tpu.dma_semaphore, #tpu.memory_space<semaphore_mem>>) src(%dma_wait3A_169 : memref<128xi32, #tpu.memory_space<hbm>>) dst(%arg6 : memref<128xi32, #tpu.memory_space<vmem>>)
        %mul3A_170 = arith.constant 128 : i32
        %mul3A_171 = arith.muli %add3A_164, %mul3A_170 : i32
        %add3A_172 = arith.addi %mul3A_10, %mul3A_171 : i32
        %dma_wait3A_173 = tpu.memref_slice %arg3[%add3A_172] : memref<163840xi32, #tpu.memory_space<hbm>> -> memref<128xi32, #tpu.memory_space<hbm>>
        %dma_wait3A_174 = tpu.memref_slice %arg3[%add3A_172] : memref<163840xi32, #tpu.memory_space<hbm>> -> memref<128xi32, #tpu.memory_space<hbm>>
        tpu.wait_dma2 semaphore(%arg22 : memref<!tpu.dma_semaphore, #tpu.memory_space<semaphore_mem>>) src(%dma_wait3A_174 : memref<128xi32, #tpu.memory_space<hbm>>) dst(%arg7 : memref<128xi32, #tpu.memory_space<vmem>>)
        %dma_start3A_175 = arith.constant 0 : i32
        %dma_start3A_176 = arith.constant 0 : i32
        %dma_start3A_177 = tpu.memref_slice %arg4[%dma_start3A_175, %dma_start3A_176] : memref<10016x128xf32, #tpu.memory_space<hbm>> -> memref<10016x128xf32, #tpu.memory_space<hbm>>
        tpu.enqueue_indirect_dma source(%dma_start3A_177 : memref<10016x128xf32, #tpu.memory_space<hbm>>) target(%arg14 : memref<128x128xf32, #tpu.memory_space<vmem>>) offsets(%arg6 : memref<128xi32, #tpu.memory_space<vmem>>) semaphore(%arg18 : memref<!tpu.dma_semaphore, #tpu.memory_space<semaphore_mem>>)
      } else {
      }
      %add3A_138 = arith.constant 6 : i32
      %add3A_139 = arith.addi %mul3A_57, %add3A_138 : i32
      %lt3A_140 = arith.constant 40 : i32
      %lt3A_141 = arith.cmpi slt, %add3A_139, %lt3A_140 : i32
      %convert_element_type3A_142 = arith.extui %lt3A_141 : i1 to i32
      %cond3A_143 = arith.constant 0 : i32
      %cond3A_144 = arith.cmpi ne, %convert_element_type3A_142, %cond3A_143 : i32
      scf.if %cond3A_144 {
        %add3A_163 = arith.constant 6 : i32
        %add3A_164 = arith.addi %mul3A_57, %add3A_163 : i32
        %mul3A_165 = arith.constant 128 : i32
        %mul3A_166 = arith.muli %add3A_164, %mul3A_165 : i32
        %add3A_167 = arith.addi %mul3A_10, %mul3A_166 : i32
        %dma_start3A_168 = tpu.memref_slice %arg2[%add3A_167] : memref<163840xi32, #tpu.memory_space<hbm>> -> memref<128xi32, #tpu.memory_space<hbm>>
        %dma_start3A_169 = tpu.memref_slice %arg2[%add3A_167] : memref<163840xi32, #tpu.memory_space<hbm>> -> memref<128xi32, #tpu.memory_space<hbm>>
        tpu.enqueue_dma source(%dma_start3A_169 : memref<128xi32, #tpu.memory_space<hbm>>) target(%arg10 : memref<128xi32, #tpu.memory_space<vmem>>) target_semaphore(%arg22 : memref<!tpu.dma_semaphore, #tpu.memory_space<semaphore_mem>>)
        %mul3A_170 = arith.constant 128 : i32
        %mul3A_171 = arith.muli %add3A_164, %mul3A_170 : i32
        %add3A_172 = arith.addi %mul3A_10, %mul3A_171 : i32
        %dma_start3A_173 = tpu.memref_slice %arg3[%add3A_172] : memref<163840xi32, #tpu.memory_space<hbm>> -> memref<128xi32, #tpu.memory_space<hbm>>
        %dma_start3A_174 = tpu.memref_slice %arg3[%add3A_172] : memref<163840xi32, #tpu.memory_space<hbm>> -> memref<128xi32, #tpu.memory_space<hbm>>
        tpu.enqueue_dma source(%dma_start3A_174 : memref<128xi32, #tpu.memory_space<hbm>>) target(%arg11 : memref<128xi32, #tpu.memory_space<vmem>>) target_semaphore(%arg22 : memref<!tpu.dma_semaphore, #tpu.memory_space<semaphore_mem>>)
      } else {
      }
      %dma_wait3A_145 = arith.constant 0 : i32
      %dma_wait3A_146 = arith.constant 0 : i32
      %dma_wait3A_147 = tpu.memref_slice %arg17[%dma_wait3A_145, %dma_wait3A_146] : memref<10016x128xf32, #tpu.memory_space<vmem_shared>> -> memref<10016x128xf32, #tpu.memory_space<vmem_shared>>
      tpu.wait_indirect_dma semaphore(%arg21 : memref<!tpu.dma_semaphore, #tpu.memory_space<semaphore_mem>>) src(%arg15 : memref<128x128xf32, #tpu.memory_space<vmem>>) dst(%dma_wait3A_147 : memref<10016x128xf32, #tpu.memory_space<vmem_shared>>)
      %add3A_148 = arith.constant 5 : i32
      %add3A_149 = arith.addi %mul3A_57, %add3A_148 : i32
      %lt3A_150 = arith.constant 40 : i32
      %lt3A_151 = arith.cmpi slt, %add3A_149, %lt3A_150 : i32
      %convert_element_type3A_152 = arith.extui %lt3A_151 : i1 to i32
      %cond3A_153 = arith.constant 0 : i32
      %cond3A_154 = arith.cmpi ne, %convert_element_type3A_152, %cond3A_153 : i32
      scf.if %cond3A_154 {
        %add3A_163 = arith.constant 5 : i32
        %add3A_164 = arith.addi %mul3A_57, %add3A_163 : i32
        %mul3A_165 = arith.constant 128 : i32
        %mul3A_166 = arith.muli %add3A_164, %mul3A_165 : i32
        %add3A_167 = arith.addi %mul3A_10, %mul3A_166 : i32
        %dma_wait3A_168 = tpu.memref_slice %arg2[%add3A_167] : memref<163840xi32, #tpu.memory_space<hbm>> -> memref<128xi32, #tpu.memory_space<hbm>>
        %dma_wait3A_169 = tpu.memref_slice %arg2[%add3A_167] : memref<163840xi32, #tpu.memory_space<hbm>> -> memref<128xi32, #tpu.memory_space<hbm>>
        tpu.wait_dma2 semaphore(%arg23 : memref<!tpu.dma_semaphore, #tpu.memory_space<semaphore_mem>>) src(%dma_wait3A_169 : memref<128xi32, #tpu.memory_space<hbm>>) dst(%arg8 : memref<128xi32, #tpu.memory_space<vmem>>)
        %mul3A_170 = arith.constant 128 : i32
        %mul3A_171 = arith.muli %add3A_164, %mul3A_170 : i32
        %add3A_172 = arith.addi %mul3A_10, %mul3A_171 : i32
        %dma_wait3A_173 = tpu.memref_slice %arg3[%add3A_172] : memref<163840xi32, #tpu.memory_space<hbm>> -> memref<128xi32, #tpu.memory_space<hbm>>
        %dma_wait3A_174 = tpu.memref_slice %arg3[%add3A_172] : memref<163840xi32, #tpu.memory_space<hbm>> -> memref<128xi32, #tpu.memory_space<hbm>>
        tpu.wait_dma2 semaphore(%arg23 : memref<!tpu.dma_semaphore, #tpu.memory_space<semaphore_mem>>) src(%dma_wait3A_174 : memref<128xi32, #tpu.memory_space<hbm>>) dst(%arg9 : memref<128xi32, #tpu.memory_space<vmem>>)
        %dma_start3A_175 = arith.constant 0 : i32
        %dma_start3A_176 = arith.constant 0 : i32
        %dma_start3A_177 = tpu.memref_slice %arg4[%dma_start3A_175, %dma_start3A_176] : memref<10016x128xf32, #tpu.memory_space<hbm>> -> memref<10016x128xf32, #tpu.memory_space<hbm>>
        tpu.enqueue_indirect_dma source(%dma_start3A_177 : memref<10016x128xf32, #tpu.memory_space<hbm>>) target(%arg15 : memref<128x128xf32, #tpu.memory_space<vmem>>) offsets(%arg8 : memref<128xi32, #tpu.memory_space<vmem>>) semaphore(%arg19 : memref<!tpu.dma_semaphore, #tpu.memory_space<semaphore_mem>>)
      } else {
      }
      %add3A_155 = arith.constant 7 : i32
      %add3A_156 = arith.addi %mul3A_57, %add3A_155 : i32
      %lt3A_157 = arith.constant 40 : i32
      %lt3A_158 = arith.cmpi slt, %add3A_156, %lt3A_157 : i32
      %convert_element_type3A_159 = arith.extui %lt3A_158 : i1 to i32
      %cond3A_160 = arith.constant 0 : i32
      %cond3A_161 = arith.cmpi ne, %convert_element_type3A_159, %cond3A_160 : i32
      scf.if %cond3A_161 {
        %add3A_163 = arith.constant 7 : i32
        %add3A_164 = arith.addi %mul3A_57, %add3A_163 : i32
        %mul3A_165 = arith.constant 128 : i32
        %mul3A_166 = arith.muli %add3A_164, %mul3A_165 : i32
        %add3A_167 = arith.addi %mul3A_10, %mul3A_166 : i32
        %dma_start3A_168 = tpu.memref_slice %arg2[%add3A_167] : memref<163840xi32, #tpu.memory_space<hbm>> -> memref<128xi32, #tpu.memory_space<hbm>>
        %dma_start3A_169 = tpu.memref_slice %arg2[%add3A_167] : memref<163840xi32, #tpu.memory_space<hbm>> -> memref<128xi32, #tpu.memory_space<hbm>>
        tpu.enqueue_dma source(%dma_start3A_169 : memref<128xi32, #tpu.memory_space<hbm>>) target(%arg12 : memref<128xi32, #tpu.memory_space<vmem>>) target_semaphore(%arg23 : memref<!tpu.dma_semaphore, #tpu.memory_space<semaphore_mem>>)
        %mul3A_170 = arith.constant 128 : i32
        %mul3A_171 = arith.muli %add3A_164, %mul3A_170 : i32
        %add3A_172 = arith.addi %mul3A_10, %mul3A_171 : i32
        %dma_start3A_173 = tpu.memref_slice %arg3[%add3A_172] : memref<163840xi32, #tpu.memory_space<hbm>> -> memref<128xi32, #tpu.memory_space<hbm>>
        %dma_start3A_174 = tpu.memref_slice %arg3[%add3A_172] : memref<163840xi32, #tpu.memory_space<hbm>> -> memref<128xi32, #tpu.memory_space<hbm>>
        tpu.enqueue_dma source(%dma_start3A_174 : memref<128xi32, #tpu.memory_space<hbm>>) target(%arg13 : memref<128xi32, #tpu.memory_space<vmem>>) target_semaphore(%arg23 : memref<!tpu.dma_semaphore, #tpu.memory_space<semaphore_mem>>)
      } else {
      }
      %scan3A_162 = arith.constant 0 : i32
      scf.yield %scan3A_162 : i32
    }
    %scan3A_52 = arith.constant 10 : i32
    %barrier3A_53 = arith.constant 0 : index
    tpu.barrier barrier_id(%barrier3A_53)
    "tpu.region"() ({
      %run_scoped3A = tpu.sem_alloc : memref<!tpu.dma_semaphore, #tpu.memory_space<semaphore_mem>>
      %dma_start3A_54 = arith.constant 0 : i32
      %dma_start3A_55 = arith.constant 0 : i32
      %dma_start3A_56 = tpu.memref_slice %arg5[%arg0, %arg1, %dma_start3A_54, %dma_start3A_55] : memref<2x16x625x128xf32, #tpu.memory_space<hbm>> -> memref<1x1x625x128xf32, #tpu.memory_space<hbm>>
      %dma_start3A_57 = tpu.memref_squeeze %dma_start3A_56 : memref<1x1x625x128xf32, #tpu.memory_space<hbm>> -> memref<625x128xf32, #tpu.memory_space<hbm>>
      %dma_start3A_58 = arith.constant 0 : i32
      %dma_start3A_59 = tpu.memref_slice %arg17[%mul3A_6, %dma_start3A_58] : memref<10016x128xf32, #tpu.memory_space<vmem_shared>> -> memref<625x128xf32, #tpu.memory_space<vmem_shared>>
      tpu.enqueue_dma source(%dma_start3A_59 : memref<625x128xf32, #tpu.memory_space<vmem_shared>>) target(%dma_start3A_57 : memref<625x128xf32, #tpu.memory_space<hbm>>) target_semaphore(%run_scoped3A : memref<!tpu.dma_semaphore, #tpu.memory_space<semaphore_mem>>)
      %dma_wait3A = arith.constant 0 : i32
      %dma_wait3A_60 = arith.constant 0 : i32
      %dma_wait3A_61 = tpu.memref_slice %arg5[%arg0, %arg1, %dma_wait3A, %dma_wait3A_60] : memref<2x16x625x128xf32, #tpu.memory_space<hbm>> -> memref<1x1x625x128xf32, #tpu.memory_space<hbm>>
      %dma_wait3A_62 = tpu.memref_squeeze %dma_wait3A_61 : memref<1x1x625x128xf32, #tpu.memory_space<hbm>> -> memref<625x128xf32, #tpu.memory_space<hbm>>
      %dma_wait3A_63 = arith.constant 0 : i32
      %dma_wait3A_64 = tpu.memref_slice %arg17[%mul3A_6, %dma_wait3A_63] : memref<10016x128xf32, #tpu.memory_space<vmem_shared>> -> memref<625x128xf32, #tpu.memory_space<vmem_shared>>
      tpu.wait_dma2 semaphore(%run_scoped3A : memref<!tpu.dma_semaphore, #tpu.memory_space<semaphore_mem>>) src(%dma_wait3A_64 : memref<625x128xf32, #tpu.memory_space<vmem_shared>>) dst(%dma_wait3A_62 : memref<625x128xf32, #tpu.memory_space<hbm>>)
      tpu.yield
    }) : () -> ()
    return
  }
}

#map = affine_map<(d0, d1) -> (0)>
#map1 = affine_map<(d0, d1) -> (0, 0)>
#map2 = affine_map<(d0, d1) -> (0, 0, 0)>
module attributes {stable_mosaic.version = 14 : i64} {
  func.func @k(%arg0: i32, %arg1: i32, %arg2: memref<163840xi32, #tpu.memory_space<hbm>>, %arg3: memref<163840xi32, #tpu.memory_space<hbm>>, %arg4: memref<10016x128xf32, #tpu.memory_space<hbm>>, %arg5: memref<10016x128xf32, #tpu.memory_space<hbm>>, %arg6: memref<16x625x128xf32, #tpu.memory_space<hbm>>, %arg7: memref<16x625x128xf32, #tpu.memory_space<hbm>>, %arg8: memref<128xi32, #tpu.memory_space<vmem>>, %arg9: memref<128xi32, #tpu.memory_space<vmem>>, %arg10: memref<128xi32, #tpu.memory_space<vmem>>, %arg11: memref<128xi32, #tpu.memory_space<vmem>>, %arg12: memref<128xi32, #tpu.memory_space<vmem>>, %arg13: memref<128xi32, #tpu.memory_space<vmem>>, %arg14: memref<128xi32, #tpu.memory_space<vmem>>, %arg15: memref<128xi32, #tpu.memory_space<vmem>>, %arg16: memref<128x128xf32, #tpu.memory_space<vmem>>, %arg17: memref<128x128xf32, #tpu.memory_space<vmem>>, %arg18: memref<125x128xf32, #tpu.memory_space<vmem>>, %arg19: memref<10016x128xf32, #tpu.memory_space<vmem_shared>>, %arg20: memref<!tpu.dma_semaphore, #tpu.memory_space<semaphore_mem>>, %arg21: memref<!tpu.dma_semaphore, #tpu.memory_space<semaphore_mem>>, %arg22: memref<!tpu.dma_semaphore, #tpu.memory_space<semaphore_mem>>, %arg23: memref<!tpu.dma_semaphore, #tpu.memory_space<semaphore_mem>>, %arg24: memref<!tpu.dma_semaphore, #tpu.memory_space<semaphore_mem>>, %arg25: memref<!tpu.dma_semaphore, #tpu.memory_space<semaphore_mem>>) attributes {dimension_semantics = [#tpu.dimension_semantics<core_parallel>, #tpu.dimension_semantics<subcore_parallel>], iteration_bounds = array<i64: 2, 16>, scalar_prefetch = 0 : i64, scratch_operands = 18 : i64, tpu.core_type = #tpu.core_type<sc_vector_subcore>, window_params = [{transform_indices = #map}, {transform_indices = #map}, {transform_indices = #map1}, {transform_indices = #map1}, {transform_indices = #map2}, {transform_indices = #map2}]} {
    %scan3A = arith.constant 0 : i32
    %scan3A_0 = arith.constant 0 : i32
    %scan3A_1 = arith.constant 125 : i32
    %scan3A_2 = arith.addi %scan3A_0, %scan3A_1 : i32
    %scan3A_3 = arith.constant 1 : i32
    %scan3A_4 = scf.for %scan3A_36 = %scan3A_0 to %scan3A_2 step %scan3A_3 iter_args(%scan3A_37 = %scan3A) -> (i32)  : i32 {
      %broadcast_in_dim3A = arith.constant 0.000000e+00 : f32
      %broadcast_in_dim3A_38 = vector.broadcast %broadcast_in_dim3A : f32 to vector<16xf32>
      %swap3A = arith.index_cast %scan3A_36 : i32 to index
      %swap3A_39 = arith.constant 0 : index
      %swap3A_40 = tpu.vector_load %arg18[%swap3A, %swap3A_39] {strides = array<i32>} : memref<125x128xf32, #tpu.memory_space<vmem>>, vector<1x16xf32>,
      %swap3A_41 = vector.shape_cast %swap3A_40 : vector<1x16xf32> to vector<16xf32>
      %swap3A_42 = vector.shape_cast %broadcast_in_dim3A_38 : vector<16xf32> to vector<1x16xf32>
      tpu.vector_store %arg18[%swap3A, %swap3A_39], %swap3A_42 {strides = array<i32>} : memref<125x128xf32, #tpu.memory_space<vmem>>, vector<1x16xf32>,
      %broadcast_in_dim3A_43 = arith.constant 0.000000e+00 : f32
      %broadcast_in_dim3A_44 = vector.broadcast %broadcast_in_dim3A_43 : f32 to vector<16xf32>
      %swap3A_45 = arith.index_cast %scan3A_36 : i32 to index
      %swap3A_46 = arith.constant 16 : index
      %swap3A_47 = tpu.vector_load %arg18[%swap3A_45, %swap3A_46] {strides = array<i32>} : memref<125x128xf32, #tpu.memory_space<vmem>>, vector<1x16xf32>,
      %swap3A_48 = vector.shape_cast %swap3A_47 : vector<1x16xf32> to vector<16xf32>
      %swap3A_49 = vector.shape_cast %broadcast_in_dim3A_44 : vector<16xf32> to vector<1x16xf32>
      tpu.vector_store %arg18[%swap3A_45, %swap3A_46], %swap3A_49 {strides = array<i32>} : memref<125x128xf32, #tpu.memory_space<vmem>>, vector<1x16xf32>,
      %broadcast_in_dim3A_50 = arith.constant 0.000000e+00 : f32
      %broadcast_in_dim3A_51 = vector.broadcast %broadcast_in_dim3A_50 : f32 to vector<16xf32>
      %swap3A_52 = arith.index_cast %scan3A_36 : i32 to index
      %swap3A_53 = arith.constant 32 : index
      %swap3A_54 = tpu.vector_load %arg18[%swap3A_52, %swap3A_53] {strides = array<i32>} : memref<125x128xf32, #tpu.memory_space<vmem>>, vector<1x16xf32>,
      %swap3A_55 = vector.shape_cast %swap3A_54 : vector<1x16xf32> to vector<16xf32>
      %swap3A_56 = vector.shape_cast %broadcast_in_dim3A_51 : vector<16xf32> to vector<1x16xf32>
      tpu.vector_store %arg18[%swap3A_52, %swap3A_53], %swap3A_56 {strides = array<i32>} : memref<125x128xf32, #tpu.memory_space<vmem>>, vector<1x16xf32>,
      %broadcast_in_dim3A_57 = arith.constant 0.000000e+00 : f32
      %broadcast_in_dim3A_58 = vector.broadcast %broadcast_in_dim3A_57 : f32 to vector<16xf32>
      %swap3A_59 = arith.index_cast %scan3A_36 : i32 to index
      %swap3A_60 = arith.constant 48 : index
      %swap3A_61 = tpu.vector_load %arg18[%swap3A_59, %swap3A_60] {strides = array<i32>} : memref<125x128xf32, #tpu.memory_space<vmem>>, vector<1x16xf32>,
      %swap3A_62 = vector.shape_cast %swap3A_61 : vector<1x16xf32> to vector<16xf32>
      %swap3A_63 = vector.shape_cast %broadcast_in_dim3A_58 : vector<16xf32> to vector<1x16xf32>
      tpu.vector_store %arg18[%swap3A_59, %swap3A_60], %swap3A_63 {strides = array<i32>} : memref<125x128xf32, #tpu.memory_space<vmem>>, vector<1x16xf32>,
      %broadcast_in_dim3A_64 = arith.constant 0.000000e+00 : f32
      %broadcast_in_dim3A_65 = vector.broadcast %broadcast_in_dim3A_64 : f32 to vector<16xf32>
      %swap3A_66 = arith.index_cast %scan3A_36 : i32 to index
      %swap3A_67 = arith.constant 64 : index
      %swap3A_68 = tpu.vector_load %arg18[%swap3A_66, %swap3A_67] {strides = array<i32>} : memref<125x128xf32, #tpu.memory_space<vmem>>, vector<1x16xf32>,
      %swap3A_69 = vector.shape_cast %swap3A_68 : vector<1x16xf32> to vector<16xf32>
      %swap3A_70 = vector.shape_cast %broadcast_in_dim3A_65 : vector<16xf32> to vector<1x16xf32>
      tpu.vector_store %arg18[%swap3A_66, %swap3A_67], %swap3A_70 {strides = array<i32>} : memref<125x128xf32, #tpu.memory_space<vmem>>, vector<1x16xf32>,
      %broadcast_in_dim3A_71 = arith.constant 0.000000e+00 : f32
      %broadcast_in_dim3A_72 = vector.broadcast %broadcast_in_dim3A_71 : f32 to vector<16xf32>
      %swap3A_73 = arith.index_cast %scan3A_36 : i32 to index
      %swap3A_74 = arith.constant 80 : index
      %swap3A_75 = tpu.vector_load %arg18[%swap3A_73, %swap3A_74] {strides = array<i32>} : memref<125x128xf32, #tpu.memory_space<vmem>>, vector<1x16xf32>,
      %swap3A_76 = vector.shape_cast %swap3A_75 : vector<1x16xf32> to vector<16xf32>
      %swap3A_77 = vector.shape_cast %broadcast_in_dim3A_72 : vector<16xf32> to vector<1x16xf32>
      tpu.vector_store %arg18[%swap3A_73, %swap3A_74], %swap3A_77 {strides = array<i32>} : memref<125x128xf32, #tpu.memory_space<vmem>>, vector<1x16xf32>,
      %broadcast_in_dim3A_78 = arith.constant 0.000000e+00 : f32
      %broadcast_in_dim3A_79 = vector.broadcast %broadcast_in_dim3A_78 : f32 to vector<16xf32>
      %swap3A_80 = arith.index_cast %scan3A_36 : i32 to index
      %swap3A_81 = arith.constant 96 : index
      %swap3A_82 = tpu.vector_load %arg18[%swap3A_80, %swap3A_81] {strides = array<i32>} : memref<125x128xf32, #tpu.memory_space<vmem>>, vector<1x16xf32>,
      %swap3A_83 = vector.shape_cast %swap3A_82 : vector<1x16xf32> to vector<16xf32>
      %swap3A_84 = vector.shape_cast %broadcast_in_dim3A_79 : vector<16xf32> to vector<1x16xf32>
      tpu.vector_store %arg18[%swap3A_80, %swap3A_81], %swap3A_84 {strides = array<i32>} : memref<125x128xf32, #tpu.memory_space<vmem>>, vector<1x16xf32>,
      %broadcast_in_dim3A_85 = arith.constant 0.000000e+00 : f32
      %broadcast_in_dim3A_86 = vector.broadcast %broadcast_in_dim3A_85 : f32 to vector<16xf32>
      %swap3A_87 = arith.index_cast %scan3A_36 : i32 to index
      %swap3A_88 = arith.constant 112 : index
      %swap3A_89 = tpu.vector_load %arg18[%swap3A_87, %swap3A_88] {strides = array<i32>} : memref<125x128xf32, #tpu.memory_space<vmem>>, vector<1x16xf32>,
      %swap3A_90 = vector.shape_cast %swap3A_89 : vector<1x16xf32> to vector<16xf32>
      %swap3A_91 = vector.shape_cast %broadcast_in_dim3A_86 : vector<16xf32> to vector<1x16xf32>
      tpu.vector_store %arg18[%swap3A_87, %swap3A_88], %swap3A_91 {strides = array<i32>} : memref<125x128xf32, #tpu.memory_space<vmem>>, vector<1x16xf32>,
      %scan3A_92 = arith.constant 0 : i32
      scf.yield %scan3A_92 : i32
    }
    %scan3A_5 = arith.constant 125 : i32
    %mul3A = arith.constant 625 : i32
    %mul3A_6 = arith.muli %arg1, %mul3A : i32
    %mul3A_7 = arith.constant 10240 : i32
    %mul3A_8 = arith.muli %arg1, %mul3A_7 : i32
    %add3A = arith.constant 0 : i32
    %add3A_9 = arith.addi %mul3A_6, %add3A : i32
    "tpu.region"() ({
      %run_scoped3A = tpu.sem_alloc : memref<!tpu.dma_semaphore, #tpu.memory_space<semaphore_mem>>
      %dma_start3A = arith.constant 0 : i32
      %dma_start3A_36 = tpu.memref_slice %arg19[%add3A_9, %dma_start3A] : memref<10016x128xf32, #tpu.memory_space<vmem_shared>> -> memref<125x128xf32, #tpu.memory_space<vmem_shared>>
      %dma_start3A_37 = arith.constant 0 : i32
      %dma_start3A_38 = tpu.memref_slice %arg19[%add3A_9, %dma_start3A_37] : memref<10016x128xf32, #tpu.memory_space<vmem_shared>> -> memref<125x128xf32, #tpu.memory_space<vmem_shared>>
      tpu.enqueue_dma source(%arg18 : memref<125x128xf32, #tpu.memory_space<vmem>>) target(%dma_start3A_38 : memref<125x128xf32, #tpu.memory_space<vmem_shared>>) target_semaphore(%run_scoped3A : memref<!tpu.dma_semaphore, #tpu.memory_space<semaphore_mem>>)
      %dma_wait3A = arith.constant 0 : i32
      %dma_wait3A_39 = tpu.memref_slice %arg19[%add3A_9, %dma_wait3A] : memref<10016x128xf32, #tpu.memory_space<vmem_shared>> -> memref<125x128xf32, #tpu.memory_space<vmem_shared>>
      %dma_wait3A_40 = arith.constant 0 : i32
      %dma_wait3A_41 = tpu.memref_slice %arg19[%add3A_9, %dma_wait3A_40] : memref<10016x128xf32, #tpu.memory_space<vmem_shared>> -> memref<125x128xf32, #tpu.memory_space<vmem_shared>>
      tpu.wait_dma2 semaphore(%run_scoped3A : memref<!tpu.dma_semaphore, #tpu.memory_space<semaphore_mem>>) src(%arg18 : memref<125x128xf32, #tpu.memory_space<vmem>>) dst(%dma_wait3A_41 : memref<125x128xf32, #tpu.memory_space<vmem_shared>>)
      tpu.yield
    }) : () -> ()
    %add3A_10 = arith.constant 125 : i32
    %add3A_11 = arith.addi %mul3A_6, %add3A_10 : i32
    "tpu.region"() ({
      %run_scoped3A = tpu.sem_alloc : memref<!tpu.dma_semaphore, #tpu.memory_space<semaphore_mem>>
      %dma_start3A = arith.constant 0 : i32
      %dma_start3A_36 = tpu.memref_slice %arg19[%add3A_11, %dma_start3A] : memref<10016x128xf32, #tpu.memory_space<vmem_shared>> -> memref<125x128xf32, #tpu.memory_space<vmem_shared>>
      %dma_start3A_37 = arith.constant 0 : i32
      %dma_start3A_38 = tpu.memref_slice %arg19[%add3A_11, %dma_start3A_37] : memref<10016x128xf32, #tpu.memory_space<vmem_shared>> -> memref<125x128xf32, #tpu.memory_space<vmem_shared>>
      tpu.enqueue_dma source(%arg18 : memref<125x128xf32, #tpu.memory_space<vmem>>) target(%dma_start3A_38 : memref<125x128xf32, #tpu.memory_space<vmem_shared>>) target_semaphore(%run_scoped3A : memref<!tpu.dma_semaphore, #tpu.memory_space<semaphore_mem>>)
      %dma_wait3A = arith.constant 0 : i32
      %dma_wait3A_39 = tpu.memref_slice %arg19[%add3A_11, %dma_wait3A] : memref<10016x128xf32, #tpu.memory_space<vmem_shared>> -> memref<125x128xf32, #tpu.memory_space<vmem_shared>>
      %dma_wait3A_40 = arith.constant 0 : i32
      %dma_wait3A_41 = tpu.memref_slice %arg19[%add3A_11, %dma_wait3A_40] : memref<10016x128xf32, #tpu.memory_space<vmem_shared>> -> memref<125x128xf32, #tpu.memory_space<vmem_shared>>
      tpu.wait_dma2 semaphore(%run_scoped3A : memref<!tpu.dma_semaphore, #tpu.memory_space<semaphore_mem>>) src(%arg18 : memref<125x128xf32, #tpu.memory_space<vmem>>) dst(%dma_wait3A_41 : memref<125x128xf32, #tpu.memory_space<vmem_shared>>)
      tpu.yield
    }) : () -> ()
    %add3A_12 = arith.constant 250 : i32
    %add3A_13 = arith.addi %mul3A_6, %add3A_12 : i32
    "tpu.region"() ({
      %run_scoped3A = tpu.sem_alloc : memref<!tpu.dma_semaphore, #tpu.memory_space<semaphore_mem>>
      %dma_start3A = arith.constant 0 : i32
      %dma_start3A_36 = tpu.memref_slice %arg19[%add3A_13, %dma_start3A] : memref<10016x128xf32, #tpu.memory_space<vmem_shared>> -> memref<125x128xf32, #tpu.memory_space<vmem_shared>>
      %dma_start3A_37 = arith.constant 0 : i32
      %dma_start3A_38 = tpu.memref_slice %arg19[%add3A_13, %dma_start3A_37] : memref<10016x128xf32, #tpu.memory_space<vmem_shared>> -> memref<125x128xf32, #tpu.memory_space<vmem_shared>>
      tpu.enqueue_dma source(%arg18 : memref<125x128xf32, #tpu.memory_space<vmem>>) target(%dma_start3A_38 : memref<125x128xf32, #tpu.memory_space<vmem_shared>>) target_semaphore(%run_scoped3A : memref<!tpu.dma_semaphore, #tpu.memory_space<semaphore_mem>>)
      %dma_wait3A = arith.constant 0 : i32
      %dma_wait3A_39 = tpu.memref_slice %arg19[%add3A_13, %dma_wait3A] : memref<10016x128xf32, #tpu.memory_space<vmem_shared>> -> memref<125x128xf32, #tpu.memory_space<vmem_shared>>
      %dma_wait3A_40 = arith.constant 0 : i32
      %dma_wait3A_41 = tpu.memref_slice %arg19[%add3A_13, %dma_wait3A_40] : memref<10016x128xf32, #tpu.memory_space<vmem_shared>> -> memref<125x128xf32, #tpu.memory_space<vmem_shared>>
      tpu.wait_dma2 semaphore(%run_scoped3A : memref<!tpu.dma_semaphore, #tpu.memory_space<semaphore_mem>>) src(%arg18 : memref<125x128xf32, #tpu.memory_space<vmem>>) dst(%dma_wait3A_41 : memref<125x128xf32, #tpu.memory_space<vmem_shared>>)
      tpu.yield
    }) : () -> ()
    %add3A_14 = arith.constant 375 : i32
    %add3A_15 = arith.addi %mul3A_6, %add3A_14 : i32
    "tpu.region"() ({
      %run_scoped3A = tpu.sem_alloc : memref<!tpu.dma_semaphore, #tpu.memory_space<semaphore_mem>>
      %dma_start3A = arith.constant 0 : i32
      %dma_start3A_36 = tpu.memref_slice %arg19[%add3A_15, %dma_start3A] : memref<10016x128xf32, #tpu.memory_space<vmem_shared>> -> memref<125x128xf32, #tpu.memory_space<vmem_shared>>
      %dma_start3A_37 = arith.constant 0 : i32
      %dma_start3A_38 = tpu.memref_slice %arg19[%add3A_15, %dma_start3A_37] : memref<10016x128xf32, #tpu.memory_space<vmem_shared>> -> memref<125x128xf32, #tpu.memory_space<vmem_shared>>
      tpu.enqueue_dma source(%arg18 : memref<125x128xf32, #tpu.memory_space<vmem>>) target(%dma_start3A_38 : memref<125x128xf32, #tpu.memory_space<vmem_shared>>) target_semaphore(%run_scoped3A : memref<!tpu.dma_semaphore, #tpu.memory_space<semaphore_mem>>)
      %dma_wait3A = arith.constant 0 : i32
      %dma_wait3A_39 = tpu.memref_slice %arg19[%add3A_15, %dma_wait3A] : memref<10016x128xf32, #tpu.memory_space<vmem_shared>> -> memref<125x128xf32, #tpu.memory_space<vmem_shared>>
      %dma_wait3A_40 = arith.constant 0 : i32
      %dma_wait3A_41 = tpu.memref_slice %arg19[%add3A_15, %dma_wait3A_40] : memref<10016x128xf32, #tpu.memory_space<vmem_shared>> -> memref<125x128xf32, #tpu.memory_space<vmem_shared>>
      tpu.wait_dma2 semaphore(%run_scoped3A : memref<!tpu.dma_semaphore, #tpu.memory_space<semaphore_mem>>) src(%arg18 : memref<125x128xf32, #tpu.memory_space<vmem>>) dst(%dma_wait3A_41 : memref<125x128xf32, #tpu.memory_space<vmem_shared>>)
      tpu.yield
    }) : () -> ()
    %add3A_16 = arith.constant 500 : i32
    %add3A_17 = arith.addi %mul3A_6, %add3A_16 : i32
    "tpu.region"() ({
      %run_scoped3A = tpu.sem_alloc : memref<!tpu.dma_semaphore, #tpu.memory_space<semaphore_mem>>
      %dma_start3A = arith.constant 0 : i32
      %dma_start3A_36 = tpu.memref_slice %arg19[%add3A_17, %dma_start3A] : memref<10016x128xf32, #tpu.memory_space<vmem_shared>> -> memref<125x128xf32, #tpu.memory_space<vmem_shared>>
      %dma_start3A_37 = arith.constant 0 : i32
      %dma_start3A_38 = tpu.memref_slice %arg19[%add3A_17, %dma_start3A_37] : memref<10016x128xf32, #tpu.memory_space<vmem_shared>> -> memref<125x128xf32, #tpu.memory_space<vmem_shared>>
      tpu.enqueue_dma source(%arg18 : memref<125x128xf32, #tpu.memory_space<vmem>>) target(%dma_start3A_38 : memref<125x128xf32, #tpu.memory_space<vmem_shared>>) target_semaphore(%run_scoped3A : memref<!tpu.dma_semaphore, #tpu.memory_space<semaphore_mem>>)
      %dma_wait3A = arith.constant 0 : i32
      %dma_wait3A_39 = tpu.memref_slice %arg19[%add3A_17, %dma_wait3A] : memref<10016x128xf32, #tpu.memory_space<vmem_shared>> -> memref<125x128xf32, #tpu.memory_space<vmem_shared>>
      %dma_wait3A_40 = arith.constant 0 : i32
      %dma_wait3A_41 = tpu.memref_slice %arg19[%add3A_17, %dma_wait3A_40] : memref<10016x128xf32, #tpu.memory_space<vmem_shared>> -> memref<125x128xf32, #tpu.memory_space<vmem_shared>>
      tpu.wait_dma2 semaphore(%run_scoped3A : memref<!tpu.dma_semaphore, #tpu.memory_space<semaphore_mem>>) src(%arg18 : memref<125x128xf32, #tpu.memory_space<vmem>>) dst(%dma_wait3A_41 : memref<125x128xf32, #tpu.memory_space<vmem_shared>>)
      tpu.yield
    }) : () -> ()
    %barrier3A = arith.constant 0 : index
    tpu.barrier barrier_id(%barrier3A)
    %eq3A = arith.constant 0 : i32
    %eq3A_18 = arith.cmpi eq, %arg0, %eq3A : i32
    %convert_element_type3A = arith.extui %eq3A_18 : i1 to i32
    %cond3A = arith.constant 0 : i32
    %cond3A_19 = arith.cmpi ne, %convert_element_type3A, %cond3A : i32
    scf.if %cond3A_19 {
      "tpu.region"() ({
        %run_scoped3A = tpu.sem_alloc : memref<!tpu.dma_semaphore, #tpu.memory_space<semaphore_mem>>
        %dma_start3A_68 = tpu.memref_slice %arg2[%mul3A_8] : memref<163840xi32, #tpu.memory_space<hbm>> -> memref<128xi32, #tpu.memory_space<hbm>>
        %dma_start3A_69 = tpu.memref_slice %arg2[%mul3A_8] : memref<163840xi32, #tpu.memory_space<hbm>> -> memref<128xi32, #tpu.memory_space<hbm>>
        tpu.enqueue_dma source(%dma_start3A_69 : memref<128xi32, #tpu.memory_space<hbm>>) target(%arg8 : memref<128xi32, #tpu.memory_space<vmem>>) target_semaphore(%run_scoped3A : memref<!tpu.dma_semaphore, #tpu.memory_space<semaphore_mem>>)
        %dma_wait3A = tpu.memref_slice %arg2[%mul3A_8] : memref<163840xi32, #tpu.memory_space<hbm>> -> memref<128xi32, #tpu.memory_space<hbm>>
        %dma_wait3A_70 = tpu.memref_slice %arg2[%mul3A_8] : memref<163840xi32, #tpu.memory_space<hbm>> -> memref<128xi32, #tpu.memory_space<hbm>>
        tpu.wait_dma2 semaphore(%run_scoped3A : memref<!tpu.dma_semaphore, #tpu.memory_space<semaphore_mem>>) src(%dma_wait3A_70 : memref<128xi32, #tpu.memory_space<hbm>>) dst(%arg8 : memref<128xi32, #tpu.memory_space<vmem>>)
        tpu.yield
      }) : () -> ()
      "tpu.region"() ({
        %run_scoped3A = tpu.sem_alloc : memref<!tpu.dma_semaphore, #tpu.memory_space<semaphore_mem>>
        %dma_start3A_68 = tpu.memref_slice %arg3[%mul3A_8] : memref<163840xi32, #tpu.memory_space<hbm>> -> memref<128xi32, #tpu.memory_space<hbm>>
        %dma_start3A_69 = tpu.memref_slice %arg3[%mul3A_8] : memref<163840xi32, #tpu.memory_space<hbm>> -> memref<128xi32, #tpu.memory_space<hbm>>
        tpu.enqueue_dma source(%dma_start3A_69 : memref<128xi32, #tpu.memory_space<hbm>>) target(%arg9 : memref<128xi32, #tpu.memory_space<vmem>>) target_semaphore(%run_scoped3A : memref<!tpu.dma_semaphore, #tpu.memory_space<semaphore_mem>>)
        %dma_wait3A = tpu.memref_slice %arg3[%mul3A_8] : memref<163840xi32, #tpu.memory_space<hbm>> -> memref<128xi32, #tpu.memory_space<hbm>>
        %dma_wait3A_70 = tpu.memref_slice %arg3[%mul3A_8] : memref<163840xi32, #tpu.memory_space<hbm>> -> memref<128xi32, #tpu.memory_space<hbm>>
        tpu.wait_dma2 semaphore(%run_scoped3A : memref<!tpu.dma_semaphore, #tpu.memory_space<semaphore_mem>>) src(%dma_wait3A_70 : memref<128xi32, #tpu.memory_space<hbm>>) dst(%arg9 : memref<128xi32, #tpu.memory_space<vmem>>)
        tpu.yield
      }) : () -> ()
      %add3A_36 = arith.constant 128 : i32
      %add3A_37 = arith.addi %mul3A_8, %add3A_36 : i32
      "tpu.region"() ({
        %run_scoped3A = tpu.sem_alloc : memref<!tpu.dma_semaphore, #tpu.memory_space<semaphore_mem>>
        %dma_start3A_68 = tpu.memref_slice %arg2[%add3A_37] : memref<163840xi32, #tpu.memory_space<hbm>> -> memref<128xi32, #tpu.memory_space<hbm>>
        %dma_start3A_69 = tpu.memref_slice %arg2[%add3A_37] : memref<163840xi32, #tpu.memory_space<hbm>> -> memref<128xi32, #tpu.memory_space<hbm>>
        tpu.enqueue_dma source(%dma_start3A_69 : memref<128xi32, #tpu.memory_space<hbm>>) target(%arg10 : memref<128xi32, #tpu.memory_space<vmem>>) target_semaphore(%run_scoped3A : memref<!tpu.dma_semaphore, #tpu.memory_space<semaphore_mem>>)
        %dma_wait3A = tpu.memref_slice %arg2[%add3A_37] : memref<163840xi32, #tpu.memory_space<hbm>> -> memref<128xi32, #tpu.memory_space<hbm>>
        %dma_wait3A_70 = tpu.memref_slice %arg2[%add3A_37] : memref<163840xi32, #tpu.memory_space<hbm>> -> memref<128xi32, #tpu.memory_space<hbm>>
        tpu.wait_dma2 semaphore(%run_scoped3A : memref<!tpu.dma_semaphore, #tpu.memory_space<semaphore_mem>>) src(%dma_wait3A_70 : memref<128xi32, #tpu.memory_space<hbm>>) dst(%arg10 : memref<128xi32, #tpu.memory_space<vmem>>)
        tpu.yield
      }) : () -> ()
      %add3A_38 = arith.constant 128 : i32
      %add3A_39 = arith.addi %mul3A_8, %add3A_38 : i32
      "tpu.region"() ({
        %run_scoped3A = tpu.sem_alloc : memref<!tpu.dma_semaphore, #tpu.memory_space<semaphore_mem>>
        %dma_start3A_68 = tpu.memref_slice %arg3[%add3A_39] : memref<163840xi32, #tpu.memory_space<hbm>> -> memref<128xi32, #tpu.memory_space<hbm>>
        %dma_start3A_69 = tpu.memref_slice %arg3[%add3A_39] : memref<163840xi32, #tpu.memory_space<hbm>> -> memref<128xi32, #tpu.memory_space<hbm>>
        tpu.enqueue_dma source(%dma_start3A_69 : memref<128xi32, #tpu.memory_space<hbm>>) target(%arg11 : memref<128xi32, #tpu.memory_space<vmem>>) target_semaphore(%run_scoped3A : memref<!tpu.dma_semaphore, #tpu.memory_space<semaphore_mem>>)
        %dma_wait3A = tpu.memref_slice %arg3[%add3A_39] : memref<163840xi32, #tpu.memory_space<hbm>> -> memref<128xi32, #tpu.memory_space<hbm>>
        %dma_wait3A_70 = tpu.memref_slice %arg3[%add3A_39] : memref<163840xi32, #tpu.memory_space<hbm>> -> memref<128xi32, #tpu.memory_space<hbm>>
        tpu.wait_dma2 semaphore(%run_scoped3A : memref<!tpu.dma_semaphore, #tpu.memory_space<semaphore_mem>>) src(%dma_wait3A_70 : memref<128xi32, #tpu.memory_space<hbm>>) dst(%arg11 : memref<128xi32, #tpu.memory_space<vmem>>)
        tpu.yield
      }) : () -> ()
      %dma_start3A = arith.constant 0 : i32
      %dma_start3A_40 = arith.constant 0 : i32
      %dma_start3A_41 = tpu.memref_slice %arg4[%dma_start3A, %dma_start3A_40] : memref<10016x128xf32, #tpu.memory_space<hbm>> -> memref<10016x128xf32, #tpu.memory_space<hbm>>
      tpu.enqueue_indirect_dma source(%dma_start3A_41 : memref<10016x128xf32, #tpu.memory_space<hbm>>) target(%arg16 : memref<128x128xf32, #tpu.memory_space<vmem>>) offsets(%arg8 : memref<128xi32, #tpu.memory_space<vmem>>) semaphore(%arg20 : memref<!tpu.dma_semaphore, #tpu.memory_space<semaphore_mem>>)
      %dma_start3A_42 = arith.constant 0 : i32
      %dma_start3A_43 = arith.constant 0 : i32
      %dma_start3A_44 = tpu.memref_slice %arg4[%dma_start3A_42, %dma_start3A_43] : memref<10016x128xf32, #tpu.memory_space<hbm>> -> memref<10016x128xf32, #tpu.memory_space<hbm>>
      tpu.enqueue_indirect_dma source(%dma_start3A_44 : memref<10016x128xf32, #tpu.memory_space<hbm>>) target(%arg17 : memref<128x128xf32, #tpu.memory_space<vmem>>) offsets(%arg10 : memref<128xi32, #tpu.memory_space<vmem>>) semaphore(%arg21 : memref<!tpu.dma_semaphore, #tpu.memory_space<semaphore_mem>>)
      %add3A_45 = arith.constant 256 : i32
      %add3A_46 = arith.addi %mul3A_8, %add3A_45 : i32
      %dma_start3A_47 = tpu.memref_slice %arg2[%add3A_46] : memref<163840xi32, #tpu.memory_space<hbm>> -> memref<128xi32, #tpu.memory_space<hbm>>
      %dma_start3A_48 = tpu.memref_slice %arg2[%add3A_46] : memref<163840xi32, #tpu.memory_space<hbm>> -> memref<128xi32, #tpu.memory_space<hbm>>
      tpu.enqueue_dma source(%dma_start3A_48 : memref<128xi32, #tpu.memory_space<hbm>>) target(%arg12 : memref<128xi32, #tpu.memory_space<vmem>>) target_semaphore(%arg24 : memref<!tpu.dma_semaphore, #tpu.memory_space<semaphore_mem>>)
      %add3A_49 = arith.constant 256 : i32
      %add3A_50 = arith.addi %mul3A_8, %add3A_49 : i32
      %dma_start3A_51 = tpu.memref_slice %arg3[%add3A_50] : memref<163840xi32, #tpu.memory_space<hbm>> -> memref<128xi32, #tpu.memory_space<hbm>>
      %dma_start3A_52 = tpu.memref_slice %arg3[%add3A_50] : memref<163840xi32, #tpu.memory_space<hbm>> -> memref<128xi32, #tpu.memory_space<hbm>>
      tpu.enqueue_dma source(%dma_start3A_52 : memref<128xi32, #tpu.memory_space<hbm>>) target(%arg13 : memref<128xi32, #tpu.memory_space<vmem>>) target_semaphore(%arg24 : memref<!tpu.dma_semaphore, #tpu.memory_space<semaphore_mem>>)
      %add3A_53 = arith.constant 384 : i32
      %add3A_54 = arith.addi %mul3A_8, %add3A_53 : i32
      %dma_start3A_55 = tpu.memref_slice %arg2[%add3A_54] : memref<163840xi32, #tpu.memory_space<hbm>> -> memref<128xi32, #tpu.memory_space<hbm>>
      %dma_start3A_56 = tpu.memref_slice %arg2[%add3A_54] : memref<163840xi32, #tpu.memory_space<hbm>> -> memref<128xi32, #tpu.memory_space<hbm>>
      tpu.enqueue_dma source(%dma_start3A_56 : memref<128xi32, #tpu.memory_space<hbm>>) target(%arg14 : memref<128xi32, #tpu.memory_space<vmem>>) target_semaphore(%arg25 : memref<!tpu.dma_semaphore, #tpu.memory_space<semaphore_mem>>)
      %add3A_57 = arith.constant 384 : i32
      %add3A_58 = arith.addi %mul3A_8, %add3A_57 : i32
      %dma_start3A_59 = tpu.memref_slice %arg3[%add3A_58] : memref<163840xi32, #tpu.memory_space<hbm>> -> memref<128xi32, #tpu.memory_space<hbm>>
      %dma_start3A_60 = tpu.memref_slice %arg3[%add3A_58] : memref<163840xi32, #tpu.memory_space<hbm>> -> memref<128xi32, #tpu.memory_space<hbm>>
      tpu.enqueue_dma source(%dma_start3A_60 : memref<128xi32, #tpu.memory_space<hbm>>) target(%arg15 : memref<128xi32, #tpu.memory_space<vmem>>) target_semaphore(%arg25 : memref<!tpu.dma_semaphore, #tpu.memory_space<semaphore_mem>>)
      %scan3A_61 = arith.constant 0 : i32
      %scan3A_62 = arith.constant 0 : i32
      %scan3A_63 = arith.constant 20 : i32
      %scan3A_64 = arith.addi %scan3A_62, %scan3A_63 : i32
      %scan3A_65 = arith.constant 1 : i32
      %scan3A_66 = scf.for %scan3A_68 = %scan3A_62 to %scan3A_64 step %scan3A_65 iter_args(%scan3A_69 = %scan3A_61) -> (i32)  : i32 {
        %mul3A_70 = arith.constant 4 : i32
        %mul3A_71 = arith.muli %mul3A_70, %scan3A_68 : i32
        %dma_wait3A = arith.constant 0 : i32
        %dma_wait3A_72 = arith.constant 0 : i32
        %dma_wait3A_73 = tpu.memref_slice %arg4[%dma_wait3A, %dma_wait3A_72] : memref<10016x128xf32, #tpu.memory_space<hbm>> -> memref<10016x128xf32, #tpu.memory_space<hbm>>
        tpu.wait_indirect_dma semaphore(%arg20 : memref<!tpu.dma_semaphore, #tpu.memory_space<semaphore_mem>>) src(%dma_wait3A_73 : memref<10016x128xf32, #tpu.memory_space<hbm>>) dst(%arg16 : memref<128x128xf32, #tpu.memory_space<vmem>>)
        %dma_start3A_74 = arith.constant 0 : i32
        %dma_start3A_75 = arith.constant 0 : i32
        %dma_start3A_76 = tpu.memref_slice %arg19[%dma_start3A_74, %dma_start3A_75] : memref<10016x128xf32, #tpu.memory_space<vmem_shared>> -> memref<10016x128xf32, #tpu.memory_space<vmem_shared>>
        tpu.enqueue_indirect_dma source(%arg16 : memref<128x128xf32, #tpu.memory_space<vmem>>) target(%dma_start3A_76 : memref<10016x128xf32, #tpu.memory_space<vmem_shared>>) offsets(%arg9 : memref<128xi32, #tpu.memory_space<vmem>>) semaphore(%arg22 : memref<!tpu.dma_semaphore, #tpu.memory_space<semaphore_mem>>) {add = true}
        %dma_wait3A_77 = arith.constant 0 : i32
        %dma_wait3A_78 = arith.constant 0 : i32
        %dma_wait3A_79 = tpu.memref_slice %arg4[%dma_wait3A_77, %dma_wait3A_78] : memref<10016x128xf32, #tpu.memory_space<hbm>> -> memref<10016x128xf32, #tpu.memory_space<hbm>>
        tpu.wait_indirect_dma semaphore(%arg21 : memref<!tpu.dma_semaphore, #tpu.memory_space<semaphore_mem>>) src(%dma_wait3A_79 : memref<10016x128xf32, #tpu.memory_space<hbm>>) dst(%arg17 : memref<128x128xf32, #tpu.memory_space<vmem>>)
        %dma_start3A_80 = arith.constant 0 : i32
        %dma_start3A_81 = arith.constant 0 : i32
        %dma_start3A_82 = tpu.memref_slice %arg19[%dma_start3A_80, %dma_start3A_81] : memref<10016x128xf32, #tpu.memory_space<vmem_shared>> -> memref<10016x128xf32, #tpu.memory_space<vmem_shared>>
        tpu.enqueue_indirect_dma source(%arg17 : memref<128x128xf32, #tpu.memory_space<vmem>>) target(%dma_start3A_82 : memref<10016x128xf32, #tpu.memory_space<vmem_shared>>) offsets(%arg11 : memref<128xi32, #tpu.memory_space<vmem>>) semaphore(%arg23 : memref<!tpu.dma_semaphore, #tpu.memory_space<semaphore_mem>>) {add = true}
        %dma_wait3A_83 = arith.constant 0 : i32
        %dma_wait3A_84 = arith.constant 0 : i32
        %dma_wait3A_85 = tpu.memref_slice %arg19[%dma_wait3A_83, %dma_wait3A_84] : memref<10016x128xf32, #tpu.memory_space<vmem_shared>> -> memref<10016x128xf32, #tpu.memory_space<vmem_shared>>
        tpu.wait_indirect_dma semaphore(%arg22 : memref<!tpu.dma_semaphore, #tpu.memory_space<semaphore_mem>>) src(%arg16 : memref<128x128xf32, #tpu.memory_space<vmem>>) dst(%dma_wait3A_85 : memref<10016x128xf32, #tpu.memory_space<vmem_shared>>)
        %add3A_86 = arith.constant 2 : i32
        %add3A_87 = arith.addi %mul3A_71, %add3A_86 : i32
        %mul3A_88 = arith.constant 128 : i32
        %mul3A_89 = arith.muli %add3A_87, %mul3A_88 : i32
        %add3A_90 = arith.addi %mul3A_8, %mul3A_89 : i32
        %dma_wait3A_91 = tpu.memref_slice %arg2[%add3A_90] : memref<163840xi32, #tpu.memory_space<hbm>> -> memref<128xi32, #tpu.memory_space<hbm>>
        %dma_wait3A_92 = tpu.memref_slice %arg2[%add3A_90] : memref<163840xi32, #tpu.memory_space<hbm>> -> memref<128xi32, #tpu.memory_space<hbm>>
        tpu.wait_dma2 semaphore(%arg24 : memref<!tpu.dma_semaphore, #tpu.memory_space<semaphore_mem>>) src(%dma_wait3A_92 : memref<128xi32, #tpu.memory_space<hbm>>) dst(%arg12 : memref<128xi32, #tpu.memory_space<vmem>>)
        %mul3A_93 = arith.constant 128 : i32
        %mul3A_94 = arith.muli %add3A_87, %mul3A_93 : i32
        %add3A_95 = arith.addi %mul3A_8, %mul3A_94 : i32
        %dma_wait3A_96 = tpu.memref_slice %arg3[%add3A_95] : memref<163840xi32, #tpu.memory_space<hbm>> -> memref<128xi32, #tpu.memory_space<hbm>>
        %dma_wait3A_97 = tpu.memref_slice %arg3[%add3A_95] : memref<163840xi32, #tpu.memory_space<hbm>> -> memref<128xi32, #tpu.memory_space<hbm>>
        tpu.wait_dma2 semaphore(%arg24 : memref<!tpu.dma_semaphore, #tpu.memory_space<semaphore_mem>>) src(%dma_wait3A_97 : memref<128xi32, #tpu.memory_space<hbm>>) dst(%arg13 : memref<128xi32, #tpu.memory_space<vmem>>)
        %dma_start3A_98 = arith.constant 0 : i32
        %dma_start3A_99 = arith.constant 0 : i32
        %dma_start3A_100 = tpu.memref_slice %arg4[%dma_start3A_98, %dma_start3A_99] : memref<10016x128xf32, #tpu.memory_space<hbm>> -> memref<10016x128xf32, #tpu.memory_space<hbm>>
        tpu.enqueue_indirect_dma source(%dma_start3A_100 : memref<10016x128xf32, #tpu.memory_space<hbm>>) target(%arg16 : memref<128x128xf32, #tpu.memory_space<vmem>>) offsets(%arg12 : memref<128xi32, #tpu.memory_space<vmem>>) semaphore(%arg20 : memref<!tpu.dma_semaphore, #tpu.memory_space<semaphore_mem>>)
        %add3A_101 = arith.constant 4 : i32
        %add3A_102 = arith.addi %mul3A_71, %add3A_101 : i32
        %lt3A = arith.constant 80 : i32
        %lt3A_103 = arith.cmpi slt, %add3A_102, %lt3A : i32
        %convert_element_type3A_104 = arith.extui %lt3A_103 : i1 to i32
        %cond3A_105 = arith.constant 0 : i32
        %cond3A_106 = arith.cmpi ne, %convert_element_type3A_104, %cond3A_105 : i32
        scf.if %cond3A_106 {
          %add3A_179 = arith.constant 4 : i32
          %add3A_180 = arith.addi %mul3A_71, %add3A_179 : i32
          %mul3A_181 = arith.constant 128 : i32
          %mul3A_182 = arith.muli %add3A_180, %mul3A_181 : i32
          %add3A_183 = arith.addi %mul3A_8, %mul3A_182 : i32
          %dma_start3A_184 = tpu.memref_slice %arg2[%add3A_183] : memref<163840xi32, #tpu.memory_space<hbm>> -> memref<128xi32, #tpu.memory_space<hbm>>
          %dma_start3A_185 = tpu.memref_slice %arg2[%add3A_183] : memref<163840xi32, #tpu.memory_space<hbm>> -> memref<128xi32, #tpu.memory_space<hbm>>
          tpu.enqueue_dma source(%dma_start3A_185 : memref<128xi32, #tpu.memory_space<hbm>>) target(%arg8 : memref<128xi32, #tpu.memory_space<vmem>>) target_semaphore(%arg24 : memref<!tpu.dma_semaphore, #tpu.memory_space<semaphore_mem>>)
          %mul3A_186 = arith.constant 128 : i32
          %mul3A_187 = arith.muli %add3A_180, %mul3A_186 : i32
          %add3A_188 = arith.addi %mul3A_8, %mul3A_187 : i32
          %dma_start3A_189 = tpu.memref_slice %arg3[%add3A_188] : memref<163840xi32, #tpu.memory_space<hbm>> -> memref<128xi32, #tpu.memory_space<hbm>>
          %dma_start3A_190 = tpu.memref_slice %arg3[%add3A_188] : memref<163840xi32, #tpu.memory_space<hbm>> -> memref<128xi32, #tpu.memory_space<hbm>>
          tpu.enqueue_dma source(%dma_start3A_190 : memref<128xi32, #tpu.memory_space<hbm>>) target(%arg9 : memref<128xi32, #tpu.memory_space<vmem>>) target_semaphore(%arg24 : memref<!tpu.dma_semaphore, #tpu.memory_space<semaphore_mem>>)
        } else {
        }
        %dma_wait3A_107 = arith.constant 0 : i32
        %dma_wait3A_108 = arith.constant 0 : i32
        %dma_wait3A_109 = tpu.memref_slice %arg19[%dma_wait3A_107, %dma_wait3A_108] : memref<10016x128xf32, #tpu.memory_space<vmem_shared>> -> memref<10016x128xf32, #tpu.memory_space<vmem_shared>>
        tpu.wait_indirect_dma semaphore(%arg23 : memref<!tpu.dma_semaphore, #tpu.memory_space<semaphore_mem>>) src(%arg17 : memref<128x128xf32, #tpu.memory_space<vmem>>) dst(%dma_wait3A_109 : memref<10016x128xf32, #tpu.memory_space<vmem_shared>>)
        %add3A_110 = arith.constant 3 : i32
        %add3A_111 = arith.addi %mul3A_71, %add3A_110 : i32
        %mul3A_112 = arith.constant 128 : i32
        %mul3A_113 = arith.muli %add3A_111, %mul3A_112 : i32
        %add3A_114 = arith.addi %mul3A_8, %mul3A_113 : i32
        %dma_wait3A_115 = tpu.memref_slice %arg2[%add3A_114] : memref<163840xi32, #tpu.memory_space<hbm>> -> memref<128xi32, #tpu.memory_space<hbm>>
        %dma_wait3A_116 = tpu.memref_slice %arg2[%add3A_114] : memref<163840xi32, #tpu.memory_space<hbm>> -> memref<128xi32, #tpu.memory_space<hbm>>
        tpu.wait_dma2 semaphore(%arg25 : memref<!tpu.dma_semaphore, #tpu.memory_space<semaphore_mem>>) src(%dma_wait3A_116 : memref<128xi32, #tpu.memory_space<hbm>>) dst(%arg14 : memref<128xi32, #tpu.memory_space<vmem>>)
        %mul3A_117 = arith.constant 128 : i32
        %mul3A_118 = arith.muli %add3A_111, %mul3A_117 : i32
        %add3A_119 = arith.addi %mul3A_8, %mul3A_118 : i32
        %dma_wait3A_120 = tpu.memref_slice %arg3[%add3A_119] : memref<163840xi32, #tpu.memory_space<hbm>> -> memref<128xi32, #tpu.memory_space<hbm>>
        %dma_wait3A_121 = tpu.memref_slice %arg3[%add3A_119] : memref<163840xi32, #tpu.memory_space<hbm>> -> memref<128xi32, #tpu.memory_space<hbm>>
        tpu.wait_dma2 semaphore(%arg25 : memref<!tpu.dma_semaphore, #tpu.memory_space<semaphore_mem>>) src(%dma_wait3A_121 : memref<128xi32, #tpu.memory_space<hbm>>) dst(%arg15 : memref<128xi32, #tpu.memory_space<vmem>>)
        %dma_start3A_122 = arith.constant 0 : i32
        %dma_start3A_123 = arith.constant 0 : i32
        %dma_start3A_124 = tpu.memref_slice %arg4[%dma_start3A_122, %dma_start3A_123] : memref<10016x128xf32, #tpu.memory_space<hbm>> -> memref<10016x128xf32, #tpu.memory_space<hbm>>
        tpu.enqueue_indirect_dma source(%dma_start3A_124 : memref<10016x128xf32, #tpu.memory_space<hbm>>) target(%arg17 : memref<128x128xf32, #tpu.memory_space<vmem>>) offsets(%arg14 : memref<128xi32, #tpu.memory_space<vmem>>) semaphore(%arg21 : memref<!tpu.dma_semaphore, #tpu.memory_space<semaphore_mem>>)
        %add3A_125 = arith.constant 5 : i32
        %add3A_126 = arith.addi %mul3A_71, %add3A_125 : i32
        %lt3A_127 = arith.constant 80 : i32
        %lt3A_128 = arith.cmpi slt, %add3A_126, %lt3A_127 : i32
        %convert_element_type3A_129 = arith.extui %lt3A_128 : i1 to i32
        %cond3A_130 = arith.constant 0 : i32
        %cond3A_131 = arith.cmpi ne, %convert_element_type3A_129, %cond3A_130 : i32
        scf.if %cond3A_131 {
          %add3A_179 = arith.constant 5 : i32
          %add3A_180 = arith.addi %mul3A_71, %add3A_179 : i32
          %mul3A_181 = arith.constant 128 : i32
          %mul3A_182 = arith.muli %add3A_180, %mul3A_181 : i32
          %add3A_183 = arith.addi %mul3A_8, %mul3A_182 : i32
          %dma_start3A_184 = tpu.memref_slice %arg2[%add3A_183] : memref<163840xi32, #tpu.memory_space<hbm>> -> memref<128xi32, #tpu.memory_space<hbm>>
          %dma_start3A_185 = tpu.memref_slice %arg2[%add3A_183] : memref<163840xi32, #tpu.memory_space<hbm>> -> memref<128xi32, #tpu.memory_space<hbm>>
          tpu.enqueue_dma source(%dma_start3A_185 : memref<128xi32, #tpu.memory_space<hbm>>) target(%arg10 : memref<128xi32, #tpu.memory_space<vmem>>) target_semaphore(%arg25 : memref<!tpu.dma_semaphore, #tpu.memory_space<semaphore_mem>>)
          %mul3A_186 = arith.constant 128 : i32
          %mul3A_187 = arith.muli %add3A_180, %mul3A_186 : i32
          %add3A_188 = arith.addi %mul3A_8, %mul3A_187 : i32
          %dma_start3A_189 = tpu.memref_slice %arg3[%add3A_188] : memref<163840xi32, #tpu.memory_space<hbm>> -> memref<128xi32, #tpu.memory_space<hbm>>
          %dma_start3A_190 = tpu.memref_slice %arg3[%add3A_188] : memref<163840xi32, #tpu.memory_space<hbm>> -> memref<128xi32, #tpu.memory_space<hbm>>
          tpu.enqueue_dma source(%dma_start3A_190 : memref<128xi32, #tpu.memory_space<hbm>>) target(%arg11 : memref<128xi32, #tpu.memory_space<vmem>>) target_semaphore(%arg25 : memref<!tpu.dma_semaphore, #tpu.memory_space<semaphore_mem>>)
        } else {
        }
        %dma_wait3A_132 = arith.constant 0 : i32
        %dma_wait3A_133 = arith.constant 0 : i32
        %dma_wait3A_134 = tpu.memref_slice %arg4[%dma_wait3A_132, %dma_wait3A_133] : memref<10016x128xf32, #tpu.memory_space<hbm>> -> memref<10016x128xf32, #tpu.memory_space<hbm>>
        tpu.wait_indirect_dma semaphore(%arg20 : memref<!tpu.dma_semaphore, #tpu.memory_space<semaphore_mem>>) src(%dma_wait3A_134 : memref<10016x128xf32, #tpu.memory_space<hbm>>) dst(%arg16 : memref<128x128xf32, #tpu.memory_space<vmem>>)
        %dma_start3A_135 = arith.constant 0 : i32
        %dma_start3A_136 = arith.constant 0 : i32
        %dma_start3A_137 = tpu.memref_slice %arg19[%dma_start3A_135, %dma_start3A_136] : memref<10016x128xf32, #tpu.memory_space<vmem_shared>> -> memref<10016x128xf32, #tpu.memory_space<vmem_shared>>
        tpu.enqueue_indirect_dma source(%arg16 : memref<128x128xf32, #tpu.memory_space<vmem>>) target(%dma_start3A_137 : memref<10016x128xf32, #tpu.memory_space<vmem_shared>>) offsets(%arg13 : memref<128xi32, #tpu.memory_space<vmem>>) semaphore(%arg22 : memref<!tpu.dma_semaphore, #tpu.memory_space<semaphore_mem>>) {add = true}
        %dma_wait3A_138 = arith.constant 0 : i32
        %dma_wait3A_139 = arith.constant 0 : i32
        %dma_wait3A_140 = tpu.memref_slice %arg4[%dma_wait3A_138, %dma_wait3A_139] : memref<10016x128xf32, #tpu.memory_space<hbm>> -> memref<10016x128xf32, #tpu.memory_space<hbm>>
        tpu.wait_indirect_dma semaphore(%arg21 : memref<!tpu.dma_semaphore, #tpu.memory_space<semaphore_mem>>) src(%dma_wait3A_140 : memref<10016x128xf32, #tpu.memory_space<hbm>>) dst(%arg17 : memref<128x128xf32, #tpu.memory_space<vmem>>)
        %dma_start3A_141 = arith.constant 0 : i32
        %dma_start3A_142 = arith.constant 0 : i32
        %dma_start3A_143 = tpu.memref_slice %arg19[%dma_start3A_141, %dma_start3A_142] : memref<10016x128xf32, #tpu.memory_space<vmem_shared>> -> memref<10016x128xf32, #tpu.memory_space<vmem_shared>>
        tpu.enqueue_indirect_dma source(%arg17 : memref<128x128xf32, #tpu.memory_space<vmem>>) target(%dma_start3A_143 : memref<10016x128xf32, #tpu.memory_space<vmem_shared>>) offsets(%arg15 : memref<128xi32, #tpu.memory_space<vmem>>) semaphore(%arg23 : memref<!tpu.dma_semaphore, #tpu.memory_space<semaphore_mem>>) {add = true}
        %dma_wait3A_144 = arith.constant 0 : i32
        %dma_wait3A_145 = arith.constant 0 : i32
        %dma_wait3A_146 = tpu.memref_slice %arg19[%dma_wait3A_144, %dma_wait3A_145] : memref<10016x128xf32, #tpu.memory_space<vmem_shared>> -> memref<10016x128xf32, #tpu.memory_space<vmem_shared>>
        tpu.wait_indirect_dma semaphore(%arg22 : memref<!tpu.dma_semaphore, #tpu.memory_space<semaphore_mem>>) src(%arg16 : memref<128x128xf32, #tpu.memory_space<vmem>>) dst(%dma_wait3A_146 : memref<10016x128xf32, #tpu.memory_space<vmem_shared>>)
        %add3A_147 = arith.constant 4 : i32
        %add3A_148 = arith.addi %mul3A_71, %add3A_147 : i32
        %lt3A_149 = arith.constant 80 : i32
        %lt3A_150 = arith.cmpi slt, %add3A_148, %lt3A_149 : i32
        %convert_element_type3A_151 = arith.extui %lt3A_150 : i1 to i32
        %cond3A_152 = arith.constant 0 : i32
        %cond3A_153 = arith.cmpi ne, %convert_element_type3A_151, %cond3A_152 : i32
        scf.if %cond3A_153 {
          %add3A_179 = arith.constant 4 : i32
          %add3A_180 = arith.addi %mul3A_71, %add3A_179 : i32
          %mul3A_181 = arith.constant 128 : i32
          %mul3A_182 = arith.muli %add3A_180, %mul3A_181 : i32
          %add3A_183 = arith.addi %mul3A_8, %mul3A_182 : i32
          %dma_wait3A_184 = tpu.memref_slice %arg2[%add3A_183] : memref<163840xi32, #tpu.memory_space<hbm>> -> memref<128xi32, #tpu.memory_space<hbm>>
          %dma_wait3A_185 = tpu.memref_slice %arg2[%add3A_183] : memref<163840xi32, #tpu.memory_space<hbm>> -> memref<128xi32, #tpu.memory_space<hbm>>
          tpu.wait_dma2 semaphore(%arg24 : memref<!tpu.dma_semaphore, #tpu.memory_space<semaphore_mem>>) src(%dma_wait3A_185 : memref<128xi32, #tpu.memory_space<hbm>>) dst(%arg8 : memref<128xi32, #tpu.memory_space<vmem>>)
          %mul3A_186 = arith.constant 128 : i32
          %mul3A_187 = arith.muli %add3A_180, %mul3A_186 : i32
          %add3A_188 = arith.addi %mul3A_8, %mul3A_187 : i32
          %dma_wait3A_189 = tpu.memref_slice %arg3[%add3A_188] : memref<163840xi32, #tpu.memory_space<hbm>> -> memref<128xi32, #tpu.memory_space<hbm>>
          %dma_wait3A_190 = tpu.memref_slice %arg3[%add3A_188] : memref<163840xi32, #tpu.memory_space<hbm>> -> memref<128xi32, #tpu.memory_space<hbm>>
          tpu.wait_dma2 semaphore(%arg24 : memref<!tpu.dma_semaphore, #tpu.memory_space<semaphore_mem>>) src(%dma_wait3A_190 : memref<128xi32, #tpu.memory_space<hbm>>) dst(%arg9 : memref<128xi32, #tpu.memory_space<vmem>>)
          %dma_start3A_191 = arith.constant 0 : i32
          %dma_start3A_192 = arith.constant 0 : i32
          %dma_start3A_193 = tpu.memref_slice %arg4[%dma_start3A_191, %dma_start3A_192] : memref<10016x128xf32, #tpu.memory_space<hbm>> -> memref<10016x128xf32, #tpu.memory_space<hbm>>
          tpu.enqueue_indirect_dma source(%dma_start3A_193 : memref<10016x128xf32, #tpu.memory_space<hbm>>) target(%arg16 : memref<128x128xf32, #tpu.memory_space<vmem>>) offsets(%arg8 : memref<128xi32, #tpu.memory_space<vmem>>) semaphore(%arg20 : memref<!tpu.dma_semaphore, #tpu.memory_space<semaphore_mem>>)
        } else {
        }
        %add3A_154 = arith.constant 6 : i32
        %add3A_155 = arith.addi %mul3A_71, %add3A_154 : i32
        %lt3A_156 = arith.constant 80 : i32
        %lt3A_157 = arith.cmpi slt, %add3A_155, %lt3A_156 : i32
        %convert_element_type3A_158 = arith.extui %lt3A_157 : i1 to i32
        %cond3A_159 = arith.constant 0 : i32
        %cond3A_160 = arith.cmpi ne, %convert_element_type3A_158, %cond3A_159 : i32
        scf.if %cond3A_160 {
          %add3A_179 = arith.constant 6 : i32
          %add3A_180 = arith.addi %mul3A_71, %add3A_179 : i32
          %mul3A_181 = arith.constant 128 : i32
          %mul3A_182 = arith.muli %add3A_180, %mul3A_181 : i32
          %add3A_183 = arith.addi %mul3A_8, %mul3A_182 : i32
          %dma_start3A_184 = tpu.memref_slice %arg2[%add3A_183] : memref<163840xi32, #tpu.memory_space<hbm>> -> memref<128xi32, #tpu.memory_space<hbm>>
          %dma_start3A_185 = tpu.memref_slice %arg2[%add3A_183] : memref<163840xi32, #tpu.memory_space<hbm>> -> memref<128xi32, #tpu.memory_space<hbm>>
          tpu.enqueue_dma source(%dma_start3A_185 : memref<128xi32, #tpu.memory_space<hbm>>) target(%arg12 : memref<128xi32, #tpu.memory_space<vmem>>) target_semaphore(%arg24 : memref<!tpu.dma_semaphore, #tpu.memory_space<semaphore_mem>>)
          %mul3A_186 = arith.constant 128 : i32
          %mul3A_187 = arith.muli %add3A_180, %mul3A_186 : i32
          %add3A_188 = arith.addi %mul3A_8, %mul3A_187 : i32
          %dma_start3A_189 = tpu.memref_slice %arg3[%add3A_188] : memref<163840xi32, #tpu.memory_space<hbm>> -> memref<128xi32, #tpu.memory_space<hbm>>
          %dma_start3A_190 = tpu.memref_slice %arg3[%add3A_188] : memref<163840xi32, #tpu.memory_space<hbm>> -> memref<128xi32, #tpu.memory_space<hbm>>
          tpu.enqueue_dma source(%dma_start3A_190 : memref<128xi32, #tpu.memory_space<hbm>>) target(%arg13 : memref<128xi32, #tpu.memory_space<vmem>>) target_semaphore(%arg24 : memref<!tpu.dma_semaphore, #tpu.memory_space<semaphore_mem>>)
        } else {
        }
        %dma_wait3A_161 = arith.constant 0 : i32
        %dma_wait3A_162 = arith.constant 0 : i32
        %dma_wait3A_163 = tpu.memref_slice %arg19[%dma_wait3A_161, %dma_wait3A_162] : memref<10016x128xf32, #tpu.memory_space<vmem_shared>> -> memref<10016x128xf32, #tpu.memory_space<vmem_shared>>
        tpu.wait_indirect_dma semaphore(%arg23 : memref<!tpu.dma_semaphore, #tpu.memory_space<semaphore_mem>>) src(%arg17 : memref<128x128xf32, #tpu.memory_space<vmem>>) dst(%dma_wait3A_163 : memref<10016x128xf32, #tpu.memory_space<vmem_shared>>)
        %add3A_164 = arith.constant 5 : i32
        %add3A_165 = arith.addi %mul3A_71, %add3A_164 : i32
        %lt3A_166 = arith.constant 80 : i32
        %lt3A_167 = arith.cmpi slt, %add3A_165, %lt3A_166 : i32
        %convert_element_type3A_168 = arith.extui %lt3A_167 : i1 to i32
        %cond3A_169 = arith.constant 0 : i32
        %cond3A_170 = arith.cmpi ne, %convert_element_type3A_168, %cond3A_169 : i32
        scf.if %cond3A_170 {
          %add3A_179 = arith.constant 5 : i32
          %add3A_180 = arith.addi %mul3A_71, %add3A_179 : i32
          %mul3A_181 = arith.constant 128 : i32
          %mul3A_182 = arith.muli %add3A_180, %mul3A_181 : i32
          %add3A_183 = arith.addi %mul3A_8, %mul3A_182 : i32
          %dma_wait3A_184 = tpu.memref_slice %arg2[%add3A_183] : memref<163840xi32, #tpu.memory_space<hbm>> -> memref<128xi32, #tpu.memory_space<hbm>>
          %dma_wait3A_185 = tpu.memref_slice %arg2[%add3A_183] : memref<163840xi32, #tpu.memory_space<hbm>> -> memref<128xi32, #tpu.memory_space<hbm>>
          tpu.wait_dma2 semaphore(%arg25 : memref<!tpu.dma_semaphore, #tpu.memory_space<semaphore_mem>>) src(%dma_wait3A_185 : memref<128xi32, #tpu.memory_space<hbm>>) dst(%arg10 : memref<128xi32, #tpu.memory_space<vmem>>)
          %mul3A_186 = arith.constant 128 : i32
          %mul3A_187 = arith.muli %add3A_180, %mul3A_186 : i32
          %add3A_188 = arith.addi %mul3A_8, %mul3A_187 : i32
          %dma_wait3A_189 = tpu.memref_slice %arg3[%add3A_188] : memref<163840xi32, #tpu.memory_space<hbm>> -> memref<128xi32, #tpu.memory_space<hbm>>
          %dma_wait3A_190 = tpu.memref_slice %arg3[%add3A_188] : memref<163840xi32, #tpu.memory_space<hbm>> -> memref<128xi32, #tpu.memory_space<hbm>>
          tpu.wait_dma2 semaphore(%arg25 : memref<!tpu.dma_semaphore, #tpu.memory_space<semaphore_mem>>) src(%dma_wait3A_190 : memref<128xi32, #tpu.memory_space<hbm>>) dst(%arg11 : memref<128xi32, #tpu.memory_space<vmem>>)
          %dma_start3A_191 = arith.constant 0 : i32
          %dma_start3A_192 = arith.constant 0 : i32
          %dma_start3A_193 = tpu.memref_slice %arg4[%dma_start3A_191, %dma_start3A_192] : memref<10016x128xf32, #tpu.memory_space<hbm>> -> memref<10016x128xf32, #tpu.memory_space<hbm>>
          tpu.enqueue_indirect_dma source(%dma_start3A_193 : memref<10016x128xf32, #tpu.memory_space<hbm>>) target(%arg17 : memref<128x128xf32, #tpu.memory_space<vmem>>) offsets(%arg10 : memref<128xi32, #tpu.memory_space<vmem>>) semaphore(%arg21 : memref<!tpu.dma_semaphore, #tpu.memory_space<semaphore_mem>>)
        } else {
        }
        %add3A_171 = arith.constant 7 : i32
        %add3A_172 = arith.addi %mul3A_71, %add3A_171 : i32
        %lt3A_173 = arith.constant 80 : i32
        %lt3A_174 = arith.cmpi slt, %add3A_172, %lt3A_173 : i32
        %convert_element_type3A_175 = arith.extui %lt3A_174 : i1 to i32
        %cond3A_176 = arith.constant 0 : i32
        %cond3A_177 = arith.cmpi ne, %convert_element_type3A_175, %cond3A_176 : i32
        scf.if %cond3A_177 {
          %add3A_179 = arith.constant 7 : i32
          %add3A_180 = arith.addi %mul3A_71, %add3A_179 : i32
          %mul3A_181 = arith.constant 128 : i32
          %mul3A_182 = arith.muli %add3A_180, %mul3A_181 : i32
          %add3A_183 = arith.addi %mul3A_8, %mul3A_182 : i32
          %dma_start3A_184 = tpu.memref_slice %arg2[%add3A_183] : memref<163840xi32, #tpu.memory_space<hbm>> -> memref<128xi32, #tpu.memory_space<hbm>>
          %dma_start3A_185 = tpu.memref_slice %arg2[%add3A_183] : memref<163840xi32, #tpu.memory_space<hbm>> -> memref<128xi32, #tpu.memory_space<hbm>>
          tpu.enqueue_dma source(%dma_start3A_185 : memref<128xi32, #tpu.memory_space<hbm>>) target(%arg14 : memref<128xi32, #tpu.memory_space<vmem>>) target_semaphore(%arg25 : memref<!tpu.dma_semaphore, #tpu.memory_space<semaphore_mem>>)
          %mul3A_186 = arith.constant 128 : i32
          %mul3A_187 = arith.muli %add3A_180, %mul3A_186 : i32
          %add3A_188 = arith.addi %mul3A_8, %mul3A_187 : i32
          %dma_start3A_189 = tpu.memref_slice %arg3[%add3A_188] : memref<163840xi32, #tpu.memory_space<hbm>> -> memref<128xi32, #tpu.memory_space<hbm>>
          %dma_start3A_190 = tpu.memref_slice %arg3[%add3A_188] : memref<163840xi32, #tpu.memory_space<hbm>> -> memref<128xi32, #tpu.memory_space<hbm>>
          tpu.enqueue_dma source(%dma_start3A_190 : memref<128xi32, #tpu.memory_space<hbm>>) target(%arg15 : memref<128xi32, #tpu.memory_space<vmem>>) target_semaphore(%arg25 : memref<!tpu.dma_semaphore, #tpu.memory_space<semaphore_mem>>)
        } else {
        }
        %scan3A_178 = arith.constant 0 : i32
        scf.yield %scan3A_178 : i32
      }
      %scan3A_67 = arith.constant 20 : i32
    } else {
    }
    %eq3A_20 = arith.constant 1 : i32
    %eq3A_21 = arith.cmpi eq, %arg0, %eq3A_20 : i32
    %convert_element_type3A_22 = arith.extui %eq3A_21 : i1 to i32
    %cond3A_23 = arith.constant 0 : i32
    %cond3A_24 = arith.cmpi ne, %convert_element_type3A_22, %cond3A_23 : i32
    scf.if %cond3A_24 {
      "tpu.region"() ({
        %run_scoped3A = tpu.sem_alloc : memref<!tpu.dma_semaphore, #tpu.memory_space<semaphore_mem>>
        %dma_start3A_68 = tpu.memref_slice %arg2[%mul3A_8] : memref<163840xi32, #tpu.memory_space<hbm>> -> memref<128xi32, #tpu.memory_space<hbm>>
        %dma_start3A_69 = tpu.memref_slice %arg2[%mul3A_8] : memref<163840xi32, #tpu.memory_space<hbm>> -> memref<128xi32, #tpu.memory_space<hbm>>
        tpu.enqueue_dma source(%dma_start3A_69 : memref<128xi32, #tpu.memory_space<hbm>>) target(%arg8 : memref<128xi32, #tpu.memory_space<vmem>>) target_semaphore(%run_scoped3A : memref<!tpu.dma_semaphore, #tpu.memory_space<semaphore_mem>>)
        %dma_wait3A = tpu.memref_slice %arg2[%mul3A_8] : memref<163840xi32, #tpu.memory_space<hbm>> -> memref<128xi32, #tpu.memory_space<hbm>>
        %dma_wait3A_70 = tpu.memref_slice %arg2[%mul3A_8] : memref<163840xi32, #tpu.memory_space<hbm>> -> memref<128xi32, #tpu.memory_space<hbm>>
        tpu.wait_dma2 semaphore(%run_scoped3A : memref<!tpu.dma_semaphore, #tpu.memory_space<semaphore_mem>>) src(%dma_wait3A_70 : memref<128xi32, #tpu.memory_space<hbm>>) dst(%arg8 : memref<128xi32, #tpu.memory_space<vmem>>)
        tpu.yield
      }) : () -> ()
      "tpu.region"() ({
        %run_scoped3A = tpu.sem_alloc : memref<!tpu.dma_semaphore, #tpu.memory_space<semaphore_mem>>
        %dma_start3A_68 = tpu.memref_slice %arg3[%mul3A_8] : memref<163840xi32, #tpu.memory_space<hbm>> -> memref<128xi32, #tpu.memory_space<hbm>>
        %dma_start3A_69 = tpu.memref_slice %arg3[%mul3A_8] : memref<163840xi32, #tpu.memory_space<hbm>> -> memref<128xi32, #tpu.memory_space<hbm>>
        tpu.enqueue_dma source(%dma_start3A_69 : memref<128xi32, #tpu.memory_space<hbm>>) target(%arg9 : memref<128xi32, #tpu.memory_space<vmem>>) target_semaphore(%run_scoped3A : memref<!tpu.dma_semaphore, #tpu.memory_space<semaphore_mem>>)
        %dma_wait3A = tpu.memref_slice %arg3[%mul3A_8] : memref<163840xi32, #tpu.memory_space<hbm>> -> memref<128xi32, #tpu.memory_space<hbm>>
        %dma_wait3A_70 = tpu.memref_slice %arg3[%mul3A_8] : memref<163840xi32, #tpu.memory_space<hbm>> -> memref<128xi32, #tpu.memory_space<hbm>>
        tpu.wait_dma2 semaphore(%run_scoped3A : memref<!tpu.dma_semaphore, #tpu.memory_space<semaphore_mem>>) src(%dma_wait3A_70 : memref<128xi32, #tpu.memory_space<hbm>>) dst(%arg9 : memref<128xi32, #tpu.memory_space<vmem>>)
        tpu.yield
      }) : () -> ()
      %add3A_36 = arith.constant 128 : i32
      %add3A_37 = arith.addi %mul3A_8, %add3A_36 : i32
      "tpu.region"() ({
        %run_scoped3A = tpu.sem_alloc : memref<!tpu.dma_semaphore, #tpu.memory_space<semaphore_mem>>
        %dma_start3A_68 = tpu.memref_slice %arg2[%add3A_37] : memref<163840xi32, #tpu.memory_space<hbm>> -> memref<128xi32, #tpu.memory_space<hbm>>
        %dma_start3A_69 = tpu.memref_slice %arg2[%add3A_37] : memref<163840xi32, #tpu.memory_space<hbm>> -> memref<128xi32, #tpu.memory_space<hbm>>
        tpu.enqueue_dma source(%dma_start3A_69 : memref<128xi32, #tpu.memory_space<hbm>>) target(%arg10 : memref<128xi32, #tpu.memory_space<vmem>>) target_semaphore(%run_scoped3A : memref<!tpu.dma_semaphore, #tpu.memory_space<semaphore_mem>>)
        %dma_wait3A = tpu.memref_slice %arg2[%add3A_37] : memref<163840xi32, #tpu.memory_space<hbm>> -> memref<128xi32, #tpu.memory_space<hbm>>
        %dma_wait3A_70 = tpu.memref_slice %arg2[%add3A_37] : memref<163840xi32, #tpu.memory_space<hbm>> -> memref<128xi32, #tpu.memory_space<hbm>>
        tpu.wait_dma2 semaphore(%run_scoped3A : memref<!tpu.dma_semaphore, #tpu.memory_space<semaphore_mem>>) src(%dma_wait3A_70 : memref<128xi32, #tpu.memory_space<hbm>>) dst(%arg10 : memref<128xi32, #tpu.memory_space<vmem>>)
        tpu.yield
      }) : () -> ()
      %add3A_38 = arith.constant 128 : i32
      %add3A_39 = arith.addi %mul3A_8, %add3A_38 : i32
      "tpu.region"() ({
        %run_scoped3A = tpu.sem_alloc : memref<!tpu.dma_semaphore, #tpu.memory_space<semaphore_mem>>
        %dma_start3A_68 = tpu.memref_slice %arg3[%add3A_39] : memref<163840xi32, #tpu.memory_space<hbm>> -> memref<128xi32, #tpu.memory_space<hbm>>
        %dma_start3A_69 = tpu.memref_slice %arg3[%add3A_39] : memref<163840xi32, #tpu.memory_space<hbm>> -> memref<128xi32, #tpu.memory_space<hbm>>
        tpu.enqueue_dma source(%dma_start3A_69 : memref<128xi32, #tpu.memory_space<hbm>>) target(%arg11 : memref<128xi32, #tpu.memory_space<vmem>>) target_semaphore(%run_scoped3A : memref<!tpu.dma_semaphore, #tpu.memory_space<semaphore_mem>>)
        %dma_wait3A = tpu.memref_slice %arg3[%add3A_39] : memref<163840xi32, #tpu.memory_space<hbm>> -> memref<128xi32, #tpu.memory_space<hbm>>
        %dma_wait3A_70 = tpu.memref_slice %arg3[%add3A_39] : memref<163840xi32, #tpu.memory_space<hbm>> -> memref<128xi32, #tpu.memory_space<hbm>>
        tpu.wait_dma2 semaphore(%run_scoped3A : memref<!tpu.dma_semaphore, #tpu.memory_space<semaphore_mem>>) src(%dma_wait3A_70 : memref<128xi32, #tpu.memory_space<hbm>>) dst(%arg11 : memref<128xi32, #tpu.memory_space<vmem>>)
        tpu.yield
      }) : () -> ()
      %dma_start3A = arith.constant 0 : i32
      %dma_start3A_40 = arith.constant 0 : i32
      %dma_start3A_41 = tpu.memref_slice %arg5[%dma_start3A, %dma_start3A_40] : memref<10016x128xf32, #tpu.memory_space<hbm>> -> memref<10016x128xf32, #tpu.memory_space<hbm>>
      tpu.enqueue_indirect_dma source(%dma_start3A_41 : memref<10016x128xf32, #tpu.memory_space<hbm>>) target(%arg16 : memref<128x128xf32, #tpu.memory_space<vmem>>) offsets(%arg8 : memref<128xi32, #tpu.memory_space<vmem>>) semaphore(%arg20 : memref<!tpu.dma_semaphore, #tpu.memory_space<semaphore_mem>>)
      %dma_start3A_42 = arith.constant 0 : i32
      %dma_start3A_43 = arith.constant 0 : i32
      %dma_start3A_44 = tpu.memref_slice %arg5[%dma_start3A_42, %dma_start3A_43] : memref<10016x128xf32, #tpu.memory_space<hbm>> -> memref<10016x128xf32, #tpu.memory_space<hbm>>
      tpu.enqueue_indirect_dma source(%dma_start3A_44 : memref<10016x128xf32, #tpu.memory_space<hbm>>) target(%arg17 : memref<128x128xf32, #tpu.memory_space<vmem>>) offsets(%arg10 : memref<128xi32, #tpu.memory_space<vmem>>) semaphore(%arg21 : memref<!tpu.dma_semaphore, #tpu.memory_space<semaphore_mem>>)
      %add3A_45 = arith.constant 256 : i32
      %add3A_46 = arith.addi %mul3A_8, %add3A_45 : i32
      %dma_start3A_47 = tpu.memref_slice %arg2[%add3A_46] : memref<163840xi32, #tpu.memory_space<hbm>> -> memref<128xi32, #tpu.memory_space<hbm>>
      %dma_start3A_48 = tpu.memref_slice %arg2[%add3A_46] : memref<163840xi32, #tpu.memory_space<hbm>> -> memref<128xi32, #tpu.memory_space<hbm>>
      tpu.enqueue_dma source(%dma_start3A_48 : memref<128xi32, #tpu.memory_space<hbm>>) target(%arg12 : memref<128xi32, #tpu.memory_space<vmem>>) target_semaphore(%arg24 : memref<!tpu.dma_semaphore, #tpu.memory_space<semaphore_mem>>)
      %add3A_49 = arith.constant 256 : i32
      %add3A_50 = arith.addi %mul3A_8, %add3A_49 : i32
      %dma_start3A_51 = tpu.memref_slice %arg3[%add3A_50] : memref<163840xi32, #tpu.memory_space<hbm>> -> memref<128xi32, #tpu.memory_space<hbm>>
      %dma_start3A_52 = tpu.memref_slice %arg3[%add3A_50] : memref<163840xi32, #tpu.memory_space<hbm>> -> memref<128xi32, #tpu.memory_space<hbm>>
      tpu.enqueue_dma source(%dma_start3A_52 : memref<128xi32, #tpu.memory_space<hbm>>) target(%arg13 : memref<128xi32, #tpu.memory_space<vmem>>) target_semaphore(%arg24 : memref<!tpu.dma_semaphore, #tpu.memory_space<semaphore_mem>>)
      %add3A_53 = arith.constant 384 : i32
      %add3A_54 = arith.addi %mul3A_8, %add3A_53 : i32
      %dma_start3A_55 = tpu.memref_slice %arg2[%add3A_54] : memref<163840xi32, #tpu.memory_space<hbm>> -> memref<128xi32, #tpu.memory_space<hbm>>
      %dma_start3A_56 = tpu.memref_slice %arg2[%add3A_54] : memref<163840xi32, #tpu.memory_space<hbm>> -> memref<128xi32, #tpu.memory_space<hbm>>
      tpu.enqueue_dma source(%dma_start3A_56 : memref<128xi32, #tpu.memory_space<hbm>>) target(%arg14 : memref<128xi32, #tpu.memory_space<vmem>>) target_semaphore(%arg25 : memref<!tpu.dma_semaphore, #tpu.memory_space<semaphore_mem>>)
      %add3A_57 = arith.constant 384 : i32
      %add3A_58 = arith.addi %mul3A_8, %add3A_57 : i32
      %dma_start3A_59 = tpu.memref_slice %arg3[%add3A_58] : memref<163840xi32, #tpu.memory_space<hbm>> -> memref<128xi32, #tpu.memory_space<hbm>>
      %dma_start3A_60 = tpu.memref_slice %arg3[%add3A_58] : memref<163840xi32, #tpu.memory_space<hbm>> -> memref<128xi32, #tpu.memory_space<hbm>>
      tpu.enqueue_dma source(%dma_start3A_60 : memref<128xi32, #tpu.memory_space<hbm>>) target(%arg15 : memref<128xi32, #tpu.memory_space<vmem>>) target_semaphore(%arg25 : memref<!tpu.dma_semaphore, #tpu.memory_space<semaphore_mem>>)
      %scan3A_61 = arith.constant 0 : i32
      %scan3A_62 = arith.constant 0 : i32
      %scan3A_63 = arith.constant 20 : i32
      %scan3A_64 = arith.addi %scan3A_62, %scan3A_63 : i32
      %scan3A_65 = arith.constant 1 : i32
      %scan3A_66 = scf.for %scan3A_68 = %scan3A_62 to %scan3A_64 step %scan3A_65 iter_args(%scan3A_69 = %scan3A_61) -> (i32)  : i32 {
        %mul3A_70 = arith.constant 4 : i32
        %mul3A_71 = arith.muli %mul3A_70, %scan3A_68 : i32
        %dma_wait3A = arith.constant 0 : i32
        %dma_wait3A_72 = arith.constant 0 : i32
        %dma_wait3A_73 = tpu.memref_slice %arg5[%dma_wait3A, %dma_wait3A_72] : memref<10016x128xf32, #tpu.memory_space<hbm>> -> memref<10016x128xf32, #tpu.memory_space<hbm>>
        tpu.wait_indirect_dma semaphore(%arg20 : memref<!tpu.dma_semaphore, #tpu.memory_space<semaphore_mem>>) src(%dma_wait3A_73 : memref<10016x128xf32, #tpu.memory_space<hbm>>) dst(%arg16 : memref<128x128xf32, #tpu.memory_space<vmem>>)
        %dma_start3A_74 = arith.constant 0 : i32
        %dma_start3A_75 = arith.constant 0 : i32
        %dma_start3A_76 = tpu.memref_slice %arg19[%dma_start3A_74, %dma_start3A_75] : memref<10016x128xf32, #tpu.memory_space<vmem_shared>> -> memref<10016x128xf32, #tpu.memory_space<vmem_shared>>
        tpu.enqueue_indirect_dma source(%arg16 : memref<128x128xf32, #tpu.memory_space<vmem>>) target(%dma_start3A_76 : memref<10016x128xf32, #tpu.memory_space<vmem_shared>>) offsets(%arg9 : memref<128xi32, #tpu.memory_space<vmem>>) semaphore(%arg22 : memref<!tpu.dma_semaphore, #tpu.memory_space<semaphore_mem>>) {add = true}
        %dma_wait3A_77 = arith.constant 0 : i32
        %dma_wait3A_78 = arith.constant 0 : i32
        %dma_wait3A_79 = tpu.memref_slice %arg5[%dma_wait3A_77, %dma_wait3A_78] : memref<10016x128xf32, #tpu.memory_space<hbm>> -> memref<10016x128xf32, #tpu.memory_space<hbm>>
        tpu.wait_indirect_dma semaphore(%arg21 : memref<!tpu.dma_semaphore, #tpu.memory_space<semaphore_mem>>) src(%dma_wait3A_79 : memref<10016x128xf32, #tpu.memory_space<hbm>>) dst(%arg17 : memref<128x128xf32, #tpu.memory_space<vmem>>)
        %dma_start3A_80 = arith.constant 0 : i32
        %dma_start3A_81 = arith.constant 0 : i32
        %dma_start3A_82 = tpu.memref_slice %arg19[%dma_start3A_80, %dma_start3A_81] : memref<10016x128xf32, #tpu.memory_space<vmem_shared>> -> memref<10016x128xf32, #tpu.memory_space<vmem_shared>>
        tpu.enqueue_indirect_dma source(%arg17 : memref<128x128xf32, #tpu.memory_space<vmem>>) target(%dma_start3A_82 : memref<10016x128xf32, #tpu.memory_space<vmem_shared>>) offsets(%arg11 : memref<128xi32, #tpu.memory_space<vmem>>) semaphore(%arg23 : memref<!tpu.dma_semaphore, #tpu.memory_space<semaphore_mem>>) {add = true}
        %dma_wait3A_83 = arith.constant 0 : i32
        %dma_wait3A_84 = arith.constant 0 : i32
        %dma_wait3A_85 = tpu.memref_slice %arg19[%dma_wait3A_83, %dma_wait3A_84] : memref<10016x128xf32, #tpu.memory_space<vmem_shared>> -> memref<10016x128xf32, #tpu.memory_space<vmem_shared>>
        tpu.wait_indirect_dma semaphore(%arg22 : memref<!tpu.dma_semaphore, #tpu.memory_space<semaphore_mem>>) src(%arg16 : memref<128x128xf32, #tpu.memory_space<vmem>>) dst(%dma_wait3A_85 : memref<10016x128xf32, #tpu.memory_space<vmem_shared>>)
        %add3A_86 = arith.constant 2 : i32
        %add3A_87 = arith.addi %mul3A_71, %add3A_86 : i32
        %mul3A_88 = arith.constant 128 : i32
        %mul3A_89 = arith.muli %add3A_87, %mul3A_88 : i32
        %add3A_90 = arith.addi %mul3A_8, %mul3A_89 : i32
        %dma_wait3A_91 = tpu.memref_slice %arg2[%add3A_90] : memref<163840xi32, #tpu.memory_space<hbm>> -> memref<128xi32, #tpu.memory_space<hbm>>
        %dma_wait3A_92 = tpu.memref_slice %arg2[%add3A_90] : memref<163840xi32, #tpu.memory_space<hbm>> -> memref<128xi32, #tpu.memory_space<hbm>>
        tpu.wait_dma2 semaphore(%arg24 : memref<!tpu.dma_semaphore, #tpu.memory_space<semaphore_mem>>) src(%dma_wait3A_92 : memref<128xi32, #tpu.memory_space<hbm>>) dst(%arg12 : memref<128xi32, #tpu.memory_space<vmem>>)
        %mul3A_93 = arith.constant 128 : i32
        %mul3A_94 = arith.muli %add3A_87, %mul3A_93 : i32
        %add3A_95 = arith.addi %mul3A_8, %mul3A_94 : i32
        %dma_wait3A_96 = tpu.memref_slice %arg3[%add3A_95] : memref<163840xi32, #tpu.memory_space<hbm>> -> memref<128xi32, #tpu.memory_space<hbm>>
        %dma_wait3A_97 = tpu.memref_slice %arg3[%add3A_95] : memref<163840xi32, #tpu.memory_space<hbm>> -> memref<128xi32, #tpu.memory_space<hbm>>
        tpu.wait_dma2 semaphore(%arg24 : memref<!tpu.dma_semaphore, #tpu.memory_space<semaphore_mem>>) src(%dma_wait3A_97 : memref<128xi32, #tpu.memory_space<hbm>>) dst(%arg13 : memref<128xi32, #tpu.memory_space<vmem>>)
        %dma_start3A_98 = arith.constant 0 : i32
        %dma_start3A_99 = arith.constant 0 : i32
        %dma_start3A_100 = tpu.memref_slice %arg5[%dma_start3A_98, %dma_start3A_99] : memref<10016x128xf32, #tpu.memory_space<hbm>> -> memref<10016x128xf32, #tpu.memory_space<hbm>>
        tpu.enqueue_indirect_dma source(%dma_start3A_100 : memref<10016x128xf32, #tpu.memory_space<hbm>>) target(%arg16 : memref<128x128xf32, #tpu.memory_space<vmem>>) offsets(%arg12 : memref<128xi32, #tpu.memory_space<vmem>>) semaphore(%arg20 : memref<!tpu.dma_semaphore, #tpu.memory_space<semaphore_mem>>)
        %add3A_101 = arith.constant 4 : i32
        %add3A_102 = arith.addi %mul3A_71, %add3A_101 : i32
        %lt3A = arith.constant 80 : i32
        %lt3A_103 = arith.cmpi slt, %add3A_102, %lt3A : i32
        %convert_element_type3A_104 = arith.extui %lt3A_103 : i1 to i32
        %cond3A_105 = arith.constant 0 : i32
        %cond3A_106 = arith.cmpi ne, %convert_element_type3A_104, %cond3A_105 : i32
        scf.if %cond3A_106 {
          %add3A_179 = arith.constant 4 : i32
          %add3A_180 = arith.addi %mul3A_71, %add3A_179 : i32
          %mul3A_181 = arith.constant 128 : i32
          %mul3A_182 = arith.muli %add3A_180, %mul3A_181 : i32
          %add3A_183 = arith.addi %mul3A_8, %mul3A_182 : i32
          %dma_start3A_184 = tpu.memref_slice %arg2[%add3A_183] : memref<163840xi32, #tpu.memory_space<hbm>> -> memref<128xi32, #tpu.memory_space<hbm>>
          %dma_start3A_185 = tpu.memref_slice %arg2[%add3A_183] : memref<163840xi32, #tpu.memory_space<hbm>> -> memref<128xi32, #tpu.memory_space<hbm>>
          tpu.enqueue_dma source(%dma_start3A_185 : memref<128xi32, #tpu.memory_space<hbm>>) target(%arg8 : memref<128xi32, #tpu.memory_space<vmem>>) target_semaphore(%arg24 : memref<!tpu.dma_semaphore, #tpu.memory_space<semaphore_mem>>)
          %mul3A_186 = arith.constant 128 : i32
          %mul3A_187 = arith.muli %add3A_180, %mul3A_186 : i32
          %add3A_188 = arith.addi %mul3A_8, %mul3A_187 : i32
          %dma_start3A_189 = tpu.memref_slice %arg3[%add3A_188] : memref<163840xi32, #tpu.memory_space<hbm>> -> memref<128xi32, #tpu.memory_space<hbm>>
          %dma_start3A_190 = tpu.memref_slice %arg3[%add3A_188] : memref<163840xi32, #tpu.memory_space<hbm>> -> memref<128xi32, #tpu.memory_space<hbm>>
          tpu.enqueue_dma source(%dma_start3A_190 : memref<128xi32, #tpu.memory_space<hbm>>) target(%arg9 : memref<128xi32, #tpu.memory_space<vmem>>) target_semaphore(%arg24 : memref<!tpu.dma_semaphore, #tpu.memory_space<semaphore_mem>>)
        } else {
        }
        %dma_wait3A_107 = arith.constant 0 : i32
        %dma_wait3A_108 = arith.constant 0 : i32
        %dma_wait3A_109 = tpu.memref_slice %arg19[%dma_wait3A_107, %dma_wait3A_108] : memref<10016x128xf32, #tpu.memory_space<vmem_shared>> -> memref<10016x128xf32, #tpu.memory_space<vmem_shared>>
        tpu.wait_indirect_dma semaphore(%arg23 : memref<!tpu.dma_semaphore, #tpu.memory_space<semaphore_mem>>) src(%arg17 : memref<128x128xf32, #tpu.memory_space<vmem>>) dst(%dma_wait3A_109 : memref<10016x128xf32, #tpu.memory_space<vmem_shared>>)
        %add3A_110 = arith.constant 3 : i32
        %add3A_111 = arith.addi %mul3A_71, %add3A_110 : i32
        %mul3A_112 = arith.constant 128 : i32
        %mul3A_113 = arith.muli %add3A_111, %mul3A_112 : i32
        %add3A_114 = arith.addi %mul3A_8, %mul3A_113 : i32
        %dma_wait3A_115 = tpu.memref_slice %arg2[%add3A_114] : memref<163840xi32, #tpu.memory_space<hbm>> -> memref<128xi32, #tpu.memory_space<hbm>>
        %dma_wait3A_116 = tpu.memref_slice %arg2[%add3A_114] : memref<163840xi32, #tpu.memory_space<hbm>> -> memref<128xi32, #tpu.memory_space<hbm>>
        tpu.wait_dma2 semaphore(%arg25 : memref<!tpu.dma_semaphore, #tpu.memory_space<semaphore_mem>>) src(%dma_wait3A_116 : memref<128xi32, #tpu.memory_space<hbm>>) dst(%arg14 : memref<128xi32, #tpu.memory_space<vmem>>)
        %mul3A_117 = arith.constant 128 : i32
        %mul3A_118 = arith.muli %add3A_111, %mul3A_117 : i32
        %add3A_119 = arith.addi %mul3A_8, %mul3A_118 : i32
        %dma_wait3A_120 = tpu.memref_slice %arg3[%add3A_119] : memref<163840xi32, #tpu.memory_space<hbm>> -> memref<128xi32, #tpu.memory_space<hbm>>
        %dma_wait3A_121 = tpu.memref_slice %arg3[%add3A_119] : memref<163840xi32, #tpu.memory_space<hbm>> -> memref<128xi32, #tpu.memory_space<hbm>>
        tpu.wait_dma2 semaphore(%arg25 : memref<!tpu.dma_semaphore, #tpu.memory_space<semaphore_mem>>) src(%dma_wait3A_121 : memref<128xi32, #tpu.memory_space<hbm>>) dst(%arg15 : memref<128xi32, #tpu.memory_space<vmem>>)
        %dma_start3A_122 = arith.constant 0 : i32
        %dma_start3A_123 = arith.constant 0 : i32
        %dma_start3A_124 = tpu.memref_slice %arg5[%dma_start3A_122, %dma_start3A_123] : memref<10016x128xf32, #tpu.memory_space<hbm>> -> memref<10016x128xf32, #tpu.memory_space<hbm>>
        tpu.enqueue_indirect_dma source(%dma_start3A_124 : memref<10016x128xf32, #tpu.memory_space<hbm>>) target(%arg17 : memref<128x128xf32, #tpu.memory_space<vmem>>) offsets(%arg14 : memref<128xi32, #tpu.memory_space<vmem>>) semaphore(%arg21 : memref<!tpu.dma_semaphore, #tpu.memory_space<semaphore_mem>>)
        %add3A_125 = arith.constant 5 : i32
        %add3A_126 = arith.addi %mul3A_71, %add3A_125 : i32
        %lt3A_127 = arith.constant 80 : i32
        %lt3A_128 = arith.cmpi slt, %add3A_126, %lt3A_127 : i32
        %convert_element_type3A_129 = arith.extui %lt3A_128 : i1 to i32
        %cond3A_130 = arith.constant 0 : i32
        %cond3A_131 = arith.cmpi ne, %convert_element_type3A_129, %cond3A_130 : i32
        scf.if %cond3A_131 {
          %add3A_179 = arith.constant 5 : i32
          %add3A_180 = arith.addi %mul3A_71, %add3A_179 : i32
          %mul3A_181 = arith.constant 128 : i32
          %mul3A_182 = arith.muli %add3A_180, %mul3A_181 : i32
          %add3A_183 = arith.addi %mul3A_8, %mul3A_182 : i32
          %dma_start3A_184 = tpu.memref_slice %arg2[%add3A_183] : memref<163840xi32, #tpu.memory_space<hbm>> -> memref<128xi32, #tpu.memory_space<hbm>>
          %dma_start3A_185 = tpu.memref_slice %arg2[%add3A_183] : memref<163840xi32, #tpu.memory_space<hbm>> -> memref<128xi32, #tpu.memory_space<hbm>>
          tpu.enqueue_dma source(%dma_start3A_185 : memref<128xi32, #tpu.memory_space<hbm>>) target(%arg10 : memref<128xi32, #tpu.memory_space<vmem>>) target_semaphore(%arg25 : memref<!tpu.dma_semaphore, #tpu.memory_space<semaphore_mem>>)
          %mul3A_186 = arith.constant 128 : i32
          %mul3A_187 = arith.muli %add3A_180, %mul3A_186 : i32
          %add3A_188 = arith.addi %mul3A_8, %mul3A_187 : i32
          %dma_start3A_189 = tpu.memref_slice %arg3[%add3A_188] : memref<163840xi32, #tpu.memory_space<hbm>> -> memref<128xi32, #tpu.memory_space<hbm>>
          %dma_start3A_190 = tpu.memref_slice %arg3[%add3A_188] : memref<163840xi32, #tpu.memory_space<hbm>> -> memref<128xi32, #tpu.memory_space<hbm>>
          tpu.enqueue_dma source(%dma_start3A_190 : memref<128xi32, #tpu.memory_space<hbm>>) target(%arg11 : memref<128xi32, #tpu.memory_space<vmem>>) target_semaphore(%arg25 : memref<!tpu.dma_semaphore, #tpu.memory_space<semaphore_mem>>)
        } else {
        }
        %dma_wait3A_132 = arith.constant 0 : i32
        %dma_wait3A_133 = arith.constant 0 : i32
        %dma_wait3A_134 = tpu.memref_slice %arg5[%dma_wait3A_132, %dma_wait3A_133] : memref<10016x128xf32, #tpu.memory_space<hbm>> -> memref<10016x128xf32, #tpu.memory_space<hbm>>
        tpu.wait_indirect_dma semaphore(%arg20 : memref<!tpu.dma_semaphore, #tpu.memory_space<semaphore_mem>>) src(%dma_wait3A_134 : memref<10016x128xf32, #tpu.memory_space<hbm>>) dst(%arg16 : memref<128x128xf32, #tpu.memory_space<vmem>>)
        %dma_start3A_135 = arith.constant 0 : i32
        %dma_start3A_136 = arith.constant 0 : i32
        %dma_start3A_137 = tpu.memref_slice %arg19[%dma_start3A_135, %dma_start3A_136] : memref<10016x128xf32, #tpu.memory_space<vmem_shared>> -> memref<10016x128xf32, #tpu.memory_space<vmem_shared>>
        tpu.enqueue_indirect_dma source(%arg16 : memref<128x128xf32, #tpu.memory_space<vmem>>) target(%dma_start3A_137 : memref<10016x128xf32, #tpu.memory_space<vmem_shared>>) offsets(%arg13 : memref<128xi32, #tpu.memory_space<vmem>>) semaphore(%arg22 : memref<!tpu.dma_semaphore, #tpu.memory_space<semaphore_mem>>) {add = true}
        %dma_wait3A_138 = arith.constant 0 : i32
        %dma_wait3A_139 = arith.constant 0 : i32
        %dma_wait3A_140 = tpu.memref_slice %arg5[%dma_wait3A_138, %dma_wait3A_139] : memref<10016x128xf32, #tpu.memory_space<hbm>> -> memref<10016x128xf32, #tpu.memory_space<hbm>>
        tpu.wait_indirect_dma semaphore(%arg21 : memref<!tpu.dma_semaphore, #tpu.memory_space<semaphore_mem>>) src(%dma_wait3A_140 : memref<10016x128xf32, #tpu.memory_space<hbm>>) dst(%arg17 : memref<128x128xf32, #tpu.memory_space<vmem>>)
        %dma_start3A_141 = arith.constant 0 : i32
        %dma_start3A_142 = arith.constant 0 : i32
        %dma_start3A_143 = tpu.memref_slice %arg19[%dma_start3A_141, %dma_start3A_142] : memref<10016x128xf32, #tpu.memory_space<vmem_shared>> -> memref<10016x128xf32, #tpu.memory_space<vmem_shared>>
        tpu.enqueue_indirect_dma source(%arg17 : memref<128x128xf32, #tpu.memory_space<vmem>>) target(%dma_start3A_143 : memref<10016x128xf32, #tpu.memory_space<vmem_shared>>) offsets(%arg15 : memref<128xi32, #tpu.memory_space<vmem>>) semaphore(%arg23 : memref<!tpu.dma_semaphore, #tpu.memory_space<semaphore_mem>>) {add = true}
        %dma_wait3A_144 = arith.constant 0 : i32
        %dma_wait3A_145 = arith.constant 0 : i32
        %dma_wait3A_146 = tpu.memref_slice %arg19[%dma_wait3A_144, %dma_wait3A_145] : memref<10016x128xf32, #tpu.memory_space<vmem_shared>> -> memref<10016x128xf32, #tpu.memory_space<vmem_shared>>
        tpu.wait_indirect_dma semaphore(%arg22 : memref<!tpu.dma_semaphore, #tpu.memory_space<semaphore_mem>>) src(%arg16 : memref<128x128xf32, #tpu.memory_space<vmem>>) dst(%dma_wait3A_146 : memref<10016x128xf32, #tpu.memory_space<vmem_shared>>)
        %add3A_147 = arith.constant 4 : i32
        %add3A_148 = arith.addi %mul3A_71, %add3A_147 : i32
        %lt3A_149 = arith.constant 80 : i32
        %lt3A_150 = arith.cmpi slt, %add3A_148, %lt3A_149 : i32
        %convert_element_type3A_151 = arith.extui %lt3A_150 : i1 to i32
        %cond3A_152 = arith.constant 0 : i32
        %cond3A_153 = arith.cmpi ne, %convert_element_type3A_151, %cond3A_152 : i32
        scf.if %cond3A_153 {
          %add3A_179 = arith.constant 4 : i32
          %add3A_180 = arith.addi %mul3A_71, %add3A_179 : i32
          %mul3A_181 = arith.constant 128 : i32
          %mul3A_182 = arith.muli %add3A_180, %mul3A_181 : i32
          %add3A_183 = arith.addi %mul3A_8, %mul3A_182 : i32
          %dma_wait3A_184 = tpu.memref_slice %arg2[%add3A_183] : memref<163840xi32, #tpu.memory_space<hbm>> -> memref<128xi32, #tpu.memory_space<hbm>>
          %dma_wait3A_185 = tpu.memref_slice %arg2[%add3A_183] : memref<163840xi32, #tpu.memory_space<hbm>> -> memref<128xi32, #tpu.memory_space<hbm>>
          tpu.wait_dma2 semaphore(%arg24 : memref<!tpu.dma_semaphore, #tpu.memory_space<semaphore_mem>>) src(%dma_wait3A_185 : memref<128xi32, #tpu.memory_space<hbm>>) dst(%arg8 : memref<128xi32, #tpu.memory_space<vmem>>)
          %mul3A_186 = arith.constant 128 : i32
          %mul3A_187 = arith.muli %add3A_180, %mul3A_186 : i32
          %add3A_188 = arith.addi %mul3A_8, %mul3A_187 : i32
          %dma_wait3A_189 = tpu.memref_slice %arg3[%add3A_188] : memref<163840xi32, #tpu.memory_space<hbm>> -> memref<128xi32, #tpu.memory_space<hbm>>
          %dma_wait3A_190 = tpu.memref_slice %arg3[%add3A_188] : memref<163840xi32, #tpu.memory_space<hbm>> -> memref<128xi32, #tpu.memory_space<hbm>>
          tpu.wait_dma2 semaphore(%arg24 : memref<!tpu.dma_semaphore, #tpu.memory_space<semaphore_mem>>) src(%dma_wait3A_190 : memref<128xi32, #tpu.memory_space<hbm>>) dst(%arg9 : memref<128xi32, #tpu.memory_space<vmem>>)
          %dma_start3A_191 = arith.constant 0 : i32
          %dma_start3A_192 = arith.constant 0 : i32
          %dma_start3A_193 = tpu.memref_slice %arg5[%dma_start3A_191, %dma_start3A_192] : memref<10016x128xf32, #tpu.memory_space<hbm>> -> memref<10016x128xf32, #tpu.memory_space<hbm>>
          tpu.enqueue_indirect_dma source(%dma_start3A_193 : memref<10016x128xf32, #tpu.memory_space<hbm>>) target(%arg16 : memref<128x128xf32, #tpu.memory_space<vmem>>) offsets(%arg8 : memref<128xi32, #tpu.memory_space<vmem>>) semaphore(%arg20 : memref<!tpu.dma_semaphore, #tpu.memory_space<semaphore_mem>>)
        } else {
        }
        %add3A_154 = arith.constant 6 : i32
        %add3A_155 = arith.addi %mul3A_71, %add3A_154 : i32
        %lt3A_156 = arith.constant 80 : i32
        %lt3A_157 = arith.cmpi slt, %add3A_155, %lt3A_156 : i32
        %convert_element_type3A_158 = arith.extui %lt3A_157 : i1 to i32
        %cond3A_159 = arith.constant 0 : i32
        %cond3A_160 = arith.cmpi ne, %convert_element_type3A_158, %cond3A_159 : i32
        scf.if %cond3A_160 {
          %add3A_179 = arith.constant 6 : i32
          %add3A_180 = arith.addi %mul3A_71, %add3A_179 : i32
          %mul3A_181 = arith.constant 128 : i32
          %mul3A_182 = arith.muli %add3A_180, %mul3A_181 : i32
          %add3A_183 = arith.addi %mul3A_8, %mul3A_182 : i32
          %dma_start3A_184 = tpu.memref_slice %arg2[%add3A_183] : memref<163840xi32, #tpu.memory_space<hbm>> -> memref<128xi32, #tpu.memory_space<hbm>>
          %dma_start3A_185 = tpu.memref_slice %arg2[%add3A_183] : memref<163840xi32, #tpu.memory_space<hbm>> -> memref<128xi32, #tpu.memory_space<hbm>>
          tpu.enqueue_dma source(%dma_start3A_185 : memref<128xi32, #tpu.memory_space<hbm>>) target(%arg12 : memref<128xi32, #tpu.memory_space<vmem>>) target_semaphore(%arg24 : memref<!tpu.dma_semaphore, #tpu.memory_space<semaphore_mem>>)
          %mul3A_186 = arith.constant 128 : i32
          %mul3A_187 = arith.muli %add3A_180, %mul3A_186 : i32
          %add3A_188 = arith.addi %mul3A_8, %mul3A_187 : i32
          %dma_start3A_189 = tpu.memref_slice %arg3[%add3A_188] : memref<163840xi32, #tpu.memory_space<hbm>> -> memref<128xi32, #tpu.memory_space<hbm>>
          %dma_start3A_190 = tpu.memref_slice %arg3[%add3A_188] : memref<163840xi32, #tpu.memory_space<hbm>> -> memref<128xi32, #tpu.memory_space<hbm>>
          tpu.enqueue_dma source(%dma_start3A_190 : memref<128xi32, #tpu.memory_space<hbm>>) target(%arg13 : memref<128xi32, #tpu.memory_space<vmem>>) target_semaphore(%arg24 : memref<!tpu.dma_semaphore, #tpu.memory_space<semaphore_mem>>)
        } else {
        }
        %dma_wait3A_161 = arith.constant 0 : i32
        %dma_wait3A_162 = arith.constant 0 : i32
        %dma_wait3A_163 = tpu.memref_slice %arg19[%dma_wait3A_161, %dma_wait3A_162] : memref<10016x128xf32, #tpu.memory_space<vmem_shared>> -> memref<10016x128xf32, #tpu.memory_space<vmem_shared>>
        tpu.wait_indirect_dma semaphore(%arg23 : memref<!tpu.dma_semaphore, #tpu.memory_space<semaphore_mem>>) src(%arg17 : memref<128x128xf32, #tpu.memory_space<vmem>>) dst(%dma_wait3A_163 : memref<10016x128xf32, #tpu.memory_space<vmem_shared>>)
        %add3A_164 = arith.constant 5 : i32
        %add3A_165 = arith.addi %mul3A_71, %add3A_164 : i32
        %lt3A_166 = arith.constant 80 : i32
        %lt3A_167 = arith.cmpi slt, %add3A_165, %lt3A_166 : i32
        %convert_element_type3A_168 = arith.extui %lt3A_167 : i1 to i32
        %cond3A_169 = arith.constant 0 : i32
        %cond3A_170 = arith.cmpi ne, %convert_element_type3A_168, %cond3A_169 : i32
        scf.if %cond3A_170 {
          %add3A_179 = arith.constant 5 : i32
          %add3A_180 = arith.addi %mul3A_71, %add3A_179 : i32
          %mul3A_181 = arith.constant 128 : i32
          %mul3A_182 = arith.muli %add3A_180, %mul3A_181 : i32
          %add3A_183 = arith.addi %mul3A_8, %mul3A_182 : i32
          %dma_wait3A_184 = tpu.memref_slice %arg2[%add3A_183] : memref<163840xi32, #tpu.memory_space<hbm>> -> memref<128xi32, #tpu.memory_space<hbm>>
          %dma_wait3A_185 = tpu.memref_slice %arg2[%add3A_183] : memref<163840xi32, #tpu.memory_space<hbm>> -> memref<128xi32, #tpu.memory_space<hbm>>
          tpu.wait_dma2 semaphore(%arg25 : memref<!tpu.dma_semaphore, #tpu.memory_space<semaphore_mem>>) src(%dma_wait3A_185 : memref<128xi32, #tpu.memory_space<hbm>>) dst(%arg10 : memref<128xi32, #tpu.memory_space<vmem>>)
          %mul3A_186 = arith.constant 128 : i32
          %mul3A_187 = arith.muli %add3A_180, %mul3A_186 : i32
          %add3A_188 = arith.addi %mul3A_8, %mul3A_187 : i32
          %dma_wait3A_189 = tpu.memref_slice %arg3[%add3A_188] : memref<163840xi32, #tpu.memory_space<hbm>> -> memref<128xi32, #tpu.memory_space<hbm>>
          %dma_wait3A_190 = tpu.memref_slice %arg3[%add3A_188] : memref<163840xi32, #tpu.memory_space<hbm>> -> memref<128xi32, #tpu.memory_space<hbm>>
          tpu.wait_dma2 semaphore(%arg25 : memref<!tpu.dma_semaphore, #tpu.memory_space<semaphore_mem>>) src(%dma_wait3A_190 : memref<128xi32, #tpu.memory_space<hbm>>) dst(%arg11 : memref<128xi32, #tpu.memory_space<vmem>>)
          %dma_start3A_191 = arith.constant 0 : i32
          %dma_start3A_192 = arith.constant 0 : i32
          %dma_start3A_193 = tpu.memref_slice %arg5[%dma_start3A_191, %dma_start3A_192] : memref<10016x128xf32, #tpu.memory_space<hbm>> -> memref<10016x128xf32, #tpu.memory_space<hbm>>
          tpu.enqueue_indirect_dma source(%dma_start3A_193 : memref<10016x128xf32, #tpu.memory_space<hbm>>) target(%arg17 : memref<128x128xf32, #tpu.memory_space<vmem>>) offsets(%arg10 : memref<128xi32, #tpu.memory_space<vmem>>) semaphore(%arg21 : memref<!tpu.dma_semaphore, #tpu.memory_space<semaphore_mem>>)
        } else {
        }
        %add3A_171 = arith.constant 7 : i32
        %add3A_172 = arith.addi %mul3A_71, %add3A_171 : i32
        %lt3A_173 = arith.constant 80 : i32
        %lt3A_174 = arith.cmpi slt, %add3A_172, %lt3A_173 : i32
        %convert_element_type3A_175 = arith.extui %lt3A_174 : i1 to i32
        %cond3A_176 = arith.constant 0 : i32
        %cond3A_177 = arith.cmpi ne, %convert_element_type3A_175, %cond3A_176 : i32
        scf.if %cond3A_177 {
          %add3A_179 = arith.constant 7 : i32
          %add3A_180 = arith.addi %mul3A_71, %add3A_179 : i32
          %mul3A_181 = arith.constant 128 : i32
          %mul3A_182 = arith.muli %add3A_180, %mul3A_181 : i32
          %add3A_183 = arith.addi %mul3A_8, %mul3A_182 : i32
          %dma_start3A_184 = tpu.memref_slice %arg2[%add3A_183] : memref<163840xi32, #tpu.memory_space<hbm>> -> memref<128xi32, #tpu.memory_space<hbm>>
          %dma_start3A_185 = tpu.memref_slice %arg2[%add3A_183] : memref<163840xi32, #tpu.memory_space<hbm>> -> memref<128xi32, #tpu.memory_space<hbm>>
          tpu.enqueue_dma source(%dma_start3A_185 : memref<128xi32, #tpu.memory_space<hbm>>) target(%arg14 : memref<128xi32, #tpu.memory_space<vmem>>) target_semaphore(%arg25 : memref<!tpu.dma_semaphore, #tpu.memory_space<semaphore_mem>>)
          %mul3A_186 = arith.constant 128 : i32
          %mul3A_187 = arith.muli %add3A_180, %mul3A_186 : i32
          %add3A_188 = arith.addi %mul3A_8, %mul3A_187 : i32
          %dma_start3A_189 = tpu.memref_slice %arg3[%add3A_188] : memref<163840xi32, #tpu.memory_space<hbm>> -> memref<128xi32, #tpu.memory_space<hbm>>
          %dma_start3A_190 = tpu.memref_slice %arg3[%add3A_188] : memref<163840xi32, #tpu.memory_space<hbm>> -> memref<128xi32, #tpu.memory_space<hbm>>
          tpu.enqueue_dma source(%dma_start3A_190 : memref<128xi32, #tpu.memory_space<hbm>>) target(%arg15 : memref<128xi32, #tpu.memory_space<vmem>>) target_semaphore(%arg25 : memref<!tpu.dma_semaphore, #tpu.memory_space<semaphore_mem>>)
        } else {
        }
        %scan3A_178 = arith.constant 0 : i32
        scf.yield %scan3A_178 : i32
      }
      %scan3A_67 = arith.constant 20 : i32
    } else {
    }
    %barrier3A_25 = arith.constant 0 : index
    tpu.barrier barrier_id(%barrier3A_25)
    %eq3A_26 = arith.constant 0 : i32
    %eq3A_27 = arith.cmpi eq, %arg0, %eq3A_26 : i32
    %convert_element_type3A_28 = arith.extui %eq3A_27 : i1 to i32
    %cond3A_29 = arith.constant 0 : i32
    %cond3A_30 = arith.cmpi ne, %convert_element_type3A_28, %cond3A_29 : i32
    scf.if %cond3A_30 {
      "tpu.region"() ({
        %run_scoped3A = tpu.sem_alloc : memref<!tpu.dma_semaphore, #tpu.memory_space<semaphore_mem>>
        %dma_start3A = arith.constant 0 : i32
        %dma_start3A_36 = arith.constant 0 : i32
        %dma_start3A_37 = tpu.memref_slice %arg6[%arg1, %dma_start3A, %dma_start3A_36] : memref<16x625x128xf32, #tpu.memory_space<hbm>> -> memref<1x625x128xf32, #tpu.memory_space<hbm>>
        %dma_start3A_38 = tpu.memref_squeeze %dma_start3A_37 : memref<1x625x128xf32, #tpu.memory_space<hbm>> -> memref<625x128xf32, #tpu.memory_space<hbm>>
        %dma_start3A_39 = arith.constant 0 : i32
        %dma_start3A_40 = tpu.memref_slice %arg19[%mul3A_6, %dma_start3A_39] : memref<10016x128xf32, #tpu.memory_space<vmem_shared>> -> memref<625x128xf32, #tpu.memory_space<vmem_shared>>
        tpu.enqueue_dma source(%dma_start3A_40 : memref<625x128xf32, #tpu.memory_space<vmem_shared>>) target(%dma_start3A_38 : memref<625x128xf32, #tpu.memory_space<hbm>>) target_semaphore(%run_scoped3A : memref<!tpu.dma_semaphore, #tpu.memory_space<semaphore_mem>>)
        %dma_wait3A = arith.constant 0 : i32
        %dma_wait3A_41 = arith.constant 0 : i32
        %dma_wait3A_42 = tpu.memref_slice %arg6[%arg1, %dma_wait3A, %dma_wait3A_41] : memref<16x625x128xf32, #tpu.memory_space<hbm>> -> memref<1x625x128xf32, #tpu.memory_space<hbm>>
        %dma_wait3A_43 = tpu.memref_squeeze %dma_wait3A_42 : memref<1x625x128xf32, #tpu.memory_space<hbm>> -> memref<625x128xf32, #tpu.memory_space<hbm>>
        %dma_wait3A_44 = arith.constant 0 : i32
        %dma_wait3A_45 = tpu.memref_slice %arg19[%mul3A_6, %dma_wait3A_44] : memref<10016x128xf32, #tpu.memory_space<vmem_shared>> -> memref<625x128xf32, #tpu.memory_space<vmem_shared>>
        tpu.wait_dma2 semaphore(%run_scoped3A : memref<!tpu.dma_semaphore, #tpu.memory_space<semaphore_mem>>) src(%dma_wait3A_45 : memref<625x128xf32, #tpu.memory_space<vmem_shared>>) dst(%dma_wait3A_43 : memref<625x128xf32, #tpu.memory_space<hbm>>)
        tpu.yield
      }) : () -> ()
    } else {
    }
    %eq3A_31 = arith.constant 1 : i32
    %eq3A_32 = arith.cmpi eq, %arg0, %eq3A_31 : i32
    %convert_element_type3A_33 = arith.extui %eq3A_32 : i1 to i32
    %cond3A_34 = arith.constant 0 : i32
    %cond3A_35 = arith.cmpi ne, %convert_element_type3A_33, %cond3A_34 : i32
    scf.if %cond3A_35 {
      "tpu.region"() ({
        %run_scoped3A = tpu.sem_alloc : memref<!tpu.dma_semaphore, #tpu.memory_space<semaphore_mem>>
        %dma_start3A = arith.constant 0 : i32
        %dma_start3A_36 = arith.constant 0 : i32
        %dma_start3A_37 = tpu.memref_slice %arg7[%arg1, %dma_start3A, %dma_start3A_36] : memref<16x625x128xf32, #tpu.memory_space<hbm>> -> memref<1x625x128xf32, #tpu.memory_space<hbm>>
        %dma_start3A_38 = tpu.memref_squeeze %dma_start3A_37 : memref<1x625x128xf32, #tpu.memory_space<hbm>> -> memref<625x128xf32, #tpu.memory_space<hbm>>
        %dma_start3A_39 = arith.constant 0 : i32
        %dma_start3A_40 = tpu.memref_slice %arg19[%mul3A_6, %dma_start3A_39] : memref<10016x128xf32, #tpu.memory_space<vmem_shared>> -> memref<625x128xf32, #tpu.memory_space<vmem_shared>>
        tpu.enqueue_dma source(%dma_start3A_40 : memref<625x128xf32, #tpu.memory_space<vmem_shared>>) target(%dma_start3A_38 : memref<625x128xf32, #tpu.memory_space<hbm>>) target_semaphore(%run_scoped3A : memref<!tpu.dma_semaphore, #tpu.memory_space<semaphore_mem>>)
        %dma_wait3A = arith.constant 0 : i32
        %dma_wait3A_41 = arith.constant 0 : i32
        %dma_wait3A_42 = tpu.memref_slice %arg7[%arg1, %dma_wait3A, %dma_wait3A_41] : memref<16x625x128xf32, #tpu.memory_space<hbm>> -> memref<1x625x128xf32, #tpu.memory_space<hbm>>
        %dma_wait3A_43 = tpu.memref_squeeze %dma_wait3A_42 : memref<1x625x128xf32, #tpu.memory_space<hbm>> -> memref<625x128xf32, #tpu.memory_space<hbm>>
        %dma_wait3A_44 = arith.constant 0 : i32
        %dma_wait3A_45 = tpu.memref_slice %arg19[%mul3A_6, %dma_wait3A_44] : memref<10016x128xf32, #tpu.memory_space<vmem_shared>> -> memref<625x128xf32, #tpu.memory_space<vmem_shared>>
        tpu.wait_dma2 semaphore(%run_scoped3A : memref<!tpu.dma_semaphore, #tpu.memory_space<semaphore_mem>>) src(%dma_wait3A_45 : memref<625x128xf32, #tpu.memory_space<vmem_shared>>) dst(%dma_wait3A_43 : memref<625x128xf32, #tpu.memory_space<hbm>>)
        tpu.yield
      }) : () -> ()
    } else {
    }
    return
  }
}

#map = affine_map<(d0, d1) -> (0)>
#map1 = affine_map<(d0, d1) -> (0, 0)>
#map2 = affine_map<(d0, d1) -> (0, 0, 0)>
module attributes {stable_mosaic.version = 14 : i64} {
  func.func @k(%arg0: i32, %arg1: i32, %arg2: memref<163840xi32, #tpu.memory_space<hbm>>, %arg3: memref<163840xi32, #tpu.memory_space<hbm>>, %arg4: memref<10016x128xf32, #tpu.memory_space<hbm>>, %arg5: memref<10016x128xf32, #tpu.memory_space<hbm>>, %arg6: memref<10016x128xf32, #tpu.memory_space<hbm>>, %arg7: memref<10016x128xf32, #tpu.memory_space<hbm>>, %arg8: memref<16x625x128xf32, #tpu.memory_space<hbm>>, %arg9: memref<16x625x128xf32, #tpu.memory_space<hbm>>, %arg10: memref<16x625x128xf32, #tpu.memory_space<hbm>>, %arg11: memref<16x625x128xf32, #tpu.memory_space<hbm>>, %arg12: memref<128xi32, #tpu.memory_space<vmem>>, %arg13: memref<128xi32, #tpu.memory_space<vmem>>, %arg14: memref<128xi32, #tpu.memory_space<vmem>>, %arg15: memref<128xi32, #tpu.memory_space<vmem>>, %arg16: memref<128xi32, #tpu.memory_space<vmem>>, %arg17: memref<128xi32, #tpu.memory_space<vmem>>, %arg18: memref<128xi32, #tpu.memory_space<vmem>>, %arg19: memref<128xi32, #tpu.memory_space<vmem>>, %arg20: memref<128x128xf32, #tpu.memory_space<vmem>>, %arg21: memref<128x128xf32, #tpu.memory_space<vmem>>, %arg22: memref<125x128xf32, #tpu.memory_space<vmem>>, %arg23: memref<10016x128xf32, #tpu.memory_space<vmem_shared>>, %arg24: memref<!tpu.dma_semaphore, #tpu.memory_space<semaphore_mem>>, %arg25: memref<!tpu.dma_semaphore, #tpu.memory_space<semaphore_mem>>, %arg26: memref<!tpu.dma_semaphore, #tpu.memory_space<semaphore_mem>>, %arg27: memref<!tpu.dma_semaphore, #tpu.memory_space<semaphore_mem>>, %arg28: memref<!tpu.dma_semaphore, #tpu.memory_space<semaphore_mem>>, %arg29: memref<!tpu.dma_semaphore, #tpu.memory_space<semaphore_mem>>) attributes {dimension_semantics = [#tpu.dimension_semantics<core_parallel>, #tpu.dimension_semantics<subcore_parallel>], iteration_bounds = array<i64: 2, 16>, scalar_prefetch = 0 : i64, scratch_operands = 18 : i64, tpu.core_type = #tpu.core_type<sc_vector_subcore>, window_params = [{transform_indices = #map}, {transform_indices = #map}, {transform_indices = #map1}, {transform_indices = #map1}, {transform_indices = #map1}, {transform_indices = #map1}, {transform_indices = #map2}, {transform_indices = #map2}, {transform_indices = #map2}, {transform_indices = #map2}]} {
    %scan3A = arith.constant 0 : i32
    %scan3A_0 = arith.constant 0 : i32
    %scan3A_1 = arith.constant 125 : i32
    %scan3A_2 = arith.addi %scan3A_0, %scan3A_1 : i32
    %scan3A_3 = arith.constant 1 : i32
    %scan3A_4 = scf.for %scan3A_68 = %scan3A_0 to %scan3A_2 step %scan3A_3 iter_args(%scan3A_69 = %scan3A) -> (i32)  : i32 {
      %broadcast_in_dim3A = arith.constant 0.000000e+00 : f32
      %broadcast_in_dim3A_70 = vector.broadcast %broadcast_in_dim3A : f32 to vector<16xf32>
      %swap3A = arith.index_cast %scan3A_68 : i32 to index
      %swap3A_71 = arith.constant 0 : index
      %swap3A_72 = tpu.vector_load %arg22[%swap3A, %swap3A_71] {strides = array<i32>} : memref<125x128xf32, #tpu.memory_space<vmem>>, vector<1x16xf32>,
      %swap3A_73 = vector.shape_cast %swap3A_72 : vector<1x16xf32> to vector<16xf32>
      %swap3A_74 = vector.shape_cast %broadcast_in_dim3A_70 : vector<16xf32> to vector<1x16xf32>
      tpu.vector_store %arg22[%swap3A, %swap3A_71], %swap3A_74 {strides = array<i32>} : memref<125x128xf32, #tpu.memory_space<vmem>>, vector<1x16xf32>,
      %broadcast_in_dim3A_75 = arith.constant 0.000000e+00 : f32
      %broadcast_in_dim3A_76 = vector.broadcast %broadcast_in_dim3A_75 : f32 to vector<16xf32>
      %swap3A_77 = arith.index_cast %scan3A_68 : i32 to index
      %swap3A_78 = arith.constant 16 : index
      %swap3A_79 = tpu.vector_load %arg22[%swap3A_77, %swap3A_78] {strides = array<i32>} : memref<125x128xf32, #tpu.memory_space<vmem>>, vector<1x16xf32>,
      %swap3A_80 = vector.shape_cast %swap3A_79 : vector<1x16xf32> to vector<16xf32>
      %swap3A_81 = vector.shape_cast %broadcast_in_dim3A_76 : vector<16xf32> to vector<1x16xf32>
      tpu.vector_store %arg22[%swap3A_77, %swap3A_78], %swap3A_81 {strides = array<i32>} : memref<125x128xf32, #tpu.memory_space<vmem>>, vector<1x16xf32>,
      %broadcast_in_dim3A_82 = arith.constant 0.000000e+00 : f32
      %broadcast_in_dim3A_83 = vector.broadcast %broadcast_in_dim3A_82 : f32 to vector<16xf32>
      %swap3A_84 = arith.index_cast %scan3A_68 : i32 to index
      %swap3A_85 = arith.constant 32 : index
      %swap3A_86 = tpu.vector_load %arg22[%swap3A_84, %swap3A_85] {strides = array<i32>} : memref<125x128xf32, #tpu.memory_space<vmem>>, vector<1x16xf32>,
      %swap3A_87 = vector.shape_cast %swap3A_86 : vector<1x16xf32> to vector<16xf32>
      %swap3A_88 = vector.shape_cast %broadcast_in_dim3A_83 : vector<16xf32> to vector<1x16xf32>
      tpu.vector_store %arg22[%swap3A_84, %swap3A_85], %swap3A_88 {strides = array<i32>} : memref<125x128xf32, #tpu.memory_space<vmem>>, vector<1x16xf32>,
      %broadcast_in_dim3A_89 = arith.constant 0.000000e+00 : f32
      %broadcast_in_dim3A_90 = vector.broadcast %broadcast_in_dim3A_89 : f32 to vector<16xf32>
      %swap3A_91 = arith.index_cast %scan3A_68 : i32 to index
      %swap3A_92 = arith.constant 48 : index
      %swap3A_93 = tpu.vector_load %arg22[%swap3A_91, %swap3A_92] {strides = array<i32>} : memref<125x128xf32, #tpu.memory_space<vmem>>, vector<1x16xf32>,
      %swap3A_94 = vector.shape_cast %swap3A_93 : vector<1x16xf32> to vector<16xf32>
      %swap3A_95 = vector.shape_cast %broadcast_in_dim3A_90 : vector<16xf32> to vector<1x16xf32>
      tpu.vector_store %arg22[%swap3A_91, %swap3A_92], %swap3A_95 {strides = array<i32>} : memref<125x128xf32, #tpu.memory_space<vmem>>, vector<1x16xf32>,
      %broadcast_in_dim3A_96 = arith.constant 0.000000e+00 : f32
      %broadcast_in_dim3A_97 = vector.broadcast %broadcast_in_dim3A_96 : f32 to vector<16xf32>
      %swap3A_98 = arith.index_cast %scan3A_68 : i32 to index
      %swap3A_99 = arith.constant 64 : index
      %swap3A_100 = tpu.vector_load %arg22[%swap3A_98, %swap3A_99] {strides = array<i32>} : memref<125x128xf32, #tpu.memory_space<vmem>>, vector<1x16xf32>,
      %swap3A_101 = vector.shape_cast %swap3A_100 : vector<1x16xf32> to vector<16xf32>
      %swap3A_102 = vector.shape_cast %broadcast_in_dim3A_97 : vector<16xf32> to vector<1x16xf32>
      tpu.vector_store %arg22[%swap3A_98, %swap3A_99], %swap3A_102 {strides = array<i32>} : memref<125x128xf32, #tpu.memory_space<vmem>>, vector<1x16xf32>,
      %broadcast_in_dim3A_103 = arith.constant 0.000000e+00 : f32
      %broadcast_in_dim3A_104 = vector.broadcast %broadcast_in_dim3A_103 : f32 to vector<16xf32>
      %swap3A_105 = arith.index_cast %scan3A_68 : i32 to index
      %swap3A_106 = arith.constant 80 : index
      %swap3A_107 = tpu.vector_load %arg22[%swap3A_105, %swap3A_106] {strides = array<i32>} : memref<125x128xf32, #tpu.memory_space<vmem>>, vector<1x16xf32>,
      %swap3A_108 = vector.shape_cast %swap3A_107 : vector<1x16xf32> to vector<16xf32>
      %swap3A_109 = vector.shape_cast %broadcast_in_dim3A_104 : vector<16xf32> to vector<1x16xf32>
      tpu.vector_store %arg22[%swap3A_105, %swap3A_106], %swap3A_109 {strides = array<i32>} : memref<125x128xf32, #tpu.memory_space<vmem>>, vector<1x16xf32>,
      %broadcast_in_dim3A_110 = arith.constant 0.000000e+00 : f32
      %broadcast_in_dim3A_111 = vector.broadcast %broadcast_in_dim3A_110 : f32 to vector<16xf32>
      %swap3A_112 = arith.index_cast %scan3A_68 : i32 to index
      %swap3A_113 = arith.constant 96 : index
      %swap3A_114 = tpu.vector_load %arg22[%swap3A_112, %swap3A_113] {strides = array<i32>} : memref<125x128xf32, #tpu.memory_space<vmem>>, vector<1x16xf32>,
      %swap3A_115 = vector.shape_cast %swap3A_114 : vector<1x16xf32> to vector<16xf32>
      %swap3A_116 = vector.shape_cast %broadcast_in_dim3A_111 : vector<16xf32> to vector<1x16xf32>
      tpu.vector_store %arg22[%swap3A_112, %swap3A_113], %swap3A_116 {strides = array<i32>} : memref<125x128xf32, #tpu.memory_space<vmem>>, vector<1x16xf32>,
      %broadcast_in_dim3A_117 = arith.constant 0.000000e+00 : f32
      %broadcast_in_dim3A_118 = vector.broadcast %broadcast_in_dim3A_117 : f32 to vector<16xf32>
      %swap3A_119 = arith.index_cast %scan3A_68 : i32 to index
      %swap3A_120 = arith.constant 112 : index
      %swap3A_121 = tpu.vector_load %arg22[%swap3A_119, %swap3A_120] {strides = array<i32>} : memref<125x128xf32, #tpu.memory_space<vmem>>, vector<1x16xf32>,
      %swap3A_122 = vector.shape_cast %swap3A_121 : vector<1x16xf32> to vector<16xf32>
      %swap3A_123 = vector.shape_cast %broadcast_in_dim3A_118 : vector<16xf32> to vector<1x16xf32>
      tpu.vector_store %arg22[%swap3A_119, %swap3A_120], %swap3A_123 {strides = array<i32>} : memref<125x128xf32, #tpu.memory_space<vmem>>, vector<1x16xf32>,
      %scan3A_124 = arith.constant 0 : i32
      scf.yield %scan3A_124 : i32
    }
    %scan3A_5 = arith.constant 125 : i32
    %mul3A = arith.constant 625 : i32
    %mul3A_6 = arith.muli %arg1, %mul3A : i32
    %mul3A_7 = arith.constant 10240 : i32
    %mul3A_8 = arith.muli %arg1, %mul3A_7 : i32
    %add3A = arith.constant 0 : i32
    %add3A_9 = arith.addi %mul3A_6, %add3A : i32
    "tpu.region"() ({
      %run_scoped3A = tpu.sem_alloc : memref<!tpu.dma_semaphore, #tpu.memory_space<semaphore_mem>>
      %dma_start3A = arith.constant 0 : i32
      %dma_start3A_68 = tpu.memref_slice %arg23[%add3A_9, %dma_start3A] : memref<10016x128xf32, #tpu.memory_space<vmem_shared>> -> memref<125x128xf32, #tpu.memory_space<vmem_shared>>
      %dma_start3A_69 = arith.constant 0 : i32
      %dma_start3A_70 = tpu.memref_slice %arg23[%add3A_9, %dma_start3A_69] : memref<10016x128xf32, #tpu.memory_space<vmem_shared>> -> memref<125x128xf32, #tpu.memory_space<vmem_shared>>
      tpu.enqueue_dma source(%arg22 : memref<125x128xf32, #tpu.memory_space<vmem>>) target(%dma_start3A_70 : memref<125x128xf32, #tpu.memory_space<vmem_shared>>) target_semaphore(%run_scoped3A : memref<!tpu.dma_semaphore, #tpu.memory_space<semaphore_mem>>)
      %dma_wait3A = arith.constant 0 : i32
      %dma_wait3A_71 = tpu.memref_slice %arg23[%add3A_9, %dma_wait3A] : memref<10016x128xf32, #tpu.memory_space<vmem_shared>> -> memref<125x128xf32, #tpu.memory_space<vmem_shared>>
      %dma_wait3A_72 = arith.constant 0 : i32
      %dma_wait3A_73 = tpu.memref_slice %arg23[%add3A_9, %dma_wait3A_72] : memref<10016x128xf32, #tpu.memory_space<vmem_shared>> -> memref<125x128xf32, #tpu.memory_space<vmem_shared>>
      tpu.wait_dma2 semaphore(%run_scoped3A : memref<!tpu.dma_semaphore, #tpu.memory_space<semaphore_mem>>) src(%arg22 : memref<125x128xf32, #tpu.memory_space<vmem>>) dst(%dma_wait3A_73 : memref<125x128xf32, #tpu.memory_space<vmem_shared>>)
      tpu.yield
    }) : () -> ()
    %add3A_10 = arith.constant 125 : i32
    %add3A_11 = arith.addi %mul3A_6, %add3A_10 : i32
    "tpu.region"() ({
      %run_scoped3A = tpu.sem_alloc : memref<!tpu.dma_semaphore, #tpu.memory_space<semaphore_mem>>
      %dma_start3A = arith.constant 0 : i32
      %dma_start3A_68 = tpu.memref_slice %arg23[%add3A_11, %dma_start3A] : memref<10016x128xf32, #tpu.memory_space<vmem_shared>> -> memref<125x128xf32, #tpu.memory_space<vmem_shared>>
      %dma_start3A_69 = arith.constant 0 : i32
      %dma_start3A_70 = tpu.memref_slice %arg23[%add3A_11, %dma_start3A_69] : memref<10016x128xf32, #tpu.memory_space<vmem_shared>> -> memref<125x128xf32, #tpu.memory_space<vmem_shared>>
      tpu.enqueue_dma source(%arg22 : memref<125x128xf32, #tpu.memory_space<vmem>>) target(%dma_start3A_70 : memref<125x128xf32, #tpu.memory_space<vmem_shared>>) target_semaphore(%run_scoped3A : memref<!tpu.dma_semaphore, #tpu.memory_space<semaphore_mem>>)
      %dma_wait3A = arith.constant 0 : i32
      %dma_wait3A_71 = tpu.memref_slice %arg23[%add3A_11, %dma_wait3A] : memref<10016x128xf32, #tpu.memory_space<vmem_shared>> -> memref<125x128xf32, #tpu.memory_space<vmem_shared>>
      %dma_wait3A_72 = arith.constant 0 : i32
      %dma_wait3A_73 = tpu.memref_slice %arg23[%add3A_11, %dma_wait3A_72] : memref<10016x128xf32, #tpu.memory_space<vmem_shared>> -> memref<125x128xf32, #tpu.memory_space<vmem_shared>>
      tpu.wait_dma2 semaphore(%run_scoped3A : memref<!tpu.dma_semaphore, #tpu.memory_space<semaphore_mem>>) src(%arg22 : memref<125x128xf32, #tpu.memory_space<vmem>>) dst(%dma_wait3A_73 : memref<125x128xf32, #tpu.memory_space<vmem_shared>>)
      tpu.yield
    }) : () -> ()
    %add3A_12 = arith.constant 250 : i32
    %add3A_13 = arith.addi %mul3A_6, %add3A_12 : i32
    "tpu.region"() ({
      %run_scoped3A = tpu.sem_alloc : memref<!tpu.dma_semaphore, #tpu.memory_space<semaphore_mem>>
      %dma_start3A = arith.constant 0 : i32
      %dma_start3A_68 = tpu.memref_slice %arg23[%add3A_13, %dma_start3A] : memref<10016x128xf32, #tpu.memory_space<vmem_shared>> -> memref<125x128xf32, #tpu.memory_space<vmem_shared>>
      %dma_start3A_69 = arith.constant 0 : i32
      %dma_start3A_70 = tpu.memref_slice %arg23[%add3A_13, %dma_start3A_69] : memref<10016x128xf32, #tpu.memory_space<vmem_shared>> -> memref<125x128xf32, #tpu.memory_space<vmem_shared>>
      tpu.enqueue_dma source(%arg22 : memref<125x128xf32, #tpu.memory_space<vmem>>) target(%dma_start3A_70 : memref<125x128xf32, #tpu.memory_space<vmem_shared>>) target_semaphore(%run_scoped3A : memref<!tpu.dma_semaphore, #tpu.memory_space<semaphore_mem>>)
      %dma_wait3A = arith.constant 0 : i32
      %dma_wait3A_71 = tpu.memref_slice %arg23[%add3A_13, %dma_wait3A] : memref<10016x128xf32, #tpu.memory_space<vmem_shared>> -> memref<125x128xf32, #tpu.memory_space<vmem_shared>>
      %dma_wait3A_72 = arith.constant 0 : i32
      %dma_wait3A_73 = tpu.memref_slice %arg23[%add3A_13, %dma_wait3A_72] : memref<10016x128xf32, #tpu.memory_space<vmem_shared>> -> memref<125x128xf32, #tpu.memory_space<vmem_shared>>
      tpu.wait_dma2 semaphore(%run_scoped3A : memref<!tpu.dma_semaphore, #tpu.memory_space<semaphore_mem>>) src(%arg22 : memref<125x128xf32, #tpu.memory_space<vmem>>) dst(%dma_wait3A_73 : memref<125x128xf32, #tpu.memory_space<vmem_shared>>)
      tpu.yield
    }) : () -> ()
    %add3A_14 = arith.constant 375 : i32
    %add3A_15 = arith.addi %mul3A_6, %add3A_14 : i32
    "tpu.region"() ({
      %run_scoped3A = tpu.sem_alloc : memref<!tpu.dma_semaphore, #tpu.memory_space<semaphore_mem>>
      %dma_start3A = arith.constant 0 : i32
      %dma_start3A_68 = tpu.memref_slice %arg23[%add3A_15, %dma_start3A] : memref<10016x128xf32, #tpu.memory_space<vmem_shared>> -> memref<125x128xf32, #tpu.memory_space<vmem_shared>>
      %dma_start3A_69 = arith.constant 0 : i32
      %dma_start3A_70 = tpu.memref_slice %arg23[%add3A_15, %dma_start3A_69] : memref<10016x128xf32, #tpu.memory_space<vmem_shared>> -> memref<125x128xf32, #tpu.memory_space<vmem_shared>>
      tpu.enqueue_dma source(%arg22 : memref<125x128xf32, #tpu.memory_space<vmem>>) target(%dma_start3A_70 : memref<125x128xf32, #tpu.memory_space<vmem_shared>>) target_semaphore(%run_scoped3A : memref<!tpu.dma_semaphore, #tpu.memory_space<semaphore_mem>>)
      %dma_wait3A = arith.constant 0 : i32
      %dma_wait3A_71 = tpu.memref_slice %arg23[%add3A_15, %dma_wait3A] : memref<10016x128xf32, #tpu.memory_space<vmem_shared>> -> memref<125x128xf32, #tpu.memory_space<vmem_shared>>
      %dma_wait3A_72 = arith.constant 0 : i32
      %dma_wait3A_73 = tpu.memref_slice %arg23[%add3A_15, %dma_wait3A_72] : memref<10016x128xf32, #tpu.memory_space<vmem_shared>> -> memref<125x128xf32, #tpu.memory_space<vmem_shared>>
      tpu.wait_dma2 semaphore(%run_scoped3A : memref<!tpu.dma_semaphore, #tpu.memory_space<semaphore_mem>>) src(%arg22 : memref<125x128xf32, #tpu.memory_space<vmem>>) dst(%dma_wait3A_73 : memref<125x128xf32, #tpu.memory_space<vmem_shared>>)
      tpu.yield
    }) : () -> ()
    %add3A_16 = arith.constant 500 : i32
    %add3A_17 = arith.addi %mul3A_6, %add3A_16 : i32
    "tpu.region"() ({
      %run_scoped3A = tpu.sem_alloc : memref<!tpu.dma_semaphore, #tpu.memory_space<semaphore_mem>>
      %dma_start3A = arith.constant 0 : i32
      %dma_start3A_68 = tpu.memref_slice %arg23[%add3A_17, %dma_start3A] : memref<10016x128xf32, #tpu.memory_space<vmem_shared>> -> memref<125x128xf32, #tpu.memory_space<vmem_shared>>
      %dma_start3A_69 = arith.constant 0 : i32
      %dma_start3A_70 = tpu.memref_slice %arg23[%add3A_17, %dma_start3A_69] : memref<10016x128xf32, #tpu.memory_space<vmem_shared>> -> memref<125x128xf32, #tpu.memory_space<vmem_shared>>
      tpu.enqueue_dma source(%arg22 : memref<125x128xf32, #tpu.memory_space<vmem>>) target(%dma_start3A_70 : memref<125x128xf32, #tpu.memory_space<vmem_shared>>) target_semaphore(%run_scoped3A : memref<!tpu.dma_semaphore, #tpu.memory_space<semaphore_mem>>)
      %dma_wait3A = arith.constant 0 : i32
      %dma_wait3A_71 = tpu.memref_slice %arg23[%add3A_17, %dma_wait3A] : memref<10016x128xf32, #tpu.memory_space<vmem_shared>> -> memref<125x128xf32, #tpu.memory_space<vmem_shared>>
      %dma_wait3A_72 = arith.constant 0 : i32
      %dma_wait3A_73 = tpu.memref_slice %arg23[%add3A_17, %dma_wait3A_72] : memref<10016x128xf32, #tpu.memory_space<vmem_shared>> -> memref<125x128xf32, #tpu.memory_space<vmem_shared>>
      tpu.wait_dma2 semaphore(%run_scoped3A : memref<!tpu.dma_semaphore, #tpu.memory_space<semaphore_mem>>) src(%arg22 : memref<125x128xf32, #tpu.memory_space<vmem>>) dst(%dma_wait3A_73 : memref<125x128xf32, #tpu.memory_space<vmem_shared>>)
      tpu.yield
    }) : () -> ()
    %barrier3A = arith.constant 0 : index
    tpu.barrier barrier_id(%barrier3A)
    %eq3A = arith.constant 0 : i32
    %eq3A_18 = arith.cmpi eq, %arg0, %eq3A : i32
    %convert_element_type3A = arith.extui %eq3A_18 : i1 to i32
    %cond3A = arith.constant 0 : i32
    %cond3A_19 = arith.cmpi ne, %convert_element_type3A, %cond3A : i32
    scf.if %cond3A_19 {
      "tpu.region"() ({
        %run_scoped3A = tpu.sem_alloc : memref<!tpu.dma_semaphore, #tpu.memory_space<semaphore_mem>>
        %dma_start3A_100 = tpu.memref_slice %arg2[%mul3A_8] : memref<163840xi32, #tpu.memory_space<hbm>> -> memref<128xi32, #tpu.memory_space<hbm>>
        %dma_start3A_101 = tpu.memref_slice %arg2[%mul3A_8] : memref<163840xi32, #tpu.memory_space<hbm>> -> memref<128xi32, #tpu.memory_space<hbm>>
        tpu.enqueue_dma source(%dma_start3A_101 : memref<128xi32, #tpu.memory_space<hbm>>) target(%arg12 : memref<128xi32, #tpu.memory_space<vmem>>) target_semaphore(%run_scoped3A : memref<!tpu.dma_semaphore, #tpu.memory_space<semaphore_mem>>)
        %dma_wait3A = tpu.memref_slice %arg2[%mul3A_8] : memref<163840xi32, #tpu.memory_space<hbm>> -> memref<128xi32, #tpu.memory_space<hbm>>
        %dma_wait3A_102 = tpu.memref_slice %arg2[%mul3A_8] : memref<163840xi32, #tpu.memory_space<hbm>> -> memref<128xi32, #tpu.memory_space<hbm>>
        tpu.wait_dma2 semaphore(%run_scoped3A : memref<!tpu.dma_semaphore, #tpu.memory_space<semaphore_mem>>) src(%dma_wait3A_102 : memref<128xi32, #tpu.memory_space<hbm>>) dst(%arg12 : memref<128xi32, #tpu.memory_space<vmem>>)
        tpu.yield
      }) : () -> ()
      "tpu.region"() ({
        %run_scoped3A = tpu.sem_alloc : memref<!tpu.dma_semaphore, #tpu.memory_space<semaphore_mem>>
        %dma_start3A_100 = tpu.memref_slice %arg3[%mul3A_8] : memref<163840xi32, #tpu.memory_space<hbm>> -> memref<128xi32, #tpu.memory_space<hbm>>
        %dma_start3A_101 = tpu.memref_slice %arg3[%mul3A_8] : memref<163840xi32, #tpu.memory_space<hbm>> -> memref<128xi32, #tpu.memory_space<hbm>>
        tpu.enqueue_dma source(%dma_start3A_101 : memref<128xi32, #tpu.memory_space<hbm>>) target(%arg13 : memref<128xi32, #tpu.memory_space<vmem>>) target_semaphore(%run_scoped3A : memref<!tpu.dma_semaphore, #tpu.memory_space<semaphore_mem>>)
        %dma_wait3A = tpu.memref_slice %arg3[%mul3A_8] : memref<163840xi32, #tpu.memory_space<hbm>> -> memref<128xi32, #tpu.memory_space<hbm>>
        %dma_wait3A_102 = tpu.memref_slice %arg3[%mul3A_8] : memref<163840xi32, #tpu.memory_space<hbm>> -> memref<128xi32, #tpu.memory_space<hbm>>
        tpu.wait_dma2 semaphore(%run_scoped3A : memref<!tpu.dma_semaphore, #tpu.memory_space<semaphore_mem>>) src(%dma_wait3A_102 : memref<128xi32, #tpu.memory_space<hbm>>) dst(%arg13 : memref<128xi32, #tpu.memory_space<vmem>>)
        tpu.yield
      }) : () -> ()
      %add3A_68 = arith.constant 128 : i32
      %add3A_69 = arith.addi %mul3A_8, %add3A_68 : i32
      "tpu.region"() ({
        %run_scoped3A = tpu.sem_alloc : memref<!tpu.dma_semaphore, #tpu.memory_space<semaphore_mem>>
        %dma_start3A_100 = tpu.memref_slice %arg2[%add3A_69] : memref<163840xi32, #tpu.memory_space<hbm>> -> memref<128xi32, #tpu.memory_space<hbm>>
        %dma_start3A_101 = tpu.memref_slice %arg2[%add3A_69] : memref<163840xi32, #tpu.memory_space<hbm>> -> memref<128xi32, #tpu.memory_space<hbm>>
        tpu.enqueue_dma source(%dma_start3A_101 : memref<128xi32, #tpu.memory_space<hbm>>) target(%arg14 : memref<128xi32, #tpu.memory_space<vmem>>) target_semaphore(%run_scoped3A : memref<!tpu.dma_semaphore, #tpu.memory_space<semaphore_mem>>)
        %dma_wait3A = tpu.memref_slice %arg2[%add3A_69] : memref<163840xi32, #tpu.memory_space<hbm>> -> memref<128xi32, #tpu.memory_space<hbm>>
        %dma_wait3A_102 = tpu.memref_slice %arg2[%add3A_69] : memref<163840xi32, #tpu.memory_space<hbm>> -> memref<128xi32, #tpu.memory_space<hbm>>
        tpu.wait_dma2 semaphore(%run_scoped3A : memref<!tpu.dma_semaphore, #tpu.memory_space<semaphore_mem>>) src(%dma_wait3A_102 : memref<128xi32, #tpu.memory_space<hbm>>) dst(%arg14 : memref<128xi32, #tpu.memory_space<vmem>>)
        tpu.yield
      }) : () -> ()
      %add3A_70 = arith.constant 128 : i32
      %add3A_71 = arith.addi %mul3A_8, %add3A_70 : i32
      "tpu.region"() ({
        %run_scoped3A = tpu.sem_alloc : memref<!tpu.dma_semaphore, #tpu.memory_space<semaphore_mem>>
        %dma_start3A_100 = tpu.memref_slice %arg3[%add3A_71] : memref<163840xi32, #tpu.memory_space<hbm>> -> memref<128xi32, #tpu.memory_space<hbm>>
        %dma_start3A_101 = tpu.memref_slice %arg3[%add3A_71] : memref<163840xi32, #tpu.memory_space<hbm>> -> memref<128xi32, #tpu.memory_space<hbm>>
        tpu.enqueue_dma source(%dma_start3A_101 : memref<128xi32, #tpu.memory_space<hbm>>) target(%arg15 : memref<128xi32, #tpu.memory_space<vmem>>) target_semaphore(%run_scoped3A : memref<!tpu.dma_semaphore, #tpu.memory_space<semaphore_mem>>)
        %dma_wait3A = tpu.memref_slice %arg3[%add3A_71] : memref<163840xi32, #tpu.memory_space<hbm>> -> memref<128xi32, #tpu.memory_space<hbm>>
        %dma_wait3A_102 = tpu.memref_slice %arg3[%add3A_71] : memref<163840xi32, #tpu.memory_space<hbm>> -> memref<128xi32, #tpu.memory_space<hbm>>
        tpu.wait_dma2 semaphore(%run_scoped3A : memref<!tpu.dma_semaphore, #tpu.memory_space<semaphore_mem>>) src(%dma_wait3A_102 : memref<128xi32, #tpu.memory_space<hbm>>) dst(%arg15 : memref<128xi32, #tpu.memory_space<vmem>>)
        tpu.yield
      }) : () -> ()
      %dma_start3A = arith.constant 0 : i32
      %dma_start3A_72 = arith.constant 0 : i32
      %dma_start3A_73 = tpu.memref_slice %arg4[%dma_start3A, %dma_start3A_72] : memref<10016x128xf32, #tpu.memory_space<hbm>> -> memref<10016x128xf32, #tpu.memory_space<hbm>>
      tpu.enqueue_indirect_dma source(%dma_start3A_73 : memref<10016x128xf32, #tpu.memory_space<hbm>>) target(%arg20 : memref<128x128xf32, #tpu.memory_space<vmem>>) offsets(%arg12 : memref<128xi32, #tpu.memory_space<vmem>>) semaphore(%arg24 : memref<!tpu.dma_semaphore, #tpu.memory_space<semaphore_mem>>)
      %dma_start3A_74 = arith.constant 0 : i32
      %dma_start3A_75 = arith.constant 0 : i32
      %dma_start3A_76 = tpu.memref_slice %arg4[%dma_start3A_74, %dma_start3A_75] : memref<10016x128xf32, #tpu.memory_space<hbm>> -> memref<10016x128xf32, #tpu.memory_space<hbm>>
      tpu.enqueue_indirect_dma source(%dma_start3A_76 : memref<10016x128xf32, #tpu.memory_space<hbm>>) target(%arg21 : memref<128x128xf32, #tpu.memory_space<vmem>>) offsets(%arg14 : memref<128xi32, #tpu.memory_space<vmem>>) semaphore(%arg25 : memref<!tpu.dma_semaphore, #tpu.memory_space<semaphore_mem>>)
      %add3A_77 = arith.constant 256 : i32
      %add3A_78 = arith.addi %mul3A_8, %add3A_77 : i32
      %dma_start3A_79 = tpu.memref_slice %arg2[%add3A_78] : memref<163840xi32, #tpu.memory_space<hbm>> -> memref<128xi32, #tpu.memory_space<hbm>>
      %dma_start3A_80 = tpu.memref_slice %arg2[%add3A_78] : memref<163840xi32, #tpu.memory_space<hbm>> -> memref<128xi32, #tpu.memory_space<hbm>>
      tpu.enqueue_dma source(%dma_start3A_80 : memref<128xi32, #tpu.memory_space<hbm>>) target(%arg16 : memref<128xi32, #tpu.memory_space<vmem>>) target_semaphore(%arg28 : memref<!tpu.dma_semaphore, #tpu.memory_space<semaphore_mem>>)
      %add3A_81 = arith.constant 256 : i32
      %add3A_82 = arith.addi %mul3A_8, %add3A_81 : i32
      %dma_start3A_83 = tpu.memref_slice %arg3[%add3A_82] : memref<163840xi32, #tpu.memory_space<hbm>> -> memref<128xi32, #tpu.memory_space<hbm>>
      %dma_start3A_84 = tpu.memref_slice %arg3[%add3A_82] : memref<163840xi32, #tpu.memory_space<hbm>> -> memref<128xi32, #tpu.memory_space<hbm>>
      tpu.enqueue_dma source(%dma_start3A_84 : memref<128xi32, #tpu.memory_space<hbm>>) target(%arg17 : memref<128xi32, #tpu.memory_space<vmem>>) target_semaphore(%arg28 : memref<!tpu.dma_semaphore, #tpu.memory_space<semaphore_mem>>)
      %add3A_85 = arith.constant 384 : i32
      %add3A_86 = arith.addi %mul3A_8, %add3A_85 : i32
      %dma_start3A_87 = tpu.memref_slice %arg2[%add3A_86] : memref<163840xi32, #tpu.memory_space<hbm>> -> memref<128xi32, #tpu.memory_space<hbm>>
      %dma_start3A_88 = tpu.memref_slice %arg2[%add3A_86] : memref<163840xi32, #tpu.memory_space<hbm>> -> memref<128xi32, #tpu.memory_space<hbm>>
      tpu.enqueue_dma source(%dma_start3A_88 : memref<128xi32, #tpu.memory_space<hbm>>) target(%arg18 : memref<128xi32, #tpu.memory_space<vmem>>) target_semaphore(%arg29 : memref<!tpu.dma_semaphore, #tpu.memory_space<semaphore_mem>>)
      %add3A_89 = arith.constant 384 : i32
      %add3A_90 = arith.addi %mul3A_8, %add3A_89 : i32
      %dma_start3A_91 = tpu.memref_slice %arg3[%add3A_90] : memref<163840xi32, #tpu.memory_space<hbm>> -> memref<128xi32, #tpu.memory_space<hbm>>
      %dma_start3A_92 = tpu.memref_slice %arg3[%add3A_90] : memref<163840xi32, #tpu.memory_space<hbm>> -> memref<128xi32, #tpu.memory_space<hbm>>
      tpu.enqueue_dma source(%dma_start3A_92 : memref<128xi32, #tpu.memory_space<hbm>>) target(%arg19 : memref<128xi32, #tpu.memory_space<vmem>>) target_semaphore(%arg29 : memref<!tpu.dma_semaphore, #tpu.memory_space<semaphore_mem>>)
      %scan3A_93 = arith.constant 0 : i32
      %scan3A_94 = arith.constant 0 : i32
      %scan3A_95 = arith.constant 20 : i32
      %scan3A_96 = arith.addi %scan3A_94, %scan3A_95 : i32
      %scan3A_97 = arith.constant 1 : i32
      %scan3A_98 = scf.for %scan3A_100 = %scan3A_94 to %scan3A_96 step %scan3A_97 iter_args(%scan3A_101 = %scan3A_93) -> (i32)  : i32 {
        %mul3A_102 = arith.constant 4 : i32
        %mul3A_103 = arith.muli %mul3A_102, %scan3A_100 : i32
        %dma_wait3A = arith.constant 0 : i32
        %dma_wait3A_104 = arith.constant 0 : i32
        %dma_wait3A_105 = tpu.memref_slice %arg4[%dma_wait3A, %dma_wait3A_104] : memref<10016x128xf32, #tpu.memory_space<hbm>> -> memref<10016x128xf32, #tpu.memory_space<hbm>>
        tpu.wait_indirect_dma semaphore(%arg24 : memref<!tpu.dma_semaphore, #tpu.memory_space<semaphore_mem>>) src(%dma_wait3A_105 : memref<10016x128xf32, #tpu.memory_space<hbm>>) dst(%arg20 : memref<128x128xf32, #tpu.memory_space<vmem>>)
        %dma_start3A_106 = arith.constant 0 : i32
        %dma_start3A_107 = arith.constant 0 : i32
        %dma_start3A_108 = tpu.memref_slice %arg23[%dma_start3A_106, %dma_start3A_107] : memref<10016x128xf32, #tpu.memory_space<vmem_shared>> -> memref<10016x128xf32, #tpu.memory_space<vmem_shared>>
        tpu.enqueue_indirect_dma source(%arg20 : memref<128x128xf32, #tpu.memory_space<vmem>>) target(%dma_start3A_108 : memref<10016x128xf32, #tpu.memory_space<vmem_shared>>) offsets(%arg13 : memref<128xi32, #tpu.memory_space<vmem>>) semaphore(%arg26 : memref<!tpu.dma_semaphore, #tpu.memory_space<semaphore_mem>>) {add = true}
        %dma_wait3A_109 = arith.constant 0 : i32
        %dma_wait3A_110 = arith.constant 0 : i32
        %dma_wait3A_111 = tpu.memref_slice %arg4[%dma_wait3A_109, %dma_wait3A_110] : memref<10016x128xf32, #tpu.memory_space<hbm>> -> memref<10016x128xf32, #tpu.memory_space<hbm>>
        tpu.wait_indirect_dma semaphore(%arg25 : memref<!tpu.dma_semaphore, #tpu.memory_space<semaphore_mem>>) src(%dma_wait3A_111 : memref<10016x128xf32, #tpu.memory_space<hbm>>) dst(%arg21 : memref<128x128xf32, #tpu.memory_space<vmem>>)
        %dma_start3A_112 = arith.constant 0 : i32
        %dma_start3A_113 = arith.constant 0 : i32
        %dma_start3A_114 = tpu.memref_slice %arg23[%dma_start3A_112, %dma_start3A_113] : memref<10016x128xf32, #tpu.memory_space<vmem_shared>> -> memref<10016x128xf32, #tpu.memory_space<vmem_shared>>
        tpu.enqueue_indirect_dma source(%arg21 : memref<128x128xf32, #tpu.memory_space<vmem>>) target(%dma_start3A_114 : memref<10016x128xf32, #tpu.memory_space<vmem_shared>>) offsets(%arg15 : memref<128xi32, #tpu.memory_space<vmem>>) semaphore(%arg27 : memref<!tpu.dma_semaphore, #tpu.memory_space<semaphore_mem>>) {add = true}
        %dma_wait3A_115 = arith.constant 0 : i32
        %dma_wait3A_116 = arith.constant 0 : i32
        %dma_wait3A_117 = tpu.memref_slice %arg23[%dma_wait3A_115, %dma_wait3A_116] : memref<10016x128xf32, #tpu.memory_space<vmem_shared>> -> memref<10016x128xf32, #tpu.memory_space<vmem_shared>>
        tpu.wait_indirect_dma semaphore(%arg26 : memref<!tpu.dma_semaphore, #tpu.memory_space<semaphore_mem>>) src(%arg20 : memref<128x128xf32, #tpu.memory_space<vmem>>) dst(%dma_wait3A_117 : memref<10016x128xf32, #tpu.memory_space<vmem_shared>>)
        %add3A_118 = arith.constant 2 : i32
        %add3A_119 = arith.addi %mul3A_103, %add3A_118 : i32
        %mul3A_120 = arith.constant 128 : i32
        %mul3A_121 = arith.muli %add3A_119, %mul3A_120 : i32
        %add3A_122 = arith.addi %mul3A_8, %mul3A_121 : i32
        %dma_wait3A_123 = tpu.memref_slice %arg2[%add3A_122] : memref<163840xi32, #tpu.memory_space<hbm>> -> memref<128xi32, #tpu.memory_space<hbm>>
        %dma_wait3A_124 = tpu.memref_slice %arg2[%add3A_122] : memref<163840xi32, #tpu.memory_space<hbm>> -> memref<128xi32, #tpu.memory_space<hbm>>
        tpu.wait_dma2 semaphore(%arg28 : memref<!tpu.dma_semaphore, #tpu.memory_space<semaphore_mem>>) src(%dma_wait3A_124 : memref<128xi32, #tpu.memory_space<hbm>>) dst(%arg16 : memref<128xi32, #tpu.memory_space<vmem>>)
        %mul3A_125 = arith.constant 128 : i32
        %mul3A_126 = arith.muli %add3A_119, %mul3A_125 : i32
        %add3A_127 = arith.addi %mul3A_8, %mul3A_126 : i32
        %dma_wait3A_128 = tpu.memref_slice %arg3[%add3A_127] : memref<163840xi32, #tpu.memory_space<hbm>> -> memref<128xi32, #tpu.memory_space<hbm>>
        %dma_wait3A_129 = tpu.memref_slice %arg3[%add3A_127] : memref<163840xi32, #tpu.memory_space<hbm>> -> memref<128xi32, #tpu.memory_space<hbm>>
        tpu.wait_dma2 semaphore(%arg28 : memref<!tpu.dma_semaphore, #tpu.memory_space<semaphore_mem>>) src(%dma_wait3A_129 : memref<128xi32, #tpu.memory_space<hbm>>) dst(%arg17 : memref<128xi32, #tpu.memory_space<vmem>>)
        %dma_start3A_130 = arith.constant 0 : i32
        %dma_start3A_131 = arith.constant 0 : i32
        %dma_start3A_132 = tpu.memref_slice %arg4[%dma_start3A_130, %dma_start3A_131] : memref<10016x128xf32, #tpu.memory_space<hbm>> -> memref<10016x128xf32, #tpu.memory_space<hbm>>
        tpu.enqueue_indirect_dma source(%dma_start3A_132 : memref<10016x128xf32, #tpu.memory_space<hbm>>) target(%arg20 : memref<128x128xf32, #tpu.memory_space<vmem>>) offsets(%arg16 : memref<128xi32, #tpu.memory_space<vmem>>) semaphore(%arg24 : memref<!tpu.dma_semaphore, #tpu.memory_space<semaphore_mem>>)
        %add3A_133 = arith.constant 4 : i32
        %add3A_134 = arith.addi %mul3A_103, %add3A_133 : i32
        %lt3A = arith.constant 80 : i32
        %lt3A_135 = arith.cmpi slt, %add3A_134, %lt3A : i32
        %convert_element_type3A_136 = arith.extui %lt3A_135 : i1 to i32
        %cond3A_137 = arith.constant 0 : i32
        %cond3A_138 = arith.cmpi ne, %convert_element_type3A_136, %cond3A_137 : i32
        scf.if %cond3A_138 {
          %add3A_211 = arith.constant 4 : i32
          %add3A_212 = arith.addi %mul3A_103, %add3A_211 : i32
          %mul3A_213 = arith.constant 128 : i32
          %mul3A_214 = arith.muli %add3A_212, %mul3A_213 : i32
          %add3A_215 = arith.addi %mul3A_8, %mul3A_214 : i32
          %dma_start3A_216 = tpu.memref_slice %arg2[%add3A_215] : memref<163840xi32, #tpu.memory_space<hbm>> -> memref<128xi32, #tpu.memory_space<hbm>>
          %dma_start3A_217 = tpu.memref_slice %arg2[%add3A_215] : memref<163840xi32, #tpu.memory_space<hbm>> -> memref<128xi32, #tpu.memory_space<hbm>>
          tpu.enqueue_dma source(%dma_start3A_217 : memref<128xi32, #tpu.memory_space<hbm>>) target(%arg12 : memref<128xi32, #tpu.memory_space<vmem>>) target_semaphore(%arg28 : memref<!tpu.dma_semaphore, #tpu.memory_space<semaphore_mem>>)
          %mul3A_218 = arith.constant 128 : i32
          %mul3A_219 = arith.muli %add3A_212, %mul3A_218 : i32
          %add3A_220 = arith.addi %mul3A_8, %mul3A_219 : i32
          %dma_start3A_221 = tpu.memref_slice %arg3[%add3A_220] : memref<163840xi32, #tpu.memory_space<hbm>> -> memref<128xi32, #tpu.memory_space<hbm>>
          %dma_start3A_222 = tpu.memref_slice %arg3[%add3A_220] : memref<163840xi32, #tpu.memory_space<hbm>> -> memref<128xi32, #tpu.memory_space<hbm>>
          tpu.enqueue_dma source(%dma_start3A_222 : memref<128xi32, #tpu.memory_space<hbm>>) target(%arg13 : memref<128xi32, #tpu.memory_space<vmem>>) target_semaphore(%arg28 : memref<!tpu.dma_semaphore, #tpu.memory_space<semaphore_mem>>)
        } else {
        }
        %dma_wait3A_139 = arith.constant 0 : i32
        %dma_wait3A_140 = arith.constant 0 : i32
        %dma_wait3A_141 = tpu.memref_slice %arg23[%dma_wait3A_139, %dma_wait3A_140] : memref<10016x128xf32, #tpu.memory_space<vmem_shared>> -> memref<10016x128xf32, #tpu.memory_space<vmem_shared>>
        tpu.wait_indirect_dma semaphore(%arg27 : memref<!tpu.dma_semaphore, #tpu.memory_space<semaphore_mem>>) src(%arg21 : memref<128x128xf32, #tpu.memory_space<vmem>>) dst(%dma_wait3A_141 : memref<10016x128xf32, #tpu.memory_space<vmem_shared>>)
        %add3A_142 = arith.constant 3 : i32
        %add3A_143 = arith.addi %mul3A_103, %add3A_142 : i32
        %mul3A_144 = arith.constant 128 : i32
        %mul3A_145 = arith.muli %add3A_143, %mul3A_144 : i32
        %add3A_146 = arith.addi %mul3A_8, %mul3A_145 : i32
        %dma_wait3A_147 = tpu.memref_slice %arg2[%add3A_146] : memref<163840xi32, #tpu.memory_space<hbm>> -> memref<128xi32, #tpu.memory_space<hbm>>
        %dma_wait3A_148 = tpu.memref_slice %arg2[%add3A_146] : memref<163840xi32, #tpu.memory_space<hbm>> -> memref<128xi32, #tpu.memory_space<hbm>>
        tpu.wait_dma2 semaphore(%arg29 : memref<!tpu.dma_semaphore, #tpu.memory_space<semaphore_mem>>) src(%dma_wait3A_148 : memref<128xi32, #tpu.memory_space<hbm>>) dst(%arg18 : memref<128xi32, #tpu.memory_space<vmem>>)
        %mul3A_149 = arith.constant 128 : i32
        %mul3A_150 = arith.muli %add3A_143, %mul3A_149 : i32
        %add3A_151 = arith.addi %mul3A_8, %mul3A_150 : i32
        %dma_wait3A_152 = tpu.memref_slice %arg3[%add3A_151] : memref<163840xi32, #tpu.memory_space<hbm>> -> memref<128xi32, #tpu.memory_space<hbm>>
        %dma_wait3A_153 = tpu.memref_slice %arg3[%add3A_151] : memref<163840xi32, #tpu.memory_space<hbm>> -> memref<128xi32, #tpu.memory_space<hbm>>
        tpu.wait_dma2 semaphore(%arg29 : memref<!tpu.dma_semaphore, #tpu.memory_space<semaphore_mem>>) src(%dma_wait3A_153 : memref<128xi32, #tpu.memory_space<hbm>>) dst(%arg19 : memref<128xi32, #tpu.memory_space<vmem>>)
        %dma_start3A_154 = arith.constant 0 : i32
        %dma_start3A_155 = arith.constant 0 : i32
        %dma_start3A_156 = tpu.memref_slice %arg4[%dma_start3A_154, %dma_start3A_155] : memref<10016x128xf32, #tpu.memory_space<hbm>> -> memref<10016x128xf32, #tpu.memory_space<hbm>>
        tpu.enqueue_indirect_dma source(%dma_start3A_156 : memref<10016x128xf32, #tpu.memory_space<hbm>>) target(%arg21 : memref<128x128xf32, #tpu.memory_space<vmem>>) offsets(%arg18 : memref<128xi32, #tpu.memory_space<vmem>>) semaphore(%arg25 : memref<!tpu.dma_semaphore, #tpu.memory_space<semaphore_mem>>)
        %add3A_157 = arith.constant 5 : i32
        %add3A_158 = arith.addi %mul3A_103, %add3A_157 : i32
        %lt3A_159 = arith.constant 80 : i32
        %lt3A_160 = arith.cmpi slt, %add3A_158, %lt3A_159 : i32
        %convert_element_type3A_161 = arith.extui %lt3A_160 : i1 to i32
        %cond3A_162 = arith.constant 0 : i32
        %cond3A_163 = arith.cmpi ne, %convert_element_type3A_161, %cond3A_162 : i32
        scf.if %cond3A_163 {
          %add3A_211 = arith.constant 5 : i32
          %add3A_212 = arith.addi %mul3A_103, %add3A_211 : i32
          %mul3A_213 = arith.constant 128 : i32
          %mul3A_214 = arith.muli %add3A_212, %mul3A_213 : i32
          %add3A_215 = arith.addi %mul3A_8, %mul3A_214 : i32
          %dma_start3A_216 = tpu.memref_slice %arg2[%add3A_215] : memref<163840xi32, #tpu.memory_space<hbm>> -> memref<128xi32, #tpu.memory_space<hbm>>
          %dma_start3A_217 = tpu.memref_slice %arg2[%add3A_215] : memref<163840xi32, #tpu.memory_space<hbm>> -> memref<128xi32, #tpu.memory_space<hbm>>
          tpu.enqueue_dma source(%dma_start3A_217 : memref<128xi32, #tpu.memory_space<hbm>>) target(%arg14 : memref<128xi32, #tpu.memory_space<vmem>>) target_semaphore(%arg29 : memref<!tpu.dma_semaphore, #tpu.memory_space<semaphore_mem>>)
          %mul3A_218 = arith.constant 128 : i32
          %mul3A_219 = arith.muli %add3A_212, %mul3A_218 : i32
          %add3A_220 = arith.addi %mul3A_8, %mul3A_219 : i32
          %dma_start3A_221 = tpu.memref_slice %arg3[%add3A_220] : memref<163840xi32, #tpu.memory_space<hbm>> -> memref<128xi32, #tpu.memory_space<hbm>>
          %dma_start3A_222 = tpu.memref_slice %arg3[%add3A_220] : memref<163840xi32, #tpu.memory_space<hbm>> -> memref<128xi32, #tpu.memory_space<hbm>>
          tpu.enqueue_dma source(%dma_start3A_222 : memref<128xi32, #tpu.memory_space<hbm>>) target(%arg15 : memref<128xi32, #tpu.memory_space<vmem>>) target_semaphore(%arg29 : memref<!tpu.dma_semaphore, #tpu.memory_space<semaphore_mem>>)
        } else {
        }
        %dma_wait3A_164 = arith.constant 0 : i32
        %dma_wait3A_165 = arith.constant 0 : i32
        %dma_wait3A_166 = tpu.memref_slice %arg4[%dma_wait3A_164, %dma_wait3A_165] : memref<10016x128xf32, #tpu.memory_space<hbm>> -> memref<10016x128xf32, #tpu.memory_space<hbm>>
        tpu.wait_indirect_dma semaphore(%arg24 : memref<!tpu.dma_semaphore, #tpu.memory_space<semaphore_mem>>) src(%dma_wait3A_166 : memref<10016x128xf32, #tpu.memory_space<hbm>>) dst(%arg20 : memref<128x128xf32, #tpu.memory_space<vmem>>)
        %dma_start3A_167 = arith.constant 0 : i32
        %dma_start3A_168 = arith.constant 0 : i32
        %dma_start3A_169 = tpu.memref_slice %arg23[%dma_start3A_167, %dma_start3A_168] : memref<10016x128xf32, #tpu.memory_space<vmem_shared>> -> memref<10016x128xf32, #tpu.memory_space<vmem_shared>>
        tpu.enqueue_indirect_dma source(%arg20 : memref<128x128xf32, #tpu.memory_space<vmem>>) target(%dma_start3A_169 : memref<10016x128xf32, #tpu.memory_space<vmem_shared>>) offsets(%arg17 : memref<128xi32, #tpu.memory_space<vmem>>) semaphore(%arg26 : memref<!tpu.dma_semaphore, #tpu.memory_space<semaphore_mem>>) {add = true}
        %dma_wait3A_170 = arith.constant 0 : i32
        %dma_wait3A_171 = arith.constant 0 : i32
        %dma_wait3A_172 = tpu.memref_slice %arg4[%dma_wait3A_170, %dma_wait3A_171] : memref<10016x128xf32, #tpu.memory_space<hbm>> -> memref<10016x128xf32, #tpu.memory_space<hbm>>
        tpu.wait_indirect_dma semaphore(%arg25 : memref<!tpu.dma_semaphore, #tpu.memory_space<semaphore_mem>>) src(%dma_wait3A_172 : memref<10016x128xf32, #tpu.memory_space<hbm>>) dst(%arg21 : memref<128x128xf32, #tpu.memory_space<vmem>>)
        %dma_start3A_173 = arith.constant 0 : i32
        %dma_start3A_174 = arith.constant 0 : i32
        %dma_start3A_175 = tpu.memref_slice %arg23[%dma_start3A_173, %dma_start3A_174] : memref<10016x128xf32, #tpu.memory_space<vmem_shared>> -> memref<10016x128xf32, #tpu.memory_space<vmem_shared>>
        tpu.enqueue_indirect_dma source(%arg21 : memref<128x128xf32, #tpu.memory_space<vmem>>) target(%dma_start3A_175 : memref<10016x128xf32, #tpu.memory_space<vmem_shared>>) offsets(%arg19 : memref<128xi32, #tpu.memory_space<vmem>>) semaphore(%arg27 : memref<!tpu.dma_semaphore, #tpu.memory_space<semaphore_mem>>) {add = true}
        %dma_wait3A_176 = arith.constant 0 : i32
        %dma_wait3A_177 = arith.constant 0 : i32
        %dma_wait3A_178 = tpu.memref_slice %arg23[%dma_wait3A_176, %dma_wait3A_177] : memref<10016x128xf32, #tpu.memory_space<vmem_shared>> -> memref<10016x128xf32, #tpu.memory_space<vmem_shared>>
        tpu.wait_indirect_dma semaphore(%arg26 : memref<!tpu.dma_semaphore, #tpu.memory_space<semaphore_mem>>) src(%arg20 : memref<128x128xf32, #tpu.memory_space<vmem>>) dst(%dma_wait3A_178 : memref<10016x128xf32, #tpu.memory_space<vmem_shared>>)
        %add3A_179 = arith.constant 4 : i32
        %add3A_180 = arith.addi %mul3A_103, %add3A_179 : i32
        %lt3A_181 = arith.constant 80 : i32
        %lt3A_182 = arith.cmpi slt, %add3A_180, %lt3A_181 : i32
        %convert_element_type3A_183 = arith.extui %lt3A_182 : i1 to i32
        %cond3A_184 = arith.constant 0 : i32
        %cond3A_185 = arith.cmpi ne, %convert_element_type3A_183, %cond3A_184 : i32
        scf.if %cond3A_185 {
          %add3A_211 = arith.constant 4 : i32
          %add3A_212 = arith.addi %mul3A_103, %add3A_211 : i32
          %mul3A_213 = arith.constant 128 : i32
          %mul3A_214 = arith.muli %add3A_212, %mul3A_213 : i32
          %add3A_215 = arith.addi %mul3A_8, %mul3A_214 : i32
          %dma_wait3A_216 = tpu.memref_slice %arg2[%add3A_215] : memref<163840xi32, #tpu.memory_space<hbm>> -> memref<128xi32, #tpu.memory_space<hbm>>
          %dma_wait3A_217 = tpu.memref_slice %arg2[%add3A_215] : memref<163840xi32, #tpu.memory_space<hbm>> -> memref<128xi32, #tpu.memory_space<hbm>>
          tpu.wait_dma2 semaphore(%arg28 : memref<!tpu.dma_semaphore, #tpu.memory_space<semaphore_mem>>) src(%dma_wait3A_217 : memref<128xi32, #tpu.memory_space<hbm>>) dst(%arg12 : memref<128xi32, #tpu.memory_space<vmem>>)
          %mul3A_218 = arith.constant 128 : i32
          %mul3A_219 = arith.muli %add3A_212, %mul3A_218 : i32
          %add3A_220 = arith.addi %mul3A_8, %mul3A_219 : i32
          %dma_wait3A_221 = tpu.memref_slice %arg3[%add3A_220] : memref<163840xi32, #tpu.memory_space<hbm>> -> memref<128xi32, #tpu.memory_space<hbm>>
          %dma_wait3A_222 = tpu.memref_slice %arg3[%add3A_220] : memref<163840xi32, #tpu.memory_space<hbm>> -> memref<128xi32, #tpu.memory_space<hbm>>
          tpu.wait_dma2 semaphore(%arg28 : memref<!tpu.dma_semaphore, #tpu.memory_space<semaphore_mem>>) src(%dma_wait3A_222 : memref<128xi32, #tpu.memory_space<hbm>>) dst(%arg13 : memref<128xi32, #tpu.memory_space<vmem>>)
          %dma_start3A_223 = arith.constant 0 : i32
          %dma_start3A_224 = arith.constant 0 : i32
          %dma_start3A_225 = tpu.memref_slice %arg4[%dma_start3A_223, %dma_start3A_224] : memref<10016x128xf32, #tpu.memory_space<hbm>> -> memref<10016x128xf32, #tpu.memory_space<hbm>>
          tpu.enqueue_indirect_dma source(%dma_start3A_225 : memref<10016x128xf32, #tpu.memory_space<hbm>>) target(%arg20 : memref<128x128xf32, #tpu.memory_space<vmem>>) offsets(%arg12 : memref<128xi32, #tpu.memory_space<vmem>>) semaphore(%arg24 : memref<!tpu.dma_semaphore, #tpu.memory_space<semaphore_mem>>)
        } else {
        }
        %add3A_186 = arith.constant 6 : i32
        %add3A_187 = arith.addi %mul3A_103, %add3A_186 : i32
        %lt3A_188 = arith.constant 80 : i32
        %lt3A_189 = arith.cmpi slt, %add3A_187, %lt3A_188 : i32
        %convert_element_type3A_190 = arith.extui %lt3A_189 : i1 to i32
        %cond3A_191 = arith.constant 0 : i32
        %cond3A_192 = arith.cmpi ne, %convert_element_type3A_190, %cond3A_191 : i32
        scf.if %cond3A_192 {
          %add3A_211 = arith.constant 6 : i32
          %add3A_212 = arith.addi %mul3A_103, %add3A_211 : i32
          %mul3A_213 = arith.constant 128 : i32
          %mul3A_214 = arith.muli %add3A_212, %mul3A_213 : i32
          %add3A_215 = arith.addi %mul3A_8, %mul3A_214 : i32
          %dma_start3A_216 = tpu.memref_slice %arg2[%add3A_215] : memref<163840xi32, #tpu.memory_space<hbm>> -> memref<128xi32, #tpu.memory_space<hbm>>
          %dma_start3A_217 = tpu.memref_slice %arg2[%add3A_215] : memref<163840xi32, #tpu.memory_space<hbm>> -> memref<128xi32, #tpu.memory_space<hbm>>
          tpu.enqueue_dma source(%dma_start3A_217 : memref<128xi32, #tpu.memory_space<hbm>>) target(%arg16 : memref<128xi32, #tpu.memory_space<vmem>>) target_semaphore(%arg28 : memref<!tpu.dma_semaphore, #tpu.memory_space<semaphore_mem>>)
          %mul3A_218 = arith.constant 128 : i32
          %mul3A_219 = arith.muli %add3A_212, %mul3A_218 : i32
          %add3A_220 = arith.addi %mul3A_8, %mul3A_219 : i32
          %dma_start3A_221 = tpu.memref_slice %arg3[%add3A_220] : memref<163840xi32, #tpu.memory_space<hbm>> -> memref<128xi32, #tpu.memory_space<hbm>>
          %dma_start3A_222 = tpu.memref_slice %arg3[%add3A_220] : memref<163840xi32, #tpu.memory_space<hbm>> -> memref<128xi32, #tpu.memory_space<hbm>>
          tpu.enqueue_dma source(%dma_start3A_222 : memref<128xi32, #tpu.memory_space<hbm>>) target(%arg17 : memref<128xi32, #tpu.memory_space<vmem>>) target_semaphore(%arg28 : memref<!tpu.dma_semaphore, #tpu.memory_space<semaphore_mem>>)
        } else {
        }
        %dma_wait3A_193 = arith.constant 0 : i32
        %dma_wait3A_194 = arith.constant 0 : i32
        %dma_wait3A_195 = tpu.memref_slice %arg23[%dma_wait3A_193, %dma_wait3A_194] : memref<10016x128xf32, #tpu.memory_space<vmem_shared>> -> memref<10016x128xf32, #tpu.memory_space<vmem_shared>>
        tpu.wait_indirect_dma semaphore(%arg27 : memref<!tpu.dma_semaphore, #tpu.memory_space<semaphore_mem>>) src(%arg21 : memref<128x128xf32, #tpu.memory_space<vmem>>) dst(%dma_wait3A_195 : memref<10016x128xf32, #tpu.memory_space<vmem_shared>>)
        %add3A_196 = arith.constant 5 : i32
        %add3A_197 = arith.addi %mul3A_103, %add3A_196 : i32
        %lt3A_198 = arith.constant 80 : i32
        %lt3A_199 = arith.cmpi slt, %add3A_197, %lt3A_198 : i32
        %convert_element_type3A_200 = arith.extui %lt3A_199 : i1 to i32
        %cond3A_201 = arith.constant 0 : i32
        %cond3A_202 = arith.cmpi ne, %convert_element_type3A_200, %cond3A_201 : i32
        scf.if %cond3A_202 {
          %add3A_211 = arith.constant 5 : i32
          %add3A_212 = arith.addi %mul3A_103, %add3A_211 : i32
          %mul3A_213 = arith.constant 128 : i32
          %mul3A_214 = arith.muli %add3A_212, %mul3A_213 : i32
          %add3A_215 = arith.addi %mul3A_8, %mul3A_214 : i32
          %dma_wait3A_216 = tpu.memref_slice %arg2[%add3A_215] : memref<163840xi32, #tpu.memory_space<hbm>> -> memref<128xi32, #tpu.memory_space<hbm>>
          %dma_wait3A_217 = tpu.memref_slice %arg2[%add3A_215] : memref<163840xi32, #tpu.memory_space<hbm>> -> memref<128xi32, #tpu.memory_space<hbm>>
          tpu.wait_dma2 semaphore(%arg29 : memref<!tpu.dma_semaphore, #tpu.memory_space<semaphore_mem>>) src(%dma_wait3A_217 : memref<128xi32, #tpu.memory_space<hbm>>) dst(%arg14 : memref<128xi32, #tpu.memory_space<vmem>>)
          %mul3A_218 = arith.constant 128 : i32
          %mul3A_219 = arith.muli %add3A_212, %mul3A_218 : i32
          %add3A_220 = arith.addi %mul3A_8, %mul3A_219 : i32
          %dma_wait3A_221 = tpu.memref_slice %arg3[%add3A_220] : memref<163840xi32, #tpu.memory_space<hbm>> -> memref<128xi32, #tpu.memory_space<hbm>>
          %dma_wait3A_222 = tpu.memref_slice %arg3[%add3A_220] : memref<163840xi32, #tpu.memory_space<hbm>> -> memref<128xi32, #tpu.memory_space<hbm>>
          tpu.wait_dma2 semaphore(%arg29 : memref<!tpu.dma_semaphore, #tpu.memory_space<semaphore_mem>>) src(%dma_wait3A_222 : memref<128xi32, #tpu.memory_space<hbm>>) dst(%arg15 : memref<128xi32, #tpu.memory_space<vmem>>)
          %dma_start3A_223 = arith.constant 0 : i32
          %dma_start3A_224 = arith.constant 0 : i32
          %dma_start3A_225 = tpu.memref_slice %arg4[%dma_start3A_223, %dma_start3A_224] : memref<10016x128xf32, #tpu.memory_space<hbm>> -> memref<10016x128xf32, #tpu.memory_space<hbm>>
          tpu.enqueue_indirect_dma source(%dma_start3A_225 : memref<10016x128xf32, #tpu.memory_space<hbm>>) target(%arg21 : memref<128x128xf32, #tpu.memory_space<vmem>>) offsets(%arg14 : memref<128xi32, #tpu.memory_space<vmem>>) semaphore(%arg25 : memref<!tpu.dma_semaphore, #tpu.memory_space<semaphore_mem>>)
        } else {
        }
        %add3A_203 = arith.constant 7 : i32
        %add3A_204 = arith.addi %mul3A_103, %add3A_203 : i32
        %lt3A_205 = arith.constant 80 : i32
        %lt3A_206 = arith.cmpi slt, %add3A_204, %lt3A_205 : i32
        %convert_element_type3A_207 = arith.extui %lt3A_206 : i1 to i32
        %cond3A_208 = arith.constant 0 : i32
        %cond3A_209 = arith.cmpi ne, %convert_element_type3A_207, %cond3A_208 : i32
        scf.if %cond3A_209 {
          %add3A_211 = arith.constant 7 : i32
          %add3A_212 = arith.addi %mul3A_103, %add3A_211 : i32
          %mul3A_213 = arith.constant 128 : i32
          %mul3A_214 = arith.muli %add3A_212, %mul3A_213 : i32
          %add3A_215 = arith.addi %mul3A_8, %mul3A_214 : i32
          %dma_start3A_216 = tpu.memref_slice %arg2[%add3A_215] : memref<163840xi32, #tpu.memory_space<hbm>> -> memref<128xi32, #tpu.memory_space<hbm>>
          %dma_start3A_217 = tpu.memref_slice %arg2[%add3A_215] : memref<163840xi32, #tpu.memory_space<hbm>> -> memref<128xi32, #tpu.memory_space<hbm>>
          tpu.enqueue_dma source(%dma_start3A_217 : memref<128xi32, #tpu.memory_space<hbm>>) target(%arg18 : memref<128xi32, #tpu.memory_space<vmem>>) target_semaphore(%arg29 : memref<!tpu.dma_semaphore, #tpu.memory_space<semaphore_mem>>)
          %mul3A_218 = arith.constant 128 : i32
          %mul3A_219 = arith.muli %add3A_212, %mul3A_218 : i32
          %add3A_220 = arith.addi %mul3A_8, %mul3A_219 : i32
          %dma_start3A_221 = tpu.memref_slice %arg3[%add3A_220] : memref<163840xi32, #tpu.memory_space<hbm>> -> memref<128xi32, #tpu.memory_space<hbm>>
          %dma_start3A_222 = tpu.memref_slice %arg3[%add3A_220] : memref<163840xi32, #tpu.memory_space<hbm>> -> memref<128xi32, #tpu.memory_space<hbm>>
          tpu.enqueue_dma source(%dma_start3A_222 : memref<128xi32, #tpu.memory_space<hbm>>) target(%arg19 : memref<128xi32, #tpu.memory_space<vmem>>) target_semaphore(%arg29 : memref<!tpu.dma_semaphore, #tpu.memory_space<semaphore_mem>>)
        } else {
        }
        %scan3A_210 = arith.constant 0 : i32
        scf.yield %scan3A_210 : i32
      }
      %scan3A_99 = arith.constant 20 : i32
    } else {
    }
    %eq3A_20 = arith.constant 1 : i32
    %eq3A_21 = arith.cmpi eq, %arg0, %eq3A_20 : i32
    %convert_element_type3A_22 = arith.extui %eq3A_21 : i1 to i32
    %cond3A_23 = arith.constant 0 : i32
    %cond3A_24 = arith.cmpi ne, %convert_element_type3A_22, %cond3A_23 : i32
    scf.if %cond3A_24 {
      "tpu.region"() ({
        %run_scoped3A = tpu.sem_alloc : memref<!tpu.dma_semaphore, #tpu.memory_space<semaphore_mem>>
        %dma_start3A_100 = tpu.memref_slice %arg2[%mul3A_8] : memref<163840xi32, #tpu.memory_space<hbm>> -> memref<128xi32, #tpu.memory_space<hbm>>
        %dma_start3A_101 = tpu.memref_slice %arg2[%mul3A_8] : memref<163840xi32, #tpu.memory_space<hbm>> -> memref<128xi32, #tpu.memory_space<hbm>>
        tpu.enqueue_dma source(%dma_start3A_101 : memref<128xi32, #tpu.memory_space<hbm>>) target(%arg12 : memref<128xi32, #tpu.memory_space<vmem>>) target_semaphore(%run_scoped3A : memref<!tpu.dma_semaphore, #tpu.memory_space<semaphore_mem>>)
        %dma_wait3A = tpu.memref_slice %arg2[%mul3A_8] : memref<163840xi32, #tpu.memory_space<hbm>> -> memref<128xi32, #tpu.memory_space<hbm>>
        %dma_wait3A_102 = tpu.memref_slice %arg2[%mul3A_8] : memref<163840xi32, #tpu.memory_space<hbm>> -> memref<128xi32, #tpu.memory_space<hbm>>
        tpu.wait_dma2 semaphore(%run_scoped3A : memref<!tpu.dma_semaphore, #tpu.memory_space<semaphore_mem>>) src(%dma_wait3A_102 : memref<128xi32, #tpu.memory_space<hbm>>) dst(%arg12 : memref<128xi32, #tpu.memory_space<vmem>>)
        tpu.yield
      }) : () -> ()
      "tpu.region"() ({
        %run_scoped3A = tpu.sem_alloc : memref<!tpu.dma_semaphore, #tpu.memory_space<semaphore_mem>>
        %dma_start3A_100 = tpu.memref_slice %arg3[%mul3A_8] : memref<163840xi32, #tpu.memory_space<hbm>> -> memref<128xi32, #tpu.memory_space<hbm>>
        %dma_start3A_101 = tpu.memref_slice %arg3[%mul3A_8] : memref<163840xi32, #tpu.memory_space<hbm>> -> memref<128xi32, #tpu.memory_space<hbm>>
        tpu.enqueue_dma source(%dma_start3A_101 : memref<128xi32, #tpu.memory_space<hbm>>) target(%arg13 : memref<128xi32, #tpu.memory_space<vmem>>) target_semaphore(%run_scoped3A : memref<!tpu.dma_semaphore, #tpu.memory_space<semaphore_mem>>)
        %dma_wait3A = tpu.memref_slice %arg3[%mul3A_8] : memref<163840xi32, #tpu.memory_space<hbm>> -> memref<128xi32, #tpu.memory_space<hbm>>
        %dma_wait3A_102 = tpu.memref_slice %arg3[%mul3A_8] : memref<163840xi32, #tpu.memory_space<hbm>> -> memref<128xi32, #tpu.memory_space<hbm>>
        tpu.wait_dma2 semaphore(%run_scoped3A : memref<!tpu.dma_semaphore, #tpu.memory_space<semaphore_mem>>) src(%dma_wait3A_102 : memref<128xi32, #tpu.memory_space<hbm>>) dst(%arg13 : memref<128xi32, #tpu.memory_space<vmem>>)
        tpu.yield
      }) : () -> ()
      %add3A_68 = arith.constant 128 : i32
      %add3A_69 = arith.addi %mul3A_8, %add3A_68 : i32
      "tpu.region"() ({
        %run_scoped3A = tpu.sem_alloc : memref<!tpu.dma_semaphore, #tpu.memory_space<semaphore_mem>>
        %dma_start3A_100 = tpu.memref_slice %arg2[%add3A_69] : memref<163840xi32, #tpu.memory_space<hbm>> -> memref<128xi32, #tpu.memory_space<hbm>>
        %dma_start3A_101 = tpu.memref_slice %arg2[%add3A_69] : memref<163840xi32, #tpu.memory_space<hbm>> -> memref<128xi32, #tpu.memory_space<hbm>>
        tpu.enqueue_dma source(%dma_start3A_101 : memref<128xi32, #tpu.memory_space<hbm>>) target(%arg14 : memref<128xi32, #tpu.memory_space<vmem>>) target_semaphore(%run_scoped3A : memref<!tpu.dma_semaphore, #tpu.memory_space<semaphore_mem>>)
        %dma_wait3A = tpu.memref_slice %arg2[%add3A_69] : memref<163840xi32, #tpu.memory_space<hbm>> -> memref<128xi32, #tpu.memory_space<hbm>>
        %dma_wait3A_102 = tpu.memref_slice %arg2[%add3A_69] : memref<163840xi32, #tpu.memory_space<hbm>> -> memref<128xi32, #tpu.memory_space<hbm>>
        tpu.wait_dma2 semaphore(%run_scoped3A : memref<!tpu.dma_semaphore, #tpu.memory_space<semaphore_mem>>) src(%dma_wait3A_102 : memref<128xi32, #tpu.memory_space<hbm>>) dst(%arg14 : memref<128xi32, #tpu.memory_space<vmem>>)
        tpu.yield
      }) : () -> ()
      %add3A_70 = arith.constant 128 : i32
      %add3A_71 = arith.addi %mul3A_8, %add3A_70 : i32
      "tpu.region"() ({
        %run_scoped3A = tpu.sem_alloc : memref<!tpu.dma_semaphore, #tpu.memory_space<semaphore_mem>>
        %dma_start3A_100 = tpu.memref_slice %arg3[%add3A_71] : memref<163840xi32, #tpu.memory_space<hbm>> -> memref<128xi32, #tpu.memory_space<hbm>>
        %dma_start3A_101 = tpu.memref_slice %arg3[%add3A_71] : memref<163840xi32, #tpu.memory_space<hbm>> -> memref<128xi32, #tpu.memory_space<hbm>>
        tpu.enqueue_dma source(%dma_start3A_101 : memref<128xi32, #tpu.memory_space<hbm>>) target(%arg15 : memref<128xi32, #tpu.memory_space<vmem>>) target_semaphore(%run_scoped3A : memref<!tpu.dma_semaphore, #tpu.memory_space<semaphore_mem>>)
        %dma_wait3A = tpu.memref_slice %arg3[%add3A_71] : memref<163840xi32, #tpu.memory_space<hbm>> -> memref<128xi32, #tpu.memory_space<hbm>>
        %dma_wait3A_102 = tpu.memref_slice %arg3[%add3A_71] : memref<163840xi32, #tpu.memory_space<hbm>> -> memref<128xi32, #tpu.memory_space<hbm>>
        tpu.wait_dma2 semaphore(%run_scoped3A : memref<!tpu.dma_semaphore, #tpu.memory_space<semaphore_mem>>) src(%dma_wait3A_102 : memref<128xi32, #tpu.memory_space<hbm>>) dst(%arg15 : memref<128xi32, #tpu.memory_space<vmem>>)
        tpu.yield
      }) : () -> ()
      %dma_start3A = arith.constant 0 : i32
      %dma_start3A_72 = arith.constant 0 : i32
      %dma_start3A_73 = tpu.memref_slice %arg6[%dma_start3A, %dma_start3A_72] : memref<10016x128xf32, #tpu.memory_space<hbm>> -> memref<10016x128xf32, #tpu.memory_space<hbm>>
      tpu.enqueue_indirect_dma source(%dma_start3A_73 : memref<10016x128xf32, #tpu.memory_space<hbm>>) target(%arg20 : memref<128x128xf32, #tpu.memory_space<vmem>>) offsets(%arg12 : memref<128xi32, #tpu.memory_space<vmem>>) semaphore(%arg24 : memref<!tpu.dma_semaphore, #tpu.memory_space<semaphore_mem>>)
      %dma_start3A_74 = arith.constant 0 : i32
      %dma_start3A_75 = arith.constant 0 : i32
      %dma_start3A_76 = tpu.memref_slice %arg6[%dma_start3A_74, %dma_start3A_75] : memref<10016x128xf32, #tpu.memory_space<hbm>> -> memref<10016x128xf32, #tpu.memory_space<hbm>>
      tpu.enqueue_indirect_dma source(%dma_start3A_76 : memref<10016x128xf32, #tpu.memory_space<hbm>>) target(%arg21 : memref<128x128xf32, #tpu.memory_space<vmem>>) offsets(%arg14 : memref<128xi32, #tpu.memory_space<vmem>>) semaphore(%arg25 : memref<!tpu.dma_semaphore, #tpu.memory_space<semaphore_mem>>)
      %add3A_77 = arith.constant 256 : i32
      %add3A_78 = arith.addi %mul3A_8, %add3A_77 : i32
      %dma_start3A_79 = tpu.memref_slice %arg2[%add3A_78] : memref<163840xi32, #tpu.memory_space<hbm>> -> memref<128xi32, #tpu.memory_space<hbm>>
      %dma_start3A_80 = tpu.memref_slice %arg2[%add3A_78] : memref<163840xi32, #tpu.memory_space<hbm>> -> memref<128xi32, #tpu.memory_space<hbm>>
      tpu.enqueue_dma source(%dma_start3A_80 : memref<128xi32, #tpu.memory_space<hbm>>) target(%arg16 : memref<128xi32, #tpu.memory_space<vmem>>) target_semaphore(%arg28 : memref<!tpu.dma_semaphore, #tpu.memory_space<semaphore_mem>>)
      %add3A_81 = arith.constant 256 : i32
      %add3A_82 = arith.addi %mul3A_8, %add3A_81 : i32
      %dma_start3A_83 = tpu.memref_slice %arg3[%add3A_82] : memref<163840xi32, #tpu.memory_space<hbm>> -> memref<128xi32, #tpu.memory_space<hbm>>
      %dma_start3A_84 = tpu.memref_slice %arg3[%add3A_82] : memref<163840xi32, #tpu.memory_space<hbm>> -> memref<128xi32, #tpu.memory_space<hbm>>
      tpu.enqueue_dma source(%dma_start3A_84 : memref<128xi32, #tpu.memory_space<hbm>>) target(%arg17 : memref<128xi32, #tpu.memory_space<vmem>>) target_semaphore(%arg28 : memref<!tpu.dma_semaphore, #tpu.memory_space<semaphore_mem>>)
      %add3A_85 = arith.constant 384 : i32
      %add3A_86 = arith.addi %mul3A_8, %add3A_85 : i32
      %dma_start3A_87 = tpu.memref_slice %arg2[%add3A_86] : memref<163840xi32, #tpu.memory_space<hbm>> -> memref<128xi32, #tpu.memory_space<hbm>>
      %dma_start3A_88 = tpu.memref_slice %arg2[%add3A_86] : memref<163840xi32, #tpu.memory_space<hbm>> -> memref<128xi32, #tpu.memory_space<hbm>>
      tpu.enqueue_dma source(%dma_start3A_88 : memref<128xi32, #tpu.memory_space<hbm>>) target(%arg18 : memref<128xi32, #tpu.memory_space<vmem>>) target_semaphore(%arg29 : memref<!tpu.dma_semaphore, #tpu.memory_space<semaphore_mem>>)
      %add3A_89 = arith.constant 384 : i32
      %add3A_90 = arith.addi %mul3A_8, %add3A_89 : i32
      %dma_start3A_91 = tpu.memref_slice %arg3[%add3A_90] : memref<163840xi32, #tpu.memory_space<hbm>> -> memref<128xi32, #tpu.memory_space<hbm>>
      %dma_start3A_92 = tpu.memref_slice %arg3[%add3A_90] : memref<163840xi32, #tpu.memory_space<hbm>> -> memref<128xi32, #tpu.memory_space<hbm>>
      tpu.enqueue_dma source(%dma_start3A_92 : memref<128xi32, #tpu.memory_space<hbm>>) target(%arg19 : memref<128xi32, #tpu.memory_space<vmem>>) target_semaphore(%arg29 : memref<!tpu.dma_semaphore, #tpu.memory_space<semaphore_mem>>)
      %scan3A_93 = arith.constant 0 : i32
      %scan3A_94 = arith.constant 0 : i32
      %scan3A_95 = arith.constant 20 : i32
      %scan3A_96 = arith.addi %scan3A_94, %scan3A_95 : i32
      %scan3A_97 = arith.constant 1 : i32
      %scan3A_98 = scf.for %scan3A_100 = %scan3A_94 to %scan3A_96 step %scan3A_97 iter_args(%scan3A_101 = %scan3A_93) -> (i32)  : i32 {
        %mul3A_102 = arith.constant 4 : i32
        %mul3A_103 = arith.muli %mul3A_102, %scan3A_100 : i32
        %dma_wait3A = arith.constant 0 : i32
        %dma_wait3A_104 = arith.constant 0 : i32
        %dma_wait3A_105 = tpu.memref_slice %arg6[%dma_wait3A, %dma_wait3A_104] : memref<10016x128xf32, #tpu.memory_space<hbm>> -> memref<10016x128xf32, #tpu.memory_space<hbm>>
        tpu.wait_indirect_dma semaphore(%arg24 : memref<!tpu.dma_semaphore, #tpu.memory_space<semaphore_mem>>) src(%dma_wait3A_105 : memref<10016x128xf32, #tpu.memory_space<hbm>>) dst(%arg20 : memref<128x128xf32, #tpu.memory_space<vmem>>)
        %dma_start3A_106 = arith.constant 0 : i32
        %dma_start3A_107 = arith.constant 0 : i32
        %dma_start3A_108 = tpu.memref_slice %arg23[%dma_start3A_106, %dma_start3A_107] : memref<10016x128xf32, #tpu.memory_space<vmem_shared>> -> memref<10016x128xf32, #tpu.memory_space<vmem_shared>>
        tpu.enqueue_indirect_dma source(%arg20 : memref<128x128xf32, #tpu.memory_space<vmem>>) target(%dma_start3A_108 : memref<10016x128xf32, #tpu.memory_space<vmem_shared>>) offsets(%arg13 : memref<128xi32, #tpu.memory_space<vmem>>) semaphore(%arg26 : memref<!tpu.dma_semaphore, #tpu.memory_space<semaphore_mem>>) {add = true}
        %dma_wait3A_109 = arith.constant 0 : i32
        %dma_wait3A_110 = arith.constant 0 : i32
        %dma_wait3A_111 = tpu.memref_slice %arg6[%dma_wait3A_109, %dma_wait3A_110] : memref<10016x128xf32, #tpu.memory_space<hbm>> -> memref<10016x128xf32, #tpu.memory_space<hbm>>
        tpu.wait_indirect_dma semaphore(%arg25 : memref<!tpu.dma_semaphore, #tpu.memory_space<semaphore_mem>>) src(%dma_wait3A_111 : memref<10016x128xf32, #tpu.memory_space<hbm>>) dst(%arg21 : memref<128x128xf32, #tpu.memory_space<vmem>>)
        %dma_start3A_112 = arith.constant 0 : i32
        %dma_start3A_113 = arith.constant 0 : i32
        %dma_start3A_114 = tpu.memref_slice %arg23[%dma_start3A_112, %dma_start3A_113] : memref<10016x128xf32, #tpu.memory_space<vmem_shared>> -> memref<10016x128xf32, #tpu.memory_space<vmem_shared>>
        tpu.enqueue_indirect_dma source(%arg21 : memref<128x128xf32, #tpu.memory_space<vmem>>) target(%dma_start3A_114 : memref<10016x128xf32, #tpu.memory_space<vmem_shared>>) offsets(%arg15 : memref<128xi32, #tpu.memory_space<vmem>>) semaphore(%arg27 : memref<!tpu.dma_semaphore, #tpu.memory_space<semaphore_mem>>) {add = true}
        %dma_wait3A_115 = arith.constant 0 : i32
        %dma_wait3A_116 = arith.constant 0 : i32
        %dma_wait3A_117 = tpu.memref_slice %arg23[%dma_wait3A_115, %dma_wait3A_116] : memref<10016x128xf32, #tpu.memory_space<vmem_shared>> -> memref<10016x128xf32, #tpu.memory_space<vmem_shared>>
        tpu.wait_indirect_dma semaphore(%arg26 : memref<!tpu.dma_semaphore, #tpu.memory_space<semaphore_mem>>) src(%arg20 : memref<128x128xf32, #tpu.memory_space<vmem>>) dst(%dma_wait3A_117 : memref<10016x128xf32, #tpu.memory_space<vmem_shared>>)
        %add3A_118 = arith.constant 2 : i32
        %add3A_119 = arith.addi %mul3A_103, %add3A_118 : i32
        %mul3A_120 = arith.constant 128 : i32
        %mul3A_121 = arith.muli %add3A_119, %mul3A_120 : i32
        %add3A_122 = arith.addi %mul3A_8, %mul3A_121 : i32
        %dma_wait3A_123 = tpu.memref_slice %arg2[%add3A_122] : memref<163840xi32, #tpu.memory_space<hbm>> -> memref<128xi32, #tpu.memory_space<hbm>>
        %dma_wait3A_124 = tpu.memref_slice %arg2[%add3A_122] : memref<163840xi32, #tpu.memory_space<hbm>> -> memref<128xi32, #tpu.memory_space<hbm>>
        tpu.wait_dma2 semaphore(%arg28 : memref<!tpu.dma_semaphore, #tpu.memory_space<semaphore_mem>>) src(%dma_wait3A_124 : memref<128xi32, #tpu.memory_space<hbm>>) dst(%arg16 : memref<128xi32, #tpu.memory_space<vmem>>)
        %mul3A_125 = arith.constant 128 : i32
        %mul3A_126 = arith.muli %add3A_119, %mul3A_125 : i32
        %add3A_127 = arith.addi %mul3A_8, %mul3A_126 : i32
        %dma_wait3A_128 = tpu.memref_slice %arg3[%add3A_127] : memref<163840xi32, #tpu.memory_space<hbm>> -> memref<128xi32, #tpu.memory_space<hbm>>
        %dma_wait3A_129 = tpu.memref_slice %arg3[%add3A_127] : memref<163840xi32, #tpu.memory_space<hbm>> -> memref<128xi32, #tpu.memory_space<hbm>>
        tpu.wait_dma2 semaphore(%arg28 : memref<!tpu.dma_semaphore, #tpu.memory_space<semaphore_mem>>) src(%dma_wait3A_129 : memref<128xi32, #tpu.memory_space<hbm>>) dst(%arg17 : memref<128xi32, #tpu.memory_space<vmem>>)
        %dma_start3A_130 = arith.constant 0 : i32
        %dma_start3A_131 = arith.constant 0 : i32
        %dma_start3A_132 = tpu.memref_slice %arg6[%dma_start3A_130, %dma_start3A_131] : memref<10016x128xf32, #tpu.memory_space<hbm>> -> memref<10016x128xf32, #tpu.memory_space<hbm>>
        tpu.enqueue_indirect_dma source(%dma_start3A_132 : memref<10016x128xf32, #tpu.memory_space<hbm>>) target(%arg20 : memref<128x128xf32, #tpu.memory_space<vmem>>) offsets(%arg16 : memref<128xi32, #tpu.memory_space<vmem>>) semaphore(%arg24 : memref<!tpu.dma_semaphore, #tpu.memory_space<semaphore_mem>>)
        %add3A_133 = arith.constant 4 : i32
        %add3A_134 = arith.addi %mul3A_103, %add3A_133 : i32
        %lt3A = arith.constant 80 : i32
        %lt3A_135 = arith.cmpi slt, %add3A_134, %lt3A : i32
        %convert_element_type3A_136 = arith.extui %lt3A_135 : i1 to i32
        %cond3A_137 = arith.constant 0 : i32
        %cond3A_138 = arith.cmpi ne, %convert_element_type3A_136, %cond3A_137 : i32
        scf.if %cond3A_138 {
          %add3A_211 = arith.constant 4 : i32
          %add3A_212 = arith.addi %mul3A_103, %add3A_211 : i32
          %mul3A_213 = arith.constant 128 : i32
          %mul3A_214 = arith.muli %add3A_212, %mul3A_213 : i32
          %add3A_215 = arith.addi %mul3A_8, %mul3A_214 : i32
          %dma_start3A_216 = tpu.memref_slice %arg2[%add3A_215] : memref<163840xi32, #tpu.memory_space<hbm>> -> memref<128xi32, #tpu.memory_space<hbm>>
          %dma_start3A_217 = tpu.memref_slice %arg2[%add3A_215] : memref<163840xi32, #tpu.memory_space<hbm>> -> memref<128xi32, #tpu.memory_space<hbm>>
          tpu.enqueue_dma source(%dma_start3A_217 : memref<128xi32, #tpu.memory_space<hbm>>) target(%arg12 : memref<128xi32, #tpu.memory_space<vmem>>) target_semaphore(%arg28 : memref<!tpu.dma_semaphore, #tpu.memory_space<semaphore_mem>>)
          %mul3A_218 = arith.constant 128 : i32
          %mul3A_219 = arith.muli %add3A_212, %mul3A_218 : i32
          %add3A_220 = arith.addi %mul3A_8, %mul3A_219 : i32
          %dma_start3A_221 = tpu.memref_slice %arg3[%add3A_220] : memref<163840xi32, #tpu.memory_space<hbm>> -> memref<128xi32, #tpu.memory_space<hbm>>
          %dma_start3A_222 = tpu.memref_slice %arg3[%add3A_220] : memref<163840xi32, #tpu.memory_space<hbm>> -> memref<128xi32, #tpu.memory_space<hbm>>
          tpu.enqueue_dma source(%dma_start3A_222 : memref<128xi32, #tpu.memory_space<hbm>>) target(%arg13 : memref<128xi32, #tpu.memory_space<vmem>>) target_semaphore(%arg28 : memref<!tpu.dma_semaphore, #tpu.memory_space<semaphore_mem>>)
        } else {
        }
        %dma_wait3A_139 = arith.constant 0 : i32
        %dma_wait3A_140 = arith.constant 0 : i32
        %dma_wait3A_141 = tpu.memref_slice %arg23[%dma_wait3A_139, %dma_wait3A_140] : memref<10016x128xf32, #tpu.memory_space<vmem_shared>> -> memref<10016x128xf32, #tpu.memory_space<vmem_shared>>
        tpu.wait_indirect_dma semaphore(%arg27 : memref<!tpu.dma_semaphore, #tpu.memory_space<semaphore_mem>>) src(%arg21 : memref<128x128xf32, #tpu.memory_space<vmem>>) dst(%dma_wait3A_141 : memref<10016x128xf32, #tpu.memory_space<vmem_shared>>)
        %add3A_142 = arith.constant 3 : i32
        %add3A_143 = arith.addi %mul3A_103, %add3A_142 : i32
        %mul3A_144 = arith.constant 128 : i32
        %mul3A_145 = arith.muli %add3A_143, %mul3A_144 : i32
        %add3A_146 = arith.addi %mul3A_8, %mul3A_145 : i32
        %dma_wait3A_147 = tpu.memref_slice %arg2[%add3A_146] : memref<163840xi32, #tpu.memory_space<hbm>> -> memref<128xi32, #tpu.memory_space<hbm>>
        %dma_wait3A_148 = tpu.memref_slice %arg2[%add3A_146] : memref<163840xi32, #tpu.memory_space<hbm>> -> memref<128xi32, #tpu.memory_space<hbm>>
        tpu.wait_dma2 semaphore(%arg29 : memref<!tpu.dma_semaphore, #tpu.memory_space<semaphore_mem>>) src(%dma_wait3A_148 : memref<128xi32, #tpu.memory_space<hbm>>) dst(%arg18 : memref<128xi32, #tpu.memory_space<vmem>>)
        %mul3A_149 = arith.constant 128 : i32
        %mul3A_150 = arith.muli %add3A_143, %mul3A_149 : i32
        %add3A_151 = arith.addi %mul3A_8, %mul3A_150 : i32
        %dma_wait3A_152 = tpu.memref_slice %arg3[%add3A_151] : memref<163840xi32, #tpu.memory_space<hbm>> -> memref<128xi32, #tpu.memory_space<hbm>>
        %dma_wait3A_153 = tpu.memref_slice %arg3[%add3A_151] : memref<163840xi32, #tpu.memory_space<hbm>> -> memref<128xi32, #tpu.memory_space<hbm>>
        tpu.wait_dma2 semaphore(%arg29 : memref<!tpu.dma_semaphore, #tpu.memory_space<semaphore_mem>>) src(%dma_wait3A_153 : memref<128xi32, #tpu.memory_space<hbm>>) dst(%arg19 : memref<128xi32, #tpu.memory_space<vmem>>)
        %dma_start3A_154 = arith.constant 0 : i32
        %dma_start3A_155 = arith.constant 0 : i32
        %dma_start3A_156 = tpu.memref_slice %arg6[%dma_start3A_154, %dma_start3A_155] : memref<10016x128xf32, #tpu.memory_space<hbm>> -> memref<10016x128xf32, #tpu.memory_space<hbm>>
        tpu.enqueue_indirect_dma source(%dma_start3A_156 : memref<10016x128xf32, #tpu.memory_space<hbm>>) target(%arg21 : memref<128x128xf32, #tpu.memory_space<vmem>>) offsets(%arg18 : memref<128xi32, #tpu.memory_space<vmem>>) semaphore(%arg25 : memref<!tpu.dma_semaphore, #tpu.memory_space<semaphore_mem>>)
        %add3A_157 = arith.constant 5 : i32
        %add3A_158 = arith.addi %mul3A_103, %add3A_157 : i32
        %lt3A_159 = arith.constant 80 : i32
        %lt3A_160 = arith.cmpi slt, %add3A_158, %lt3A_159 : i32
        %convert_element_type3A_161 = arith.extui %lt3A_160 : i1 to i32
        %cond3A_162 = arith.constant 0 : i32
        %cond3A_163 = arith.cmpi ne, %convert_element_type3A_161, %cond3A_162 : i32
        scf.if %cond3A_163 {
          %add3A_211 = arith.constant 5 : i32
          %add3A_212 = arith.addi %mul3A_103, %add3A_211 : i32
          %mul3A_213 = arith.constant 128 : i32
          %mul3A_214 = arith.muli %add3A_212, %mul3A_213 : i32
          %add3A_215 = arith.addi %mul3A_8, %mul3A_214 : i32
          %dma_start3A_216 = tpu.memref_slice %arg2[%add3A_215] : memref<163840xi32, #tpu.memory_space<hbm>> -> memref<128xi32, #tpu.memory_space<hbm>>
          %dma_start3A_217 = tpu.memref_slice %arg2[%add3A_215] : memref<163840xi32, #tpu.memory_space<hbm>> -> memref<128xi32, #tpu.memory_space<hbm>>
          tpu.enqueue_dma source(%dma_start3A_217 : memref<128xi32, #tpu.memory_space<hbm>>) target(%arg14 : memref<128xi32, #tpu.memory_space<vmem>>) target_semaphore(%arg29 : memref<!tpu.dma_semaphore, #tpu.memory_space<semaphore_mem>>)
          %mul3A_218 = arith.constant 128 : i32
          %mul3A_219 = arith.muli %add3A_212, %mul3A_218 : i32
          %add3A_220 = arith.addi %mul3A_8, %mul3A_219 : i32
          %dma_start3A_221 = tpu.memref_slice %arg3[%add3A_220] : memref<163840xi32, #tpu.memory_space<hbm>> -> memref<128xi32, #tpu.memory_space<hbm>>
          %dma_start3A_222 = tpu.memref_slice %arg3[%add3A_220] : memref<163840xi32, #tpu.memory_space<hbm>> -> memref<128xi32, #tpu.memory_space<hbm>>
          tpu.enqueue_dma source(%dma_start3A_222 : memref<128xi32, #tpu.memory_space<hbm>>) target(%arg15 : memref<128xi32, #tpu.memory_space<vmem>>) target_semaphore(%arg29 : memref<!tpu.dma_semaphore, #tpu.memory_space<semaphore_mem>>)
        } else {
        }
        %dma_wait3A_164 = arith.constant 0 : i32
        %dma_wait3A_165 = arith.constant 0 : i32
        %dma_wait3A_166 = tpu.memref_slice %arg6[%dma_wait3A_164, %dma_wait3A_165] : memref<10016x128xf32, #tpu.memory_space<hbm>> -> memref<10016x128xf32, #tpu.memory_space<hbm>>
        tpu.wait_indirect_dma semaphore(%arg24 : memref<!tpu.dma_semaphore, #tpu.memory_space<semaphore_mem>>) src(%dma_wait3A_166 : memref<10016x128xf32, #tpu.memory_space<hbm>>) dst(%arg20 : memref<128x128xf32, #tpu.memory_space<vmem>>)
        %dma_start3A_167 = arith.constant 0 : i32
        %dma_start3A_168 = arith.constant 0 : i32
        %dma_start3A_169 = tpu.memref_slice %arg23[%dma_start3A_167, %dma_start3A_168] : memref<10016x128xf32, #tpu.memory_space<vmem_shared>> -> memref<10016x128xf32, #tpu.memory_space<vmem_shared>>
        tpu.enqueue_indirect_dma source(%arg20 : memref<128x128xf32, #tpu.memory_space<vmem>>) target(%dma_start3A_169 : memref<10016x128xf32, #tpu.memory_space<vmem_shared>>) offsets(%arg17 : memref<128xi32, #tpu.memory_space<vmem>>) semaphore(%arg26 : memref<!tpu.dma_semaphore, #tpu.memory_space<semaphore_mem>>) {add = true}
        %dma_wait3A_170 = arith.constant 0 : i32
        %dma_wait3A_171 = arith.constant 0 : i32
        %dma_wait3A_172 = tpu.memref_slice %arg6[%dma_wait3A_170, %dma_wait3A_171] : memref<10016x128xf32, #tpu.memory_space<hbm>> -> memref<10016x128xf32, #tpu.memory_space<hbm>>
        tpu.wait_indirect_dma semaphore(%arg25 : memref<!tpu.dma_semaphore, #tpu.memory_space<semaphore_mem>>) src(%dma_wait3A_172 : memref<10016x128xf32, #tpu.memory_space<hbm>>) dst(%arg21 : memref<128x128xf32, #tpu.memory_space<vmem>>)
        %dma_start3A_173 = arith.constant 0 : i32
        %dma_start3A_174 = arith.constant 0 : i32
        %dma_start3A_175 = tpu.memref_slice %arg23[%dma_start3A_173, %dma_start3A_174] : memref<10016x128xf32, #tpu.memory_space<vmem_shared>> -> memref<10016x128xf32, #tpu.memory_space<vmem_shared>>
        tpu.enqueue_indirect_dma source(%arg21 : memref<128x128xf32, #tpu.memory_space<vmem>>) target(%dma_start3A_175 : memref<10016x128xf32, #tpu.memory_space<vmem_shared>>) offsets(%arg19 : memref<128xi32, #tpu.memory_space<vmem>>) semaphore(%arg27 : memref<!tpu.dma_semaphore, #tpu.memory_space<semaphore_mem>>) {add = true}
        %dma_wait3A_176 = arith.constant 0 : i32
        %dma_wait3A_177 = arith.constant 0 : i32
        %dma_wait3A_178 = tpu.memref_slice %arg23[%dma_wait3A_176, %dma_wait3A_177] : memref<10016x128xf32, #tpu.memory_space<vmem_shared>> -> memref<10016x128xf32, #tpu.memory_space<vmem_shared>>
        tpu.wait_indirect_dma semaphore(%arg26 : memref<!tpu.dma_semaphore, #tpu.memory_space<semaphore_mem>>) src(%arg20 : memref<128x128xf32, #tpu.memory_space<vmem>>) dst(%dma_wait3A_178 : memref<10016x128xf32, #tpu.memory_space<vmem_shared>>)
        %add3A_179 = arith.constant 4 : i32
        %add3A_180 = arith.addi %mul3A_103, %add3A_179 : i32
        %lt3A_181 = arith.constant 80 : i32
        %lt3A_182 = arith.cmpi slt, %add3A_180, %lt3A_181 : i32
        %convert_element_type3A_183 = arith.extui %lt3A_182 : i1 to i32
        %cond3A_184 = arith.constant 0 : i32
        %cond3A_185 = arith.cmpi ne, %convert_element_type3A_183, %cond3A_184 : i32
        scf.if %cond3A_185 {
          %add3A_211 = arith.constant 4 : i32
          %add3A_212 = arith.addi %mul3A_103, %add3A_211 : i32
          %mul3A_213 = arith.constant 128 : i32
          %mul3A_214 = arith.muli %add3A_212, %mul3A_213 : i32
          %add3A_215 = arith.addi %mul3A_8, %mul3A_214 : i32
          %dma_wait3A_216 = tpu.memref_slice %arg2[%add3A_215] : memref<163840xi32, #tpu.memory_space<hbm>> -> memref<128xi32, #tpu.memory_space<hbm>>
          %dma_wait3A_217 = tpu.memref_slice %arg2[%add3A_215] : memref<163840xi32, #tpu.memory_space<hbm>> -> memref<128xi32, #tpu.memory_space<hbm>>
          tpu.wait_dma2 semaphore(%arg28 : memref<!tpu.dma_semaphore, #tpu.memory_space<semaphore_mem>>) src(%dma_wait3A_217 : memref<128xi32, #tpu.memory_space<hbm>>) dst(%arg12 : memref<128xi32, #tpu.memory_space<vmem>>)
          %mul3A_218 = arith.constant 128 : i32
          %mul3A_219 = arith.muli %add3A_212, %mul3A_218 : i32
          %add3A_220 = arith.addi %mul3A_8, %mul3A_219 : i32
          %dma_wait3A_221 = tpu.memref_slice %arg3[%add3A_220] : memref<163840xi32, #tpu.memory_space<hbm>> -> memref<128xi32, #tpu.memory_space<hbm>>
          %dma_wait3A_222 = tpu.memref_slice %arg3[%add3A_220] : memref<163840xi32, #tpu.memory_space<hbm>> -> memref<128xi32, #tpu.memory_space<hbm>>
          tpu.wait_dma2 semaphore(%arg28 : memref<!tpu.dma_semaphore, #tpu.memory_space<semaphore_mem>>) src(%dma_wait3A_222 : memref<128xi32, #tpu.memory_space<hbm>>) dst(%arg13 : memref<128xi32, #tpu.memory_space<vmem>>)
          %dma_start3A_223 = arith.constant 0 : i32
          %dma_start3A_224 = arith.constant 0 : i32
          %dma_start3A_225 = tpu.memref_slice %arg6[%dma_start3A_223, %dma_start3A_224] : memref<10016x128xf32, #tpu.memory_space<hbm>> -> memref<10016x128xf32, #tpu.memory_space<hbm>>
          tpu.enqueue_indirect_dma source(%dma_start3A_225 : memref<10016x128xf32, #tpu.memory_space<hbm>>) target(%arg20 : memref<128x128xf32, #tpu.memory_space<vmem>>) offsets(%arg12 : memref<128xi32, #tpu.memory_space<vmem>>) semaphore(%arg24 : memref<!tpu.dma_semaphore, #tpu.memory_space<semaphore_mem>>)
        } else {
        }
        %add3A_186 = arith.constant 6 : i32
        %add3A_187 = arith.addi %mul3A_103, %add3A_186 : i32
        %lt3A_188 = arith.constant 80 : i32
        %lt3A_189 = arith.cmpi slt, %add3A_187, %lt3A_188 : i32
        %convert_element_type3A_190 = arith.extui %lt3A_189 : i1 to i32
        %cond3A_191 = arith.constant 0 : i32
        %cond3A_192 = arith.cmpi ne, %convert_element_type3A_190, %cond3A_191 : i32
        scf.if %cond3A_192 {
          %add3A_211 = arith.constant 6 : i32
          %add3A_212 = arith.addi %mul3A_103, %add3A_211 : i32
          %mul3A_213 = arith.constant 128 : i32
          %mul3A_214 = arith.muli %add3A_212, %mul3A_213 : i32
          %add3A_215 = arith.addi %mul3A_8, %mul3A_214 : i32
          %dma_start3A_216 = tpu.memref_slice %arg2[%add3A_215] : memref<163840xi32, #tpu.memory_space<hbm>> -> memref<128xi32, #tpu.memory_space<hbm>>
          %dma_start3A_217 = tpu.memref_slice %arg2[%add3A_215] : memref<163840xi32, #tpu.memory_space<hbm>> -> memref<128xi32, #tpu.memory_space<hbm>>
          tpu.enqueue_dma source(%dma_start3A_217 : memref<128xi32, #tpu.memory_space<hbm>>) target(%arg16 : memref<128xi32, #tpu.memory_space<vmem>>) target_semaphore(%arg28 : memref<!tpu.dma_semaphore, #tpu.memory_space<semaphore_mem>>)
          %mul3A_218 = arith.constant 128 : i32
          %mul3A_219 = arith.muli %add3A_212, %mul3A_218 : i32
          %add3A_220 = arith.addi %mul3A_8, %mul3A_219 : i32
          %dma_start3A_221 = tpu.memref_slice %arg3[%add3A_220] : memref<163840xi32, #tpu.memory_space<hbm>> -> memref<128xi32, #tpu.memory_space<hbm>>
          %dma_start3A_222 = tpu.memref_slice %arg3[%add3A_220] : memref<163840xi32, #tpu.memory_space<hbm>> -> memref<128xi32, #tpu.memory_space<hbm>>
          tpu.enqueue_dma source(%dma_start3A_222 : memref<128xi32, #tpu.memory_space<hbm>>) target(%arg17 : memref<128xi32, #tpu.memory_space<vmem>>) target_semaphore(%arg28 : memref<!tpu.dma_semaphore, #tpu.memory_space<semaphore_mem>>)
        } else {
        }
        %dma_wait3A_193 = arith.constant 0 : i32
        %dma_wait3A_194 = arith.constant 0 : i32
        %dma_wait3A_195 = tpu.memref_slice %arg23[%dma_wait3A_193, %dma_wait3A_194] : memref<10016x128xf32, #tpu.memory_space<vmem_shared>> -> memref<10016x128xf32, #tpu.memory_space<vmem_shared>>
        tpu.wait_indirect_dma semaphore(%arg27 : memref<!tpu.dma_semaphore, #tpu.memory_space<semaphore_mem>>) src(%arg21 : memref<128x128xf32, #tpu.memory_space<vmem>>) dst(%dma_wait3A_195 : memref<10016x128xf32, #tpu.memory_space<vmem_shared>>)
        %add3A_196 = arith.constant 5 : i32
        %add3A_197 = arith.addi %mul3A_103, %add3A_196 : i32
        %lt3A_198 = arith.constant 80 : i32
        %lt3A_199 = arith.cmpi slt, %add3A_197, %lt3A_198 : i32
        %convert_element_type3A_200 = arith.extui %lt3A_199 : i1 to i32
        %cond3A_201 = arith.constant 0 : i32
        %cond3A_202 = arith.cmpi ne, %convert_element_type3A_200, %cond3A_201 : i32
        scf.if %cond3A_202 {
          %add3A_211 = arith.constant 5 : i32
          %add3A_212 = arith.addi %mul3A_103, %add3A_211 : i32
          %mul3A_213 = arith.constant 128 : i32
          %mul3A_214 = arith.muli %add3A_212, %mul3A_213 : i32
          %add3A_215 = arith.addi %mul3A_8, %mul3A_214 : i32
          %dma_wait3A_216 = tpu.memref_slice %arg2[%add3A_215] : memref<163840xi32, #tpu.memory_space<hbm>> -> memref<128xi32, #tpu.memory_space<hbm>>
          %dma_wait3A_217 = tpu.memref_slice %arg2[%add3A_215] : memref<163840xi32, #tpu.memory_space<hbm>> -> memref<128xi32, #tpu.memory_space<hbm>>
          tpu.wait_dma2 semaphore(%arg29 : memref<!tpu.dma_semaphore, #tpu.memory_space<semaphore_mem>>) src(%dma_wait3A_217 : memref<128xi32, #tpu.memory_space<hbm>>) dst(%arg14 : memref<128xi32, #tpu.memory_space<vmem>>)
          %mul3A_218 = arith.constant 128 : i32
          %mul3A_219 = arith.muli %add3A_212, %mul3A_218 : i32
          %add3A_220 = arith.addi %mul3A_8, %mul3A_219 : i32
          %dma_wait3A_221 = tpu.memref_slice %arg3[%add3A_220] : memref<163840xi32, #tpu.memory_space<hbm>> -> memref<128xi32, #tpu.memory_space<hbm>>
          %dma_wait3A_222 = tpu.memref_slice %arg3[%add3A_220] : memref<163840xi32, #tpu.memory_space<hbm>> -> memref<128xi32, #tpu.memory_space<hbm>>
          tpu.wait_dma2 semaphore(%arg29 : memref<!tpu.dma_semaphore, #tpu.memory_space<semaphore_mem>>) src(%dma_wait3A_222 : memref<128xi32, #tpu.memory_space<hbm>>) dst(%arg15 : memref<128xi32, #tpu.memory_space<vmem>>)
          %dma_start3A_223 = arith.constant 0 : i32
          %dma_start3A_224 = arith.constant 0 : i32
          %dma_start3A_225 = tpu.memref_slice %arg6[%dma_start3A_223, %dma_start3A_224] : memref<10016x128xf32, #tpu.memory_space<hbm>> -> memref<10016x128xf32, #tpu.memory_space<hbm>>
          tpu.enqueue_indirect_dma source(%dma_start3A_225 : memref<10016x128xf32, #tpu.memory_space<hbm>>) target(%arg21 : memref<128x128xf32, #tpu.memory_space<vmem>>) offsets(%arg14 : memref<128xi32, #tpu.memory_space<vmem>>) semaphore(%arg25 : memref<!tpu.dma_semaphore, #tpu.memory_space<semaphore_mem>>)
        } else {
        }
        %add3A_203 = arith.constant 7 : i32
        %add3A_204 = arith.addi %mul3A_103, %add3A_203 : i32
        %lt3A_205 = arith.constant 80 : i32
        %lt3A_206 = arith.cmpi slt, %add3A_204, %lt3A_205 : i32
        %convert_element_type3A_207 = arith.extui %lt3A_206 : i1 to i32
        %cond3A_208 = arith.constant 0 : i32
        %cond3A_209 = arith.cmpi ne, %convert_element_type3A_207, %cond3A_208 : i32
        scf.if %cond3A_209 {
          %add3A_211 = arith.constant 7 : i32
          %add3A_212 = arith.addi %mul3A_103, %add3A_211 : i32
          %mul3A_213 = arith.constant 128 : i32
          %mul3A_214 = arith.muli %add3A_212, %mul3A_213 : i32
          %add3A_215 = arith.addi %mul3A_8, %mul3A_214 : i32
          %dma_start3A_216 = tpu.memref_slice %arg2[%add3A_215] : memref<163840xi32, #tpu.memory_space<hbm>> -> memref<128xi32, #tpu.memory_space<hbm>>
          %dma_start3A_217 = tpu.memref_slice %arg2[%add3A_215] : memref<163840xi32, #tpu.memory_space<hbm>> -> memref<128xi32, #tpu.memory_space<hbm>>
          tpu.enqueue_dma source(%dma_start3A_217 : memref<128xi32, #tpu.memory_space<hbm>>) target(%arg18 : memref<128xi32, #tpu.memory_space<vmem>>) target_semaphore(%arg29 : memref<!tpu.dma_semaphore, #tpu.memory_space<semaphore_mem>>)
          %mul3A_218 = arith.constant 128 : i32
          %mul3A_219 = arith.muli %add3A_212, %mul3A_218 : i32
          %add3A_220 = arith.addi %mul3A_8, %mul3A_219 : i32
          %dma_start3A_221 = tpu.memref_slice %arg3[%add3A_220] : memref<163840xi32, #tpu.memory_space<hbm>> -> memref<128xi32, #tpu.memory_space<hbm>>
          %dma_start3A_222 = tpu.memref_slice %arg3[%add3A_220] : memref<163840xi32, #tpu.memory_space<hbm>> -> memref<128xi32, #tpu.memory_space<hbm>>
          tpu.enqueue_dma source(%dma_start3A_222 : memref<128xi32, #tpu.memory_space<hbm>>) target(%arg19 : memref<128xi32, #tpu.memory_space<vmem>>) target_semaphore(%arg29 : memref<!tpu.dma_semaphore, #tpu.memory_space<semaphore_mem>>)
        } else {
        }
        %scan3A_210 = arith.constant 0 : i32
        scf.yield %scan3A_210 : i32
      }
      %scan3A_99 = arith.constant 20 : i32
    } else {
    }
    %barrier3A_25 = arith.constant 0 : index
    tpu.barrier barrier_id(%barrier3A_25)
    %eq3A_26 = arith.constant 0 : i32
    %eq3A_27 = arith.cmpi eq, %arg0, %eq3A_26 : i32
    %convert_element_type3A_28 = arith.extui %eq3A_27 : i1 to i32
    %cond3A_29 = arith.constant 0 : i32
    %cond3A_30 = arith.cmpi ne, %convert_element_type3A_28, %cond3A_29 : i32
    scf.if %cond3A_30 {
      "tpu.region"() ({
        %run_scoped3A = tpu.sem_alloc : memref<!tpu.dma_semaphore, #tpu.memory_space<semaphore_mem>>
        %dma_start3A = arith.constant 0 : i32
        %dma_start3A_68 = arith.constant 0 : i32
        %dma_start3A_69 = tpu.memref_slice %arg8[%arg1, %dma_start3A, %dma_start3A_68] : memref<16x625x128xf32, #tpu.memory_space<hbm>> -> memref<1x625x128xf32, #tpu.memory_space<hbm>>
        %dma_start3A_70 = tpu.memref_squeeze %dma_start3A_69 : memref<1x625x128xf32, #tpu.memory_space<hbm>> -> memref<625x128xf32, #tpu.memory_space<hbm>>
        %dma_start3A_71 = arith.constant 0 : i32
        %dma_start3A_72 = tpu.memref_slice %arg23[%mul3A_6, %dma_start3A_71] : memref<10016x128xf32, #tpu.memory_space<vmem_shared>> -> memref<625x128xf32, #tpu.memory_space<vmem_shared>>
        tpu.enqueue_dma source(%dma_start3A_72 : memref<625x128xf32, #tpu.memory_space<vmem_shared>>) target(%dma_start3A_70 : memref<625x128xf32, #tpu.memory_space<hbm>>) target_semaphore(%run_scoped3A : memref<!tpu.dma_semaphore, #tpu.memory_space<semaphore_mem>>)
        %dma_wait3A = arith.constant 0 : i32
        %dma_wait3A_73 = arith.constant 0 : i32
        %dma_wait3A_74 = tpu.memref_slice %arg8[%arg1, %dma_wait3A, %dma_wait3A_73] : memref<16x625x128xf32, #tpu.memory_space<hbm>> -> memref<1x625x128xf32, #tpu.memory_space<hbm>>
        %dma_wait3A_75 = tpu.memref_squeeze %dma_wait3A_74 : memref<1x625x128xf32, #tpu.memory_space<hbm>> -> memref<625x128xf32, #tpu.memory_space<hbm>>
        %dma_wait3A_76 = arith.constant 0 : i32
        %dma_wait3A_77 = tpu.memref_slice %arg23[%mul3A_6, %dma_wait3A_76] : memref<10016x128xf32, #tpu.memory_space<vmem_shared>> -> memref<625x128xf32, #tpu.memory_space<vmem_shared>>
        tpu.wait_dma2 semaphore(%run_scoped3A : memref<!tpu.dma_semaphore, #tpu.memory_space<semaphore_mem>>) src(%dma_wait3A_77 : memref<625x128xf32, #tpu.memory_space<vmem_shared>>) dst(%dma_wait3A_75 : memref<625x128xf32, #tpu.memory_space<hbm>>)
        tpu.yield
      }) : () -> ()
    } else {
    }
    %eq3A_31 = arith.constant 1 : i32
    %eq3A_32 = arith.cmpi eq, %arg0, %eq3A_31 : i32
    %convert_element_type3A_33 = arith.extui %eq3A_32 : i1 to i32
    %cond3A_34 = arith.constant 0 : i32
    %cond3A_35 = arith.cmpi ne, %convert_element_type3A_33, %cond3A_34 : i32
    scf.if %cond3A_35 {
      "tpu.region"() ({
        %run_scoped3A = tpu.sem_alloc : memref<!tpu.dma_semaphore, #tpu.memory_space<semaphore_mem>>
        %dma_start3A = arith.constant 0 : i32
        %dma_start3A_68 = arith.constant 0 : i32
        %dma_start3A_69 = tpu.memref_slice %arg10[%arg1, %dma_start3A, %dma_start3A_68] : memref<16x625x128xf32, #tpu.memory_space<hbm>> -> memref<1x625x128xf32, #tpu.memory_space<hbm>>
        %dma_start3A_70 = tpu.memref_squeeze %dma_start3A_69 : memref<1x625x128xf32, #tpu.memory_space<hbm>> -> memref<625x128xf32, #tpu.memory_space<hbm>>
        %dma_start3A_71 = arith.constant 0 : i32
        %dma_start3A_72 = tpu.memref_slice %arg23[%mul3A_6, %dma_start3A_71] : memref<10016x128xf32, #tpu.memory_space<vmem_shared>> -> memref<625x128xf32, #tpu.memory_space<vmem_shared>>
        tpu.enqueue_dma source(%dma_start3A_72 : memref<625x128xf32, #tpu.memory_space<vmem_shared>>) target(%dma_start3A_70 : memref<625x128xf32, #tpu.memory_space<hbm>>) target_semaphore(%run_scoped3A : memref<!tpu.dma_semaphore, #tpu.memory_space<semaphore_mem>>)
        %dma_wait3A = arith.constant 0 : i32
        %dma_wait3A_73 = arith.constant 0 : i32
        %dma_wait3A_74 = tpu.memref_slice %arg10[%arg1, %dma_wait3A, %dma_wait3A_73] : memref<16x625x128xf32, #tpu.memory_space<hbm>> -> memref<1x625x128xf32, #tpu.memory_space<hbm>>
        %dma_wait3A_75 = tpu.memref_squeeze %dma_wait3A_74 : memref<1x625x128xf32, #tpu.memory_space<hbm>> -> memref<625x128xf32, #tpu.memory_space<hbm>>
        %dma_wait3A_76 = arith.constant 0 : i32
        %dma_wait3A_77 = tpu.memref_slice %arg23[%mul3A_6, %dma_wait3A_76] : memref<10016x128xf32, #tpu.memory_space<vmem_shared>> -> memref<625x128xf32, #tpu.memory_space<vmem_shared>>
        tpu.wait_dma2 semaphore(%run_scoped3A : memref<!tpu.dma_semaphore, #tpu.memory_space<semaphore_mem>>) src(%dma_wait3A_77 : memref<625x128xf32, #tpu.memory_space<vmem_shared>>) dst(%dma_wait3A_75 : memref<625x128xf32, #tpu.memory_space<hbm>>)
        tpu.yield
      }) : () -> ()
    } else {
    }
    %add3A_36 = arith.constant 0 : i32
    %add3A_37 = arith.addi %mul3A_6, %add3A_36 : i32
    "tpu.region"() ({
      %run_scoped3A = tpu.sem_alloc : memref<!tpu.dma_semaphore, #tpu.memory_space<semaphore_mem>>
      %dma_start3A = arith.constant 0 : i32
      %dma_start3A_68 = tpu.memref_slice %arg23[%add3A_37, %dma_start3A] : memref<10016x128xf32, #tpu.memory_space<vmem_shared>> -> memref<125x128xf32, #tpu.memory_space<vmem_shared>>
      %dma_start3A_69 = arith.constant 0 : i32
      %dma_start3A_70 = tpu.memref_slice %arg23[%add3A_37, %dma_start3A_69] : memref<10016x128xf32, #tpu.memory_space<vmem_shared>> -> memref<125x128xf32, #tpu.memory_space<vmem_shared>>
      tpu.enqueue_dma source(%arg22 : memref<125x128xf32, #tpu.memory_space<vmem>>) target(%dma_start3A_70 : memref<125x128xf32, #tpu.memory_space<vmem_shared>>) target_semaphore(%run_scoped3A : memref<!tpu.dma_semaphore, #tpu.memory_space<semaphore_mem>>)
      %dma_wait3A = arith.constant 0 : i32
      %dma_wait3A_71 = tpu.memref_slice %arg23[%add3A_37, %dma_wait3A] : memref<10016x128xf32, #tpu.memory_space<vmem_shared>> -> memref<125x128xf32, #tpu.memory_space<vmem_shared>>
      %dma_wait3A_72 = arith.constant 0 : i32
      %dma_wait3A_73 = tpu.memref_slice %arg23[%add3A_37, %dma_wait3A_72] : memref<10016x128xf32, #tpu.memory_space<vmem_shared>> -> memref<125x128xf32, #tpu.memory_space<vmem_shared>>
      tpu.wait_dma2 semaphore(%run_scoped3A : memref<!tpu.dma_semaphore, #tpu.memory_space<semaphore_mem>>) src(%arg22 : memref<125x128xf32, #tpu.memory_space<vmem>>) dst(%dma_wait3A_73 : memref<125x128xf32, #tpu.memory_space<vmem_shared>>)
      tpu.yield
    }) : () -> ()
    %add3A_38 = arith.constant 125 : i32
    %add3A_39 = arith.addi %mul3A_6, %add3A_38 : i32
    "tpu.region"() ({
      %run_scoped3A = tpu.sem_alloc : memref<!tpu.dma_semaphore, #tpu.memory_space<semaphore_mem>>
      %dma_start3A = arith.constant 0 : i32
      %dma_start3A_68 = tpu.memref_slice %arg23[%add3A_39, %dma_start3A] : memref<10016x128xf32, #tpu.memory_space<vmem_shared>> -> memref<125x128xf32, #tpu.memory_space<vmem_shared>>
      %dma_start3A_69 = arith.constant 0 : i32
      %dma_start3A_70 = tpu.memref_slice %arg23[%add3A_39, %dma_start3A_69] : memref<10016x128xf32, #tpu.memory_space<vmem_shared>> -> memref<125x128xf32, #tpu.memory_space<vmem_shared>>
      tpu.enqueue_dma source(%arg22 : memref<125x128xf32, #tpu.memory_space<vmem>>) target(%dma_start3A_70 : memref<125x128xf32, #tpu.memory_space<vmem_shared>>) target_semaphore(%run_scoped3A : memref<!tpu.dma_semaphore, #tpu.memory_space<semaphore_mem>>)
      %dma_wait3A = arith.constant 0 : i32
      %dma_wait3A_71 = tpu.memref_slice %arg23[%add3A_39, %dma_wait3A] : memref<10016x128xf32, #tpu.memory_space<vmem_shared>> -> memref<125x128xf32, #tpu.memory_space<vmem_shared>>
      %dma_wait3A_72 = arith.constant 0 : i32
      %dma_wait3A_73 = tpu.memref_slice %arg23[%add3A_39, %dma_wait3A_72] : memref<10016x128xf32, #tpu.memory_space<vmem_shared>> -> memref<125x128xf32, #tpu.memory_space<vmem_shared>>
      tpu.wait_dma2 semaphore(%run_scoped3A : memref<!tpu.dma_semaphore, #tpu.memory_space<semaphore_mem>>) src(%arg22 : memref<125x128xf32, #tpu.memory_space<vmem>>) dst(%dma_wait3A_73 : memref<125x128xf32, #tpu.memory_space<vmem_shared>>)
      tpu.yield
    }) : () -> ()
    %add3A_40 = arith.constant 250 : i32
    %add3A_41 = arith.addi %mul3A_6, %add3A_40 : i32
    "tpu.region"() ({
      %run_scoped3A = tpu.sem_alloc : memref<!tpu.dma_semaphore, #tpu.memory_space<semaphore_mem>>
      %dma_start3A = arith.constant 0 : i32
      %dma_start3A_68 = tpu.memref_slice %arg23[%add3A_41, %dma_start3A] : memref<10016x128xf32, #tpu.memory_space<vmem_shared>> -> memref<125x128xf32, #tpu.memory_space<vmem_shared>>
      %dma_start3A_69 = arith.constant 0 : i32
      %dma_start3A_70 = tpu.memref_slice %arg23[%add3A_41, %dma_start3A_69] : memref<10016x128xf32, #tpu.memory_space<vmem_shared>> -> memref<125x128xf32, #tpu.memory_space<vmem_shared>>
      tpu.enqueue_dma source(%arg22 : memref<125x128xf32, #tpu.memory_space<vmem>>) target(%dma_start3A_70 : memref<125x128xf32, #tpu.memory_space<vmem_shared>>) target_semaphore(%run_scoped3A : memref<!tpu.dma_semaphore, #tpu.memory_space<semaphore_mem>>)
      %dma_wait3A = arith.constant 0 : i32
      %dma_wait3A_71 = tpu.memref_slice %arg23[%add3A_41, %dma_wait3A] : memref<10016x128xf32, #tpu.memory_space<vmem_shared>> -> memref<125x128xf32, #tpu.memory_space<vmem_shared>>
      %dma_wait3A_72 = arith.constant 0 : i32
      %dma_wait3A_73 = tpu.memref_slice %arg23[%add3A_41, %dma_wait3A_72] : memref<10016x128xf32, #tpu.memory_space<vmem_shared>> -> memref<125x128xf32, #tpu.memory_space<vmem_shared>>
      tpu.wait_dma2 semaphore(%run_scoped3A : memref<!tpu.dma_semaphore, #tpu.memory_space<semaphore_mem>>) src(%arg22 : memref<125x128xf32, #tpu.memory_space<vmem>>) dst(%dma_wait3A_73 : memref<125x128xf32, #tpu.memory_space<vmem_shared>>)
      tpu.yield
    }) : () -> ()
    %add3A_42 = arith.constant 375 : i32
    %add3A_43 = arith.addi %mul3A_6, %add3A_42 : i32
    "tpu.region"() ({
      %run_scoped3A = tpu.sem_alloc : memref<!tpu.dma_semaphore, #tpu.memory_space<semaphore_mem>>
      %dma_start3A = arith.constant 0 : i32
      %dma_start3A_68 = tpu.memref_slice %arg23[%add3A_43, %dma_start3A] : memref<10016x128xf32, #tpu.memory_space<vmem_shared>> -> memref<125x128xf32, #tpu.memory_space<vmem_shared>>
      %dma_start3A_69 = arith.constant 0 : i32
      %dma_start3A_70 = tpu.memref_slice %arg23[%add3A_43, %dma_start3A_69] : memref<10016x128xf32, #tpu.memory_space<vmem_shared>> -> memref<125x128xf32, #tpu.memory_space<vmem_shared>>
      tpu.enqueue_dma source(%arg22 : memref<125x128xf32, #tpu.memory_space<vmem>>) target(%dma_start3A_70 : memref<125x128xf32, #tpu.memory_space<vmem_shared>>) target_semaphore(%run_scoped3A : memref<!tpu.dma_semaphore, #tpu.memory_space<semaphore_mem>>)
      %dma_wait3A = arith.constant 0 : i32
      %dma_wait3A_71 = tpu.memref_slice %arg23[%add3A_43, %dma_wait3A] : memref<10016x128xf32, #tpu.memory_space<vmem_shared>> -> memref<125x128xf32, #tpu.memory_space<vmem_shared>>
      %dma_wait3A_72 = arith.constant 0 : i32
      %dma_wait3A_73 = tpu.memref_slice %arg23[%add3A_43, %dma_wait3A_72] : memref<10016x128xf32, #tpu.memory_space<vmem_shared>> -> memref<125x128xf32, #tpu.memory_space<vmem_shared>>
      tpu.wait_dma2 semaphore(%run_scoped3A : memref<!tpu.dma_semaphore, #tpu.memory_space<semaphore_mem>>) src(%arg22 : memref<125x128xf32, #tpu.memory_space<vmem>>) dst(%dma_wait3A_73 : memref<125x128xf32, #tpu.memory_space<vmem_shared>>)
      tpu.yield
    }) : () -> ()
    %add3A_44 = arith.constant 500 : i32
    %add3A_45 = arith.addi %mul3A_6, %add3A_44 : i32
    "tpu.region"() ({
      %run_scoped3A = tpu.sem_alloc : memref<!tpu.dma_semaphore, #tpu.memory_space<semaphore_mem>>
      %dma_start3A = arith.constant 0 : i32
      %dma_start3A_68 = tpu.memref_slice %arg23[%add3A_45, %dma_start3A] : memref<10016x128xf32, #tpu.memory_space<vmem_shared>> -> memref<125x128xf32, #tpu.memory_space<vmem_shared>>
      %dma_start3A_69 = arith.constant 0 : i32
      %dma_start3A_70 = tpu.memref_slice %arg23[%add3A_45, %dma_start3A_69] : memref<10016x128xf32, #tpu.memory_space<vmem_shared>> -> memref<125x128xf32, #tpu.memory_space<vmem_shared>>
      tpu.enqueue_dma source(%arg22 : memref<125x128xf32, #tpu.memory_space<vmem>>) target(%dma_start3A_70 : memref<125x128xf32, #tpu.memory_space<vmem_shared>>) target_semaphore(%run_scoped3A : memref<!tpu.dma_semaphore, #tpu.memory_space<semaphore_mem>>)
      %dma_wait3A = arith.constant 0 : i32
      %dma_wait3A_71 = tpu.memref_slice %arg23[%add3A_45, %dma_wait3A] : memref<10016x128xf32, #tpu.memory_space<vmem_shared>> -> memref<125x128xf32, #tpu.memory_space<vmem_shared>>
      %dma_wait3A_72 = arith.constant 0 : i32
      %dma_wait3A_73 = tpu.memref_slice %arg23[%add3A_45, %dma_wait3A_72] : memref<10016x128xf32, #tpu.memory_space<vmem_shared>> -> memref<125x128xf32, #tpu.memory_space<vmem_shared>>
      tpu.wait_dma2 semaphore(%run_scoped3A : memref<!tpu.dma_semaphore, #tpu.memory_space<semaphore_mem>>) src(%arg22 : memref<125x128xf32, #tpu.memory_space<vmem>>) dst(%dma_wait3A_73 : memref<125x128xf32, #tpu.memory_space<vmem_shared>>)
      tpu.yield
    }) : () -> ()
    %barrier3A_46 = arith.constant 0 : index
    tpu.barrier barrier_id(%barrier3A_46)
    %eq3A_47 = arith.constant 0 : i32
    %eq3A_48 = arith.cmpi eq, %arg0, %eq3A_47 : i32
    %convert_element_type3A_49 = arith.extui %eq3A_48 : i1 to i32
    %cond3A_50 = arith.constant 0 : i32
    %cond3A_51 = arith.cmpi ne, %convert_element_type3A_49, %cond3A_50 : i32
    scf.if %cond3A_51 {
      "tpu.region"() ({
        %run_scoped3A = tpu.sem_alloc : memref<!tpu.dma_semaphore, #tpu.memory_space<semaphore_mem>>
        %dma_start3A_100 = tpu.memref_slice %arg2[%mul3A_8] : memref<163840xi32, #tpu.memory_space<hbm>> -> memref<128xi32, #tpu.memory_space<hbm>>
        %dma_start3A_101 = tpu.memref_slice %arg2[%mul3A_8] : memref<163840xi32, #tpu.memory_space<hbm>> -> memref<128xi32, #tpu.memory_space<hbm>>
        tpu.enqueue_dma source(%dma_start3A_101 : memref<128xi32, #tpu.memory_space<hbm>>) target(%arg12 : memref<128xi32, #tpu.memory_space<vmem>>) target_semaphore(%run_scoped3A : memref<!tpu.dma_semaphore, #tpu.memory_space<semaphore_mem>>)
        %dma_wait3A = tpu.memref_slice %arg2[%mul3A_8] : memref<163840xi32, #tpu.memory_space<hbm>> -> memref<128xi32, #tpu.memory_space<hbm>>
        %dma_wait3A_102 = tpu.memref_slice %arg2[%mul3A_8] : memref<163840xi32, #tpu.memory_space<hbm>> -> memref<128xi32, #tpu.memory_space<hbm>>
        tpu.wait_dma2 semaphore(%run_scoped3A : memref<!tpu.dma_semaphore, #tpu.memory_space<semaphore_mem>>) src(%dma_wait3A_102 : memref<128xi32, #tpu.memory_space<hbm>>) dst(%arg12 : memref<128xi32, #tpu.memory_space<vmem>>)
        tpu.yield
      }) : () -> ()
      "tpu.region"() ({
        %run_scoped3A = tpu.sem_alloc : memref<!tpu.dma_semaphore, #tpu.memory_space<semaphore_mem>>
        %dma_start3A_100 = tpu.memref_slice %arg3[%mul3A_8] : memref<163840xi32, #tpu.memory_space<hbm>> -> memref<128xi32, #tpu.memory_space<hbm>>
        %dma_start3A_101 = tpu.memref_slice %arg3[%mul3A_8] : memref<163840xi32, #tpu.memory_space<hbm>> -> memref<128xi32, #tpu.memory_space<hbm>>
        tpu.enqueue_dma source(%dma_start3A_101 : memref<128xi32, #tpu.memory_space<hbm>>) target(%arg13 : memref<128xi32, #tpu.memory_space<vmem>>) target_semaphore(%run_scoped3A : memref<!tpu.dma_semaphore, #tpu.memory_space<semaphore_mem>>)
        %dma_wait3A = tpu.memref_slice %arg3[%mul3A_8] : memref<163840xi32, #tpu.memory_space<hbm>> -> memref<128xi32, #tpu.memory_space<hbm>>
        %dma_wait3A_102 = tpu.memref_slice %arg3[%mul3A_8] : memref<163840xi32, #tpu.memory_space<hbm>> -> memref<128xi32, #tpu.memory_space<hbm>>
        tpu.wait_dma2 semaphore(%run_scoped3A : memref<!tpu.dma_semaphore, #tpu.memory_space<semaphore_mem>>) src(%dma_wait3A_102 : memref<128xi32, #tpu.memory_space<hbm>>) dst(%arg13 : memref<128xi32, #tpu.memory_space<vmem>>)
        tpu.yield
      }) : () -> ()
      %add3A_68 = arith.constant 128 : i32
      %add3A_69 = arith.addi %mul3A_8, %add3A_68 : i32
      "tpu.region"() ({
        %run_scoped3A = tpu.sem_alloc : memref<!tpu.dma_semaphore, #tpu.memory_space<semaphore_mem>>
        %dma_start3A_100 = tpu.memref_slice %arg2[%add3A_69] : memref<163840xi32, #tpu.memory_space<hbm>> -> memref<128xi32, #tpu.memory_space<hbm>>
        %dma_start3A_101 = tpu.memref_slice %arg2[%add3A_69] : memref<163840xi32, #tpu.memory_space<hbm>> -> memref<128xi32, #tpu.memory_space<hbm>>
        tpu.enqueue_dma source(%dma_start3A_101 : memref<128xi32, #tpu.memory_space<hbm>>) target(%arg14 : memref<128xi32, #tpu.memory_space<vmem>>) target_semaphore(%run_scoped3A : memref<!tpu.dma_semaphore, #tpu.memory_space<semaphore_mem>>)
        %dma_wait3A = tpu.memref_slice %arg2[%add3A_69] : memref<163840xi32, #tpu.memory_space<hbm>> -> memref<128xi32, #tpu.memory_space<hbm>>
        %dma_wait3A_102 = tpu.memref_slice %arg2[%add3A_69] : memref<163840xi32, #tpu.memory_space<hbm>> -> memref<128xi32, #tpu.memory_space<hbm>>
        tpu.wait_dma2 semaphore(%run_scoped3A : memref<!tpu.dma_semaphore, #tpu.memory_space<semaphore_mem>>) src(%dma_wait3A_102 : memref<128xi32, #tpu.memory_space<hbm>>) dst(%arg14 : memref<128xi32, #tpu.memory_space<vmem>>)
        tpu.yield
      }) : () -> ()
      %add3A_70 = arith.constant 128 : i32
      %add3A_71 = arith.addi %mul3A_8, %add3A_70 : i32
      "tpu.region"() ({
        %run_scoped3A = tpu.sem_alloc : memref<!tpu.dma_semaphore, #tpu.memory_space<semaphore_mem>>
        %dma_start3A_100 = tpu.memref_slice %arg3[%add3A_71] : memref<163840xi32, #tpu.memory_space<hbm>> -> memref<128xi32, #tpu.memory_space<hbm>>
        %dma_start3A_101 = tpu.memref_slice %arg3[%add3A_71] : memref<163840xi32, #tpu.memory_space<hbm>> -> memref<128xi32, #tpu.memory_space<hbm>>
        tpu.enqueue_dma source(%dma_start3A_101 : memref<128xi32, #tpu.memory_space<hbm>>) target(%arg15 : memref<128xi32, #tpu.memory_space<vmem>>) target_semaphore(%run_scoped3A : memref<!tpu.dma_semaphore, #tpu.memory_space<semaphore_mem>>)
        %dma_wait3A = tpu.memref_slice %arg3[%add3A_71] : memref<163840xi32, #tpu.memory_space<hbm>> -> memref<128xi32, #tpu.memory_space<hbm>>
        %dma_wait3A_102 = tpu.memref_slice %arg3[%add3A_71] : memref<163840xi32, #tpu.memory_space<hbm>> -> memref<128xi32, #tpu.memory_space<hbm>>
        tpu.wait_dma2 semaphore(%run_scoped3A : memref<!tpu.dma_semaphore, #tpu.memory_space<semaphore_mem>>) src(%dma_wait3A_102 : memref<128xi32, #tpu.memory_space<hbm>>) dst(%arg15 : memref<128xi32, #tpu.memory_space<vmem>>)
        tpu.yield
      }) : () -> ()
      %dma_start3A = arith.constant 0 : i32
      %dma_start3A_72 = arith.constant 0 : i32
      %dma_start3A_73 = tpu.memref_slice %arg5[%dma_start3A, %dma_start3A_72] : memref<10016x128xf32, #tpu.memory_space<hbm>> -> memref<10016x128xf32, #tpu.memory_space<hbm>>
      tpu.enqueue_indirect_dma source(%dma_start3A_73 : memref<10016x128xf32, #tpu.memory_space<hbm>>) target(%arg20 : memref<128x128xf32, #tpu.memory_space<vmem>>) offsets(%arg12 : memref<128xi32, #tpu.memory_space<vmem>>) semaphore(%arg24 : memref<!tpu.dma_semaphore, #tpu.memory_space<semaphore_mem>>)
      %dma_start3A_74 = arith.constant 0 : i32
      %dma_start3A_75 = arith.constant 0 : i32
      %dma_start3A_76 = tpu.memref_slice %arg5[%dma_start3A_74, %dma_start3A_75] : memref<10016x128xf32, #tpu.memory_space<hbm>> -> memref<10016x128xf32, #tpu.memory_space<hbm>>
      tpu.enqueue_indirect_dma source(%dma_start3A_76 : memref<10016x128xf32, #tpu.memory_space<hbm>>) target(%arg21 : memref<128x128xf32, #tpu.memory_space<vmem>>) offsets(%arg14 : memref<128xi32, #tpu.memory_space<vmem>>) semaphore(%arg25 : memref<!tpu.dma_semaphore, #tpu.memory_space<semaphore_mem>>)
      %add3A_77 = arith.constant 256 : i32
      %add3A_78 = arith.addi %mul3A_8, %add3A_77 : i32
      %dma_start3A_79 = tpu.memref_slice %arg2[%add3A_78] : memref<163840xi32, #tpu.memory_space<hbm>> -> memref<128xi32, #tpu.memory_space<hbm>>
      %dma_start3A_80 = tpu.memref_slice %arg2[%add3A_78] : memref<163840xi32, #tpu.memory_space<hbm>> -> memref<128xi32, #tpu.memory_space<hbm>>
      tpu.enqueue_dma source(%dma_start3A_80 : memref<128xi32, #tpu.memory_space<hbm>>) target(%arg16 : memref<128xi32, #tpu.memory_space<vmem>>) target_semaphore(%arg28 : memref<!tpu.dma_semaphore, #tpu.memory_space<semaphore_mem>>)
      %add3A_81 = arith.constant 256 : i32
      %add3A_82 = arith.addi %mul3A_8, %add3A_81 : i32
      %dma_start3A_83 = tpu.memref_slice %arg3[%add3A_82] : memref<163840xi32, #tpu.memory_space<hbm>> -> memref<128xi32, #tpu.memory_space<hbm>>
      %dma_start3A_84 = tpu.memref_slice %arg3[%add3A_82] : memref<163840xi32, #tpu.memory_space<hbm>> -> memref<128xi32, #tpu.memory_space<hbm>>
      tpu.enqueue_dma source(%dma_start3A_84 : memref<128xi32, #tpu.memory_space<hbm>>) target(%arg17 : memref<128xi32, #tpu.memory_space<vmem>>) target_semaphore(%arg28 : memref<!tpu.dma_semaphore, #tpu.memory_space<semaphore_mem>>)
      %add3A_85 = arith.constant 384 : i32
      %add3A_86 = arith.addi %mul3A_8, %add3A_85 : i32
      %dma_start3A_87 = tpu.memref_slice %arg2[%add3A_86] : memref<163840xi32, #tpu.memory_space<hbm>> -> memref<128xi32, #tpu.memory_space<hbm>>
      %dma_start3A_88 = tpu.memref_slice %arg2[%add3A_86] : memref<163840xi32, #tpu.memory_space<hbm>> -> memref<128xi32, #tpu.memory_space<hbm>>
      tpu.enqueue_dma source(%dma_start3A_88 : memref<128xi32, #tpu.memory_space<hbm>>) target(%arg18 : memref<128xi32, #tpu.memory_space<vmem>>) target_semaphore(%arg29 : memref<!tpu.dma_semaphore, #tpu.memory_space<semaphore_mem>>)
      %add3A_89 = arith.constant 384 : i32
      %add3A_90 = arith.addi %mul3A_8, %add3A_89 : i32
      %dma_start3A_91 = tpu.memref_slice %arg3[%add3A_90] : memref<163840xi32, #tpu.memory_space<hbm>> -> memref<128xi32, #tpu.memory_space<hbm>>
      %dma_start3A_92 = tpu.memref_slice %arg3[%add3A_90] : memref<163840xi32, #tpu.memory_space<hbm>> -> memref<128xi32, #tpu.memory_space<hbm>>
      tpu.enqueue_dma source(%dma_start3A_92 : memref<128xi32, #tpu.memory_space<hbm>>) target(%arg19 : memref<128xi32, #tpu.memory_space<vmem>>) target_semaphore(%arg29 : memref<!tpu.dma_semaphore, #tpu.memory_space<semaphore_mem>>)
      %scan3A_93 = arith.constant 0 : i32
      %scan3A_94 = arith.constant 0 : i32
      %scan3A_95 = arith.constant 20 : i32
      %scan3A_96 = arith.addi %scan3A_94, %scan3A_95 : i32
      %scan3A_97 = arith.constant 1 : i32
      %scan3A_98 = scf.for %scan3A_100 = %scan3A_94 to %scan3A_96 step %scan3A_97 iter_args(%scan3A_101 = %scan3A_93) -> (i32)  : i32 {
        %mul3A_102 = arith.constant 4 : i32
        %mul3A_103 = arith.muli %mul3A_102, %scan3A_100 : i32
        %dma_wait3A = arith.constant 0 : i32
        %dma_wait3A_104 = arith.constant 0 : i32
        %dma_wait3A_105 = tpu.memref_slice %arg5[%dma_wait3A, %dma_wait3A_104] : memref<10016x128xf32, #tpu.memory_space<hbm>> -> memref<10016x128xf32, #tpu.memory_space<hbm>>
        tpu.wait_indirect_dma semaphore(%arg24 : memref<!tpu.dma_semaphore, #tpu.memory_space<semaphore_mem>>) src(%dma_wait3A_105 : memref<10016x128xf32, #tpu.memory_space<hbm>>) dst(%arg20 : memref<128x128xf32, #tpu.memory_space<vmem>>)
        %dma_start3A_106 = arith.constant 0 : i32
        %dma_start3A_107 = arith.constant 0 : i32
        %dma_start3A_108 = tpu.memref_slice %arg23[%dma_start3A_106, %dma_start3A_107] : memref<10016x128xf32, #tpu.memory_space<vmem_shared>> -> memref<10016x128xf32, #tpu.memory_space<vmem_shared>>
        tpu.enqueue_indirect_dma source(%arg20 : memref<128x128xf32, #tpu.memory_space<vmem>>) target(%dma_start3A_108 : memref<10016x128xf32, #tpu.memory_space<vmem_shared>>) offsets(%arg13 : memref<128xi32, #tpu.memory_space<vmem>>) semaphore(%arg26 : memref<!tpu.dma_semaphore, #tpu.memory_space<semaphore_mem>>) {add = true}
        %dma_wait3A_109 = arith.constant 0 : i32
        %dma_wait3A_110 = arith.constant 0 : i32
        %dma_wait3A_111 = tpu.memref_slice %arg5[%dma_wait3A_109, %dma_wait3A_110] : memref<10016x128xf32, #tpu.memory_space<hbm>> -> memref<10016x128xf32, #tpu.memory_space<hbm>>
        tpu.wait_indirect_dma semaphore(%arg25 : memref<!tpu.dma_semaphore, #tpu.memory_space<semaphore_mem>>) src(%dma_wait3A_111 : memref<10016x128xf32, #tpu.memory_space<hbm>>) dst(%arg21 : memref<128x128xf32, #tpu.memory_space<vmem>>)
        %dma_start3A_112 = arith.constant 0 : i32
        %dma_start3A_113 = arith.constant 0 : i32
        %dma_start3A_114 = tpu.memref_slice %arg23[%dma_start3A_112, %dma_start3A_113] : memref<10016x128xf32, #tpu.memory_space<vmem_shared>> -> memref<10016x128xf32, #tpu.memory_space<vmem_shared>>
        tpu.enqueue_indirect_dma source(%arg21 : memref<128x128xf32, #tpu.memory_space<vmem>>) target(%dma_start3A_114 : memref<10016x128xf32, #tpu.memory_space<vmem_shared>>) offsets(%arg15 : memref<128xi32, #tpu.memory_space<vmem>>) semaphore(%arg27 : memref<!tpu.dma_semaphore, #tpu.memory_space<semaphore_mem>>) {add = true}
        %dma_wait3A_115 = arith.constant 0 : i32
        %dma_wait3A_116 = arith.constant 0 : i32
        %dma_wait3A_117 = tpu.memref_slice %arg23[%dma_wait3A_115, %dma_wait3A_116] : memref<10016x128xf32, #tpu.memory_space<vmem_shared>> -> memref<10016x128xf32, #tpu.memory_space<vmem_shared>>
        tpu.wait_indirect_dma semaphore(%arg26 : memref<!tpu.dma_semaphore, #tpu.memory_space<semaphore_mem>>) src(%arg20 : memref<128x128xf32, #tpu.memory_space<vmem>>) dst(%dma_wait3A_117 : memref<10016x128xf32, #tpu.memory_space<vmem_shared>>)
        %add3A_118 = arith.constant 2 : i32
        %add3A_119 = arith.addi %mul3A_103, %add3A_118 : i32
        %mul3A_120 = arith.constant 128 : i32
        %mul3A_121 = arith.muli %add3A_119, %mul3A_120 : i32
        %add3A_122 = arith.addi %mul3A_8, %mul3A_121 : i32
        %dma_wait3A_123 = tpu.memref_slice %arg2[%add3A_122] : memref<163840xi32, #tpu.memory_space<hbm>> -> memref<128xi32, #tpu.memory_space<hbm>>
        %dma_wait3A_124 = tpu.memref_slice %arg2[%add3A_122] : memref<163840xi32, #tpu.memory_space<hbm>> -> memref<128xi32, #tpu.memory_space<hbm>>
        tpu.wait_dma2 semaphore(%arg28 : memref<!tpu.dma_semaphore, #tpu.memory_space<semaphore_mem>>) src(%dma_wait3A_124 : memref<128xi32, #tpu.memory_space<hbm>>) dst(%arg16 : memref<128xi32, #tpu.memory_space<vmem>>)
        %mul3A_125 = arith.constant 128 : i32
        %mul3A_126 = arith.muli %add3A_119, %mul3A_125 : i32
        %add3A_127 = arith.addi %mul3A_8, %mul3A_126 : i32
        %dma_wait3A_128 = tpu.memref_slice %arg3[%add3A_127] : memref<163840xi32, #tpu.memory_space<hbm>> -> memref<128xi32, #tpu.memory_space<hbm>>
        %dma_wait3A_129 = tpu.memref_slice %arg3[%add3A_127] : memref<163840xi32, #tpu.memory_space<hbm>> -> memref<128xi32, #tpu.memory_space<hbm>>
        tpu.wait_dma2 semaphore(%arg28 : memref<!tpu.dma_semaphore, #tpu.memory_space<semaphore_mem>>) src(%dma_wait3A_129 : memref<128xi32, #tpu.memory_space<hbm>>) dst(%arg17 : memref<128xi32, #tpu.memory_space<vmem>>)
        %dma_start3A_130 = arith.constant 0 : i32
        %dma_start3A_131 = arith.constant 0 : i32
        %dma_start3A_132 = tpu.memref_slice %arg5[%dma_start3A_130, %dma_start3A_131] : memref<10016x128xf32, #tpu.memory_space<hbm>> -> memref<10016x128xf32, #tpu.memory_space<hbm>>
        tpu.enqueue_indirect_dma source(%dma_start3A_132 : memref<10016x128xf32, #tpu.memory_space<hbm>>) target(%arg20 : memref<128x128xf32, #tpu.memory_space<vmem>>) offsets(%arg16 : memref<128xi32, #tpu.memory_space<vmem>>) semaphore(%arg24 : memref<!tpu.dma_semaphore, #tpu.memory_space<semaphore_mem>>)
        %add3A_133 = arith.constant 4 : i32
        %add3A_134 = arith.addi %mul3A_103, %add3A_133 : i32
        %lt3A = arith.constant 80 : i32
        %lt3A_135 = arith.cmpi slt, %add3A_134, %lt3A : i32
        %convert_element_type3A_136 = arith.extui %lt3A_135 : i1 to i32
        %cond3A_137 = arith.constant 0 : i32
        %cond3A_138 = arith.cmpi ne, %convert_element_type3A_136, %cond3A_137 : i32
        scf.if %cond3A_138 {
          %add3A_211 = arith.constant 4 : i32
          %add3A_212 = arith.addi %mul3A_103, %add3A_211 : i32
          %mul3A_213 = arith.constant 128 : i32
          %mul3A_214 = arith.muli %add3A_212, %mul3A_213 : i32
          %add3A_215 = arith.addi %mul3A_8, %mul3A_214 : i32
          %dma_start3A_216 = tpu.memref_slice %arg2[%add3A_215] : memref<163840xi32, #tpu.memory_space<hbm>> -> memref<128xi32, #tpu.memory_space<hbm>>
          %dma_start3A_217 = tpu.memref_slice %arg2[%add3A_215] : memref<163840xi32, #tpu.memory_space<hbm>> -> memref<128xi32, #tpu.memory_space<hbm>>
          tpu.enqueue_dma source(%dma_start3A_217 : memref<128xi32, #tpu.memory_space<hbm>>) target(%arg12 : memref<128xi32, #tpu.memory_space<vmem>>) target_semaphore(%arg28 : memref<!tpu.dma_semaphore, #tpu.memory_space<semaphore_mem>>)
          %mul3A_218 = arith.constant 128 : i32
          %mul3A_219 = arith.muli %add3A_212, %mul3A_218 : i32
          %add3A_220 = arith.addi %mul3A_8, %mul3A_219 : i32
          %dma_start3A_221 = tpu.memref_slice %arg3[%add3A_220] : memref<163840xi32, #tpu.memory_space<hbm>> -> memref<128xi32, #tpu.memory_space<hbm>>
          %dma_start3A_222 = tpu.memref_slice %arg3[%add3A_220] : memref<163840xi32, #tpu.memory_space<hbm>> -> memref<128xi32, #tpu.memory_space<hbm>>
          tpu.enqueue_dma source(%dma_start3A_222 : memref<128xi32, #tpu.memory_space<hbm>>) target(%arg13 : memref<128xi32, #tpu.memory_space<vmem>>) target_semaphore(%arg28 : memref<!tpu.dma_semaphore, #tpu.memory_space<semaphore_mem>>)
        } else {
        }
        %dma_wait3A_139 = arith.constant 0 : i32
        %dma_wait3A_140 = arith.constant 0 : i32
        %dma_wait3A_141 = tpu.memref_slice %arg23[%dma_wait3A_139, %dma_wait3A_140] : memref<10016x128xf32, #tpu.memory_space<vmem_shared>> -> memref<10016x128xf32, #tpu.memory_space<vmem_shared>>
        tpu.wait_indirect_dma semaphore(%arg27 : memref<!tpu.dma_semaphore, #tpu.memory_space<semaphore_mem>>) src(%arg21 : memref<128x128xf32, #tpu.memory_space<vmem>>) dst(%dma_wait3A_141 : memref<10016x128xf32, #tpu.memory_space<vmem_shared>>)
        %add3A_142 = arith.constant 3 : i32
        %add3A_143 = arith.addi %mul3A_103, %add3A_142 : i32
        %mul3A_144 = arith.constant 128 : i32
        %mul3A_145 = arith.muli %add3A_143, %mul3A_144 : i32
        %add3A_146 = arith.addi %mul3A_8, %mul3A_145 : i32
        %dma_wait3A_147 = tpu.memref_slice %arg2[%add3A_146] : memref<163840xi32, #tpu.memory_space<hbm>> -> memref<128xi32, #tpu.memory_space<hbm>>
        %dma_wait3A_148 = tpu.memref_slice %arg2[%add3A_146] : memref<163840xi32, #tpu.memory_space<hbm>> -> memref<128xi32, #tpu.memory_space<hbm>>
        tpu.wait_dma2 semaphore(%arg29 : memref<!tpu.dma_semaphore, #tpu.memory_space<semaphore_mem>>) src(%dma_wait3A_148 : memref<128xi32, #tpu.memory_space<hbm>>) dst(%arg18 : memref<128xi32, #tpu.memory_space<vmem>>)
        %mul3A_149 = arith.constant 128 : i32
        %mul3A_150 = arith.muli %add3A_143, %mul3A_149 : i32
        %add3A_151 = arith.addi %mul3A_8, %mul3A_150 : i32
        %dma_wait3A_152 = tpu.memref_slice %arg3[%add3A_151] : memref<163840xi32, #tpu.memory_space<hbm>> -> memref<128xi32, #tpu.memory_space<hbm>>
        %dma_wait3A_153 = tpu.memref_slice %arg3[%add3A_151] : memref<163840xi32, #tpu.memory_space<hbm>> -> memref<128xi32, #tpu.memory_space<hbm>>
        tpu.wait_dma2 semaphore(%arg29 : memref<!tpu.dma_semaphore, #tpu.memory_space<semaphore_mem>>) src(%dma_wait3A_153 : memref<128xi32, #tpu.memory_space<hbm>>) dst(%arg19 : memref<128xi32, #tpu.memory_space<vmem>>)
        %dma_start3A_154 = arith.constant 0 : i32
        %dma_start3A_155 = arith.constant 0 : i32
        %dma_start3A_156 = tpu.memref_slice %arg5[%dma_start3A_154, %dma_start3A_155] : memref<10016x128xf32, #tpu.memory_space<hbm>> -> memref<10016x128xf32, #tpu.memory_space<hbm>>
        tpu.enqueue_indirect_dma source(%dma_start3A_156 : memref<10016x128xf32, #tpu.memory_space<hbm>>) target(%arg21 : memref<128x128xf32, #tpu.memory_space<vmem>>) offsets(%arg18 : memref<128xi32, #tpu.memory_space<vmem>>) semaphore(%arg25 : memref<!tpu.dma_semaphore, #tpu.memory_space<semaphore_mem>>)
        %add3A_157 = arith.constant 5 : i32
        %add3A_158 = arith.addi %mul3A_103, %add3A_157 : i32
        %lt3A_159 = arith.constant 80 : i32
        %lt3A_160 = arith.cmpi slt, %add3A_158, %lt3A_159 : i32
        %convert_element_type3A_161 = arith.extui %lt3A_160 : i1 to i32
        %cond3A_162 = arith.constant 0 : i32
        %cond3A_163 = arith.cmpi ne, %convert_element_type3A_161, %cond3A_162 : i32
        scf.if %cond3A_163 {
          %add3A_211 = arith.constant 5 : i32
          %add3A_212 = arith.addi %mul3A_103, %add3A_211 : i32
          %mul3A_213 = arith.constant 128 : i32
          %mul3A_214 = arith.muli %add3A_212, %mul3A_213 : i32
          %add3A_215 = arith.addi %mul3A_8, %mul3A_214 : i32
          %dma_start3A_216 = tpu.memref_slice %arg2[%add3A_215] : memref<163840xi32, #tpu.memory_space<hbm>> -> memref<128xi32, #tpu.memory_space<hbm>>
          %dma_start3A_217 = tpu.memref_slice %arg2[%add3A_215] : memref<163840xi32, #tpu.memory_space<hbm>> -> memref<128xi32, #tpu.memory_space<hbm>>
          tpu.enqueue_dma source(%dma_start3A_217 : memref<128xi32, #tpu.memory_space<hbm>>) target(%arg14 : memref<128xi32, #tpu.memory_space<vmem>>) target_semaphore(%arg29 : memref<!tpu.dma_semaphore, #tpu.memory_space<semaphore_mem>>)
          %mul3A_218 = arith.constant 128 : i32
          %mul3A_219 = arith.muli %add3A_212, %mul3A_218 : i32
          %add3A_220 = arith.addi %mul3A_8, %mul3A_219 : i32
          %dma_start3A_221 = tpu.memref_slice %arg3[%add3A_220] : memref<163840xi32, #tpu.memory_space<hbm>> -> memref<128xi32, #tpu.memory_space<hbm>>
          %dma_start3A_222 = tpu.memref_slice %arg3[%add3A_220] : memref<163840xi32, #tpu.memory_space<hbm>> -> memref<128xi32, #tpu.memory_space<hbm>>
          tpu.enqueue_dma source(%dma_start3A_222 : memref<128xi32, #tpu.memory_space<hbm>>) target(%arg15 : memref<128xi32, #tpu.memory_space<vmem>>) target_semaphore(%arg29 : memref<!tpu.dma_semaphore, #tpu.memory_space<semaphore_mem>>)
        } else {
        }
        %dma_wait3A_164 = arith.constant 0 : i32
        %dma_wait3A_165 = arith.constant 0 : i32
        %dma_wait3A_166 = tpu.memref_slice %arg5[%dma_wait3A_164, %dma_wait3A_165] : memref<10016x128xf32, #tpu.memory_space<hbm>> -> memref<10016x128xf32, #tpu.memory_space<hbm>>
        tpu.wait_indirect_dma semaphore(%arg24 : memref<!tpu.dma_semaphore, #tpu.memory_space<semaphore_mem>>) src(%dma_wait3A_166 : memref<10016x128xf32, #tpu.memory_space<hbm>>) dst(%arg20 : memref<128x128xf32, #tpu.memory_space<vmem>>)
        %dma_start3A_167 = arith.constant 0 : i32
        %dma_start3A_168 = arith.constant 0 : i32
        %dma_start3A_169 = tpu.memref_slice %arg23[%dma_start3A_167, %dma_start3A_168] : memref<10016x128xf32, #tpu.memory_space<vmem_shared>> -> memref<10016x128xf32, #tpu.memory_space<vmem_shared>>
        tpu.enqueue_indirect_dma source(%arg20 : memref<128x128xf32, #tpu.memory_space<vmem>>) target(%dma_start3A_169 : memref<10016x128xf32, #tpu.memory_space<vmem_shared>>) offsets(%arg17 : memref<128xi32, #tpu.memory_space<vmem>>) semaphore(%arg26 : memref<!tpu.dma_semaphore, #tpu.memory_space<semaphore_mem>>) {add = true}
        %dma_wait3A_170 = arith.constant 0 : i32
        %dma_wait3A_171 = arith.constant 0 : i32
        %dma_wait3A_172 = tpu.memref_slice %arg5[%dma_wait3A_170, %dma_wait3A_171] : memref<10016x128xf32, #tpu.memory_space<hbm>> -> memref<10016x128xf32, #tpu.memory_space<hbm>>
        tpu.wait_indirect_dma semaphore(%arg25 : memref<!tpu.dma_semaphore, #tpu.memory_space<semaphore_mem>>) src(%dma_wait3A_172 : memref<10016x128xf32, #tpu.memory_space<hbm>>) dst(%arg21 : memref<128x128xf32, #tpu.memory_space<vmem>>)
        %dma_start3A_173 = arith.constant 0 : i32
        %dma_start3A_174 = arith.constant 0 : i32
        %dma_start3A_175 = tpu.memref_slice %arg23[%dma_start3A_173, %dma_start3A_174] : memref<10016x128xf32, #tpu.memory_space<vmem_shared>> -> memref<10016x128xf32, #tpu.memory_space<vmem_shared>>
        tpu.enqueue_indirect_dma source(%arg21 : memref<128x128xf32, #tpu.memory_space<vmem>>) target(%dma_start3A_175 : memref<10016x128xf32, #tpu.memory_space<vmem_shared>>) offsets(%arg19 : memref<128xi32, #tpu.memory_space<vmem>>) semaphore(%arg27 : memref<!tpu.dma_semaphore, #tpu.memory_space<semaphore_mem>>) {add = true}
        %dma_wait3A_176 = arith.constant 0 : i32
        %dma_wait3A_177 = arith.constant 0 : i32
        %dma_wait3A_178 = tpu.memref_slice %arg23[%dma_wait3A_176, %dma_wait3A_177] : memref<10016x128xf32, #tpu.memory_space<vmem_shared>> -> memref<10016x128xf32, #tpu.memory_space<vmem_shared>>
        tpu.wait_indirect_dma semaphore(%arg26 : memref<!tpu.dma_semaphore, #tpu.memory_space<semaphore_mem>>) src(%arg20 : memref<128x128xf32, #tpu.memory_space<vmem>>) dst(%dma_wait3A_178 : memref<10016x128xf32, #tpu.memory_space<vmem_shared>>)
        %add3A_179 = arith.constant 4 : i32
        %add3A_180 = arith.addi %mul3A_103, %add3A_179 : i32
        %lt3A_181 = arith.constant 80 : i32
        %lt3A_182 = arith.cmpi slt, %add3A_180, %lt3A_181 : i32
        %convert_element_type3A_183 = arith.extui %lt3A_182 : i1 to i32
        %cond3A_184 = arith.constant 0 : i32
        %cond3A_185 = arith.cmpi ne, %convert_element_type3A_183, %cond3A_184 : i32
        scf.if %cond3A_185 {
          %add3A_211 = arith.constant 4 : i32
          %add3A_212 = arith.addi %mul3A_103, %add3A_211 : i32
          %mul3A_213 = arith.constant 128 : i32
          %mul3A_214 = arith.muli %add3A_212, %mul3A_213 : i32
          %add3A_215 = arith.addi %mul3A_8, %mul3A_214 : i32
          %dma_wait3A_216 = tpu.memref_slice %arg2[%add3A_215] : memref<163840xi32, #tpu.memory_space<hbm>> -> memref<128xi32, #tpu.memory_space<hbm>>
          %dma_wait3A_217 = tpu.memref_slice %arg2[%add3A_215] : memref<163840xi32, #tpu.memory_space<hbm>> -> memref<128xi32, #tpu.memory_space<hbm>>
          tpu.wait_dma2 semaphore(%arg28 : memref<!tpu.dma_semaphore, #tpu.memory_space<semaphore_mem>>) src(%dma_wait3A_217 : memref<128xi32, #tpu.memory_space<hbm>>) dst(%arg12 : memref<128xi32, #tpu.memory_space<vmem>>)
          %mul3A_218 = arith.constant 128 : i32
          %mul3A_219 = arith.muli %add3A_212, %mul3A_218 : i32
          %add3A_220 = arith.addi %mul3A_8, %mul3A_219 : i32
          %dma_wait3A_221 = tpu.memref_slice %arg3[%add3A_220] : memref<163840xi32, #tpu.memory_space<hbm>> -> memref<128xi32, #tpu.memory_space<hbm>>
          %dma_wait3A_222 = tpu.memref_slice %arg3[%add3A_220] : memref<163840xi32, #tpu.memory_space<hbm>> -> memref<128xi32, #tpu.memory_space<hbm>>
          tpu.wait_dma2 semaphore(%arg28 : memref<!tpu.dma_semaphore, #tpu.memory_space<semaphore_mem>>) src(%dma_wait3A_222 : memref<128xi32, #tpu.memory_space<hbm>>) dst(%arg13 : memref<128xi32, #tpu.memory_space<vmem>>)
          %dma_start3A_223 = arith.constant 0 : i32
          %dma_start3A_224 = arith.constant 0 : i32
          %dma_start3A_225 = tpu.memref_slice %arg5[%dma_start3A_223, %dma_start3A_224] : memref<10016x128xf32, #tpu.memory_space<hbm>> -> memref<10016x128xf32, #tpu.memory_space<hbm>>
          tpu.enqueue_indirect_dma source(%dma_start3A_225 : memref<10016x128xf32, #tpu.memory_space<hbm>>) target(%arg20 : memref<128x128xf32, #tpu.memory_space<vmem>>) offsets(%arg12 : memref<128xi32, #tpu.memory_space<vmem>>) semaphore(%arg24 : memref<!tpu.dma_semaphore, #tpu.memory_space<semaphore_mem>>)
        } else {
        }
        %add3A_186 = arith.constant 6 : i32
        %add3A_187 = arith.addi %mul3A_103, %add3A_186 : i32
        %lt3A_188 = arith.constant 80 : i32
        %lt3A_189 = arith.cmpi slt, %add3A_187, %lt3A_188 : i32
        %convert_element_type3A_190 = arith.extui %lt3A_189 : i1 to i32
        %cond3A_191 = arith.constant 0 : i32
        %cond3A_192 = arith.cmpi ne, %convert_element_type3A_190, %cond3A_191 : i32
        scf.if %cond3A_192 {
          %add3A_211 = arith.constant 6 : i32
          %add3A_212 = arith.addi %mul3A_103, %add3A_211 : i32
          %mul3A_213 = arith.constant 128 : i32
          %mul3A_214 = arith.muli %add3A_212, %mul3A_213 : i32
          %add3A_215 = arith.addi %mul3A_8, %mul3A_214 : i32
          %dma_start3A_216 = tpu.memref_slice %arg2[%add3A_215] : memref<163840xi32, #tpu.memory_space<hbm>> -> memref<128xi32, #tpu.memory_space<hbm>>
          %dma_start3A_217 = tpu.memref_slice %arg2[%add3A_215] : memref<163840xi32, #tpu.memory_space<hbm>> -> memref<128xi32, #tpu.memory_space<hbm>>
          tpu.enqueue_dma source(%dma_start3A_217 : memref<128xi32, #tpu.memory_space<hbm>>) target(%arg16 : memref<128xi32, #tpu.memory_space<vmem>>) target_semaphore(%arg28 : memref<!tpu.dma_semaphore, #tpu.memory_space<semaphore_mem>>)
          %mul3A_218 = arith.constant 128 : i32
          %mul3A_219 = arith.muli %add3A_212, %mul3A_218 : i32
          %add3A_220 = arith.addi %mul3A_8, %mul3A_219 : i32
          %dma_start3A_221 = tpu.memref_slice %arg3[%add3A_220] : memref<163840xi32, #tpu.memory_space<hbm>> -> memref<128xi32, #tpu.memory_space<hbm>>
          %dma_start3A_222 = tpu.memref_slice %arg3[%add3A_220] : memref<163840xi32, #tpu.memory_space<hbm>> -> memref<128xi32, #tpu.memory_space<hbm>>
          tpu.enqueue_dma source(%dma_start3A_222 : memref<128xi32, #tpu.memory_space<hbm>>) target(%arg17 : memref<128xi32, #tpu.memory_space<vmem>>) target_semaphore(%arg28 : memref<!tpu.dma_semaphore, #tpu.memory_space<semaphore_mem>>)
        } else {
        }
        %dma_wait3A_193 = arith.constant 0 : i32
        %dma_wait3A_194 = arith.constant 0 : i32
        %dma_wait3A_195 = tpu.memref_slice %arg23[%dma_wait3A_193, %dma_wait3A_194] : memref<10016x128xf32, #tpu.memory_space<vmem_shared>> -> memref<10016x128xf32, #tpu.memory_space<vmem_shared>>
        tpu.wait_indirect_dma semaphore(%arg27 : memref<!tpu.dma_semaphore, #tpu.memory_space<semaphore_mem>>) src(%arg21 : memref<128x128xf32, #tpu.memory_space<vmem>>) dst(%dma_wait3A_195 : memref<10016x128xf32, #tpu.memory_space<vmem_shared>>)
        %add3A_196 = arith.constant 5 : i32
        %add3A_197 = arith.addi %mul3A_103, %add3A_196 : i32
        %lt3A_198 = arith.constant 80 : i32
        %lt3A_199 = arith.cmpi slt, %add3A_197, %lt3A_198 : i32
        %convert_element_type3A_200 = arith.extui %lt3A_199 : i1 to i32
        %cond3A_201 = arith.constant 0 : i32
        %cond3A_202 = arith.cmpi ne, %convert_element_type3A_200, %cond3A_201 : i32
        scf.if %cond3A_202 {
          %add3A_211 = arith.constant 5 : i32
          %add3A_212 = arith.addi %mul3A_103, %add3A_211 : i32
          %mul3A_213 = arith.constant 128 : i32
          %mul3A_214 = arith.muli %add3A_212, %mul3A_213 : i32
          %add3A_215 = arith.addi %mul3A_8, %mul3A_214 : i32
          %dma_wait3A_216 = tpu.memref_slice %arg2[%add3A_215] : memref<163840xi32, #tpu.memory_space<hbm>> -> memref<128xi32, #tpu.memory_space<hbm>>
          %dma_wait3A_217 = tpu.memref_slice %arg2[%add3A_215] : memref<163840xi32, #tpu.memory_space<hbm>> -> memref<128xi32, #tpu.memory_space<hbm>>
          tpu.wait_dma2 semaphore(%arg29 : memref<!tpu.dma_semaphore, #tpu.memory_space<semaphore_mem>>) src(%dma_wait3A_217 : memref<128xi32, #tpu.memory_space<hbm>>) dst(%arg14 : memref<128xi32, #tpu.memory_space<vmem>>)
          %mul3A_218 = arith.constant 128 : i32
          %mul3A_219 = arith.muli %add3A_212, %mul3A_218 : i32
          %add3A_220 = arith.addi %mul3A_8, %mul3A_219 : i32
          %dma_wait3A_221 = tpu.memref_slice %arg3[%add3A_220] : memref<163840xi32, #tpu.memory_space<hbm>> -> memref<128xi32, #tpu.memory_space<hbm>>
          %dma_wait3A_222 = tpu.memref_slice %arg3[%add3A_220] : memref<163840xi32, #tpu.memory_space<hbm>> -> memref<128xi32, #tpu.memory_space<hbm>>
          tpu.wait_dma2 semaphore(%arg29 : memref<!tpu.dma_semaphore, #tpu.memory_space<semaphore_mem>>) src(%dma_wait3A_222 : memref<128xi32, #tpu.memory_space<hbm>>) dst(%arg15 : memref<128xi32, #tpu.memory_space<vmem>>)
          %dma_start3A_223 = arith.constant 0 : i32
          %dma_start3A_224 = arith.constant 0 : i32
          %dma_start3A_225 = tpu.memref_slice %arg5[%dma_start3A_223, %dma_start3A_224] : memref<10016x128xf32, #tpu.memory_space<hbm>> -> memref<10016x128xf32, #tpu.memory_space<hbm>>
          tpu.enqueue_indirect_dma source(%dma_start3A_225 : memref<10016x128xf32, #tpu.memory_space<hbm>>) target(%arg21 : memref<128x128xf32, #tpu.memory_space<vmem>>) offsets(%arg14 : memref<128xi32, #tpu.memory_space<vmem>>) semaphore(%arg25 : memref<!tpu.dma_semaphore, #tpu.memory_space<semaphore_mem>>)
        } else {
        }
        %add3A_203 = arith.constant 7 : i32
        %add3A_204 = arith.addi %mul3A_103, %add3A_203 : i32
        %lt3A_205 = arith.constant 80 : i32
        %lt3A_206 = arith.cmpi slt, %add3A_204, %lt3A_205 : i32
        %convert_element_type3A_207 = arith.extui %lt3A_206 : i1 to i32
        %cond3A_208 = arith.constant 0 : i32
        %cond3A_209 = arith.cmpi ne, %convert_element_type3A_207, %cond3A_208 : i32
        scf.if %cond3A_209 {
          %add3A_211 = arith.constant 7 : i32
          %add3A_212 = arith.addi %mul3A_103, %add3A_211 : i32
          %mul3A_213 = arith.constant 128 : i32
          %mul3A_214 = arith.muli %add3A_212, %mul3A_213 : i32
          %add3A_215 = arith.addi %mul3A_8, %mul3A_214 : i32
          %dma_start3A_216 = tpu.memref_slice %arg2[%add3A_215] : memref<163840xi32, #tpu.memory_space<hbm>> -> memref<128xi32, #tpu.memory_space<hbm>>
          %dma_start3A_217 = tpu.memref_slice %arg2[%add3A_215] : memref<163840xi32, #tpu.memory_space<hbm>> -> memref<128xi32, #tpu.memory_space<hbm>>
          tpu.enqueue_dma source(%dma_start3A_217 : memref<128xi32, #tpu.memory_space<hbm>>) target(%arg18 : memref<128xi32, #tpu.memory_space<vmem>>) target_semaphore(%arg29 : memref<!tpu.dma_semaphore, #tpu.memory_space<semaphore_mem>>)
          %mul3A_218 = arith.constant 128 : i32
          %mul3A_219 = arith.muli %add3A_212, %mul3A_218 : i32
          %add3A_220 = arith.addi %mul3A_8, %mul3A_219 : i32
          %dma_start3A_221 = tpu.memref_slice %arg3[%add3A_220] : memref<163840xi32, #tpu.memory_space<hbm>> -> memref<128xi32, #tpu.memory_space<hbm>>
          %dma_start3A_222 = tpu.memref_slice %arg3[%add3A_220] : memref<163840xi32, #tpu.memory_space<hbm>> -> memref<128xi32, #tpu.memory_space<hbm>>
          tpu.enqueue_dma source(%dma_start3A_222 : memref<128xi32, #tpu.memory_space<hbm>>) target(%arg19 : memref<128xi32, #tpu.memory_space<vmem>>) target_semaphore(%arg29 : memref<!tpu.dma_semaphore, #tpu.memory_space<semaphore_mem>>)
        } else {
        }
        %scan3A_210 = arith.constant 0 : i32
        scf.yield %scan3A_210 : i32
      }
      %scan3A_99 = arith.constant 20 : i32
    } else {
    }
    %eq3A_52 = arith.constant 1 : i32
    %eq3A_53 = arith.cmpi eq, %arg0, %eq3A_52 : i32
    %convert_element_type3A_54 = arith.extui %eq3A_53 : i1 to i32
    %cond3A_55 = arith.constant 0 : i32
    %cond3A_56 = arith.cmpi ne, %convert_element_type3A_54, %cond3A_55 : i32
    scf.if %cond3A_56 {
      "tpu.region"() ({
        %run_scoped3A = tpu.sem_alloc : memref<!tpu.dma_semaphore, #tpu.memory_space<semaphore_mem>>
        %dma_start3A_100 = tpu.memref_slice %arg2[%mul3A_8] : memref<163840xi32, #tpu.memory_space<hbm>> -> memref<128xi32, #tpu.memory_space<hbm>>
        %dma_start3A_101 = tpu.memref_slice %arg2[%mul3A_8] : memref<163840xi32, #tpu.memory_space<hbm>> -> memref<128xi32, #tpu.memory_space<hbm>>
        tpu.enqueue_dma source(%dma_start3A_101 : memref<128xi32, #tpu.memory_space<hbm>>) target(%arg12 : memref<128xi32, #tpu.memory_space<vmem>>) target_semaphore(%run_scoped3A : memref<!tpu.dma_semaphore, #tpu.memory_space<semaphore_mem>>)
        %dma_wait3A = tpu.memref_slice %arg2[%mul3A_8] : memref<163840xi32, #tpu.memory_space<hbm>> -> memref<128xi32, #tpu.memory_space<hbm>>
        %dma_wait3A_102 = tpu.memref_slice %arg2[%mul3A_8] : memref<163840xi32, #tpu.memory_space<hbm>> -> memref<128xi32, #tpu.memory_space<hbm>>
        tpu.wait_dma2 semaphore(%run_scoped3A : memref<!tpu.dma_semaphore, #tpu.memory_space<semaphore_mem>>) src(%dma_wait3A_102 : memref<128xi32, #tpu.memory_space<hbm>>) dst(%arg12 : memref<128xi32, #tpu.memory_space<vmem>>)
        tpu.yield
      }) : () -> ()
      "tpu.region"() ({
        %run_scoped3A = tpu.sem_alloc : memref<!tpu.dma_semaphore, #tpu.memory_space<semaphore_mem>>
        %dma_start3A_100 = tpu.memref_slice %arg3[%mul3A_8] : memref<163840xi32, #tpu.memory_space<hbm>> -> memref<128xi32, #tpu.memory_space<hbm>>
        %dma_start3A_101 = tpu.memref_slice %arg3[%mul3A_8] : memref<163840xi32, #tpu.memory_space<hbm>> -> memref<128xi32, #tpu.memory_space<hbm>>
        tpu.enqueue_dma source(%dma_start3A_101 : memref<128xi32, #tpu.memory_space<hbm>>) target(%arg13 : memref<128xi32, #tpu.memory_space<vmem>>) target_semaphore(%run_scoped3A : memref<!tpu.dma_semaphore, #tpu.memory_space<semaphore_mem>>)
        %dma_wait3A = tpu.memref_slice %arg3[%mul3A_8] : memref<163840xi32, #tpu.memory_space<hbm>> -> memref<128xi32, #tpu.memory_space<hbm>>
        %dma_wait3A_102 = tpu.memref_slice %arg3[%mul3A_8] : memref<163840xi32, #tpu.memory_space<hbm>> -> memref<128xi32, #tpu.memory_space<hbm>>
        tpu.wait_dma2 semaphore(%run_scoped3A : memref<!tpu.dma_semaphore, #tpu.memory_space<semaphore_mem>>) src(%dma_wait3A_102 : memref<128xi32, #tpu.memory_space<hbm>>) dst(%arg13 : memref<128xi32, #tpu.memory_space<vmem>>)
        tpu.yield
      }) : () -> ()
      %add3A_68 = arith.constant 128 : i32
      %add3A_69 = arith.addi %mul3A_8, %add3A_68 : i32
      "tpu.region"() ({
        %run_scoped3A = tpu.sem_alloc : memref<!tpu.dma_semaphore, #tpu.memory_space<semaphore_mem>>
        %dma_start3A_100 = tpu.memref_slice %arg2[%add3A_69] : memref<163840xi32, #tpu.memory_space<hbm>> -> memref<128xi32, #tpu.memory_space<hbm>>
        %dma_start3A_101 = tpu.memref_slice %arg2[%add3A_69] : memref<163840xi32, #tpu.memory_space<hbm>> -> memref<128xi32, #tpu.memory_space<hbm>>
        tpu.enqueue_dma source(%dma_start3A_101 : memref<128xi32, #tpu.memory_space<hbm>>) target(%arg14 : memref<128xi32, #tpu.memory_space<vmem>>) target_semaphore(%run_scoped3A : memref<!tpu.dma_semaphore, #tpu.memory_space<semaphore_mem>>)
        %dma_wait3A = tpu.memref_slice %arg2[%add3A_69] : memref<163840xi32, #tpu.memory_space<hbm>> -> memref<128xi32, #tpu.memory_space<hbm>>
        %dma_wait3A_102 = tpu.memref_slice %arg2[%add3A_69] : memref<163840xi32, #tpu.memory_space<hbm>> -> memref<128xi32, #tpu.memory_space<hbm>>
        tpu.wait_dma2 semaphore(%run_scoped3A : memref<!tpu.dma_semaphore, #tpu.memory_space<semaphore_mem>>) src(%dma_wait3A_102 : memref<128xi32, #tpu.memory_space<hbm>>) dst(%arg14 : memref<128xi32, #tpu.memory_space<vmem>>)
        tpu.yield
      }) : () -> ()
      %add3A_70 = arith.constant 128 : i32
      %add3A_71 = arith.addi %mul3A_8, %add3A_70 : i32
      "tpu.region"() ({
        %run_scoped3A = tpu.sem_alloc : memref<!tpu.dma_semaphore, #tpu.memory_space<semaphore_mem>>
        %dma_start3A_100 = tpu.memref_slice %arg3[%add3A_71] : memref<163840xi32, #tpu.memory_space<hbm>> -> memref<128xi32, #tpu.memory_space<hbm>>
        %dma_start3A_101 = tpu.memref_slice %arg3[%add3A_71] : memref<163840xi32, #tpu.memory_space<hbm>> -> memref<128xi32, #tpu.memory_space<hbm>>
        tpu.enqueue_dma source(%dma_start3A_101 : memref<128xi32, #tpu.memory_space<hbm>>) target(%arg15 : memref<128xi32, #tpu.memory_space<vmem>>) target_semaphore(%run_scoped3A : memref<!tpu.dma_semaphore, #tpu.memory_space<semaphore_mem>>)
        %dma_wait3A = tpu.memref_slice %arg3[%add3A_71] : memref<163840xi32, #tpu.memory_space<hbm>> -> memref<128xi32, #tpu.memory_space<hbm>>
        %dma_wait3A_102 = tpu.memref_slice %arg3[%add3A_71] : memref<163840xi32, #tpu.memory_space<hbm>> -> memref<128xi32, #tpu.memory_space<hbm>>
        tpu.wait_dma2 semaphore(%run_scoped3A : memref<!tpu.dma_semaphore, #tpu.memory_space<semaphore_mem>>) src(%dma_wait3A_102 : memref<128xi32, #tpu.memory_space<hbm>>) dst(%arg15 : memref<128xi32, #tpu.memory_space<vmem>>)
        tpu.yield
      }) : () -> ()
      %dma_start3A = arith.constant 0 : i32
      %dma_start3A_72 = arith.constant 0 : i32
      %dma_start3A_73 = tpu.memref_slice %arg7[%dma_start3A, %dma_start3A_72] : memref<10016x128xf32, #tpu.memory_space<hbm>> -> memref<10016x128xf32, #tpu.memory_space<hbm>>
      tpu.enqueue_indirect_dma source(%dma_start3A_73 : memref<10016x128xf32, #tpu.memory_space<hbm>>) target(%arg20 : memref<128x128xf32, #tpu.memory_space<vmem>>) offsets(%arg12 : memref<128xi32, #tpu.memory_space<vmem>>) semaphore(%arg24 : memref<!tpu.dma_semaphore, #tpu.memory_space<semaphore_mem>>)
      %dma_start3A_74 = arith.constant 0 : i32
      %dma_start3A_75 = arith.constant 0 : i32
      %dma_start3A_76 = tpu.memref_slice %arg7[%dma_start3A_74, %dma_start3A_75] : memref<10016x128xf32, #tpu.memory_space<hbm>> -> memref<10016x128xf32, #tpu.memory_space<hbm>>
      tpu.enqueue_indirect_dma source(%dma_start3A_76 : memref<10016x128xf32, #tpu.memory_space<hbm>>) target(%arg21 : memref<128x128xf32, #tpu.memory_space<vmem>>) offsets(%arg14 : memref<128xi32, #tpu.memory_space<vmem>>) semaphore(%arg25 : memref<!tpu.dma_semaphore, #tpu.memory_space<semaphore_mem>>)
      %add3A_77 = arith.constant 256 : i32
      %add3A_78 = arith.addi %mul3A_8, %add3A_77 : i32
      %dma_start3A_79 = tpu.memref_slice %arg2[%add3A_78] : memref<163840xi32, #tpu.memory_space<hbm>> -> memref<128xi32, #tpu.memory_space<hbm>>
      %dma_start3A_80 = tpu.memref_slice %arg2[%add3A_78] : memref<163840xi32, #tpu.memory_space<hbm>> -> memref<128xi32, #tpu.memory_space<hbm>>
      tpu.enqueue_dma source(%dma_start3A_80 : memref<128xi32, #tpu.memory_space<hbm>>) target(%arg16 : memref<128xi32, #tpu.memory_space<vmem>>) target_semaphore(%arg28 : memref<!tpu.dma_semaphore, #tpu.memory_space<semaphore_mem>>)
      %add3A_81 = arith.constant 256 : i32
      %add3A_82 = arith.addi %mul3A_8, %add3A_81 : i32
      %dma_start3A_83 = tpu.memref_slice %arg3[%add3A_82] : memref<163840xi32, #tpu.memory_space<hbm>> -> memref<128xi32, #tpu.memory_space<hbm>>
      %dma_start3A_84 = tpu.memref_slice %arg3[%add3A_82] : memref<163840xi32, #tpu.memory_space<hbm>> -> memref<128xi32, #tpu.memory_space<hbm>>
      tpu.enqueue_dma source(%dma_start3A_84 : memref<128xi32, #tpu.memory_space<hbm>>) target(%arg17 : memref<128xi32, #tpu.memory_space<vmem>>) target_semaphore(%arg28 : memref<!tpu.dma_semaphore, #tpu.memory_space<semaphore_mem>>)
      %add3A_85 = arith.constant 384 : i32
      %add3A_86 = arith.addi %mul3A_8, %add3A_85 : i32
      %dma_start3A_87 = tpu.memref_slice %arg2[%add3A_86] : memref<163840xi32, #tpu.memory_space<hbm>> -> memref<128xi32, #tpu.memory_space<hbm>>
      %dma_start3A_88 = tpu.memref_slice %arg2[%add3A_86] : memref<163840xi32, #tpu.memory_space<hbm>> -> memref<128xi32, #tpu.memory_space<hbm>>
      tpu.enqueue_dma source(%dma_start3A_88 : memref<128xi32, #tpu.memory_space<hbm>>) target(%arg18 : memref<128xi32, #tpu.memory_space<vmem>>) target_semaphore(%arg29 : memref<!tpu.dma_semaphore, #tpu.memory_space<semaphore_mem>>)
      %add3A_89 = arith.constant 384 : i32
      %add3A_90 = arith.addi %mul3A_8, %add3A_89 : i32
      %dma_start3A_91 = tpu.memref_slice %arg3[%add3A_90] : memref<163840xi32, #tpu.memory_space<hbm>> -> memref<128xi32, #tpu.memory_space<hbm>>
      %dma_start3A_92 = tpu.memref_slice %arg3[%add3A_90] : memref<163840xi32, #tpu.memory_space<hbm>> -> memref<128xi32, #tpu.memory_space<hbm>>
      tpu.enqueue_dma source(%dma_start3A_92 : memref<128xi32, #tpu.memory_space<hbm>>) target(%arg19 : memref<128xi32, #tpu.memory_space<vmem>>) target_semaphore(%arg29 : memref<!tpu.dma_semaphore, #tpu.memory_space<semaphore_mem>>)
      %scan3A_93 = arith.constant 0 : i32
      %scan3A_94 = arith.constant 0 : i32
      %scan3A_95 = arith.constant 20 : i32
      %scan3A_96 = arith.addi %scan3A_94, %scan3A_95 : i32
      %scan3A_97 = arith.constant 1 : i32
      %scan3A_98 = scf.for %scan3A_100 = %scan3A_94 to %scan3A_96 step %scan3A_97 iter_args(%scan3A_101 = %scan3A_93) -> (i32)  : i32 {
        %mul3A_102 = arith.constant 4 : i32
        %mul3A_103 = arith.muli %mul3A_102, %scan3A_100 : i32
        %dma_wait3A = arith.constant 0 : i32
        %dma_wait3A_104 = arith.constant 0 : i32
        %dma_wait3A_105 = tpu.memref_slice %arg7[%dma_wait3A, %dma_wait3A_104] : memref<10016x128xf32, #tpu.memory_space<hbm>> -> memref<10016x128xf32, #tpu.memory_space<hbm>>
        tpu.wait_indirect_dma semaphore(%arg24 : memref<!tpu.dma_semaphore, #tpu.memory_space<semaphore_mem>>) src(%dma_wait3A_105 : memref<10016x128xf32, #tpu.memory_space<hbm>>) dst(%arg20 : memref<128x128xf32, #tpu.memory_space<vmem>>)
        %dma_start3A_106 = arith.constant 0 : i32
        %dma_start3A_107 = arith.constant 0 : i32
        %dma_start3A_108 = tpu.memref_slice %arg23[%dma_start3A_106, %dma_start3A_107] : memref<10016x128xf32, #tpu.memory_space<vmem_shared>> -> memref<10016x128xf32, #tpu.memory_space<vmem_shared>>
        tpu.enqueue_indirect_dma source(%arg20 : memref<128x128xf32, #tpu.memory_space<vmem>>) target(%dma_start3A_108 : memref<10016x128xf32, #tpu.memory_space<vmem_shared>>) offsets(%arg13 : memref<128xi32, #tpu.memory_space<vmem>>) semaphore(%arg26 : memref<!tpu.dma_semaphore, #tpu.memory_space<semaphore_mem>>) {add = true}
        %dma_wait3A_109 = arith.constant 0 : i32
        %dma_wait3A_110 = arith.constant 0 : i32
        %dma_wait3A_111 = tpu.memref_slice %arg7[%dma_wait3A_109, %dma_wait3A_110] : memref<10016x128xf32, #tpu.memory_space<hbm>> -> memref<10016x128xf32, #tpu.memory_space<hbm>>
        tpu.wait_indirect_dma semaphore(%arg25 : memref<!tpu.dma_semaphore, #tpu.memory_space<semaphore_mem>>) src(%dma_wait3A_111 : memref<10016x128xf32, #tpu.memory_space<hbm>>) dst(%arg21 : memref<128x128xf32, #tpu.memory_space<vmem>>)
        %dma_start3A_112 = arith.constant 0 : i32
        %dma_start3A_113 = arith.constant 0 : i32
        %dma_start3A_114 = tpu.memref_slice %arg23[%dma_start3A_112, %dma_start3A_113] : memref<10016x128xf32, #tpu.memory_space<vmem_shared>> -> memref<10016x128xf32, #tpu.memory_space<vmem_shared>>
        tpu.enqueue_indirect_dma source(%arg21 : memref<128x128xf32, #tpu.memory_space<vmem>>) target(%dma_start3A_114 : memref<10016x128xf32, #tpu.memory_space<vmem_shared>>) offsets(%arg15 : memref<128xi32, #tpu.memory_space<vmem>>) semaphore(%arg27 : memref<!tpu.dma_semaphore, #tpu.memory_space<semaphore_mem>>) {add = true}
        %dma_wait3A_115 = arith.constant 0 : i32
        %dma_wait3A_116 = arith.constant 0 : i32
        %dma_wait3A_117 = tpu.memref_slice %arg23[%dma_wait3A_115, %dma_wait3A_116] : memref<10016x128xf32, #tpu.memory_space<vmem_shared>> -> memref<10016x128xf32, #tpu.memory_space<vmem_shared>>
        tpu.wait_indirect_dma semaphore(%arg26 : memref<!tpu.dma_semaphore, #tpu.memory_space<semaphore_mem>>) src(%arg20 : memref<128x128xf32, #tpu.memory_space<vmem>>) dst(%dma_wait3A_117 : memref<10016x128xf32, #tpu.memory_space<vmem_shared>>)
        %add3A_118 = arith.constant 2 : i32
        %add3A_119 = arith.addi %mul3A_103, %add3A_118 : i32
        %mul3A_120 = arith.constant 128 : i32
        %mul3A_121 = arith.muli %add3A_119, %mul3A_120 : i32
        %add3A_122 = arith.addi %mul3A_8, %mul3A_121 : i32
        %dma_wait3A_123 = tpu.memref_slice %arg2[%add3A_122] : memref<163840xi32, #tpu.memory_space<hbm>> -> memref<128xi32, #tpu.memory_space<hbm>>
        %dma_wait3A_124 = tpu.memref_slice %arg2[%add3A_122] : memref<163840xi32, #tpu.memory_space<hbm>> -> memref<128xi32, #tpu.memory_space<hbm>>
        tpu.wait_dma2 semaphore(%arg28 : memref<!tpu.dma_semaphore, #tpu.memory_space<semaphore_mem>>) src(%dma_wait3A_124 : memref<128xi32, #tpu.memory_space<hbm>>) dst(%arg16 : memref<128xi32, #tpu.memory_space<vmem>>)
        %mul3A_125 = arith.constant 128 : i32
        %mul3A_126 = arith.muli %add3A_119, %mul3A_125 : i32
        %add3A_127 = arith.addi %mul3A_8, %mul3A_126 : i32
        %dma_wait3A_128 = tpu.memref_slice %arg3[%add3A_127] : memref<163840xi32, #tpu.memory_space<hbm>> -> memref<128xi32, #tpu.memory_space<hbm>>
        %dma_wait3A_129 = tpu.memref_slice %arg3[%add3A_127] : memref<163840xi32, #tpu.memory_space<hbm>> -> memref<128xi32, #tpu.memory_space<hbm>>
        tpu.wait_dma2 semaphore(%arg28 : memref<!tpu.dma_semaphore, #tpu.memory_space<semaphore_mem>>) src(%dma_wait3A_129 : memref<128xi32, #tpu.memory_space<hbm>>) dst(%arg17 : memref<128xi32, #tpu.memory_space<vmem>>)
        %dma_start3A_130 = arith.constant 0 : i32
        %dma_start3A_131 = arith.constant 0 : i32
        %dma_start3A_132 = tpu.memref_slice %arg7[%dma_start3A_130, %dma_start3A_131] : memref<10016x128xf32, #tpu.memory_space<hbm>> -> memref<10016x128xf32, #tpu.memory_space<hbm>>
        tpu.enqueue_indirect_dma source(%dma_start3A_132 : memref<10016x128xf32, #tpu.memory_space<hbm>>) target(%arg20 : memref<128x128xf32, #tpu.memory_space<vmem>>) offsets(%arg16 : memref<128xi32, #tpu.memory_space<vmem>>) semaphore(%arg24 : memref<!tpu.dma_semaphore, #tpu.memory_space<semaphore_mem>>)
        %add3A_133 = arith.constant 4 : i32
        %add3A_134 = arith.addi %mul3A_103, %add3A_133 : i32
        %lt3A = arith.constant 80 : i32
        %lt3A_135 = arith.cmpi slt, %add3A_134, %lt3A : i32
        %convert_element_type3A_136 = arith.extui %lt3A_135 : i1 to i32
        %cond3A_137 = arith.constant 0 : i32
        %cond3A_138 = arith.cmpi ne, %convert_element_type3A_136, %cond3A_137 : i32
        scf.if %cond3A_138 {
          %add3A_211 = arith.constant 4 : i32
          %add3A_212 = arith.addi %mul3A_103, %add3A_211 : i32
          %mul3A_213 = arith.constant 128 : i32
          %mul3A_214 = arith.muli %add3A_212, %mul3A_213 : i32
          %add3A_215 = arith.addi %mul3A_8, %mul3A_214 : i32
          %dma_start3A_216 = tpu.memref_slice %arg2[%add3A_215] : memref<163840xi32, #tpu.memory_space<hbm>> -> memref<128xi32, #tpu.memory_space<hbm>>
          %dma_start3A_217 = tpu.memref_slice %arg2[%add3A_215] : memref<163840xi32, #tpu.memory_space<hbm>> -> memref<128xi32, #tpu.memory_space<hbm>>
          tpu.enqueue_dma source(%dma_start3A_217 : memref<128xi32, #tpu.memory_space<hbm>>) target(%arg12 : memref<128xi32, #tpu.memory_space<vmem>>) target_semaphore(%arg28 : memref<!tpu.dma_semaphore, #tpu.memory_space<semaphore_mem>>)
          %mul3A_218 = arith.constant 128 : i32
          %mul3A_219 = arith.muli %add3A_212, %mul3A_218 : i32
          %add3A_220 = arith.addi %mul3A_8, %mul3A_219 : i32
          %dma_start3A_221 = tpu.memref_slice %arg3[%add3A_220] : memref<163840xi32, #tpu.memory_space<hbm>> -> memref<128xi32, #tpu.memory_space<hbm>>
          %dma_start3A_222 = tpu.memref_slice %arg3[%add3A_220] : memref<163840xi32, #tpu.memory_space<hbm>> -> memref<128xi32, #tpu.memory_space<hbm>>
          tpu.enqueue_dma source(%dma_start3A_222 : memref<128xi32, #tpu.memory_space<hbm>>) target(%arg13 : memref<128xi32, #tpu.memory_space<vmem>>) target_semaphore(%arg28 : memref<!tpu.dma_semaphore, #tpu.memory_space<semaphore_mem>>)
        } else {
        }
        %dma_wait3A_139 = arith.constant 0 : i32
        %dma_wait3A_140 = arith.constant 0 : i32
        %dma_wait3A_141 = tpu.memref_slice %arg23[%dma_wait3A_139, %dma_wait3A_140] : memref<10016x128xf32, #tpu.memory_space<vmem_shared>> -> memref<10016x128xf32, #tpu.memory_space<vmem_shared>>
        tpu.wait_indirect_dma semaphore(%arg27 : memref<!tpu.dma_semaphore, #tpu.memory_space<semaphore_mem>>) src(%arg21 : memref<128x128xf32, #tpu.memory_space<vmem>>) dst(%dma_wait3A_141 : memref<10016x128xf32, #tpu.memory_space<vmem_shared>>)
        %add3A_142 = arith.constant 3 : i32
        %add3A_143 = arith.addi %mul3A_103, %add3A_142 : i32
        %mul3A_144 = arith.constant 128 : i32
        %mul3A_145 = arith.muli %add3A_143, %mul3A_144 : i32
        %add3A_146 = arith.addi %mul3A_8, %mul3A_145 : i32
        %dma_wait3A_147 = tpu.memref_slice %arg2[%add3A_146] : memref<163840xi32, #tpu.memory_space<hbm>> -> memref<128xi32, #tpu.memory_space<hbm>>
        %dma_wait3A_148 = tpu.memref_slice %arg2[%add3A_146] : memref<163840xi32, #tpu.memory_space<hbm>> -> memref<128xi32, #tpu.memory_space<hbm>>
        tpu.wait_dma2 semaphore(%arg29 : memref<!tpu.dma_semaphore, #tpu.memory_space<semaphore_mem>>) src(%dma_wait3A_148 : memref<128xi32, #tpu.memory_space<hbm>>) dst(%arg18 : memref<128xi32, #tpu.memory_space<vmem>>)
        %mul3A_149 = arith.constant 128 : i32
        %mul3A_150 = arith.muli %add3A_143, %mul3A_149 : i32
        %add3A_151 = arith.addi %mul3A_8, %mul3A_150 : i32
        %dma_wait3A_152 = tpu.memref_slice %arg3[%add3A_151] : memref<163840xi32, #tpu.memory_space<hbm>> -> memref<128xi32, #tpu.memory_space<hbm>>
        %dma_wait3A_153 = tpu.memref_slice %arg3[%add3A_151] : memref<163840xi32, #tpu.memory_space<hbm>> -> memref<128xi32, #tpu.memory_space<hbm>>
        tpu.wait_dma2 semaphore(%arg29 : memref<!tpu.dma_semaphore, #tpu.memory_space<semaphore_mem>>) src(%dma_wait3A_153 : memref<128xi32, #tpu.memory_space<hbm>>) dst(%arg19 : memref<128xi32, #tpu.memory_space<vmem>>)
        %dma_start3A_154 = arith.constant 0 : i32
        %dma_start3A_155 = arith.constant 0 : i32
        %dma_start3A_156 = tpu.memref_slice %arg7[%dma_start3A_154, %dma_start3A_155] : memref<10016x128xf32, #tpu.memory_space<hbm>> -> memref<10016x128xf32, #tpu.memory_space<hbm>>
        tpu.enqueue_indirect_dma source(%dma_start3A_156 : memref<10016x128xf32, #tpu.memory_space<hbm>>) target(%arg21 : memref<128x128xf32, #tpu.memory_space<vmem>>) offsets(%arg18 : memref<128xi32, #tpu.memory_space<vmem>>) semaphore(%arg25 : memref<!tpu.dma_semaphore, #tpu.memory_space<semaphore_mem>>)
        %add3A_157 = arith.constant 5 : i32
        %add3A_158 = arith.addi %mul3A_103, %add3A_157 : i32
        %lt3A_159 = arith.constant 80 : i32
        %lt3A_160 = arith.cmpi slt, %add3A_158, %lt3A_159 : i32
        %convert_element_type3A_161 = arith.extui %lt3A_160 : i1 to i32
        %cond3A_162 = arith.constant 0 : i32
        %cond3A_163 = arith.cmpi ne, %convert_element_type3A_161, %cond3A_162 : i32
        scf.if %cond3A_163 {
          %add3A_211 = arith.constant 5 : i32
          %add3A_212 = arith.addi %mul3A_103, %add3A_211 : i32
          %mul3A_213 = arith.constant 128 : i32
          %mul3A_214 = arith.muli %add3A_212, %mul3A_213 : i32
          %add3A_215 = arith.addi %mul3A_8, %mul3A_214 : i32
          %dma_start3A_216 = tpu.memref_slice %arg2[%add3A_215] : memref<163840xi32, #tpu.memory_space<hbm>> -> memref<128xi32, #tpu.memory_space<hbm>>
          %dma_start3A_217 = tpu.memref_slice %arg2[%add3A_215] : memref<163840xi32, #tpu.memory_space<hbm>> -> memref<128xi32, #tpu.memory_space<hbm>>
          tpu.enqueue_dma source(%dma_start3A_217 : memref<128xi32, #tpu.memory_space<hbm>>) target(%arg14 : memref<128xi32, #tpu.memory_space<vmem>>) target_semaphore(%arg29 : memref<!tpu.dma_semaphore, #tpu.memory_space<semaphore_mem>>)
          %mul3A_218 = arith.constant 128 : i32
          %mul3A_219 = arith.muli %add3A_212, %mul3A_218 : i32
          %add3A_220 = arith.addi %mul3A_8, %mul3A_219 : i32
          %dma_start3A_221 = tpu.memref_slice %arg3[%add3A_220] : memref<163840xi32, #tpu.memory_space<hbm>> -> memref<128xi32, #tpu.memory_space<hbm>>
          %dma_start3A_222 = tpu.memref_slice %arg3[%add3A_220] : memref<163840xi32, #tpu.memory_space<hbm>> -> memref<128xi32, #tpu.memory_space<hbm>>
          tpu.enqueue_dma source(%dma_start3A_222 : memref<128xi32, #tpu.memory_space<hbm>>) target(%arg15 : memref<128xi32, #tpu.memory_space<vmem>>) target_semaphore(%arg29 : memref<!tpu.dma_semaphore, #tpu.memory_space<semaphore_mem>>)
        } else {
        }
        %dma_wait3A_164 = arith.constant 0 : i32
        %dma_wait3A_165 = arith.constant 0 : i32
        %dma_wait3A_166 = tpu.memref_slice %arg7[%dma_wait3A_164, %dma_wait3A_165] : memref<10016x128xf32, #tpu.memory_space<hbm>> -> memref<10016x128xf32, #tpu.memory_space<hbm>>
        tpu.wait_indirect_dma semaphore(%arg24 : memref<!tpu.dma_semaphore, #tpu.memory_space<semaphore_mem>>) src(%dma_wait3A_166 : memref<10016x128xf32, #tpu.memory_space<hbm>>) dst(%arg20 : memref<128x128xf32, #tpu.memory_space<vmem>>)
        %dma_start3A_167 = arith.constant 0 : i32
        %dma_start3A_168 = arith.constant 0 : i32
        %dma_start3A_169 = tpu.memref_slice %arg23[%dma_start3A_167, %dma_start3A_168] : memref<10016x128xf32, #tpu.memory_space<vmem_shared>> -> memref<10016x128xf32, #tpu.memory_space<vmem_shared>>
        tpu.enqueue_indirect_dma source(%arg20 : memref<128x128xf32, #tpu.memory_space<vmem>>) target(%dma_start3A_169 : memref<10016x128xf32, #tpu.memory_space<vmem_shared>>) offsets(%arg17 : memref<128xi32, #tpu.memory_space<vmem>>) semaphore(%arg26 : memref<!tpu.dma_semaphore, #tpu.memory_space<semaphore_mem>>) {add = true}
        %dma_wait3A_170 = arith.constant 0 : i32
        %dma_wait3A_171 = arith.constant 0 : i32
        %dma_wait3A_172 = tpu.memref_slice %arg7[%dma_wait3A_170, %dma_wait3A_171] : memref<10016x128xf32, #tpu.memory_space<hbm>> -> memref<10016x128xf32, #tpu.memory_space<hbm>>
        tpu.wait_indirect_dma semaphore(%arg25 : memref<!tpu.dma_semaphore, #tpu.memory_space<semaphore_mem>>) src(%dma_wait3A_172 : memref<10016x128xf32, #tpu.memory_space<hbm>>) dst(%arg21 : memref<128x128xf32, #tpu.memory_space<vmem>>)
        %dma_start3A_173 = arith.constant 0 : i32
        %dma_start3A_174 = arith.constant 0 : i32
        %dma_start3A_175 = tpu.memref_slice %arg23[%dma_start3A_173, %dma_start3A_174] : memref<10016x128xf32, #tpu.memory_space<vmem_shared>> -> memref<10016x128xf32, #tpu.memory_space<vmem_shared>>
        tpu.enqueue_indirect_dma source(%arg21 : memref<128x128xf32, #tpu.memory_space<vmem>>) target(%dma_start3A_175 : memref<10016x128xf32, #tpu.memory_space<vmem_shared>>) offsets(%arg19 : memref<128xi32, #tpu.memory_space<vmem>>) semaphore(%arg27 : memref<!tpu.dma_semaphore, #tpu.memory_space<semaphore_mem>>) {add = true}
        %dma_wait3A_176 = arith.constant 0 : i32
        %dma_wait3A_177 = arith.constant 0 : i32
        %dma_wait3A_178 = tpu.memref_slice %arg23[%dma_wait3A_176, %dma_wait3A_177] : memref<10016x128xf32, #tpu.memory_space<vmem_shared>> -> memref<10016x128xf32, #tpu.memory_space<vmem_shared>>
        tpu.wait_indirect_dma semaphore(%arg26 : memref<!tpu.dma_semaphore, #tpu.memory_space<semaphore_mem>>) src(%arg20 : memref<128x128xf32, #tpu.memory_space<vmem>>) dst(%dma_wait3A_178 : memref<10016x128xf32, #tpu.memory_space<vmem_shared>>)
        %add3A_179 = arith.constant 4 : i32
        %add3A_180 = arith.addi %mul3A_103, %add3A_179 : i32
        %lt3A_181 = arith.constant 80 : i32
        %lt3A_182 = arith.cmpi slt, %add3A_180, %lt3A_181 : i32
        %convert_element_type3A_183 = arith.extui %lt3A_182 : i1 to i32
        %cond3A_184 = arith.constant 0 : i32
        %cond3A_185 = arith.cmpi ne, %convert_element_type3A_183, %cond3A_184 : i32
        scf.if %cond3A_185 {
          %add3A_211 = arith.constant 4 : i32
          %add3A_212 = arith.addi %mul3A_103, %add3A_211 : i32
          %mul3A_213 = arith.constant 128 : i32
          %mul3A_214 = arith.muli %add3A_212, %mul3A_213 : i32
          %add3A_215 = arith.addi %mul3A_8, %mul3A_214 : i32
          %dma_wait3A_216 = tpu.memref_slice %arg2[%add3A_215] : memref<163840xi32, #tpu.memory_space<hbm>> -> memref<128xi32, #tpu.memory_space<hbm>>
          %dma_wait3A_217 = tpu.memref_slice %arg2[%add3A_215] : memref<163840xi32, #tpu.memory_space<hbm>> -> memref<128xi32, #tpu.memory_space<hbm>>
          tpu.wait_dma2 semaphore(%arg28 : memref<!tpu.dma_semaphore, #tpu.memory_space<semaphore_mem>>) src(%dma_wait3A_217 : memref<128xi32, #tpu.memory_space<hbm>>) dst(%arg12 : memref<128xi32, #tpu.memory_space<vmem>>)
          %mul3A_218 = arith.constant 128 : i32
          %mul3A_219 = arith.muli %add3A_212, %mul3A_218 : i32
          %add3A_220 = arith.addi %mul3A_8, %mul3A_219 : i32
          %dma_wait3A_221 = tpu.memref_slice %arg3[%add3A_220] : memref<163840xi32, #tpu.memory_space<hbm>> -> memref<128xi32, #tpu.memory_space<hbm>>
          %dma_wait3A_222 = tpu.memref_slice %arg3[%add3A_220] : memref<163840xi32, #tpu.memory_space<hbm>> -> memref<128xi32, #tpu.memory_space<hbm>>
          tpu.wait_dma2 semaphore(%arg28 : memref<!tpu.dma_semaphore, #tpu.memory_space<semaphore_mem>>) src(%dma_wait3A_222 : memref<128xi32, #tpu.memory_space<hbm>>) dst(%arg13 : memref<128xi32, #tpu.memory_space<vmem>>)
          %dma_start3A_223 = arith.constant 0 : i32
          %dma_start3A_224 = arith.constant 0 : i32
          %dma_start3A_225 = tpu.memref_slice %arg7[%dma_start3A_223, %dma_start3A_224] : memref<10016x128xf32, #tpu.memory_space<hbm>> -> memref<10016x128xf32, #tpu.memory_space<hbm>>
          tpu.enqueue_indirect_dma source(%dma_start3A_225 : memref<10016x128xf32, #tpu.memory_space<hbm>>) target(%arg20 : memref<128x128xf32, #tpu.memory_space<vmem>>) offsets(%arg12 : memref<128xi32, #tpu.memory_space<vmem>>) semaphore(%arg24 : memref<!tpu.dma_semaphore, #tpu.memory_space<semaphore_mem>>)
        } else {
        }
        %add3A_186 = arith.constant 6 : i32
        %add3A_187 = arith.addi %mul3A_103, %add3A_186 : i32
        %lt3A_188 = arith.constant 80 : i32
        %lt3A_189 = arith.cmpi slt, %add3A_187, %lt3A_188 : i32
        %convert_element_type3A_190 = arith.extui %lt3A_189 : i1 to i32
        %cond3A_191 = arith.constant 0 : i32
        %cond3A_192 = arith.cmpi ne, %convert_element_type3A_190, %cond3A_191 : i32
        scf.if %cond3A_192 {
          %add3A_211 = arith.constant 6 : i32
          %add3A_212 = arith.addi %mul3A_103, %add3A_211 : i32
          %mul3A_213 = arith.constant 128 : i32
          %mul3A_214 = arith.muli %add3A_212, %mul3A_213 : i32
          %add3A_215 = arith.addi %mul3A_8, %mul3A_214 : i32
          %dma_start3A_216 = tpu.memref_slice %arg2[%add3A_215] : memref<163840xi32, #tpu.memory_space<hbm>> -> memref<128xi32, #tpu.memory_space<hbm>>
          %dma_start3A_217 = tpu.memref_slice %arg2[%add3A_215] : memref<163840xi32, #tpu.memory_space<hbm>> -> memref<128xi32, #tpu.memory_space<hbm>>
          tpu.enqueue_dma source(%dma_start3A_217 : memref<128xi32, #tpu.memory_space<hbm>>) target(%arg16 : memref<128xi32, #tpu.memory_space<vmem>>) target_semaphore(%arg28 : memref<!tpu.dma_semaphore, #tpu.memory_space<semaphore_mem>>)
          %mul3A_218 = arith.constant 128 : i32
          %mul3A_219 = arith.muli %add3A_212, %mul3A_218 : i32
          %add3A_220 = arith.addi %mul3A_8, %mul3A_219 : i32
          %dma_start3A_221 = tpu.memref_slice %arg3[%add3A_220] : memref<163840xi32, #tpu.memory_space<hbm>> -> memref<128xi32, #tpu.memory_space<hbm>>
          %dma_start3A_222 = tpu.memref_slice %arg3[%add3A_220] : memref<163840xi32, #tpu.memory_space<hbm>> -> memref<128xi32, #tpu.memory_space<hbm>>
          tpu.enqueue_dma source(%dma_start3A_222 : memref<128xi32, #tpu.memory_space<hbm>>) target(%arg17 : memref<128xi32, #tpu.memory_space<vmem>>) target_semaphore(%arg28 : memref<!tpu.dma_semaphore, #tpu.memory_space<semaphore_mem>>)
        } else {
        }
        %dma_wait3A_193 = arith.constant 0 : i32
        %dma_wait3A_194 = arith.constant 0 : i32
        %dma_wait3A_195 = tpu.memref_slice %arg23[%dma_wait3A_193, %dma_wait3A_194] : memref<10016x128xf32, #tpu.memory_space<vmem_shared>> -> memref<10016x128xf32, #tpu.memory_space<vmem_shared>>
        tpu.wait_indirect_dma semaphore(%arg27 : memref<!tpu.dma_semaphore, #tpu.memory_space<semaphore_mem>>) src(%arg21 : memref<128x128xf32, #tpu.memory_space<vmem>>) dst(%dma_wait3A_195 : memref<10016x128xf32, #tpu.memory_space<vmem_shared>>)
        %add3A_196 = arith.constant 5 : i32
        %add3A_197 = arith.addi %mul3A_103, %add3A_196 : i32
        %lt3A_198 = arith.constant 80 : i32
        %lt3A_199 = arith.cmpi slt, %add3A_197, %lt3A_198 : i32
        %convert_element_type3A_200 = arith.extui %lt3A_199 : i1 to i32
        %cond3A_201 = arith.constant 0 : i32
        %cond3A_202 = arith.cmpi ne, %convert_element_type3A_200, %cond3A_201 : i32
        scf.if %cond3A_202 {
          %add3A_211 = arith.constant 5 : i32
          %add3A_212 = arith.addi %mul3A_103, %add3A_211 : i32
          %mul3A_213 = arith.constant 128 : i32
          %mul3A_214 = arith.muli %add3A_212, %mul3A_213 : i32
          %add3A_215 = arith.addi %mul3A_8, %mul3A_214 : i32
          %dma_wait3A_216 = tpu.memref_slice %arg2[%add3A_215] : memref<163840xi32, #tpu.memory_space<hbm>> -> memref<128xi32, #tpu.memory_space<hbm>>
          %dma_wait3A_217 = tpu.memref_slice %arg2[%add3A_215] : memref<163840xi32, #tpu.memory_space<hbm>> -> memref<128xi32, #tpu.memory_space<hbm>>
          tpu.wait_dma2 semaphore(%arg29 : memref<!tpu.dma_semaphore, #tpu.memory_space<semaphore_mem>>) src(%dma_wait3A_217 : memref<128xi32, #tpu.memory_space<hbm>>) dst(%arg14 : memref<128xi32, #tpu.memory_space<vmem>>)
          %mul3A_218 = arith.constant 128 : i32
          %mul3A_219 = arith.muli %add3A_212, %mul3A_218 : i32
          %add3A_220 = arith.addi %mul3A_8, %mul3A_219 : i32
          %dma_wait3A_221 = tpu.memref_slice %arg3[%add3A_220] : memref<163840xi32, #tpu.memory_space<hbm>> -> memref<128xi32, #tpu.memory_space<hbm>>
          %dma_wait3A_222 = tpu.memref_slice %arg3[%add3A_220] : memref<163840xi32, #tpu.memory_space<hbm>> -> memref<128xi32, #tpu.memory_space<hbm>>
          tpu.wait_dma2 semaphore(%arg29 : memref<!tpu.dma_semaphore, #tpu.memory_space<semaphore_mem>>) src(%dma_wait3A_222 : memref<128xi32, #tpu.memory_space<hbm>>) dst(%arg15 : memref<128xi32, #tpu.memory_space<vmem>>)
          %dma_start3A_223 = arith.constant 0 : i32
          %dma_start3A_224 = arith.constant 0 : i32
          %dma_start3A_225 = tpu.memref_slice %arg7[%dma_start3A_223, %dma_start3A_224] : memref<10016x128xf32, #tpu.memory_space<hbm>> -> memref<10016x128xf32, #tpu.memory_space<hbm>>
          tpu.enqueue_indirect_dma source(%dma_start3A_225 : memref<10016x128xf32, #tpu.memory_space<hbm>>) target(%arg21 : memref<128x128xf32, #tpu.memory_space<vmem>>) offsets(%arg14 : memref<128xi32, #tpu.memory_space<vmem>>) semaphore(%arg25 : memref<!tpu.dma_semaphore, #tpu.memory_space<semaphore_mem>>)
        } else {
        }
        %add3A_203 = arith.constant 7 : i32
        %add3A_204 = arith.addi %mul3A_103, %add3A_203 : i32
        %lt3A_205 = arith.constant 80 : i32
        %lt3A_206 = arith.cmpi slt, %add3A_204, %lt3A_205 : i32
        %convert_element_type3A_207 = arith.extui %lt3A_206 : i1 to i32
        %cond3A_208 = arith.constant 0 : i32
        %cond3A_209 = arith.cmpi ne, %convert_element_type3A_207, %cond3A_208 : i32
        scf.if %cond3A_209 {
          %add3A_211 = arith.constant 7 : i32
          %add3A_212 = arith.addi %mul3A_103, %add3A_211 : i32
          %mul3A_213 = arith.constant 128 : i32
          %mul3A_214 = arith.muli %add3A_212, %mul3A_213 : i32
          %add3A_215 = arith.addi %mul3A_8, %mul3A_214 : i32
          %dma_start3A_216 = tpu.memref_slice %arg2[%add3A_215] : memref<163840xi32, #tpu.memory_space<hbm>> -> memref<128xi32, #tpu.memory_space<hbm>>
          %dma_start3A_217 = tpu.memref_slice %arg2[%add3A_215] : memref<163840xi32, #tpu.memory_space<hbm>> -> memref<128xi32, #tpu.memory_space<hbm>>
          tpu.enqueue_dma source(%dma_start3A_217 : memref<128xi32, #tpu.memory_space<hbm>>) target(%arg18 : memref<128xi32, #tpu.memory_space<vmem>>) target_semaphore(%arg29 : memref<!tpu.dma_semaphore, #tpu.memory_space<semaphore_mem>>)
          %mul3A_218 = arith.constant 128 : i32
          %mul3A_219 = arith.muli %add3A_212, %mul3A_218 : i32
          %add3A_220 = arith.addi %mul3A_8, %mul3A_219 : i32
          %dma_start3A_221 = tpu.memref_slice %arg3[%add3A_220] : memref<163840xi32, #tpu.memory_space<hbm>> -> memref<128xi32, #tpu.memory_space<hbm>>
          %dma_start3A_222 = tpu.memref_slice %arg3[%add3A_220] : memref<163840xi32, #tpu.memory_space<hbm>> -> memref<128xi32, #tpu.memory_space<hbm>>
          tpu.enqueue_dma source(%dma_start3A_222 : memref<128xi32, #tpu.memory_space<hbm>>) target(%arg19 : memref<128xi32, #tpu.memory_space<vmem>>) target_semaphore(%arg29 : memref<!tpu.dma_semaphore, #tpu.memory_space<semaphore_mem>>)
        } else {
        }
        %scan3A_210 = arith.constant 0 : i32
        scf.yield %scan3A_210 : i32
      }
      %scan3A_99 = arith.constant 20 : i32
    } else {
    }
    %barrier3A_57 = arith.constant 0 : index
    tpu.barrier barrier_id(%barrier3A_57)
    %eq3A_58 = arith.constant 0 : i32
    %eq3A_59 = arith.cmpi eq, %arg0, %eq3A_58 : i32
    %convert_element_type3A_60 = arith.extui %eq3A_59 : i1 to i32
    %cond3A_61 = arith.constant 0 : i32
    %cond3A_62 = arith.cmpi ne, %convert_element_type3A_60, %cond3A_61 : i32
    scf.if %cond3A_62 {
      "tpu.region"() ({
        %run_scoped3A = tpu.sem_alloc : memref<!tpu.dma_semaphore, #tpu.memory_space<semaphore_mem>>
        %dma_start3A = arith.constant 0 : i32
        %dma_start3A_68 = arith.constant 0 : i32
        %dma_start3A_69 = tpu.memref_slice %arg9[%arg1, %dma_start3A, %dma_start3A_68] : memref<16x625x128xf32, #tpu.memory_space<hbm>> -> memref<1x625x128xf32, #tpu.memory_space<hbm>>
        %dma_start3A_70 = tpu.memref_squeeze %dma_start3A_69 : memref<1x625x128xf32, #tpu.memory_space<hbm>> -> memref<625x128xf32, #tpu.memory_space<hbm>>
        %dma_start3A_71 = arith.constant 0 : i32
        %dma_start3A_72 = tpu.memref_slice %arg23[%mul3A_6, %dma_start3A_71] : memref<10016x128xf32, #tpu.memory_space<vmem_shared>> -> memref<625x128xf32, #tpu.memory_space<vmem_shared>>
        tpu.enqueue_dma source(%dma_start3A_72 : memref<625x128xf32, #tpu.memory_space<vmem_shared>>) target(%dma_start3A_70 : memref<625x128xf32, #tpu.memory_space<hbm>>) target_semaphore(%run_scoped3A : memref<!tpu.dma_semaphore, #tpu.memory_space<semaphore_mem>>)
        %dma_wait3A = arith.constant 0 : i32
        %dma_wait3A_73 = arith.constant 0 : i32
        %dma_wait3A_74 = tpu.memref_slice %arg9[%arg1, %dma_wait3A, %dma_wait3A_73] : memref<16x625x128xf32, #tpu.memory_space<hbm>> -> memref<1x625x128xf32, #tpu.memory_space<hbm>>
        %dma_wait3A_75 = tpu.memref_squeeze %dma_wait3A_74 : memref<1x625x128xf32, #tpu.memory_space<hbm>> -> memref<625x128xf32, #tpu.memory_space<hbm>>
        %dma_wait3A_76 = arith.constant 0 : i32
        %dma_wait3A_77 = tpu.memref_slice %arg23[%mul3A_6, %dma_wait3A_76] : memref<10016x128xf32, #tpu.memory_space<vmem_shared>> -> memref<625x128xf32, #tpu.memory_space<vmem_shared>>
        tpu.wait_dma2 semaphore(%run_scoped3A : memref<!tpu.dma_semaphore, #tpu.memory_space<semaphore_mem>>) src(%dma_wait3A_77 : memref<625x128xf32, #tpu.memory_space<vmem_shared>>) dst(%dma_wait3A_75 : memref<625x128xf32, #tpu.memory_space<hbm>>)
        tpu.yield
      }) : () -> ()
    } else {
    }
    %eq3A_63 = arith.constant 1 : i32
    %eq3A_64 = arith.cmpi eq, %arg0, %eq3A_63 : i32
    %convert_element_type3A_65 = arith.extui %eq3A_64 : i1 to i32
    %cond3A_66 = arith.constant 0 : i32
    %cond3A_67 = arith.cmpi ne, %convert_element_type3A_65, %cond3A_66 : i32
    scf.if %cond3A_67 {
      "tpu.region"() ({
        %run_scoped3A = tpu.sem_alloc : memref<!tpu.dma_semaphore, #tpu.memory_space<semaphore_mem>>
        %dma_start3A = arith.constant 0 : i32
        %dma_start3A_68 = arith.constant 0 : i32
        %dma_start3A_69 = tpu.memref_slice %arg11[%arg1, %dma_start3A, %dma_start3A_68] : memref<16x625x128xf32, #tpu.memory_space<hbm>> -> memref<1x625x128xf32, #tpu.memory_space<hbm>>
        %dma_start3A_70 = tpu.memref_squeeze %dma_start3A_69 : memref<1x625x128xf32, #tpu.memory_space<hbm>> -> memref<625x128xf32, #tpu.memory_space<hbm>>
        %dma_start3A_71 = arith.constant 0 : i32
        %dma_start3A_72 = tpu.memref_slice %arg23[%mul3A_6, %dma_start3A_71] : memref<10016x128xf32, #tpu.memory_space<vmem_shared>> -> memref<625x128xf32, #tpu.memory_space<vmem_shared>>
        tpu.enqueue_dma source(%dma_start3A_72 : memref<625x128xf32, #tpu.memory_space<vmem_shared>>) target(%dma_start3A_70 : memref<625x128xf32, #tpu.memory_space<hbm>>) target_semaphore(%run_scoped3A : memref<!tpu.dma_semaphore, #tpu.memory_space<semaphore_mem>>)
        %dma_wait3A = arith.constant 0 : i32
        %dma_wait3A_73 = arith.constant 0 : i32
        %dma_wait3A_74 = tpu.memref_slice %arg11[%arg1, %dma_wait3A, %dma_wait3A_73] : memref<16x625x128xf32, #tpu.memory_space<hbm>> -> memref<1x625x128xf32, #tpu.memory_space<hbm>>
        %dma_wait3A_75 = tpu.memref_squeeze %dma_wait3A_74 : memref<1x625x128xf32, #tpu.memory_space<hbm>> -> memref<625x128xf32, #tpu.memory_space<hbm>>
        %dma_wait3A_76 = arith.constant 0 : i32
        %dma_wait3A_77 = tpu.memref_slice %arg23[%mul3A_6, %dma_wait3A_76] : memref<10016x128xf32, #tpu.memory_space<vmem_shared>> -> memref<625x128xf32, #tpu.memory_space<vmem_shared>>
        tpu.wait_dma2 semaphore(%run_scoped3A : memref<!tpu.dma_semaphore, #tpu.memory_space<semaphore_mem>>) src(%dma_wait3A_77 : memref<625x128xf32, #tpu.memory_space<vmem_shared>>) dst(%dma_wait3A_75 : memref<625x128xf32, #tpu.memory_space<hbm>>)
        tpu.yield
      }) : () -> ()
    } else {
    }
    return
  }
}

module attributes {stable_mosaic.version = 14 : i64} {
  func.func @body(%arg0: i32, %arg1: memref<1000x256xf32, #tpu.memory_space<vmem>>, %arg2: memref<2x1000x128xf32, #tpu.memory_space<vmem>>, %arg3: memref<1000x128xf32, #tpu.memory_space<vmem>>, %arg4: memref<1000x128xf32, #tpu.memory_space<vmem>>) attributes {dimension_semantics = [#tpu.dimension_semantics<arbitrary>], iteration_bounds = array<i64: 10>, scalar_prefetch = 0 : i64, scratch_operands = 0 : i64, tpu.core_type = #tpu.core_type<tc>, window_params = [{transform_indices = @transform_0, window_bounds = array<i64: 1000, 256>}, {transform_indices = @transform_1, window_bounds = array<i64: 2, 1000, 128>}, {transform_indices = @transform_2, window_bounds = array<i64: 1000, 128>}, {transform_indices = @transform_3, window_bounds = array<i64: 1000, 128>}]} {
    %get3A = arith.constant 0 : index
    %get3A_0 = arith.constant 0 : index
    %get3A_1 = arith.constant 0 : index
    %get3A_2 = vector.load %arg2[%get3A, %get3A_0, %get3A_1] : memref<2x1000x128xf32, #tpu.memory_space<vmem>>, vector<2x1000x128xf32>
    %slice3A = vector.extract_strided_slice %get3A_2 {offsets = [0, 0, 0], sizes = [1, 1000, 1], strides = [1, 1, 1]} : vector<2x1000x128xf32> to vector<1x1000x1xf32>
    %squeeze3A = vector.shape_cast %slice3A : vector<1x1000x1xf32> to vector<1000x1xf32>
    %max3A = arith.constant 1.000000e+00 : f32
    %max3A_3 = vector.broadcast %max3A : f32 to vector<1000x1xf32>
    %max3A_4 = arith.maximumf %squeeze3A, %max3A_3 : vector<1000x1xf32>
    %rsqrt3A = math.rsqrt %max3A_4 : vector<1000x1xf32>
    %get3A_5 = arith.constant 0 : index
    %get3A_6 = arith.constant 0 : index
    %get3A_7 = vector.load %arg1[%get3A_5, %get3A_6] : memref<1000x256xf32, #tpu.memory_space<vmem>>, vector<1000x256xf32>
    %mul3A = vector.broadcast %rsqrt3A : vector<1000x1xf32> to vector<1000x256xf32>
    %mul3A_8 = arith.mulf %get3A_7, %mul3A : vector<1000x256xf32>
    %slice3A_9 = vector.extract_strided_slice %mul3A_8 {offsets = [0, 0], sizes = [1000, 128], strides = [1, 1]} : vector<1000x256xf32> to vector<1000x128xf32>
    %swap3A = arith.constant 0 : index
    %swap3A_10 = arith.constant 0 : index
    %swap3A_11 = vector.load %arg3[%swap3A, %swap3A_10] : memref<1000x128xf32, #tpu.memory_space<vmem>>, vector<1000x128xf32>
    tpu.vector_store %arg3[%swap3A, %swap3A_10], %slice3A_9 {strides = array<i32>} : memref<1000x128xf32, #tpu.memory_space<vmem>>, vector<1000x128xf32>,
    %slice3A_12 = vector.extract_strided_slice %mul3A_8 {offsets = [0, 128], sizes = [1000, 128], strides = [1, 1]} : vector<1000x256xf32> to vector<1000x128xf32>
    %swap3A_13 = arith.constant 0 : index
    %swap3A_14 = arith.constant 0 : index
    %swap3A_15 = vector.load %arg4[%swap3A_13, %swap3A_14] : memref<1000x128xf32, #tpu.memory_space<vmem>>, vector<1000x128xf32>
    tpu.vector_store %arg4[%swap3A_13, %swap3A_14], %slice3A_12 {strides = array<i32>} : memref<1000x128xf32, #tpu.memory_space<vmem>>, vector<1000x128xf32>,
    return
  }
  func.func @transform_0(%arg0: i32) -> (i32, i32) {
    %c0_i32 = arith.constant 0 : i32
    %c0_i32_0 = arith.constant 0 : i32
    return %arg0, %c0_i32 : i32, i32
  }
  func.func @transform_1(%arg0: i32) -> (i32, i32, i32) {
    %c0_i32 = arith.constant 0 : i32
    %c0_i32_0 = arith.constant 0 : i32
    %c0_i32_1 = arith.constant 0 : i32
    return %c0_i32, %arg0, %c0_i32_0 : i32, i32, i32
  }
  func.func @transform_2(%arg0: i32) -> (i32, i32) {
    %c0_i32 = arith.constant 0 : i32
    %c0_i32_0 = arith.constant 0 : i32
    return %arg0, %c0_i32 : i32, i32
  }
  func.func @transform_3(%arg0: i32) -> (i32, i32) {
    %c0_i32 = arith.constant 0 : i32
    %c0_i32_0 = arith.constant 0 : i32
    return %arg0, %c0_i32 : i32, i32
  }
}

module attributes {stable_mosaic.version = 14 : i64} {
  func.func @body(%arg0: i32, %arg1: memref<1000x128xf32, #tpu.memory_space<vmem>>, %arg2: memref<1000x128xf32, #tpu.memory_space<vmem>>, %arg3: memref<2x1000x128xf32, #tpu.memory_space<vmem>>, %arg4: memref<256x512xf32, #tpu.memory_space<vmem>>, %arg5: memref<1x512xf32, #tpu.memory_space<vmem>>, %arg6: memref<1000x128xf32, #tpu.memory_space<vmem>>, %arg7: memref<1000x128xf32, #tpu.memory_space<vmem>>, %arg8: memref<1000x128xf32, #tpu.memory_space<vmem>>, %arg9: memref<1000x128xf32, #tpu.memory_space<vmem>>) attributes {dimension_semantics = [#tpu.dimension_semantics<arbitrary>], iteration_bounds = array<i64: 10>, scalar_prefetch = 0 : i64, scratch_operands = 0 : i64, tpu.core_type = #tpu.core_type<tc>, window_params = [{transform_indices = @transform_0, window_bounds = array<i64: 1000, 128>}, {transform_indices = @transform_1, window_bounds = array<i64: 1000, 128>}, {transform_indices = @transform_2, window_bounds = array<i64: 2, 1000, 128>}, {pipeline_mode = #tpu.pipeline_mode<synchronous>, transform_indices = @transform_3, window_bounds = array<i64: 256, 512>}, {pipeline_mode = #tpu.pipeline_mode<synchronous>, transform_indices = @transform_4, window_bounds = array<i64: 1, 512>}, {transform_indices = @transform_5, window_bounds = array<i64: 1000, 128>}, {transform_indices = @transform_6, window_bounds = array<i64: 1000, 128>}, {transform_indices = @transform_7, window_bounds = array<i64: 1000, 128>}, {transform_indices = @transform_8, window_bounds = array<i64: 1000, 128>}]} {
    %get3A = arith.constant 0 : index
    %get3A_0 = arith.constant 0 : index
    %get3A_1 = arith.constant 0 : index
    %get3A_2 = vector.load %arg3[%get3A, %get3A_0, %get3A_1] : memref<2x1000x128xf32, #tpu.memory_space<vmem>>, vector<2x1000x128xf32>
    %slice3A = vector.extract_strided_slice %get3A_2 {offsets = [0, 0, 0], sizes = [1, 1000, 1], strides = [1, 1, 1]} : vector<2x1000x128xf32> to vector<1x1000x1xf32>
    %squeeze3A = vector.shape_cast %slice3A : vector<1x1000x1xf32> to vector<1000x1xf32>
    %slice3A_3 = vector.extract_strided_slice %get3A_2 {offsets = [1, 0, 0], sizes = [1, 1000, 1], strides = [1, 1, 1]} : vector<2x1000x128xf32> to vector<1x1000x1xf32>
    %squeeze3A_4 = vector.shape_cast %slice3A_3 : vector<1x1000x1xf32> to vector<1000x1xf32>
    %max3A = arith.constant 1.000000e+00 : f32
    %max3A_5 = vector.broadcast %max3A : f32 to vector<1000x1xf32>
    %max3A_6 = arith.maximumf %squeeze3A, %max3A_5 : vector<1000x1xf32>
    %rsqrt3A = math.rsqrt %max3A_6 : vector<1000x1xf32>
    %max3A_7 = arith.constant 1.000000e+00 : f32
    %max3A_8 = vector.broadcast %max3A_7 : f32 to vector<1000x1xf32>
    %max3A_9 = arith.maximumf %squeeze3A_4, %max3A_8 : vector<1000x1xf32>
    %rsqrt3A_10 = math.rsqrt %max3A_9 : vector<1000x1xf32>
    %get3A_11 = arith.constant 0 : index
    %get3A_12 = arith.constant 0 : index
    %get3A_13 = vector.load %arg1[%get3A_11, %get3A_12] : memref<1000x128xf32, #tpu.memory_space<vmem>>, vector<1000x128xf32>
    %get3A_14 = arith.constant 0 : index
    %get3A_15 = arith.constant 0 : index
    %get3A_16 = vector.load %arg2[%get3A_14, %get3A_15] : memref<1000x128xf32, #tpu.memory_space<vmem>>, vector<1000x128xf32>
    %concatenate3A = tpu.concatenate %get3A_13, %get3A_16 in 1 : vector<1000x128xf32>, vector<1000x128xf32> -> vector<1000x256xf32>
    %mul3A = vector.broadcast %rsqrt3A_10 : vector<1000x1xf32> to vector<1000x256xf32>
    %mul3A_17 = arith.mulf %concatenate3A, %mul3A : vector<1000x256xf32>
    %get3A_18 = arith.constant 0 : index
    %get3A_19 = arith.constant 0 : index
    %get3A_20 = vector.load %arg4[%get3A_18, %get3A_19] : memref<256x512xf32, #tpu.memory_space<vmem>>, vector<256x512xf32>
    %dot_general3A = arith.constant dense<0.000000e+00> : vector<1000x512xf32>
    %dot_general3A_21 = tpu.matmul %mul3A_17, %get3A_20, %dot_general3A {dimension_numbers = #tpu.dot_dimension_numbers<[1], [0], [0], [1], [0, 0, 1, 1], [], []>, transpose_lhs_hint = false} : vector<1000x256xf32>, vector<256x512xf32>, vector<1000x512xf32> -> vector<1000x512xf32>
    %get3A_22 = arith.constant 0 : index
    %get3A_23 = arith.constant 0 : index
    %get3A_24 = vector.load %arg5[%get3A_22, %get3A_23] : memref<1x512xf32, #tpu.memory_space<vmem>>, vector<1x512xf32>
    %add3A = vector.broadcast %get3A_24 : vector<1x512xf32> to vector<1000x512xf32>
    %add3A_25 = arith.addf %dot_general3A_21, %add3A : vector<1000x512xf32>
    %max3A_26 = arith.constant 0.000000e+00 : f32
    %max3A_27 = vector.broadcast %max3A_26 : f32 to vector<1000x512xf32>
    %max3A_28 = arith.maximumf %add3A_25, %max3A_27 : vector<1000x512xf32>
    %mul3A_29 = vector.broadcast %rsqrt3A : vector<1000x1xf32> to vector<1000x512xf32>
    %mul3A_30 = arith.mulf %max3A_28, %mul3A_29 : vector<1000x512xf32>
    %slice3A_31 = vector.extract_strided_slice %mul3A_30 {offsets = [0, 0], sizes = [1000, 128], strides = [1, 1]} : vector<1000x512xf32> to vector<1000x128xf32>
    %swap3A = arith.constant 0 : index
    %swap3A_32 = arith.constant 0 : index
    %swap3A_33 = vector.load %arg6[%swap3A, %swap3A_32] : memref<1000x128xf32, #tpu.memory_space<vmem>>, vector<1000x128xf32>
    tpu.vector_store %arg6[%swap3A, %swap3A_32], %slice3A_31 {strides = array<i32>} : memref<1000x128xf32, #tpu.memory_space<vmem>>, vector<1000x128xf32>,
    %slice3A_34 = vector.extract_strided_slice %mul3A_30 {offsets = [0, 128], sizes = [1000, 128], strides = [1, 1]} : vector<1000x512xf32> to vector<1000x128xf32>
    %swap3A_35 = arith.constant 0 : index
    %swap3A_36 = arith.constant 0 : index
    %swap3A_37 = vector.load %arg7[%swap3A_35, %swap3A_36] : memref<1000x128xf32, #tpu.memory_space<vmem>>, vector<1000x128xf32>
    tpu.vector_store %arg7[%swap3A_35, %swap3A_36], %slice3A_34 {strides = array<i32>} : memref<1000x128xf32, #tpu.memory_space<vmem>>, vector<1000x128xf32>,
    %slice3A_38 = vector.extract_strided_slice %mul3A_30 {offsets = [0, 256], sizes = [1000, 128], strides = [1, 1]} : vector<1000x512xf32> to vector<1000x128xf32>
    %swap3A_39 = arith.constant 0 : index
    %swap3A_40 = arith.constant 0 : index
    %swap3A_41 = vector.load %arg8[%swap3A_39, %swap3A_40] : memref<1000x128xf32, #tpu.memory_space<vmem>>, vector<1000x128xf32>
    tpu.vector_store %arg8[%swap3A_39, %swap3A_40], %slice3A_38 {strides = array<i32>} : memref<1000x128xf32, #tpu.memory_space<vmem>>, vector<1000x128xf32>,
    %slice3A_42 = vector.extract_strided_slice %mul3A_30 {offsets = [0, 384], sizes = [1000, 128], strides = [1, 1]} : vector<1000x512xf32> to vector<1000x128xf32>
    %swap3A_43 = arith.constant 0 : index
    %swap3A_44 = arith.constant 0 : index
    %swap3A_45 = vector.load %arg9[%swap3A_43, %swap3A_44] : memref<1000x128xf32, #tpu.memory_space<vmem>>, vector<1000x128xf32>
    tpu.vector_store %arg9[%swap3A_43, %swap3A_44], %slice3A_42 {strides = array<i32>} : memref<1000x128xf32, #tpu.memory_space<vmem>>, vector<1000x128xf32>,
    return
  }
  func.func @transform_0(%arg0: i32) -> (i32, i32) {
    %c0_i32 = arith.constant 0 : i32
    %c0_i32_0 = arith.constant 0 : i32
    return %arg0, %c0_i32 : i32, i32
  }
  func.func @transform_1(%arg0: i32) -> (i32, i32) {
    %c0_i32 = arith.constant 0 : i32
    %c0_i32_0 = arith.constant 0 : i32
    return %arg0, %c0_i32 : i32, i32
  }
  func.func @transform_2(%arg0: i32) -> (i32, i32, i32) {
    %c0_i32 = arith.constant 0 : i32
    %c0_i32_0 = arith.constant 0 : i32
    %c0_i32_1 = arith.constant 0 : i32
    return %c0_i32, %arg0, %c0_i32_0 : i32, i32, i32
  }
  func.func @transform_3(%arg0: i32) -> (i32, i32) {
    %c0_i32 = arith.constant 0 : i32
    %c0_i32_0 = arith.constant 0 : i32
    %c0_i32_1 = arith.constant 0 : i32
    return %c0_i32, %c0_i32_0 : i32, i32
  }
  func.func @transform_4(%arg0: i32) -> (i32, i32) {
    %c0_i32 = arith.constant 0 : i32
    %c0_i32_0 = arith.constant 0 : i32
    %c0_i32_1 = arith.constant 0 : i32
    return %c0_i32, %c0_i32_0 : i32, i32
  }
  func.func @transform_5(%arg0: i32) -> (i32, i32) {
    %c0_i32 = arith.constant 0 : i32
    %c0_i32_0 = arith.constant 0 : i32
    return %arg0, %c0_i32 : i32, i32
  }
  func.func @transform_6(%arg0: i32) -> (i32, i32) {
    %c0_i32 = arith.constant 0 : i32
    %c0_i32_0 = arith.constant 0 : i32
    return %arg0, %c0_i32 : i32, i32
  }
  func.func @transform_7(%arg0: i32) -> (i32, i32) {
    %c0_i32 = arith.constant 0 : i32
    %c0_i32_0 = arith.constant 0 : i32
    return %arg0, %c0_i32 : i32, i32
  }
  func.func @transform_8(%arg0: i32) -> (i32, i32) {
    %c0_i32 = arith.constant 0 : i32
    %c0_i32_0 = arith.constant 0 : i32
    return %arg0, %c0_i32 : i32, i32
  }
}

module attributes {stable_mosaic.version = 14 : i64} {
  func.func @body(%arg0: i32, %arg1: memref<1000x128xf32, #tpu.memory_space<vmem>>, %arg2: memref<1000x128xf32, #tpu.memory_space<vmem>>, %arg3: memref<1000x128xf32, #tpu.memory_space<vmem>>, %arg4: memref<1000x128xf32, #tpu.memory_space<vmem>>, %arg5: memref<2x1000x128xf32, #tpu.memory_space<vmem>>, %arg6: memref<512x512xf32, #tpu.memory_space<vmem>>, %arg7: memref<1x512xf32, #tpu.memory_space<vmem>>, %arg8: memref<512x128xf32, #tpu.memory_space<vmem>>, %arg9: memref<1000x128xf32, #tpu.memory_space<vmem>>) attributes {dimension_semantics = [#tpu.dimension_semantics<arbitrary>], iteration_bounds = array<i64: 10>, scalar_prefetch = 0 : i64, scratch_operands = 0 : i64, tpu.core_type = #tpu.core_type<tc>, window_params = [{transform_indices = @transform_0, window_bounds = array<i64: 1000, 128>}, {transform_indices = @transform_1, window_bounds = array<i64: 1000, 128>}, {transform_indices = @transform_2, window_bounds = array<i64: 1000, 128>}, {transform_indices = @transform_3, window_bounds = array<i64: 1000, 128>}, {transform_indices = @transform_4, window_bounds = array<i64: 2, 1000, 128>}, {pipeline_mode = #tpu.pipeline_mode<synchronous>, transform_indices = @transform_5, window_bounds = array<i64: 512, 512>}, {pipeline_mode = #tpu.pipeline_mode<synchronous>, transform_indices = @transform_6, window_bounds = array<i64: 1, 512>}, {pipeline_mode = #tpu.pipeline_mode<synchronous>, transform_indices = @transform_7, window_bounds = array<i64: 512, 128>}, {transform_indices = @transform_8, window_bounds = array<i64: 1000, 128>}]} {
    %get3A = arith.constant 0 : index
    %get3A_0 = arith.constant 0 : index
    %get3A_1 = arith.constant 0 : index
    %get3A_2 = vector.load %arg5[%get3A, %get3A_0, %get3A_1] : memref<2x1000x128xf32, #tpu.memory_space<vmem>>, vector<2x1000x128xf32>
    %slice3A = vector.extract_strided_slice %get3A_2 {offsets = [0, 0, 0], sizes = [1, 1000, 1], strides = [1, 1, 1]} : vector<2x1000x128xf32> to vector<1x1000x1xf32>
    %squeeze3A = vector.shape_cast %slice3A : vector<1x1000x1xf32> to vector<1000x1xf32>
    %slice3A_3 = vector.extract_strided_slice %get3A_2 {offsets = [1, 0, 0], sizes = [1, 1000, 1], strides = [1, 1, 1]} : vector<2x1000x128xf32> to vector<1x1000x1xf32>
    %squeeze3A_4 = vector.shape_cast %slice3A_3 : vector<1x1000x1xf32> to vector<1000x1xf32>
    %max3A = arith.constant 1.000000e+00 : f32
    %max3A_5 = vector.broadcast %max3A : f32 to vector<1000x1xf32>
    %max3A_6 = arith.maximumf %squeeze3A, %max3A_5 : vector<1000x1xf32>
    %rsqrt3A = math.rsqrt %max3A_6 : vector<1000x1xf32>
    %max3A_7 = arith.constant 1.000000e+00 : f32
    %max3A_8 = vector.broadcast %max3A_7 : f32 to vector<1000x1xf32>
    %max3A_9 = arith.maximumf %squeeze3A_4, %max3A_8 : vector<1000x1xf32>
    %rsqrt3A_10 = math.rsqrt %max3A_9 : vector<1000x1xf32>
    %get3A_11 = arith.constant 0 : index
    %get3A_12 = arith.constant 0 : index
    %get3A_13 = vector.load %arg1[%get3A_11, %get3A_12] : memref<1000x128xf32, #tpu.memory_space<vmem>>, vector<1000x128xf32>
    %get3A_14 = arith.constant 0 : index
    %get3A_15 = arith.constant 0 : index
    %get3A_16 = vector.load %arg2[%get3A_14, %get3A_15] : memref<1000x128xf32, #tpu.memory_space<vmem>>, vector<1000x128xf32>
    %get3A_17 = arith.constant 0 : index
    %get3A_18 = arith.constant 0 : index
    %get3A_19 = vector.load %arg3[%get3A_17, %get3A_18] : memref<1000x128xf32, #tpu.memory_space<vmem>>, vector<1000x128xf32>
    %get3A_20 = arith.constant 0 : index
    %get3A_21 = arith.constant 0 : index
    %get3A_22 = vector.load %arg4[%get3A_20, %get3A_21] : memref<1000x128xf32, #tpu.memory_space<vmem>>, vector<1000x128xf32>
    %concatenate3A = tpu.concatenate %get3A_13, %get3A_16, %get3A_19, %get3A_22 in 1 : vector<1000x128xf32>, vector<1000x128xf32>, vector<1000x128xf32>, vector<1000x128xf32> -> vector<1000x512xf32>
    %mul3A = vector.broadcast %rsqrt3A_10 : vector<1000x1xf32> to vector<1000x512xf32>
    %mul3A_23 = arith.mulf %concatenate3A, %mul3A : vector<1000x512xf32>
    %get3A_24 = arith.constant 0 : index
    %get3A_25 = arith.constant 0 : index
    %get3A_26 = vector.load %arg6[%get3A_24, %get3A_25] : memref<512x512xf32, #tpu.memory_space<vmem>>, vector<512x512xf32>
    %dot_general3A = arith.constant dense<0.000000e+00> : vector<1000x512xf32>
    %dot_general3A_27 = tpu.matmul %mul3A_23, %get3A_26, %dot_general3A {dimension_numbers = #tpu.dot_dimension_numbers<[1], [0], [0], [1], [0, 0, 1, 1], [], []>, transpose_lhs_hint = false} : vector<1000x512xf32>, vector<512x512xf32>, vector<1000x512xf32> -> vector<1000x512xf32>
    %get3A_28 = arith.constant 0 : index
    %get3A_29 = arith.constant 0 : index
    %get3A_30 = vector.load %arg7[%get3A_28, %get3A_29] : memref<1x512xf32, #tpu.memory_space<vmem>>, vector<1x512xf32>
    %add3A = vector.broadcast %get3A_30 : vector<1x512xf32> to vector<1000x512xf32>
    %add3A_31 = arith.addf %dot_general3A_27, %add3A : vector<1000x512xf32>
    %max3A_32 = arith.constant 0.000000e+00 : f32
    %max3A_33 = vector.broadcast %max3A_32 : f32 to vector<1000x512xf32>
    %max3A_34 = arith.maximumf %add3A_31, %max3A_33 : vector<1000x512xf32>
    %mul3A_35 = vector.broadcast %rsqrt3A : vector<1000x1xf32> to vector<1000x512xf32>
    %mul3A_36 = arith.mulf %max3A_34, %mul3A_35 : vector<1000x512xf32>
    %get3A_37 = arith.constant 0 : index
    %get3A_38 = arith.constant 0 : index
    %get3A_39 = vector.load %arg8[%get3A_37, %get3A_38] : memref<512x128xf32, #tpu.memory_space<vmem>>, vector<512x128xf32>
    %dot_general3A_40 = arith.constant dense<0.000000e+00> : vector<1000x128xf32>
    %dot_general3A_41 = tpu.matmul %mul3A_36, %get3A_39, %dot_general3A_40 {dimension_numbers = #tpu.dot_dimension_numbers<[1], [0], [0], [1], [0, 0, 1, 1], [], []>, transpose_lhs_hint = false} : vector<1000x512xf32>, vector<512x128xf32>, vector<1000x128xf32> -> vector<1000x128xf32>
    %swap3A = arith.constant 0 : index
    %swap3A_42 = arith.constant 0 : index
    %swap3A_43 = vector.load %arg9[%swap3A, %swap3A_42] : memref<1000x128xf32, #tpu.memory_space<vmem>>, vector<1000x128xf32>
    tpu.vector_store %arg9[%swap3A, %swap3A_42], %dot_general3A_41 {strides = array<i32>} : memref<1000x128xf32, #tpu.memory_space<vmem>>, vector<1000x128xf32>,
    return
  }
  func.func @transform_0(%arg0: i32) -> (i32, i32) {
    %c0_i32 = arith.constant 0 : i32
    %c0_i32_0 = arith.constant 0 : i32
    return %arg0, %c0_i32 : i32, i32
  }
  func.func @transform_1(%arg0: i32) -> (i32, i32) {
    %c0_i32 = arith.constant 0 : i32
    %c0_i32_0 = arith.constant 0 : i32
    return %arg0, %c0_i32 : i32, i32
  }
  func.func @transform_2(%arg0: i32) -> (i32, i32) {
    %c0_i32 = arith.constant 0 : i32
    %c0_i32_0 = arith.constant 0 : i32
    return %arg0, %c0_i32 : i32, i32
  }
  func.func @transform_3(%arg0: i32) -> (i32, i32) {
    %c0_i32 = arith.constant 0 : i32
    %c0_i32_0 = arith.constant 0 : i32
    return %arg0, %c0_i32 : i32, i32
  }
  func.func @transform_4(%arg0: i32) -> (i32, i32, i32) {
    %c0_i32 = arith.constant 0 : i32
    %c0_i32_0 = arith.constant 0 : i32
    %c0_i32_1 = arith.constant 0 : i32
    return %c0_i32, %arg0, %c0_i32_0 : i32, i32, i32
  }
  func.func @transform_5(%arg0: i32) -> (i32, i32) {
    %c0_i32 = arith.constant 0 : i32
    %c0_i32_0 = arith.constant 0 : i32
    %c0_i32_1 = arith.constant 0 : i32
    return %c0_i32, %c0_i32_0 : i32, i32
  }
  func.func @transform_6(%arg0: i32) -> (i32, i32) {
    %c0_i32 = arith.constant 0 : i32
    %c0_i32_0 = arith.constant 0 : i32
    %c0_i32_1 = arith.constant 0 : i32
    return %c0_i32, %c0_i32_0 : i32, i32
  }
  func.func @transform_7(%arg0: i32) -> (i32, i32) {
    %c0_i32 = arith.constant 0 : i32
    %c0_i32_0 = arith.constant 0 : i32
    %c0_i32_1 = arith.constant 0 : i32
    return %c0_i32, %c0_i32_0 : i32, i32
  }
  func.func @transform_8(%arg0: i32) -> (i32, i32) {
    %c0_i32 = arith.constant 0 : i32
    %c0_i32_0 = arith.constant 0 : i32
    return %arg0, %c0_i32 : i32, i32
  }
}

module attributes {stable_mosaic.version = 14 : i64} {
  func.func @body(%arg0: i32, %arg1: memref<2x1000x128xf32, #tpu.memory_space<vmem>>, %arg2: memref<2x1000x128xf32, #tpu.memory_space<vmem>>, %arg3: memref<1x40xf32, #tpu.memory_space<vmem>>, %arg4: memref<1000x40xf32, #tpu.memory_space<vmem>>) attributes {dimension_semantics = [#tpu.dimension_semantics<arbitrary>], iteration_bounds = array<i64: 10>, scalar_prefetch = 0 : i64, scratch_operands = 0 : i64, tpu.core_type = #tpu.core_type<tc>, window_params = [{transform_indices = @transform_0, window_bounds = array<i64: 2, 1000, 128>}, {transform_indices = @transform_1, window_bounds = array<i64: 2, 1000, 128>}, {pipeline_mode = #tpu.pipeline_mode<synchronous>, transform_indices = @transform_2, window_bounds = array<i64: 1, 40>}, {transform_indices = @transform_3, window_bounds = array<i64: 1000, 40>}]} {
    %get3A = arith.constant 0 : index
    %get3A_0 = arith.constant 0 : index
    %get3A_1 = arith.constant 0 : index
    %get3A_2 = vector.load %arg2[%get3A, %get3A_0, %get3A_1] : memref<2x1000x128xf32, #tpu.memory_space<vmem>>, vector<2x1000x128xf32>
    %slice3A = vector.extract_strided_slice %get3A_2 {offsets = [1, 0, 0], sizes = [1, 1000, 1], strides = [1, 1, 1]} : vector<2x1000x128xf32> to vector<1x1000x1xf32>
    %squeeze3A = vector.shape_cast %slice3A : vector<1x1000x1xf32> to vector<1000x1xf32>
    %max3A = arith.constant 1.000000e+00 : f32
    %max3A_3 = vector.broadcast %max3A : f32 to vector<1000x1xf32>
    %max3A_4 = arith.maximumf %squeeze3A, %max3A_3 : vector<1000x1xf32>
    %rsqrt3A = math.rsqrt %max3A_4 : vector<1000x1xf32>
    %get3A_5 = arith.constant 0 : index
    %get3A_6 = arith.constant 0 : index
    %get3A_7 = arith.constant 0 : index
    %get3A_8 = vector.load %arg1[%get3A_5, %get3A_6, %get3A_7] : memref<2x1000x128xf32, #tpu.memory_space<vmem>>, vector<1x1000x128xf32>
    %get3A_9 = vector.shape_cast %get3A_8 : vector<1x1000x128xf32> to vector<1000x128xf32>
    %get3A_10 = arith.constant 1 : index
    %get3A_11 = arith.constant 0 : index
    %get3A_12 = arith.constant 0 : index
    %get3A_13 = vector.load %arg1[%get3A_10, %get3A_11, %get3A_12] : memref<2x1000x128xf32, #tpu.memory_space<vmem>>, vector<1x1000x128xf32>
    %get3A_14 = vector.shape_cast %get3A_13 : vector<1x1000x128xf32> to vector<1000x128xf32>
    %add3A = arith.addf %get3A_9, %get3A_14 : vector<1000x128xf32>
    %slice3A_15 = vector.extract_strided_slice %add3A {offsets = [0, 0], sizes = [1000, 40], strides = [1, 1]} : vector<1000x128xf32> to vector<1000x40xf32>
    %mul3A = vector.broadcast %rsqrt3A : vector<1000x1xf32> to vector<1000x40xf32>
    %mul3A_16 = arith.mulf %slice3A_15, %mul3A : vector<1000x40xf32>
    %get3A_17 = arith.constant 0 : index
    %get3A_18 = arith.constant 0 : index
    %get3A_19 = vector.load %arg3[%get3A_17, %get3A_18] : memref<1x40xf32, #tpu.memory_space<vmem>>, vector<1x40xf32>
    %add3A_20 = vector.broadcast %get3A_19 : vector<1x40xf32> to vector<1000x40xf32>
    %add3A_21 = arith.addf %mul3A_16, %add3A_20 : vector<1000x40xf32>
    %swap3A = arith.constant 0 : index
    %swap3A_22 = arith.constant 0 : index
    %swap3A_23 = vector.load %arg4[%swap3A, %swap3A_22] : memref<1000x40xf32, #tpu.memory_space<vmem>>, vector<1000x40xf32>
    tpu.vector_store %arg4[%swap3A, %swap3A_22], %add3A_21 {strides = array<i32>} : memref<1000x40xf32, #tpu.memory_space<vmem>>, vector<1000x40xf32>,
    return
  }
  func.func @transform_0(%arg0: i32) -> (i32, i32, i32) {
    %c0_i32 = arith.constant 0 : i32
    %c0_i32_0 = arith.constant 0 : i32
    %c0_i32_1 = arith.constant 0 : i32
    return %c0_i32, %arg0, %c0_i32_0 : i32, i32, i32
  }
  func.func @transform_1(%arg0: i32) -> (i32, i32, i32) {
    %c0_i32 = arith.constant 0 : i32
    %c0_i32_0 = arith.constant 0 : i32
    %c0_i32_1 = arith.constant 0 : i32
    return %c0_i32, %arg0, %c0_i32_0 : i32, i32, i32
  }
  func.func @transform_2(%arg0: i32) -> (i32, i32) {
    %c0_i32 = arith.constant 0 : i32
    %c0_i32_0 = arith.constant 0 : i32
    %c0_i32_1 = arith.constant 0 : i32
    return %c0_i32, %c0_i32_0 : i32, i32
  }
  func.func @transform_3(%arg0: i32) -> (i32, i32) {
    %c0_i32 = arith.constant 0 : i32
    %c0_i32_0 = arith.constant 0 : i32
    return %arg0, %c0_i32 : i32, i32
  }
}

</mosaic_0001>

<sc_bundles>
// kernel: kernel.10.cloned.1.call-start
scs
__scs_entry_jumppad:
0x0: {  	(pc) =	sbr.rel $0x88, $3  }
0x1: {  	(tag) =	ssettag $0x0;
	lr =	simm.s32 $0x1  }
0x2: {  	[smem:$0x3F99] =	sst lr;
	_ =	strace $0xD0000000  }
0x3: {  	_ = 	snop  }
0x4: {  	_ = 	snop  }
0x5: {  	_ = 	snop  }
0x6: {  	_ = 	snop  }
0x7: {  	_ = 	snop  }
__scs_overlays_trampoline_lowered:
0x8: {  	[smem:$0x3FA8] =	sst s0  }
0x9: {  	[smem:$0x3FA9] =	sst s1  }
0xa: {  	[smem:$0x3FAA] =	sst s2  }
0xb: {  	[smem:$0x3FAB] =	sst s3  }
0xc: {  	[smem:$0x3FAC] =	sst s4  }
0xd: {  	[smem:$0x3FAD] =	sst s5  }
0xe: {  	[smem:$0x3FAE] =	sst s6  }
0xf: {  	[smem:$0x3FAF] =	sst s7  }
0x10: {  	[smem:$0x3FB0] =	sst s8  }
0x11: {  	[smem:$0x3FB1] =	sst s9;
	s0 =	simm.s32 @!p0 $0x0  }
0x12: {  	s1 =	sld [smem:$0x3F97];
	s0 =	simm.s32 @p0 $0x1  }
0x13: {  	[smem:$0x3FB2] =	sst s0;
	s0 =	simm.s32 @!p1 $0x0  }
0x14: {  	s2 =	sld [smem:$0x3F96];
	s0 =	simm.s32 @p1 $0x1  }
0x15: {  	[smem:$0x3FB3] =	sst s0;
	s0 =	simm.s32 @!p2 $0x0  }
0x16: {  	s3 =	sld [smem:$0x3FDB];
	s0 =	simm.s32 @p2 $0x1  }
0x17: {  	s4 =	simm.s32 $0x1BF5;
	[smem:$0x3FB5] =	sst s0  }
0x18: {  	s0 =	sld [smem:$0x3F98];
	_ =	swait.ge [sflag:s4], $0x0  }
0x19: {  	s7 =	sld [smem:$0x3F99]  }
0x1a: {  	s8 =	sadd.s32 $0xFFFFE003, lr  }
0x1b: {  	s9 =	sadd.s32 $0xFFFFFEF7, lr;
	s5 =	simm.s32 $0xFFFFFFFF;
	p2 =	slt.u32 s8, $0xFFFFF086  }
0x1c: {  	p1 =	slt.u32 s9, $0xF7A;
	s5 =	simm.s32 @!p2 $0x0  }
0x1d: {  	s5 =	simm.s32 @p1 $0x1;
	p0 =	seq.s32 s7, s2  }
0x1e: {  	s7 =	smul.u32 @!p0 $0xF7A, s2;
	p2 =	seq.s32 @!p0 s5, $0x0  }
0x1f: {  	s9 =	smul.u32 $0xF7A, s1;
	s8 =	simm.s32 @!p0 $0x1BF5;
	p2 =	por !p2, p0  }
0x20: {  	[sflag:s8] =	ssyncset.s32 @!p0 $0xFFFFF086;
	s6 =	sadd.s32 @!p0 s3, s7;
	s7 =	simm.s32 @!p0 $0x108  }
0x21: {  	s3 =	sadd.s32 s3, s9;
	s6 =	sadd.s32 @!p0 $0x88, s6;
	s7 =	simm.s32 @p2 $0x1082  }
0x22: {  	[simem:s7], [sflag:s8] =	dma.local @!p0 [hbm:s6], $0xF7A  }
0x23: {  	s9 =	sor.u32 $0xD0000000, s2;
	s6 =	simm.s32 $0x108;
	_ =	swait.ge @!p0 [sflag:s8], $0x0  }
0x24: {  	s3 =	sadd.s32 $0x88, s3;
	s6 =	simm.s32 @!p1 $0x1082;
	[sflag:s4] =	ssyncset.s32 $0xFFFFF086  }
0x25: {  	[simem:s6], [sflag:s4] =	dma.local [hbm:s3], $0xF7A  }
0x26: {  	[smem:$0x3F99] =	sst s1;
	(tag) =	ssettag s2;
	_ =	strace s9  }
0x27: {  	s1 =	sld [smem:$0x3FA9]  }
0x28: {  	s2 =	sld [smem:$0x3FAA]  }
0x29: {  	s4 =	sld [smem:$0x3FAC]  }
0x2a: {  	p0 =	seq.s32 s5, $0x0;
	s5 =	sld [smem:$0x3FAD]  }
0x2b: {  	s6 =	sld [smem:$0x3FAE]  }
0x2c: {  	s7 =	sld [smem:$0x3FAF]  }
0x2d: {  	s3 =	simm.s32 $0x108;
	s8 =	sld [smem:$0x3FB0]  }
0x2e: {  	s3 =	simm.s32 @!p0 $0x1082;
	s9 =	sld [smem:$0x3FB1]  }
0x2f: {  	lr =	sadd.s32 s0, s3;
	s0 =	sld [smem:$0x3FA8]  }
0x30: {  	s3 =	sld [smem:$0x3FAB]  }
0x31: {  	[smem:$0x3FB4] =	sst s10  }
0x32: {  	s10 =	sld [smem:$0x3FB2];
	_ =	sdelay $0x3  }
0x33: {  	p0 =	seq.s32 s10, $0x1;
	s10 =	sld [smem:$0x3FB4];
	_ =	sdelay $0x3  }
0x34: {  	[smem:$0x3FB4] =	sst s10  }
0x35: {  	s10 =	sld [smem:$0x3FB3];
	_ =	sdelay $0x3  }
0x36: {  	p1 =	seq.s32 s10, $0x1;
	s10 =	sld [smem:$0x3FB4];
	_ =	sdelay $0x3  }
0x37: {  	[smem:$0x3FB4] =	sst s10  }
0x38: {  	s10 =	sld [smem:$0x3FB5]  }
0x39: {  	_ = 	snop;
	(pc) =	sbr.ind lr, $3  }
0x3a: {  	_ = 	snop  }
0x3b: {  	_ = 	snop  }
0x3c: {  	p2 =	seq.s32 s10, $0x1;
	s10 =	sld [smem:$0x3FB4]  }
0x3d: {  	_ =	shalt  }
0x3e: {  	_ =	shalt  }
0x3f: {  	_ =	shalt  }
0x40: {  	_ =	shalt  }
0x41: {  	_ =	shalt  }
0x42: {  	_ =	shalt  }
0x43: {  	_ =	shalt  }
0x44: {  	_ =	shalt  }
0x45: {  	_ =	shalt  }
0x46: {  	_ =	shalt  }
0x47: {  	_ =	shalt  }
0x48: {  	_ =	shalt  }
0x49: {  	_ =	shalt  }
0x4a: {  	_ =	shalt  }
0x4b: {  	_ =	shalt  }
0x4c: {  	_ =	shalt  }
0x4d: {  	_ =	shalt  }
0x4e: {  	_ =	shalt  }
0x4f: {  	_ =	shalt  }
0x50: {  	_ =	shalt  }
0x51: {  	_ =	shalt  }
0x52: {  	_ =	shalt  }
0x53: {  	_ =	shalt  }
0x54: {  	_ =	shalt  }
0x55: {  	_ =	shalt  }
0x56: {  	_ =	shalt  }
0x57: {  	_ =	shalt  }
0x58: {  	_ =	shalt  }
0x59: {  	_ =	shalt  }
0x5a: {  	_ =	shalt  }
0x5b: {  	_ =	shalt  }
0x5c: {  	_ =	shalt  }
0x5d: {  	_ =	shalt  }
0x5e: {  	_ =	shalt  }
0x5f: {  	_ =	shalt  }
0x60: {  	_ =	shalt  }
0x61: {  	_ =	shalt  }
0x62: {  	_ =	shalt  }
0x63: {  	_ =	shalt  }
0x64: {  	_ =	shalt  }
0x65: {  	_ =	shalt  }
0x66: {  	_ =	shalt  }
0x67: {  	_ =	shalt  }
0x68: {  	_ =	shalt  }
0x69: {  	_ =	shalt  }
0x6a: {  	_ =	shalt  }
0x6b: {  	_ =	shalt  }
0x6c: {  	_ =	shalt  }
0x6d: {  	_ =	shalt  }
0x6e: {  	_ =	shalt  }
0x6f: {  	_ =	shalt  }
0x70: {  	_ =	shalt  }
0x71: {  	_ =	shalt  }
0x72: {  	_ =	shalt  }
0x73: {  	_ =	shalt  }
0x74: {  	_ =	shalt  }
0x75: {  	_ =	shalt  }
0x76: {  	_ =	shalt  }
0x77: {  	_ =	shalt  }
0x78: {  	_ =	shalt  }
0x79: {  	_ =	shalt  }
0x7a: {  	_ =	shalt  }
0x7b: {  	_ =	shalt  }
0x7c: {  	_ =	shalt  }
0x7d: {  	_ =	shalt  }
0x7e: {  	_ =	shalt  }
0x7f: {  	_ =	shalt  }
0x80: {  	_ =	shalt  }
0x81: {  	_ =	shalt  }
0x82: {  	_ =	shalt  }
0x83: {  	_ =	shalt  }
0x84: {  	_ =	shalt  }
0x85: {  	_ =	shalt  }
0x86: {  	_ =	shalt  }
0x87: {  	_ =	shalt  }
.Lfunc_end0:
.L_simem_size_0:
called_computation_lowered:
.L_overlay_start_0:
0x88: {  	s2 =	sld [smem:$0x3FD9]  }
0x89: {  	s3 =	sld [smem:$0x3FFE];
	_ =	sdelay $0x1  }
0x8a: {  	s1 =	srdreg.scid  }
0x8b: {  	s0 =	sand.u32 $0x1, s1  }
0x8c: {  	s17 =	sshll.u32 s0, $0xA;
	s2 =	sadd.s32 s3, s2  }
0x8d: {  	s2 =	sadd.s32 s2, s17  }
0x8e: {  	[smem:$0x3FC0] =	sst s2  }
0x8f: {  	_ = 	snop  }
0x90: {  	s2 =	sld [smem:$0x3FD0];
	(tm) =	ssettm $0x1  }
0x91: {  	s18 =	sld [smem:$0x3FFB];
	_ =	sdelay $0x3  }
0x92: {  	_ =	strace s18  }
0x93: {  	s3 =	sld [smem:$0x3FFC];
	_ =	sdelay $0x3  }
0x94: {  	_ =	strace s3  }
0x95: {  	s3 =	sld [smem:$0x3FFD];
	_ =	sdelay $0x3  }
0x96: {  	_ =	strace s3  }
0x97: {  	_ =	strace $0x8FFFFFFF  }
0x98: {  	s19 =	sld [smem:$0x3FDB];
	_ =	sdelay $0x1  }
0x99: {  	s4 =	simm.s32 $_scs_section_size  }
0x9a: {  	s5 =	simm.s32 $_size__tile_overlayer_lowered;
	s6 =	simm.s32 $_tile_overlayer_lowered  }
0x9b: {  	s22 =	simm.s32 $0x1BFF;
	s21 =	sshll.u32 s6, $0x1;
	s3 =	sadd.s32 s4, s19  }
0x9c: {  	s7 =	simm.s32 $0x0;
	s20 =	sshll.u32 s5, $0x1;
	s5 =	sadd.s32 s21, s3  }
0x9d: {  	[timem:s7], [sflag:s22] =	dma.local [hbm:s5], s20  }
0x9e: {  	_ =	swait.ge [sflag:s22], s20  }
0x9f: {  	s4 =	ssub.s32 $0x0, s20;
	[sflag:s22] =	ssyncset.done $0x0  }
0xa0: {  	[sflag:s22] =	ssyncadd.s32 s4;
	_ =	sdelay $0x1  }
0xa1: {  	s23 =	simm.s32 $0x1B8B  }
0xa2: {  	_ =	swait.ge [sflag:s23], $0x1  }
0xa3: {  	[sflag:s23] =	ssyncset.done $0x0  }
0xa4: {  	s25 =	simm.s32 $0x1B8E;
	s24 =	sld [smem:$0x3FFE];
	[sflag:s23] =	ssyncadd.s32 $0xFFFFFFFF  }
0xa5: {  	s26 =	simm.s32 $execute0_lowered;
	[smem:$0x3FD2] =	sst s25  }
0xa6: {  	s5 =	sshll.u32 s26, $0x1;
	_ =	strace $0x80000046;
	[dreg:$0x1] =	wrdreg $0xFFFFFFFF  }
0xa7: {  	s28 =	simm.s32 $_size_execute0_lowered;
	s3 =	sadd.s32 s3, s5;
	[dreg:$0x0] =	wrdreg $0x0  }
0xa8: {  	s5 =	sshll.u32 s28, $0x1;
	[dreg:$0x2] =	wrdreg s3  }
0xa9: {  	[dreg:$0x3] =	wrdreg s5  }
0xaa: {  	[dreg:$0x4] =	wrdreg $0xC0  }
0xab: {  	_ =	task [dreg:s7], $0x5FFFF  }
0xac: {  	[dreg:$0x1] =	wrdreg $0xFFFFFFFF  }
0xad: {  	[dreg:$0x0] =	wrdreg $0x60  }
0xae: {  	[dreg:$0x2] =	wrdreg s2  }
0xaf: {  	[dreg:$0x3] =	wrdreg s24  }
0xb0: {  	[dreg:$0x4] =	wrdreg $0x81000  }
0xb1: {  	[dreg:$0x5] =	wrdreg $0x9  }
0xb2: {  	_ =	task.clear_ibuf [dreg:s7], $0x6FFFF;
	_ =	strace $0x90000046  }
0xb3: {  	s29 =	simm.s32 $0x9;
	_ =	strace $0x80000048  }
0xb4: {  	_ =	swait.ge [sflag:s29], $0x1  }
0xb5: {  	[sflag:s29] =	ssyncadd.s32 $0xFFFFFFFF  }
0xb6: {  	_ =	strace $0x90000048  }
0xb7: {  	_ =	sfence  }
0xb8: {  	s30 =	sld [smem:$0x0];
	_ =	sdelay $0x2  }
0xb9: {  	s31 =	sshll.u32 s1, $0xD;
	s1 =	sshrl.u32 s1, $0x2  }
0xba: {  	s3 =	sand.u32 $0x4000, s31;
	s1 =	sadd.s32 s1, s30  }
0xbb: {  	s0 =	sor.u32 s3, s0;
	s1 =	sshll.u32 s1, $0x11  }
0xbc: {  	s0 =	sor.u32 s1, s0  }
0xbd: {  	s0 =	sadd.s32 $0x8F2B, s0  }
0xbe: {  	[sflag:s0] =	ssyncadd.remote.s32 $0x1  }
0xbf: {  	_ =	sfence.sel $0xFFFF  }
0xc0: {  	[dreg:$0x0] =	wrdreg $0xFFFFFFFF;
	(pc) =	sbr.abs _section_cstart, $3  }
0xc1: {  	[dreg:$0x1] =	wrdreg $0xFFFFFFFF  }
0xc2: {  	_ =	task.clear_ibuf [dreg:s7], $0x2FFFF;
	_ =	strace $0x9FFFFFFF  }
0xc3: {  	(tm) =	ssettm $0x7FFFFFFF  }
tec
execute0_lowered:
.L_overlay_start_1:
0x0: {  	(tag) =	ssettag $0x1  }
0x1: {  	s14 =	rddreg [dreg:$0x0]  }
0x2: {  	s0 =	srdreg.scid;
	s4 =	rddreg [dreg:$0x1]  }
0x3: {  	s2 =	rddreg [dreg:$0x2];
	s5 =	sand.u32 $0x1, s0  }
0x4: {  	s0 =	stileid.u32;
	s6 =	smul.u32 $0x13C000, s5  }
0x5: {  	s1 =	rddreg [dreg:$0x3];
	s3 =	simm.s32 $0x0;
	s7 =	smul.u32 $0x13C00, s0  }
0x6: {  	s17 =	simm.s32 $0x80;
	s18 =	simm.s32 $0x100;
	s8 =	smul.u32 $0x4E200, s0  }
0x7: {  	s19 =	simm.s32 $0x1;
	s20 =	simm.s32 $0x2;
	s26 =	smul.u32 $0x28000, s5  }
0x8: {  	[smem:$0x7FF] =	sst s3;
	s9 =	smul.u32 $0x2800, s0;
	s28 =	ssub.s32 $0x2, s5  }
0x9: {  	s21 =	simm.s32 $0x0;
	_ =	strace $0x80000047;
	s5 =	sshrl.u32 s28, $0x1  }
0xa: {  	s6 =	sadd.s32 s7, s6;
	s29 =	sshrl.u32 s8, $0x2;
	s12 =	sadd.s32 s9, s26  }
0xb: {  	s13 =	ssub.s32 s28, s5;
	s6 =	sshrl.u32 s6, $0x3;
	s7 =	sshrl.u32 s12, $0x3  }
0xc: {  	s15 =	sor.u32 $0x180, s12;
	s16 =	sor.u32 $0x100, s12;
	s12 =	smax.u32 s13, $0x1  }
0xd: {  	s11 =	sadd.s32 s6, s4;
	s4 =	sadd.s32 s29, s2;
	s7 =	sadd.s32 s14, s7  }
0xe: {  	s30 =	sshrl.u32 s15, $0x3;
	s31 =	sshrl.u32 s16, $0x3;
	s15 =	simm.s32 $0x4100  }
0xf: {  	s16 =	simm.s32 $0x3;
	s5 =	sadd.s32 $0x3E80, s4;
	s6 =	sadd.s32 $0x7D00, s4  }
0x10: {  	s8 =	sadd.s32 $0xBB80, s4;
	s9 =	sadd.s32 $0xFA00, s4;
	s10 =	sadd.s32 $0x10, s7  }
0x11: {  	v0 =	vimm.f32 $1.000000000e+00;
	v1 =	vimm.f32 $0.0e+00;
	s11 =	sadd.s32 $0x4400, s11;
	s13 =	sadd.s32 s30, s14;
	s14 =	sadd.s32 s31, s14  }
.LBB2_1:
0x12: {  	s22 =	simm.s32 $0x0;
	s23 =	simm.s32 $0x200  }
.LBB2_2:
0x13: {  	p0 =	sne.s32 s23, $0xFE00;
	[tilespmem:s22+$0x170] =	vst v0  }
0x14: {  	[tilespmem:s22+$0x100] =	vst v0  }
0x15: {  	[tilespmem:s22+$0x110] =	vst v0  }
.Ltmp0:
0x16: {  	[tilespmem:s22+$0x120] =	vst v0;
	(pc) =	sbr.rel @p0 .LBB2_2-.Ltmp0, $4  }
0x17: {  	[tilespmem:s22+$0x130] =	vst v0  }
0x18: {  	[tilespmem:s22+$0x140] =	vst v0  }
0x19: {  	[tilespmem:s22+$0x150] =	vst v0  }
0x1a: {  	[tilespmem:s22+$0x160] =	vst v0;
	s22 =	sshra.s32 s23, $0x2;
	s23 =	sadd.s32 $0x200, s23  }
0x1b: {  	[tilespmem:s22+$0x170] =	vst v0  }
0x1c: {  	[tilespmem:s22+$0x100] =	vst v0  }
0x1d: {  	[tilespmem:s22+$0x110] =	vst v0  }
0x1e: {  	[tilespmem:s22+$0x120] =	vst v0  }
0x1f: {  	[tilespmem:s22+$0x130] =	vst v0  }
0x20: {  	[tilespmem:s22+$0x140] =	vst v0  }
0x21: {  	[tilespmem:s22+$0x150] =	vst v0  }
0x22: {  	[tilespmem:s22+$0x160] =	vst v0;
	s22 =	simm.s32 $0x0;
	s23 =	simm.s32 $0x200  }
.LBB2_4:
0x23: {  	p0 =	sne.s32 s23, $0xF800;
	[tilespmem:s22+$0x4170] =	vst v1  }
0x24: {  	[tilespmem:s22+$0x4100] =	vst v1  }
0x25: {  	[tilespmem:s22+$0x4110] =	vst v1  }
.Ltmp1:
0x26: {  	[tilespmem:s22+$0x4120] =	vst v1;
	(pc) =	sbr.rel @p0 .LBB2_4-.Ltmp1, $4  }
0x27: {  	[tilespmem:s22+$0x4130] =	vst v1  }
0x28: {  	[tilespmem:s22+$0x4140] =	vst v1  }
0x29: {  	[tilespmem:s22+$0x4150] =	vst v1  }
0x2a: {  	[tilespmem:s22+$0x4160] =	vst v1;
	s22 =	sshra.s32 s23, $0x2;
	s23 =	sadd.s32 $0x200, s23  }
0x2b: {  	[tilespmem:s22+$0x4170] =	vst v1  }
0x2c: {  	[tilespmem:s22+$0x4100] =	vst v1  }
0x2d: {  	[tilespmem:s22+$0x4110] =	vst v1  }
0x2e: {  	[tilespmem:s22+$0x4120] =	vst v1  }
0x2f: {  	[tilespmem:s22+$0x4130] =	vst v1  }
0x30: {  	[tilespmem:s22+$0x4140] =	vst v1  }
0x31: {  	[tilespmem:s22+$0x4150] =	vst v1  }
0x32: {  	[tilespmem:s22+$0x4160] =	vst v1  }
0x33: {  	[spmem:s4] =	stream.linear.scatter [tilespmem:s15], [sflag:$0x3], $0x3E80, $0x38;
	[tilespmem:$0x1BA00] =	vst v63  }
0x34: {  	_ =	swait.ge [sflag:s16], $0x3E80  }
0x35: {  	[sflag:s16] =	ssyncset.done $0x0  }
0x36: {  	[sflag:s16] =	ssyncadd.s32 $0xFFFFC180  }
0x37: {  	[spmem:s5] =	stream.linear.scatter [tilespmem:s15], [sflag:$0x3], $0x3E80, $0x38;
	[tilespmem:$0x1BA00] =	vst v63  }
0x38: {  	_ =	swait.ge [sflag:s16], $0x3E80  }
0x39: {  	[sflag:s16] =	ssyncset.done $0x0  }
0x3a: {  	[sflag:s16] =	ssyncadd.s32 $0xFFFFC180  }
0x3b: {  	[spmem:s6] =	stream.linear.scatter [tilespmem:s15], [sflag:$0x3], $0x3E80, $0x38;
	[tilespmem:$0x1BA00] =	vst v63  }
0x3c: {  	_ =	swait.ge [sflag:s16], $0x3E80  }
0x3d: {  	[sflag:s16] =	ssyncset.done $0x0  }
0x3e: {  	[sflag:s16] =	ssyncadd.s32 $0xFFFFC180  }
0x3f: {  	[spmem:s8] =	stream.linear.scatter [tilespmem:s15], [sflag:$0x3], $0x3E80, $0x38;
	[tilespmem:$0x1BA00] =	vst v63  }
0x40: {  	_ =	swait.ge [sflag:s16], $0x3E80  }
0x41: {  	[sflag:s16] =	ssyncset.done $0x0  }
0x42: {  	[sflag:s16] =	ssyncadd.s32 $0xFFFFC180  }
0x43: {  	[spmem:s9] =	stream.linear.scatter [tilespmem:s15], [sflag:$0x3], $0x3E80, $0x38;
	[tilespmem:$0x1BA00] =	vst v63  }
0x44: {  	_ =	swait.ge [sflag:s16], $0x3E80  }
0x45: {  	[sflag:s16] =	ssyncset.done $0x0  }
0x46: {  	[sflag:s16] =	ssyncadd.s32 $0xFFFFC180  }
0x47: {  	s29 =	simm.s32 $0x0;
	[bflag:$0x0] =	sbarrier.arrive $0xFFFF  }
0x48: {  	[tilespmem:s29], [sflag:$0x3] =	stream.linear.gather [hbm4b:s7+s29], $0x80, $0x38;
	[tilespmem:$0x1BA00] =	vst v63  }
0x49: {  	_ =	swait.ge [sflag:s16], $0x80  }
0x4a: {  	[sflag:s16] =	ssyncset.done $0x0  }
0x4b: {  	[sflag:s16] =	ssyncadd.s32 $0xFFFFFF80  }
0x4c: {  	[spmem:s2] =	stream.indirect.scatter.add.f32 [tilespmem:s18], [sflag:$0x1], $0x80, s29, s17, $0xb8;
	[tilespmem:$0x1BA00] =	vst v63  }
0x4d: {  	_ = 	snop  }
0x4e: {  	[tilespmem:s17], [sflag:$0x3] =	stream.linear.gather [hbm4b:s10+s29], $0x80, $0x38;
	[tilespmem:$0x1BA00] =	vst v63  }
0x4f: {  	_ =	swait.ge [sflag:s16], $0x80  }
0x50: {  	[sflag:s16] =	ssyncset.done $0x0  }
0x51: {  	[sflag:s16] =	ssyncadd.s32 $0xFFFFFF80  }
0x52: {  	[spmem:s2] =	stream.indirect.scatter.add.f32 [tilespmem:s18], [sflag:$0x2], $0x80, s17, s17, $0xb8;
	[tilespmem:$0x1BA00] =	vst v63  }
0x53: {  	_ =	swait.ge [sflag:s19], $0x4000  }
0x54: {  	[sflag:s19] =	ssyncset.done $0x0  }
0x55: {  	s30 =	sadd.s32 $0x0, s14;
	[sflag:s19] =	ssyncadd.s32 $0xFFFFC000  }
0x56: {  	[tilespmem:s3], [sflag:$0x3] =	stream.linear.gather [hbm4b:s30+s3], $0x80, $0x38;
	[tilespmem:$0x1BA00] =	vst v63  }
0x57: {  	_ =	swait.ge [sflag:s16], $0x80  }
0x58: {  	[sflag:s16] =	ssyncset.done $0x0  }
0x59: {  	[sflag:s16] =	ssyncadd.s32 $0xFFFFFF80  }
0x5a: {  	[spmem:s2] =	stream.indirect.scatter.add.f32 [tilespmem:s18], [sflag:$0x1], $0x80, s3, s17, $0xb8;
	[tilespmem:$0x1BA00] =	vst v63  }
0x5b: {  	_ =	swait.ge [sflag:s20], $0x4000  }
0x5c: {  	[sflag:s20] =	ssyncset.done $0x0  }
0x5d: {  	s31 =	sadd.s32 $0x0, s13;
	[sflag:s20] =	ssyncadd.s32 $0xFFFFC000  }
0x5e: {  	[tilespmem:s17], [sflag:$0x3] =	stream.linear.gather [hbm4b:s31+s3], $0x80, $0x38;
	[tilespmem:$0x1BA00] =	vst v63  }
0x5f: {  	_ =	swait.ge [sflag:s16], $0x80  }
0x60: {  	[sflag:s16] =	ssyncset.done $0x0  }
0x61: {  	s22 =	simm.s32 $0x20;
	[sflag:s16] =	ssyncadd.s32 $0xFFFFFF80  }
.LBB2_6:
0x62: {  	[spmem:s2] =	stream.indirect.scatter.add.f32 [tilespmem:s18], [sflag:$0x2], $0x80, s17, s17, $0xb8;
	[tilespmem:$0x1BA00] =	vst v63  }
0x63: {  	s23 =	smov.u32 s22  }
0x64: {  	p0 =	sne.s32 s22, $0x4C0;
	s22 =	sadd.s32 $0x20, s22;
	_ =	swait.ge [sflag:s19], $0x4000  }
0x65: {  	[sflag:s19] =	ssyncset.done $0x0  }
0x66: {  	s24 =	sadd.s32 s23, s14;
	[sflag:s19] =	ssyncadd.s32 $0xFFFFC000  }
0x67: {  	[tilespmem:s3], [sflag:$0x3] =	stream.linear.gather [hbm4b:s24+s3], $0x80, $0x38;
	[tilespmem:$0x1BA00] =	vst v63  }
0x68: {  	_ =	swait.ge [sflag:s16], $0x80  }
0x69: {  	[sflag:s16] =	ssyncset.done $0x0  }
0x6a: {  	[sflag:s16] =	ssyncadd.s32 $0xFFFFFF80  }
0x6b: {  	[spmem:s2] =	stream.indirect.scatter.add.f32 [tilespmem:s18], [sflag:$0x1], $0x80, s3, s17, $0xb8;
	[tilespmem:$0x1BA00] =	vst v63  }
0x6c: {  	_ =	swait.ge [sflag:s20], $0x4000  }
0x6d: {  	[sflag:s20] =	ssyncset.done $0x0  }
.Ltmp2:
0x6e: {  	s23 =	sadd.s32 s23, s13;
	[sflag:s20] =	ssyncadd.s32 $0xFFFFC000;
	(pc) =	sbr.rel @p0 .LBB2_6-.Ltmp2, $4  }
0x6f: {  	[tilespmem:s17], [sflag:$0x3] =	stream.linear.gather [hbm4b:s23+s3], $0x80, $0x38;
	[tilespmem:$0x1BA00] =	vst v63  }
0x70: {  	_ =	swait.ge [sflag:s16], $0x80  }
0x71: {  	[sflag:s16] =	ssyncset.done $0x0  }
0x72: {  	[sflag:s16] =	ssyncadd.s32 $0xFFFFFF80  }
0x73: {  	[spmem:s2] =	stream.indirect.scatter.add.f32 [tilespmem:s18], [sflag:$0x2], $0x80, s17, s17, $0xb8;
	[tilespmem:$0x1BA00] =	vst v63  }
0x74: {  	_ =	swait.ge [sflag:s19], $0x4000  }
0x75: {  	[sflag:s19] =	ssyncset.done $0x0  }
0x76: {  	[sflag:s19] =	ssyncadd.s32 $0xFFFFC000  }
0x77: {  	_ =	swait.ge [sflag:s20], $0x4000  }
0x78: {  	s22 =	sshll.u32 s0, $0x6;
	s21 =	sadd.s32 $0x1, s21;
	[sflag:s20] =	ssyncset.done $0x0  }
0x79: {  	s23 =	sshrl.u32 s4, $0x3;
	p0 =	sne.s32 s21, s12;
	[sflag:s20] =	ssyncadd.s32 $0xFFFFC000  }
.Ltmp3:
0x7a: {  	s22 =	sor.u32 $0x1C03, s22;
	[bflag:$0x0] =	sbarrier.arrive $0xFFFF;
	(pc) =	sbr.rel @p0 .LBB2_1-.Ltmp3, $4  }
0x7b: {  	[hbm:s11], [sflag:s22] =	dma.local [spmem:s23], $0x2710  }
0x7c: {  	_ =	swait.ge [sflag:s16], $0x2710  }
0x7d: {  	[sflag:s16] =	ssyncset.done $0x0  }
0x7e: {  	[sflag:s16] =	ssyncadd.s32 $0xFFFFD8F0  }
0x7f: {  	_ =	sfence.sel $0x180000  }
0x80: {  	[bflag:$0x0] =	sbarrier.arrive $0xFFFF  }
0x81: {  	p0 =	sne.s32 s0, $0x0;
	_ =	strace $0x90000047  }
0x82: {  	s0 =	sadd.s32 @!p0 $0x100000, s1;
	[bflag:$0x2] =	sbarrier.arrive $0xFFFF  }
0x83: {  	[sflag:s0] =	ssyncadd.tile.s32 @!p0 $0x1;
	_ =	shalt  }
.Lfunc_end2:
_tile_overlayer_lowered:
.L_overlay_start_2:
0x84: {  	(tag) =	ssettag $0x2  }
0x85: {  	s0 =	rddreg [dreg:$0x0];
	s2 =	stileid.u32  }
0x86: {  	s1 =	rddreg [dreg:$0x1];
	p0 =	sne.s32 s2, $0x0  }
0x87: {  	s3 =	rddreg [dreg:$0x2];
	[bflag:$0x3] =	sbarrier.arrive $0xFFFF;
	s2 =	simm.s32 @!p0 $0x1C03  }
0x88: {  	[timem:s3], [sflag:s2] =	dma.local @!p0 [hbm:s0], s1  }
0x89: {  	s0 =	simm.s32 @!p0 $0x3  }
0x8a: {  	_ =	swait.ge @!p0 [sflag:s0], s1  }
0x8b: {  	s1 =	ssub.s32 @!p0 $0x0, s1;
	[sflag:s0] =	ssyncset.done @!p0 $0x0  }
0x8c: {  	[sflag:s0] =	ssyncadd.s32 @!p0 s1  }
0x8d: {  	[bflag:$0x3] =	sbarrier.arrive $0xFFFF  }
0x8e: {  	_ =	shalt  }

// kernel: kernel.13.cloned.1.call-start
scs
__scs_entry_jumppad:
0x0: {  	(pc) =	sbr.rel $0x88, $3  }
0x1: {  	(tag) =	ssettag $0x0;
	lr =	simm.s32 $0x1  }
0x2: {  	[smem:$0x3F99] =	sst lr;
	_ =	strace $0xD0000000  }
0x3: {  	_ = 	snop  }
0x4: {  	_ = 	snop  }
0x5: {  	_ = 	snop  }
0x6: {  	_ = 	snop  }
0x7: {  	_ = 	snop  }
__scs_overlays_trampoline_lowered:
0x8: {  	[smem:$0x3FA8] =	sst s0  }
0x9: {  	[smem:$0x3FA9] =	sst s1  }
0xa: {  	[smem:$0x3FAA] =	sst s2  }
0xb: {  	[smem:$0x3FAB] =	sst s3  }
0xc: {  	[smem:$0x3FAC] =	sst s4  }
0xd: {  	[smem:$0x3FAD] =	sst s5  }
0xe: {  	[smem:$0x3FAE] =	sst s6  }
0xf: {  	[smem:$0x3FAF] =	sst s7  }
0x10: {  	[smem:$0x3FB0] =	sst s8  }
0x11: {  	[smem:$0x3FB1] =	sst s9;
	s0 =	simm.s32 @!p0 $0x0  }
0x12: {  	s1 =	sld [smem:$0x3F97];
	s0 =	simm.s32 @p0 $0x1  }
0x13: {  	[smem:$0x3FB2] =	sst s0;
	s0 =	simm.s32 @!p1 $0x0  }
0x14: {  	s2 =	sld [smem:$0x3F96];
	s0 =	simm.s32 @p1 $0x1  }
0x15: {  	[smem:$0x3FB3] =	sst s0;
	s0 =	simm.s32 @!p2 $0x0  }
0x16: {  	s3 =	sld [smem:$0x3FDB];
	s0 =	simm.s32 @p2 $0x1  }
0x17: {  	s4 =	simm.s32 $0x1BF5;
	[smem:$0x3FB5] =	sst s0  }
0x18: {  	s0 =	sld [smem:$0x3F98];
	_ =	swait.ge [sflag:s4], $0x0  }
0x19: {  	s7 =	sld [smem:$0x3F99]  }
0x1a: {  	s8 =	sadd.s32 $0xFFFFE003, lr  }
0x1b: {  	s9 =	sadd.s32 $0xFFFFFEF7, lr;
	s5 =	simm.s32 $0xFFFFFFFF;
	p2 =	slt.u32 s8, $0xFFFFF086  }
0x1c: {  	p1 =	slt.u32 s9, $0xF7A;
	s5 =	simm.s32 @!p2 $0x0  }
0x1d: {  	s5 =	simm.s32 @p1 $0x1;
	p0 =	seq.s32 s7, s2  }
0x1e: {  	s7 =	smul.u32 @!p0 $0xF7A, s2;
	p2 =	seq.s32 @!p0 s5, $0x0  }
0x1f: {  	s9 =	smul.u32 $0xF7A, s1;
	s8 =	simm.s32 @!p0 $0x1BF5;
	p2 =	por !p2, p0  }
0x20: {  	[sflag:s8] =	ssyncset.s32 @!p0 $0xFFFFF086;
	s6 =	sadd.s32 @!p0 s3, s7;
	s7 =	simm.s32 @!p0 $0x108  }
0x21: {  	s3 =	sadd.s32 s3, s9;
	s6 =	sadd.s32 @!p0 $0x88, s6;
	s7 =	simm.s32 @p2 $0x1082  }
0x22: {  	[simem:s7], [sflag:s8] =	dma.local @!p0 [hbm:s6], $0xF7A  }
0x23: {  	s9 =	sor.u32 $0xD0000000, s2;
	s6 =	simm.s32 $0x108;
	_ =	swait.ge @!p0 [sflag:s8], $0x0  }
0x24: {  	s3 =	sadd.s32 $0x88, s3;
	s6 =	simm.s32 @!p1 $0x1082;
	[sflag:s4] =	ssyncset.s32 $0xFFFFF086  }
0x25: {  	[simem:s6], [sflag:s4] =	dma.local [hbm:s3], $0xF7A  }
0x26: {  	[smem:$0x3F99] =	sst s1;
	(tag) =	ssettag s2;
	_ =	strace s9  }
0x27: {  	s1 =	sld [smem:$0x3FA9]  }
0x28: {  	s2 =	sld [smem:$0x3FAA]  }
0x29: {  	s4 =	sld [smem:$0x3FAC]  }
0x2a: {  	p0 =	seq.s32 s5, $0x0;
	s5 =	sld [smem:$0x3FAD]  }
0x2b: {  	s6 =	sld [smem:$0x3FAE]  }
0x2c: {  	s7 =	sld [smem:$0x3FAF]  }
0x2d: {  	s3 =	simm.s32 $0x108;
	s8 =	sld [smem:$0x3FB0]  }
0x2e: {  	s3 =	simm.s32 @!p0 $0x1082;
	s9 =	sld [smem:$0x3FB1]  }
0x2f: {  	lr =	sadd.s32 s0, s3;
	s0 =	sld [smem:$0x3FA8]  }
0x30: {  	s3 =	sld [smem:$0x3FAB]  }
0x31: {  	[smem:$0x3FB4] =	sst s10  }
0x32: {  	s10 =	sld [smem:$0x3FB2];
	_ =	sdelay $0x3  }
0x33: {  	p0 =	seq.s32 s10, $0x1;
	s10 =	sld [smem:$0x3FB4];
	_ =	sdelay $0x3  }
0x34: {  	[smem:$0x3FB4] =	sst s10  }
0x35: {  	s10 =	sld [smem:$0x3FB3];
	_ =	sdelay $0x3  }
0x36: {  	p1 =	seq.s32 s10, $0x1;
	s10 =	sld [smem:$0x3FB4];
	_ =	sdelay $0x3  }
0x37: {  	[smem:$0x3FB4] =	sst s10  }
0x38: {  	s10 =	sld [smem:$0x3FB5]  }
0x39: {  	_ = 	snop;
	(pc) =	sbr.ind lr, $3  }
0x3a: {  	_ = 	snop  }
0x3b: {  	_ = 	snop  }
0x3c: {  	p2 =	seq.s32 s10, $0x1;
	s10 =	sld [smem:$0x3FB4]  }
0x3d: {  	_ =	shalt  }
0x3e: {  	_ =	shalt  }
0x3f: {  	_ =	shalt  }
0x40: {  	_ =	shalt  }
0x41: {  	_ =	shalt  }
0x42: {  	_ =	shalt  }
0x43: {  	_ =	shalt  }
0x44: {  	_ =	shalt  }
0x45: {  	_ =	shalt  }
0x46: {  	_ =	shalt  }
0x47: {  	_ =	shalt  }
0x48: {  	_ =	shalt  }
0x49: {  	_ =	shalt  }
0x4a: {  	_ =	shalt  }
0x4b: {  	_ =	shalt  }
0x4c: {  	_ =	shalt  }
0x4d: {  	_ =	shalt  }
0x4e: {  	_ =	shalt  }
0x4f: {  	_ =	shalt  }
0x50: {  	_ =	shalt  }
0x51: {  	_ =	shalt  }
0x52: {  	_ =	shalt  }
0x53: {  	_ =	shalt  }
0x54: {  	_ =	shalt  }
0x55: {  	_ =	shalt  }
0x56: {  	_ =	shalt  }
0x57: {  	_ =	shalt  }
0x58: {  	_ =	shalt  }
0x59: {  	_ =	shalt  }
0x5a: {  	_ =	shalt  }
0x5b: {  	_ =	shalt  }
0x5c: {  	_ =	shalt  }
0x5d: {  	_ =	shalt  }
0x5e: {  	_ =	shalt  }
0x5f: {  	_ =	shalt  }
0x60: {  	_ =	shalt  }
0x61: {  	_ =	shalt  }
0x62: {  	_ =	shalt  }
0x63: {  	_ =	shalt  }
0x64: {  	_ =	shalt  }
0x65: {  	_ =	shalt  }
0x66: {  	_ =	shalt  }
0x67: {  	_ =	shalt  }
0x68: {  	_ =	shalt  }
0x69: {  	_ =	shalt  }
0x6a: {  	_ =	shalt  }
0x6b: {  	_ =	shalt  }
0x6c: {  	_ =	shalt  }
0x6d: {  	_ =	shalt  }
0x6e: {  	_ =	shalt  }
0x6f: {  	_ =	shalt  }
0x70: {  	_ =	shalt  }
0x71: {  	_ =	shalt  }
0x72: {  	_ =	shalt  }
0x73: {  	_ =	shalt  }
0x74: {  	_ =	shalt  }
0x75: {  	_ =	shalt  }
0x76: {  	_ =	shalt  }
0x77: {  	_ =	shalt  }
0x78: {  	_ =	shalt  }
0x79: {  	_ =	shalt  }
0x7a: {  	_ =	shalt  }
0x7b: {  	_ =	shalt  }
0x7c: {  	_ =	shalt  }
0x7d: {  	_ =	shalt  }
0x7e: {  	_ =	shalt  }
0x7f: {  	_ =	shalt  }
0x80: {  	_ =	shalt  }
0x81: {  	_ =	shalt  }
0x82: {  	_ =	shalt  }
0x83: {  	_ =	shalt  }
0x84: {  	_ =	shalt  }
0x85: {  	_ =	shalt  }
0x86: {  	_ =	shalt  }
0x87: {  	_ =	shalt  }
.Lfunc_end0:
.L_simem_size_0:
called_computation.1_lowered:
.L_overlay_start_0:
0x88: {  	s2 =	sld [smem:$0x3FD9]  }
0x89: {  	s3 =	sld [smem:$0x3FFE];
	_ =	sdelay $0x1  }
0x8a: {  	s1 =	srdreg.scid  }
0x8b: {  	s0 =	sand.u32 $0x1, s1  }
0x8c: {  	s16 =	sshll.u32 s0, $0xA;
	s2 =	sadd.s32 s3, s2  }
0x8d: {  	s2 =	sadd.s32 s2, s16  }
0x8e: {  	[smem:$0x3FC0] =	sst s2  }
0x8f: {  	_ = 	snop  }
0x90: {  	(tm) =	ssettm $0x1  }
0x91: {  	s17 =	sld [smem:$0x3FFB];
	_ =	sdelay $0x3  }
0x92: {  	_ =	strace s17  }
0x93: {  	s2 =	sld [smem:$0x3FFC];
	_ =	sdelay $0x3  }
0x94: {  	_ =	strace s2  }
0x95: {  	s2 =	sld [smem:$0x3FFD];
	_ =	sdelay $0x3  }
0x96: {  	_ =	strace s2  }
0x97: {  	_ =	strace $0x8FFFFFFF  }
0x98: {  	s18 =	sld [smem:$0x3FDB];
	_ =	sdelay $0x1  }
0x99: {  	s19 =	simm.s32 $_scs_section_size  }
0x9a: {  	s4 =	simm.s32 $_size__tile_overlayer_lowered;
	s5 =	simm.s32 $_tile_overlayer_lowered  }
0x9b: {  	s22 =	simm.s32 $0x1BFF;
	s21 =	sshll.u32 s5, $0x1;
	s2 =	sadd.s32 s19, s18  }
0x9c: {  	s6 =	simm.s32 $0x0;
	s20 =	sshll.u32 s4, $0x1;
	s4 =	sadd.s32 s21, s2  }
0x9d: {  	[timem:s6], [sflag:s22] =	dma.local [hbm:s4], s20  }
0x9e: {  	_ =	swait.ge [sflag:s22], s20  }
0x9f: {  	s3 =	ssub.s32 $0x0, s20;
	[sflag:s22] =	ssyncset.done $0x0  }
0xa0: {  	[sflag:s22] =	ssyncadd.s32 s3;
	_ =	sdelay $0x1  }
0xa1: {  	s23 =	simm.s32 $0x1B8B  }
0xa2: {  	_ =	swait.ge [sflag:s23], $0x1  }
0xa3: {  	[sflag:s23] =	ssyncset.done $0x0  }
0xa4: {  	s25 =	simm.s32 $0x1B8E;
	s24 =	sld [smem:$0x3FFE];
	[sflag:s23] =	ssyncadd.s32 $0xFFFFFFFF  }
0xa5: {  	s26 =	simm.s32 $execute0_lowered;
	[smem:$0x3FD2] =	sst s25  }
0xa6: {  	s4 =	sshll.u32 s26, $0x1;
	_ =	strace $0x80000049;
	[dreg:$0x1] =	wrdreg $0xFFFFFFFF  }
0xa7: {  	s28 =	simm.s32 $_size_execute0_lowered;
	s2 =	sadd.s32 s2, s4;
	[dreg:$0x0] =	wrdreg $0x0  }
0xa8: {  	s4 =	sshll.u32 s28, $0x1;
	[dreg:$0x2] =	wrdreg s2  }
0xa9: {  	[dreg:$0x3] =	wrdreg s4  }
0xaa: {  	[dreg:$0x4] =	wrdreg $0xC0  }
0xab: {  	_ =	task [dreg:s6], $0x5FFFF  }
0xac: {  	[dreg:$0x1] =	wrdreg $0xFFFFFFFF  }
0xad: {  	[dreg:$0x0] =	wrdreg $0x60  }
0xae: {  	[dreg:$0x2] =	wrdreg s24  }
0xaf: {  	[dreg:$0x3] =	wrdreg $0xC4000  }
0xb0: {  	[dreg:$0x4] =	wrdreg $0x9  }
0xb1: {  	_ =	task.clear_ibuf [dreg:s6], $0x5FFFF;
	_ =	strace $0x90000049  }
0xb2: {  	s29 =	simm.s32 $0x9;
	_ =	strace $0x8000004B  }
0xb3: {  	_ =	swait.ge [sflag:s29], $0x1  }
0xb4: {  	[sflag:s29] =	ssyncadd.s32 $0xFFFFFFFF  }
0xb5: {  	_ =	strace $0x9000004B  }
0xb6: {  	_ =	sfence  }
0xb7: {  	s30 =	sld [smem:$0x0];
	_ =	sdelay $0x2  }
0xb8: {  	s31 =	sshll.u32 s1, $0xD;
	s1 =	sshrl.u32 s1, $0x2  }
0xb9: {  	s3 =	sand.u32 $0x4000, s31;
	s1 =	sadd.s32 s1, s30  }
0xba: {  	s0 =	sor.u32 s3, s0;
	s1 =	sshll.u32 s1, $0x11  }
0xbb: {  	s0 =	sor.u32 s1, s0  }
0xbc: {  	s0 =	sadd.s32 $0x8F2B, s0  }
0xbd: {  	[sflag:s0] =	ssyncadd.remote.s32 $0x1  }
0xbe: {  	_ =	sfence.sel $0xFFFF  }
0xbf: {  	[dreg:$0x0] =	wrdreg $0xFFFFFFFF;
	(pc) =	sbr.abs _section_cstart, $3  }
0xc0: {  	[dreg:$0x1] =	wrdreg $0xFFFFFFFF  }
0xc1: {  	_ =	task.clear_ibuf [dreg:s6], $0x2FFFF;
	_ =	strace $0x9FFFFFFF  }
0xc2: {  	(tm) =	ssettm $0x7FFFFFFF  }
0xc3: {  	_ =	shalt  }
tec
execute0_lowered:
.L_overlay_start_1:
0x0: {  	(tag) =	ssettag $0x1  }
0x1: {  	s0 =	rddreg [dreg:$0x0]  }
0x2: {  	s1 =	rddreg [dreg:$0x1];
	s3 =	simm.s32 $0x0;
	s12 =	stileid.u32  }
0x3: {  	s7 =	srdreg.scid;
	s28 =	simm.s32 $0x80;
	s29 =	simm.s32 $0x100  }
0x4: {  	s30 =	simm.s32 $0x180;
	s31 =	simm.s32 $0x400;
	[smem:$0x7FF] =	sst s3  }
0x5: {  	s2 =	sadd.s32 $0x58400, s0;
	s6 =	sadd.s32 $0x53400, s0;
	s8 =	smul.u32 $0x4E200, s12  }
0x6: {  	s4 =	sadd.s32 $0x4400, s0;
	s5 =	sadd.s32 $0x2B600, s0;
	s9 =	sand.u32 $0x1, s7  }
0x7: {  	s21 =	sadd.s32 $0xAB600, s0;
	s11 =	smul.u32 $0x2800, s12;
	s0 =	sadd.s32 $0xD2E00, s0  }
0x8: {  	s20 =	smul.u32 $0x500, s12;
	_ =	strace $0x8000004A;
	[dreg:$0x3] =	wrdreg s21  }
0x9: {  	s10 =	ssub.s32 $0x2, s9;
	[dreg:$0x5] =	wrdreg s0;
	p0 =	sne.s32 s9, $0x0  }
0xa: {  	s9 =	simm.s32 $0x380;
	s22 =	sshrl.u32 s8, $0x2;
	s26 =	sshrl.u32 s11, $0x3  }
0xb: {  	s23 =	sshrl.u32 s10, $0x1;
	s21 =	sadd.s32 s20, s6;
	s13 =	sadd.s32 s2, s26  }
0xc: {  	s19 =	sadd.s32 s22, s1;
	s15 =	sadd.s32 s6, s26;
	[dreg:$0xa] =	wrdreg s13  }
0xd: {  	s0 =	ssub.s32 s10, s23;
	s14 =	sor.u32 $0x10, s26;
	[dreg:$0xb] =	wrdreg s15  }
0xe: {  	s18 =	sor.u32 $0x20, s26;
	s7 =	sadd.s32 $0x3E80, s19;
	[dreg:$0x4] =	wrdreg s19  }
0xf: {  	s8 =	sor.u32 $0x30, s26;
	s24 =	sadd.s32 $0x7D00, s19;
	[dreg:$0x6] =	wrdreg s7  }
0x10: {  	s26 =	smul.u32 $0x2780, s12;
	s25 =	sadd.s32 $0xBB80, s19;
	[dreg:$0x7] =	wrdreg s24  }
0x11: {  	s10 =	simm.s32 $0x1;
	s11 =	sadd.s32 $0xFA00, s19;
	[dreg:$0x8] =	wrdreg s25  }
0x12: {  	s12 =	simm.s32 $0x3;
	s16 =	sadd.s32 s2, s14;
	[dreg:$0x9] =	wrdreg s11  }
0x13: {  	s17 =	sadd.s32 s6, s14;
	s22 =	sadd.s32 s2, s18;
	[dreg:$0xc] =	wrdreg s16  }
0x14: {  	s23 =	sadd.s32 s6, s18;
	s0 =	smax.u32 s0, $0x1;
	[dreg:$0xd] =	wrdreg s17  }
0x15: {  	s13 =	simm.s32 $0x5;
	s14 =	simm.s32 $0x4;
	[dreg:$0xe] =	wrdreg s22  }
0x16: {  	s15 =	simm.s32 $0x6;
	[dreg:$0xf] =	wrdreg s23;
	s24 =	sadd.s32 s2, s8  }
.Ltmp0:
0x17: {  	s25 =	sadd.s32 s6, s8;
	[dreg:$0x12] =	wrdreg s26;
	(pc) =	sbr.rel .LBB2_1-.Ltmp0, $4  }
0x18: {  	s22 =	sadd.s32 s20, s2;
	[dreg:$0x13] =	wrdreg s0;
	s26 =	simm.s32 $0x7  }
0x19: {  	s0 =	simm.s32 $0x4400;
	s6 =	simm.s32 $0x200;
	s8 =	simm.s32 $0x280  }
0x1a: {  	s2 =	simm.s32 $0x300;
	s11 =	simm.s32 $0x2;
	[dreg:$0x10] =	wrdreg s24  }
0x1b: {  	v0 =	vimm.f32 $0.0e+00;
	s16 =	simm.s32 $0x0;
	[dreg:$0x11] =	wrdreg s25;
	s25 =	simm.s32 $0x8400  }
.LBB2_10:
0x1c: {  	s17 =	rddreg [dreg:$0x5]  }
.LBB2_11:
0x1d: {  	_ =	swait.ge [sflag:s14], $0x4000  }
0x1e: {  	[sflag:s14] =	ssyncset.done $0x0  }
0x1f: {  	[sflag:s14] =	ssyncadd.s32 $0xFFFFC000  }
0x20: {  	s23 =	stileid.u32;
	s7 =	rddreg [dreg:$0x12];
	[bflag:$0x0] =	sbarrier.arrive $0xFFFF  }
0x21: {  	s7 =	sadd.s32 s17, s7;
	s17 =	sshll.u32 s23, $0x6;
	s19 =	rddreg [dreg:$0x4]  }
0x22: {  	s17 =	sor.u32 $0x1C07, s17;
	s18 =	sshrl.u32 s19, $0x3  }
0x23: {  	[hbm:s7], [sflag:s17] =	dma.local [spmem:s18], $0x2710  }
0x24: {  	_ =	swait.ge [sflag:s26], $0x2710  }
0x25: {  	s16 =	sadd.s32 $0x1, s16;
	s24 =	rddreg [dreg:$0x13]  }
0x26: {  	p1 =	sne.s32 s16, s24  }
.Ltmp1:
0x27: {  	_ = 	snop;
	(pc) =	sbr.rel @!p1 .LBB2_12-.Ltmp1, $3  }
0x28: {  	_ =	sdelay $0x1  }
0x29: {  	[sflag:s26] =	ssyncset.done $0x0  }
0x2a: {  	[sflag:s26] =	ssyncadd.s32 $0xFFFFD8F0  }
.LBB2_1:
0x2b: {  	s17 =	simm.s32 $0x0;
	s18 =	simm.s32 $0x200  }
.LBB2_2:
0x2c: {  	p1 =	sne.s32 s18, $0xF800;
	[tilespmem:s17+$0x8470] =	vst v0  }
0x2d: {  	[tilespmem:s17+$0x8400] =	vst v0  }
0x2e: {  	[tilespmem:s17+$0x8410] =	vst v0  }
.Ltmp2:
0x2f: {  	[tilespmem:s17+$0x8420] =	vst v0;
	(pc) =	sbr.rel @p1 .LBB2_2-.Ltmp2, $4  }
0x30: {  	[tilespmem:s17+$0x8430] =	vst v0  }
0x31: {  	[tilespmem:s17+$0x8440] =	vst v0  }
0x32: {  	[tilespmem:s17+$0x8450] =	vst v0  }
0x33: {  	[tilespmem:s17+$0x8460] =	vst v0;
	s17 =	sshra.s32 s18, $0x2;
	s18 =	sadd.s32 $0x200, s18  }
0x34: {  	[tilespmem:s17+$0x8470] =	vst v0  }
0x35: {  	[tilespmem:s17+$0x8400] =	vst v0  }
0x36: {  	[tilespmem:s17+$0x8410] =	vst v0  }
0x37: {  	[tilespmem:s17+$0x8420] =	vst v0  }
0x38: {  	[tilespmem:s17+$0x8430] =	vst v0  }
0x39: {  	[tilespmem:s17+$0x8440] =	vst v0  }
0x3a: {  	[tilespmem:s17+$0x8450] =	vst v0  }
0x3b: {  	[tilespmem:s17+$0x8460] =	vst v0  }
0x3c: {  	[spmem:s19] =	stream.linear.scatter [tilespmem:s25], [sflag:$0x7], $0x3E80, $0x38;
	[tilespmem:$0x1FD00] =	vst v63  }
0x3d: {  	_ =	swait.ge [sflag:s26], $0x3E80  }
0x3e: {  	[sflag:s26] =	ssyncset.done $0x0  }
0x3f: {  	s7 =	rddreg [dreg:$0x6];
	[sflag:s26] =	ssyncadd.s32 $0xFFFFC180  }
0x40: {  	[spmem:s7] =	stream.linear.scatter [tilespmem:s25], [sflag:$0x7], $0x3E80, $0x38;
	[tilespmem:$0x1FD00] =	vst v63  }
0x41: {  	_ =	swait.ge [sflag:s26], $0x3E80  }
0x42: {  	[sflag:s26] =	ssyncset.done $0x0  }
0x43: {  	s24 =	rddreg [dreg:$0x7];
	[sflag:s26] =	ssyncadd.s32 $0xFFFFC180  }
0x44: {  	[spmem:s24] =	stream.linear.scatter [tilespmem:s25], [sflag:$0x7], $0x3E80, $0x38;
	[tilespmem:$0x1FD00] =	vst v63  }
0x45: {  	_ =	swait.ge [sflag:s26], $0x3E80  }
0x46: {  	[sflag:s26] =	ssyncset.done $0x0  }
0x47: {  	s17 =	rddreg [dreg:$0x8];
	[sflag:s26] =	ssyncadd.s32 $0xFFFFC180  }
0x48: {  	[spmem:s17] =	stream.linear.scatter [tilespmem:s25], [sflag:$0x7], $0x3E80, $0x38;
	[tilespmem:$0x1FD00] =	vst v63  }
0x49: {  	_ =	swait.ge [sflag:s26], $0x3E80  }
0x4a: {  	[sflag:s26] =	ssyncset.done $0x0  }
0x4b: {  	s18 =	rddreg [dreg:$0x9];
	[sflag:s26] =	ssyncadd.s32 $0xFFFFC180  }
0x4c: {  	[spmem:s18] =	stream.linear.scatter [tilespmem:s25], [sflag:$0x7], $0x3E80, $0x38;
	[tilespmem:$0x1FD00] =	vst v63  }
0x4d: {  	_ =	swait.ge [sflag:s26], $0x3E80  }
0x4e: {  	[sflag:s26] =	ssyncset.done $0x0  }
0x4f: {  	[sflag:s26] =	ssyncadd.s32 $0xFFFFC180  }
0x50: {  	[bflag:$0x0] =	sbarrier.arrive $0xFFFF  }
0x51: {  	s19 =	rddreg [dreg:$0xa]  }
0x52: {  	[tilespmem:s3], [sflag:$0x7] =	stream.linear.gather [hbm4b:s19+s3], $0x80, $0x38;
	[tilespmem:$0x1FD00] =	vst v63  }
0x53: {  	_ =	swait.ge [sflag:s26], $0x80  }
0x54: {  	[sflag:s26] =	ssyncset.done $0x0  }
0x55: {  	s20 =	rddreg [dreg:$0xb];
	[sflag:s26] =	ssyncadd.s32 $0xFFFFFF80  }
0x56: {  	[tilespmem:s28], [sflag:$0x7] =	stream.linear.gather [hbm4b:s20+s3], $0x80, $0x38;
	[tilespmem:$0x1FD00] =	vst v63  }
0x57: {  	_ =	swait.ge [sflag:s26], $0x80  }
0x58: {  	[sflag:s26] =	ssyncset.done $0x0  }
0x59: {  	s23 =	rddreg [dreg:$0xc];
	[sflag:s26] =	ssyncadd.s32 $0xFFFFFF80  }
0x5a: {  	[tilespmem:s29], [sflag:$0x7] =	stream.linear.gather [hbm4b:s23+s3], $0x80, $0x38;
	[tilespmem:$0x1FD00] =	vst v63  }
0x5b: {  	_ =	swait.ge [sflag:s26], $0x80  }
0x5c: {  	[sflag:s26] =	ssyncset.done $0x0  }
.Ltmp3:
0x5d: {  	s24 =	rddreg [dreg:$0xd];
	[sflag:s26] =	ssyncadd.s32 $0xFFFFFF80;
	(pc) =	sbr.rel @p0 .LBB2_8-.Ltmp3, $4  }
0x5e: {  	[tilespmem:s30], [sflag:$0x7] =	stream.linear.gather [hbm4b:s24+s3], $0x80, $0x38;
	[tilespmem:$0x1FD00] =	vst v63  }
0x5f: {  	_ =	swait.ge [sflag:s26], $0x80  }
0x60: {  	[sflag:s26] =	ssyncset.done $0x0  }
0x61: {  	s17 =	simm.s32 $0x0;
	[sflag:s26] =	ssyncadd.s32 $0xFFFFFF80  }
0x62: {  	[tilespmem:s31], [sflag:$0x1] =	stream.indirect.gather [hbm4b:s4+s28], $0x80, s17, s28, $0xb8;
	[tilespmem:$0x1FD00] =	vst v63  }
0x63: {  	_ = 	snop  }
0x64: {  	[tilespmem:s0], [sflag:$0x2] =	stream.indirect.gather [hbm4b:s4+s28], $0x80, s29, s28, $0xb8;
	[tilespmem:$0x1FD00] =	vst v63  }
0x65: {  	s7 =	rddreg [dreg:$0xe]  }
0x66: {  	[tilespmem:s6], [sflag:$0x5] =	stream.linear.gather [hbm4b:s7+s17], $0x80, $0x38;
	[tilespmem:$0x1FD00] =	vst v63  }
0x67: {  	s20 =	rddreg [dreg:$0xf]  }
0x68: {  	[tilespmem:s8], [sflag:$0x5] =	stream.linear.gather [hbm4b:s20+s17], $0x80, $0x38;
	[tilespmem:$0x1FD00] =	vst v63  }
0x69: {  	s23 =	rddreg [dreg:$0x10]  }
0x6a: {  	[tilespmem:s2], [sflag:$0x6] =	stream.linear.gather [hbm4b:s23+s17], $0x80, $0x38;
	[tilespmem:$0x1FD00] =	vst v63  }
0x6b: {  	s24 =	rddreg [dreg:$0x11]  }
0x6c: {  	[tilespmem:s9], [sflag:$0x6] =	stream.linear.gather [hbm4b:s24+s17], $0x80, $0x38;
	[tilespmem:$0x1FD00] =	vst v63  }
.LBB2_5:
0x6d: {  	_ =	swait.ge [sflag:s10], $0x4000  }
0x6e: {  	[sflag:s10] =	ssyncset.done $0x0  }
0x6f: {  	[sflag:s10] =	ssyncadd.s32 $0xFFFFC000  }
0x70: {  	[spmem:s1] =	stream.indirect.scatter.add.f32 [tilespmem:s31], [sflag:$0x3], $0x80, s28, s28, $0xb8;
	[tilespmem:$0x1FD00] =	vst v63  }
0x71: {  	_ =	swait.ge [sflag:s11], $0x4000  }
0x72: {  	[sflag:s11] =	ssyncset.done $0x0  }
0x73: {  	[sflag:s11] =	ssyncadd.s32 $0xFFFFC000  }
0x74: {  	[spmem:s1] =	stream.indirect.scatter.add.f32 [tilespmem:s0], [sflag:$0x4], $0x80, s30, s28, $0xb8;
	[tilespmem:$0x1FD00] =	vst v63  }
0x75: {  	_ =	swait.ge [sflag:s12], $0x4000  }
0x76: {  	[sflag:s12] =	ssyncset.done $0x0  }
0x77: {  	[sflag:s12] =	ssyncadd.s32 $0xFFFFC000  }
0x78: {  	_ =	swait.ge [sflag:s13], $0x80  }
0x79: {  	[sflag:s13] =	ssyncset.done $0x0  }
0x7a: {  	[sflag:s13] =	ssyncadd.s32 $0xFFFFFF80  }
0x7b: {  	_ =	swait.ge [sflag:s13], $0x80  }
0x7c: {  	p1 =	seq.s32 s17, $0x4C0;
	[sflag:s13] =	ssyncset.done $0x0  }
0x7d: {  	s18 =	simm.s32 @p1 $0x4;
	[sflag:s13] =	ssyncadd.s32 $0xFFFFFF80  }
0x7e: {  	[tilespmem:s31], [sflag:$0x1] =	stream.indirect.gather [hbm4b:s4+s28], $0x80, s6, s28, $0xb8;
	[tilespmem:$0x1FD00] =	vst v63  }
0x7f: {  	_ =	swait.ge @p1 [sflag:s18], $0x4000  }
0x80: {  	[sflag:s18] =	ssyncset.done @p1 $0x0  }
0x81: {  	[sflag:s18] =	ssyncadd.s32 @p1 $0xFFFFC000;
	s18 =	simm.s32 @p1 $0x6  }
0x82: {  	_ =	swait.ge @p1 [sflag:s18], $0x80  }
0x83: {  	[sflag:s18] =	ssyncset.done @p1 $0x0  }
0x84: {  	[sflag:s18] =	ssyncadd.s32 @p1 $0xFFFFFF80  }
0x85: {  	_ =	swait.ge @p1 [sflag:s18], $0x80  }
0x86: {  	s19 =	simm.s32 @p1 $0x300;
	[sflag:s18] =	ssyncset.done @p1 $0x0  }
0x87: {  	s20 =	simm.s32 @p1 $0x4400;
	[sflag:s18] =	ssyncadd.s32 @p1 $0xFFFFFF80;
	s18 =	simm.s32 @p1 $0x80  }
0x88: {  	[tilespmem:s20], [sflag:$0x2] =	stream.indirect.gather @p1 [hbm4b:s4+s18], $0x80, s19, s18, $0xb8;
	[tilespmem:$0x1FD00] =	vst v63  }
0x89: {  	s18 =	sadd.s32 @!p1 s17, s22  }
0x8a: {  	s20 =	simm.s32 @!p1 $0x0;
	s19 =	sadd.s32 @!p1 $0x40, s18  }
0x8b: {  	[tilespmem:s20], [sflag:$0x5] =	stream.linear.gather @!p1 [hbm4b:s19+s20], $0x80, $0x38;
	[tilespmem:$0x1FD00] =	vst v63  }
0x8c: {  	s19 =	sadd.s32 @!p1 s17, s21  }
0x8d: {  	s24 =	simm.s32 @!p1 $0x80;
	s23 =	sadd.s32 @!p1 $0x40, s19  }
0x8e: {  	[tilespmem:s24], [sflag:$0x5] =	stream.linear.gather @!p1 [hbm4b:s23+s20], $0x80, $0x38;
	[tilespmem:$0x1FD00] =	vst v63  }
0x8f: {  	s23 =	simm.s32 @!p1 $0x4  }
0x90: {  	_ =	swait.ge @!p1 [sflag:s23], $0x4000  }
0x91: {  	[sflag:s23] =	ssyncset.done @!p1 $0x0  }
0x92: {  	[sflag:s23] =	ssyncadd.s32 @!p1 $0xFFFFC000;
	s23 =	simm.s32 @!p1 $0x6  }
0x93: {  	_ =	swait.ge @!p1 [sflag:s23], $0x80  }
0x94: {  	[sflag:s23] =	ssyncset.done @!p1 $0x0  }
0x95: {  	[sflag:s23] =	ssyncadd.s32 @!p1 $0xFFFFFF80  }
0x96: {  	_ =	swait.ge @!p1 [sflag:s23], $0x80  }
0x97: {  	[sflag:s23] =	ssyncset.done @!p1 $0x0  }
0x98: {  	s7 =	simm.s32 @!p1 $0x4400;
	[sflag:s23] =	ssyncadd.s32 @!p1 $0xFFFFFF80;
	s23 =	simm.s32 @!p1 $0x300  }
0x99: {  	[tilespmem:s7], [sflag:$0x2] =	stream.indirect.gather @!p1 [hbm4b:s4+s24], $0x80, s23, s24, $0xb8;
	[tilespmem:$0x1FD00] =	vst v63  }
0x9a: {  	s7 =	sadd.s32 @!p1 $0x50, s18;
	s18 =	simm.s32 @!p1 $0x100  }
0x9b: {  	[tilespmem:s18], [sflag:$0x6] =	stream.linear.gather @!p1 [hbm4b:s7+s20], $0x80, $0x38;
	[tilespmem:$0x1FD00] =	vst v63  }
0x9c: {  	s7 =	sadd.s32 @!p1 $0x50, s19;
	s18 =	simm.s32 @!p1 $0x180  }
0x9d: {  	[tilespmem:s18], [sflag:$0x6] =	stream.linear.gather @!p1 [hbm4b:s7+s20], $0x80, $0x38;
	[tilespmem:$0x1FD00] =	vst v63  }
0x9e: {  	_ =	swait.ge [sflag:s10], $0x4000  }
0x9f: {  	[sflag:s10] =	ssyncset.done $0x0  }
0xa0: {  	[sflag:s10] =	ssyncadd.s32 $0xFFFFC000  }
0xa1: {  	[spmem:s1] =	stream.indirect.scatter.add.f32 [tilespmem:s31], [sflag:$0x3], $0x80, s8, s28, $0xb8;
	[tilespmem:$0x1FD00] =	vst v63  }
0xa2: {  	_ =	swait.ge [sflag:s11], $0x4000  }
0xa3: {  	[sflag:s11] =	ssyncset.done $0x0  }
.Ltmp4:
0xa4: {  	[sflag:s11] =	ssyncadd.s32 $0xFFFFC000;
	(pc) =	sbr.rel @p1 .LBB2_6-.Ltmp4, $4  }
0xa5: {  	[spmem:s1] =	stream.indirect.scatter.add.f32 [tilespmem:s0], [sflag:$0x4], $0x80, s9, s28, $0xb8;
	[tilespmem:$0x1FD00] =	vst v63  }
0xa6: {  	_ =	swait.ge [sflag:s12], $0x4000  }
0xa7: {  	[sflag:s12] =	ssyncset.done $0x0  }
0xa8: {  	[sflag:s12] =	ssyncadd.s32 $0xFFFFC000  }
0xa9: {  	_ =	swait.ge [sflag:s13], $0x80  }
0xaa: {  	[sflag:s13] =	ssyncset.done $0x0  }
0xab: {  	[sflag:s13] =	ssyncadd.s32 $0xFFFFFF80  }
0xac: {  	_ =	swait.ge [sflag:s13], $0x80  }
0xad: {  	[sflag:s13] =	ssyncset.done $0x0  }
0xae: {  	s7 =	sadd.s32 s17, s22;
	[sflag:s13] =	ssyncadd.s32 $0xFFFFFF80  }
0xaf: {  	[tilespmem:s31], [sflag:$0x1] =	stream.indirect.gather [hbm4b:s4+s28], $0x80, s3, s28, $0xb8;
	[tilespmem:$0x1FD00] =	vst v63  }
0xb0: {  	s23 =	sadd.s32 s17, s21;
	s18 =	sadd.s32 $0x60, s7  }
0xb1: {  	[tilespmem:s6], [sflag:$0x5] =	stream.linear.gather [hbm4b:s18+s3], $0x80, $0x38;
	[tilespmem:$0x1FD00] =	vst v63  }
0xb2: {  	s19 =	sadd.s32 $0x60, s23  }
0xb3: {  	[tilespmem:s8], [sflag:$0x5] =	stream.linear.gather [hbm4b:s19+s3], $0x80, $0x38;
	[tilespmem:$0x1FD00] =	vst v63  }
0xb4: {  	_ =	swait.ge [sflag:s14], $0x4000  }
0xb5: {  	[sflag:s14] =	ssyncset.done $0x0  }
0xb6: {  	[sflag:s14] =	ssyncadd.s32 $0xFFFFC000  }
0xb7: {  	_ =	swait.ge [sflag:s15], $0x80  }
0xb8: {  	[sflag:s15] =	ssyncset.done $0x0  }
0xb9: {  	[sflag:s15] =	ssyncadd.s32 $0xFFFFFF80  }
0xba: {  	_ =	swait.ge [sflag:s15], $0x80  }
0xbb: {  	[sflag:s15] =	ssyncset.done $0x0  }
0xbc: {  	[sflag:s15] =	ssyncadd.s32 $0xFFFFFF80  }
0xbd: {  	[tilespmem:s0], [sflag:$0x2] =	stream.indirect.gather [hbm4b:s4+s28], $0x80, s29, s28, $0xb8;
	[tilespmem:$0x1FD00] =	vst v63  }
.Ltmp5:
0xbe: {  	_ = 	snop;
	(pc) =	sbr.rel .LBB2_5-.Ltmp5, $4  }
0xbf: {  	s7 =	sadd.s32 $0x70, s7  }
0xc0: {  	[tilespmem:s2], [sflag:$0x6] =	stream.linear.gather [hbm4b:s7+s3], $0x80, $0x38;
	[tilespmem:$0x1FD00] =	vst v63  }
0xc1: {  	s17 =	sadd.s32 $0x40, s17;
	s24 =	sadd.s32 $0x70, s23  }
0xc2: {  	[tilespmem:s9], [sflag:$0x6] =	stream.linear.gather [hbm4b:s24+s3], $0x80, $0x38;
	[tilespmem:$0x1FD00] =	vst v63  }
.LBB2_8:
0xc3: {  	[tilespmem:s31], [sflag:$0x1] =	stream.indirect.gather [hbm4b:s5+s28], $0x80, s17, s28, $0xb8;
	[tilespmem:$0x1FD00] =	vst v63  }
0xc4: {  	_ = 	snop  }
0xc5: {  	[tilespmem:s0], [sflag:$0x2] =	stream.indirect.gather [hbm4b:s5+s28], $0x80, s29, s28, $0xb8;
	[tilespmem:$0x1FD00] =	vst v63  }
0xc6: {  	s7 =	rddreg [dreg:$0xe]  }
0xc7: {  	[tilespmem:s6], [sflag:$0x5] =	stream.linear.gather [hbm4b:s7+s17], $0x80, $0x38;
	[tilespmem:$0x1FD00] =	vst v63  }
0xc8: {  	s20 =	rddreg [dreg:$0xf]  }
0xc9: {  	[tilespmem:s8], [sflag:$0x5] =	stream.linear.gather [hbm4b:s20+s17], $0x80, $0x38;
	[tilespmem:$0x1FD00] =	vst v63  }
0xca: {  	s23 =	rddreg [dreg:$0x10]  }
0xcb: {  	[tilespmem:s2], [sflag:$0x6] =	stream.linear.gather [hbm4b:s23+s17], $0x80, $0x38;
	[tilespmem:$0x1FD00] =	vst v63  }
0xcc: {  	s24 =	rddreg [dreg:$0x11]  }
0xcd: {  	[tilespmem:s9], [sflag:$0x6] =	stream.linear.gather [hbm4b:s24+s17], $0x80, $0x38;
	[tilespmem:$0x1FD00] =	vst v63  }
.LBB2_9:
0xce: {  	_ =	swait.ge [sflag:s10], $0x4000  }
0xcf: {  	[sflag:s10] =	ssyncset.done $0x0  }
0xd0: {  	[sflag:s10] =	ssyncadd.s32 $0xFFFFC000  }
0xd1: {  	[spmem:s1] =	stream.indirect.scatter.add.f32 [tilespmem:s31], [sflag:$0x3], $0x80, s28, s28, $0xb8;
	[tilespmem:$0x1FD00] =	vst v63  }
0xd2: {  	_ =	swait.ge [sflag:s11], $0x4000  }
0xd3: {  	[sflag:s11] =	ssyncset.done $0x0  }
0xd4: {  	[sflag:s11] =	ssyncadd.s32 $0xFFFFC000  }
0xd5: {  	[spmem:s1] =	stream.indirect.scatter.add.f32 [tilespmem:s0], [sflag:$0x4], $0x80, s30, s28, $0xb8;
	[tilespmem:$0x1FD00] =	vst v63  }
0xd6: {  	_ =	swait.ge [sflag:s12], $0x4000  }
0xd7: {  	[sflag:s12] =	ssyncset.done $0x0  }
0xd8: {  	[sflag:s12] =	ssyncadd.s32 $0xFFFFC000  }
0xd9: {  	_ =	swait.ge [sflag:s13], $0x80  }
0xda: {  	[sflag:s13] =	ssyncset.done $0x0  }
0xdb: {  	[sflag:s13] =	ssyncadd.s32 $0xFFFFFF80  }
0xdc: {  	_ =	swait.ge [sflag:s13], $0x80  }
0xdd: {  	p1 =	seq.s32 s17, $0x4C0;
	[sflag:s13] =	ssyncset.done $0x0  }
0xde: {  	s7 =	simm.s32 @p1 $0x4;
	[sflag:s13] =	ssyncadd.s32 $0xFFFFFF80  }
0xdf: {  	[tilespmem:s31], [sflag:$0x1] =	stream.indirect.gather [hbm4b:s5+s28], $0x80, s6, s28, $0xb8;
	[tilespmem:$0x1FD00] =	vst v63  }
0xe0: {  	_ =	swait.ge @p1 [sflag:s7], $0x4000  }
0xe1: {  	[sflag:s7] =	ssyncset.done @p1 $0x0  }
0xe2: {  	[sflag:s7] =	ssyncadd.s32 @p1 $0xFFFFC000;
	s7 =	simm.s32 @p1 $0x6  }
0xe3: {  	_ =	swait.ge @p1 [sflag:s7], $0x80  }
0xe4: {  	[sflag:s7] =	ssyncset.done @p1 $0x0  }
0xe5: {  	[sflag:s7] =	ssyncadd.s32 @p1 $0xFFFFFF80  }
0xe6: {  	_ =	swait.ge @p1 [sflag:s7], $0x80  }
0xe7: {  	s18 =	simm.s32 @p1 $0x300;
	[sflag:s7] =	ssyncset.done @p1 $0x0  }
0xe8: {  	s19 =	simm.s32 @p1 $0x4400;
	[sflag:s7] =	ssyncadd.s32 @p1 $0xFFFFFF80;
	s7 =	simm.s32 @p1 $0x80  }
0xe9: {  	[tilespmem:s19], [sflag:$0x2] =	stream.indirect.gather @p1 [hbm4b:s5+s7], $0x80, s18, s7, $0xb8;
	[tilespmem:$0x1FD00] =	vst v63  }
0xea: {  	s7 =	sadd.s32 @!p1 s17, s22  }
0xeb: {  	s19 =	simm.s32 @!p1 $0x0;
	s18 =	sadd.s32 @!p1 $0x40, s7  }
0xec: {  	[tilespmem:s19], [sflag:$0x5] =	stream.linear.gather @!p1 [hbm4b:s18+s19], $0x80, $0x38;
	[tilespmem:$0x1FD00] =	vst v63  }
0xed: {  	s18 =	sadd.s32 @!p1 s17, s21  }
0xee: {  	s23 =	simm.s32 @!p1 $0x80;
	s20 =	sadd.s32 @!p1 $0x40, s18  }
0xef: {  	[tilespmem:s23], [sflag:$0x5] =	stream.linear.gather @!p1 [hbm4b:s20+s19], $0x80, $0x38;
	[tilespmem:$0x1FD00] =	vst v63  }
0xf0: {  	s20 =	simm.s32 @!p1 $0x4  }
0xf1: {  	_ =	swait.ge @!p1 [sflag:s20], $0x4000  }
0xf2: {  	[sflag:s20] =	ssyncset.done @!p1 $0x0  }
0xf3: {  	[sflag:s20] =	ssyncadd.s32 @!p1 $0xFFFFC000;
	s20 =	simm.s32 @!p1 $0x6  }
0xf4: {  	_ =	swait.ge @!p1 [sflag:s20], $0x80  }
0xf5: {  	[sflag:s20] =	ssyncset.done @!p1 $0x0  }
0xf6: {  	[sflag:s20] =	ssyncadd.s32 @!p1 $0xFFFFFF80  }
0xf7: {  	_ =	swait.ge @!p1 [sflag:s20], $0x80  }
0xf8: {  	[sflag:s20] =	ssyncset.done @!p1 $0x0  }
0xf9: {  	s24 =	simm.s32 @!p1 $0x4400;
	[sflag:s20] =	ssyncadd.s32 @!p1 $0xFFFFFF80;
	s20 =	simm.s32 @!p1 $0x300  }
0xfa: {  	[tilespmem:s24], [sflag:$0x2] =	stream.indirect.gather @!p1 [hbm4b:s5+s23], $0x80, s20, s23, $0xb8;
	[tilespmem:$0x1FD00] =	vst v63  }
0xfb: {  	s7 =	sadd.s32 @!p1 $0x50, s7;
	s20 =	simm.s32 @!p1 $0x100  }
0xfc: {  	[tilespmem:s20], [sflag:$0x6] =	stream.linear.gather @!p1 [hbm4b:s7+s19], $0x80, $0x38;
	[tilespmem:$0x1FD00] =	vst v63  }
0xfd: {  	s7 =	sadd.s32 @!p1 $0x50, s18;
	s18 =	simm.s32 @!p1 $0x180  }
0xfe: {  	[tilespmem:s18], [sflag:$0x6] =	stream.linear.gather @!p1 [hbm4b:s7+s19], $0x80, $0x38;
	[tilespmem:$0x1FD00] =	vst v63  }
0xff: {  	_ =	swait.ge [sflag:s10], $0x4000  }
0x100: {  	[sflag:s10] =	ssyncset.done $0x0  }
0x101: {  	[sflag:s10] =	ssyncadd.s32 $0xFFFFC000  }
0x102: {  	[spmem:s1] =	stream.indirect.scatter.add.f32 [tilespmem:s31], [sflag:$0x3], $0x80, s8, s28, $0xb8;
	[tilespmem:$0x1FD00] =	vst v63  }
0x103: {  	_ =	swait.ge [sflag:s11], $0x4000  }
0x104: {  	[sflag:s11] =	ssyncset.done $0x0  }
.Ltmp6:
0x105: {  	[sflag:s11] =	ssyncadd.s32 $0xFFFFC000;
	(pc) =	sbr.rel @p1 .LBB2_10-.Ltmp6, $4  }
0x106: {  	[spmem:s1] =	stream.indirect.scatter.add.f32 [tilespmem:s0], [sflag:$0x4], $0x80, s9, s28, $0xb8;
	[tilespmem:$0x1FD00] =	vst v63  }
0x107: {  	_ =	swait.ge [sflag:s12], $0x4000  }
0x108: {  	[sflag:s12] =	ssyncset.done $0x0  }
0x109: {  	[sflag:s12] =	ssyncadd.s32 $0xFFFFC000  }
0x10a: {  	_ =	swait.ge [sflag:s13], $0x80  }
0x10b: {  	[sflag:s13] =	ssyncset.done $0x0  }
0x10c: {  	[sflag:s13] =	ssyncadd.s32 $0xFFFFFF80  }
0x10d: {  	_ =	swait.ge [sflag:s13], $0x80  }
0x10e: {  	[sflag:s13] =	ssyncset.done $0x0  }
0x10f: {  	s7 =	sadd.s32 s17, s22;
	[sflag:s13] =	ssyncadd.s32 $0xFFFFFF80  }
0x110: {  	[tilespmem:s31], [sflag:$0x1] =	stream.indirect.gather [hbm4b:s5+s28], $0x80, s3, s28, $0xb8;
	[tilespmem:$0x1FD00] =	vst v63  }
0x111: {  	s23 =	sadd.s32 s17, s21;
	s18 =	sadd.s32 $0x60, s7  }
0x112: {  	[tilespmem:s6], [sflag:$0x5] =	stream.linear.gather [hbm4b:s18+s3], $0x80, $0x38;
	[tilespmem:$0x1FD00] =	vst v63  }
0x113: {  	s19 =	sadd.s32 $0x60, s23  }
0x114: {  	[tilespmem:s8], [sflag:$0x5] =	stream.linear.gather [hbm4b:s19+s3], $0x80, $0x38;
	[tilespmem:$0x1FD00] =	vst v63  }
0x115: {  	_ =	swait.ge [sflag:s14], $0x4000  }
0x116: {  	[sflag:s14] =	ssyncset.done $0x0  }
0x117: {  	[sflag:s14] =	ssyncadd.s32 $0xFFFFC000  }
0x118: {  	_ =	swait.ge [sflag:s15], $0x80  }
0x119: {  	[sflag:s15] =	ssyncset.done $0x0  }
0x11a: {  	[sflag:s15] =	ssyncadd.s32 $0xFFFFFF80  }
0x11b: {  	_ =	swait.ge [sflag:s15], $0x80  }
0x11c: {  	[sflag:s15] =	ssyncset.done $0x0  }
0x11d: {  	[sflag:s15] =	ssyncadd.s32 $0xFFFFFF80  }
0x11e: {  	[tilespmem:s0], [sflag:$0x2] =	stream.indirect.gather [hbm4b:s5+s28], $0x80, s29, s28, $0xb8;
	[tilespmem:$0x1FD00] =	vst v63  }
.Ltmp7:
0x11f: {  	_ = 	snop;
	(pc) =	sbr.rel .LBB2_9-.Ltmp7, $4  }
0x120: {  	s7 =	sadd.s32 $0x70, s7  }
0x121: {  	[tilespmem:s2], [sflag:$0x6] =	stream.linear.gather [hbm4b:s7+s3], $0x80, $0x38;
	[tilespmem:$0x1FD00] =	vst v63  }
0x122: {  	s17 =	sadd.s32 $0x40, s17;
	s24 =	sadd.s32 $0x70, s23  }
0x123: {  	[tilespmem:s9], [sflag:$0x6] =	stream.linear.gather [hbm4b:s24+s3], $0x80, $0x38;
	[tilespmem:$0x1FD00] =	vst v63  }
.LBB2_6:
.Ltmp8:
0x124: {  	(pc) =	sbr.rel .LBB2_11-.Ltmp8, $2  }
0x125: {  	_ =	sdelay $0x2  }
0x126: {  	s17 =	rddreg [dreg:$0x3]  }
.LBB2_12:
0x127: {  	_ =	sfence.sel $0x180000  }
0x128: {  	[bflag:$0x0] =	sbarrier.arrive $0xFFFF  }
0x129: {  	_ =	strace $0x9000004A  }
0x12a: {  	s0 =	stileid.u32;
	[bflag:$0x2] =	sbarrier.arrive $0xFFFF  }
0x12b: {  	p0 =	sne.s32 s0, $0x0;
	s0 =	rddreg [dreg:$0x2]  }
0x12c: {  	s0 =	sadd.s32 @!p0 $0x100000, s0  }
0x12d: {  	[sflag:s0] =	ssyncadd.tile.s32 @!p0 $0x1;
	_ =	shalt  }
.Lfunc_end2:
_tile_overlayer_lowered:
.L_overlay_start_2:
0x12e: {  	(tag) =	ssettag $0x2  }
0x12f: {  	s0 =	rddreg [dreg:$0x0];
	s2 =	stileid.u32  }
0x130: {  	s1 =	rddreg [dreg:$0x1];
	p0 =	sne.s32 s2, $0x0  }
0x131: {  	s3 =	rddreg [dreg:$0x2];
	[bflag:$0x3] =	sbarrier.arrive $0xFFFF;
	s2 =	simm.s32 @!p0 $0x1C07  }
0x132: {  	[timem:s3], [sflag:s2] =	dma.local @!p0 [hbm:s0], s1  }
0x133: {  	s0 =	simm.s32 @!p0 $0x7  }
0x134: {  	_ =	swait.ge @!p0 [sflag:s0], s1  }
0x135: {  	s1 =	ssub.s32 @!p0 $0x0, s1;
	[sflag:s0] =	ssyncset.done @!p0 $0x0  }
0x136: {  	[sflag:s0] =	ssyncadd.s32 @!p0 s1  }
0x137: {  	[bflag:$0x3] =	sbarrier.arrive $0xFFFF  }
0x138: {  	_ =	shalt  }

// kernel: kernel.16.cloned.1.call-start
scs
__scs_entry_jumppad:
0x0: {  	(pc) =	sbr.rel $0x88, $3  }
0x1: {  	(tag) =	ssettag $0x0;
	lr =	simm.s32 $0x1  }
0x2: {  	[smem:$0x3F99] =	sst lr;
	_ =	strace $0xD0000000  }
0x3: {  	_ = 	snop  }
0x4: {  	_ = 	snop  }
0x5: {  	_ = 	snop  }
0x6: {  	_ = 	snop  }
0x7: {  	_ = 	snop  }
__scs_overlays_trampoline_lowered:
0x8: {  	[smem:$0x3FA8] =	sst s0  }
0x9: {  	[smem:$0x3FA9] =	sst s1  }
0xa: {  	[smem:$0x3FAA] =	sst s2  }
0xb: {  	[smem:$0x3FAB] =	sst s3  }
0xc: {  	[smem:$0x3FAC] =	sst s4  }
0xd: {  	[smem:$0x3FAD] =	sst s5  }
0xe: {  	[smem:$0x3FAE] =	sst s6  }
0xf: {  	[smem:$0x3FAF] =	sst s7  }
0x10: {  	[smem:$0x3FB0] =	sst s8  }
0x11: {  	[smem:$0x3FB1] =	sst s9;
	s0 =	simm.s32 @!p0 $0x0  }
0x12: {  	s1 =	sld [smem:$0x3F97];
	s0 =	simm.s32 @p0 $0x1  }
0x13: {  	[smem:$0x3FB2] =	sst s0;
	s0 =	simm.s32 @!p1 $0x0  }
0x14: {  	s2 =	sld [smem:$0x3F96];
	s0 =	simm.s32 @p1 $0x1  }
0x15: {  	[smem:$0x3FB3] =	sst s0;
	s0 =	simm.s32 @!p2 $0x0  }
0x16: {  	s3 =	sld [smem:$0x3FDB];
	s0 =	simm.s32 @p2 $0x1  }
0x17: {  	s4 =	simm.s32 $0x1BF5;
	[smem:$0x3FB5] =	sst s0  }
0x18: {  	s0 =	sld [smem:$0x3F98];
	_ =	swait.ge [sflag:s4], $0x0  }
0x19: {  	s7 =	sld [smem:$0x3F99]  }
0x1a: {  	s8 =	sadd.s32 $0xFFFFE003, lr  }
0x1b: {  	s9 =	sadd.s32 $0xFFFFFEF7, lr;
	s5 =	simm.s32 $0xFFFFFFFF;
	p2 =	slt.u32 s8, $0xFFFFF086  }
0x1c: {  	p1 =	slt.u32 s9, $0xF7A;
	s5 =	simm.s32 @!p2 $0x0  }
0x1d: {  	s5 =	simm.s32 @p1 $0x1;
	p0 =	seq.s32 s7, s2  }
0x1e: {  	s7 =	smul.u32 @!p0 $0xF7A, s2;
	p2 =	seq.s32 @!p0 s5, $0x0  }
0x1f: {  	s9 =	smul.u32 $0xF7A, s1;
	s8 =	simm.s32 @!p0 $0x1BF5;
	p2 =	por !p2, p0  }
0x20: {  	[sflag:s8] =	ssyncset.s32 @!p0 $0xFFFFF086;
	s6 =	sadd.s32 @!p0 s3, s7;
	s7 =	simm.s32 @!p0 $0x108  }
0x21: {  	s3 =	sadd.s32 s3, s9;
	s6 =	sadd.s32 @!p0 $0x88, s6;
	s7 =	simm.s32 @p2 $0x1082  }
0x22: {  	[simem:s7], [sflag:s8] =	dma.local @!p0 [hbm:s6], $0xF7A  }
0x23: {  	s9 =	sor.u32 $0xD0000000, s2;
	s6 =	simm.s32 $0x108;
	_ =	swait.ge @!p0 [sflag:s8], $0x0  }
0x24: {  	s3 =	sadd.s32 $0x88, s3;
	s6 =	simm.s32 @!p1 $0x1082;
	[sflag:s4] =	ssyncset.s32 $0xFFFFF086  }
0x25: {  	[simem:s6], [sflag:s4] =	dma.local [hbm:s3], $0xF7A  }
0x26: {  	[smem:$0x3F99] =	sst s1;
	(tag) =	ssettag s2;
	_ =	strace s9  }
0x27: {  	s1 =	sld [smem:$0x3FA9]  }
0x28: {  	s2 =	sld [smem:$0x3FAA]  }
0x29: {  	s4 =	sld [smem:$0x3FAC]  }
0x2a: {  	p0 =	seq.s32 s5, $0x0;
	s5 =	sld [smem:$0x3FAD]  }
0x2b: {  	s6 =	sld [smem:$0x3FAE]  }
0x2c: {  	s7 =	sld [smem:$0x3FAF]  }
0x2d: {  	s3 =	simm.s32 $0x108;
	s8 =	sld [smem:$0x3FB0]  }
0x2e: {  	s3 =	simm.s32 @!p0 $0x1082;
	s9 =	sld [smem:$0x3FB1]  }
0x2f: {  	lr =	sadd.s32 s0, s3;
	s0 =	sld [smem:$0x3FA8]  }
0x30: {  	s3 =	sld [smem:$0x3FAB]  }
0x31: {  	[smem:$0x3FB4] =	sst s10  }
0x32: {  	s10 =	sld [smem:$0x3FB2];
	_ =	sdelay $0x3  }
0x33: {  	p0 =	seq.s32 s10, $0x1;
	s10 =	sld [smem:$0x3FB4];
	_ =	sdelay $0x3  }
0x34: {  	[smem:$0x3FB4] =	sst s10  }
0x35: {  	s10 =	sld [smem:$0x3FB3];
	_ =	sdelay $0x3  }
0x36: {  	p1 =	seq.s32 s10, $0x1;
	s10 =	sld [smem:$0x3FB4];
	_ =	sdelay $0x3  }
0x37: {  	[smem:$0x3FB4] =	sst s10  }
0x38: {  	s10 =	sld [smem:$0x3FB5]  }
0x39: {  	_ = 	snop;
	(pc) =	sbr.ind lr, $3  }
0x3a: {  	_ = 	snop  }
0x3b: {  	_ = 	snop  }
0x3c: {  	p2 =	seq.s32 s10, $0x1;
	s10 =	sld [smem:$0x3FB4]  }
0x3d: {  	_ =	shalt  }
0x3e: {  	_ =	shalt  }
0x3f: {  	_ =	shalt  }
0x40: {  	_ =	shalt  }
0x41: {  	_ =	shalt  }
0x42: {  	_ =	shalt  }
0x43: {  	_ =	shalt  }
0x44: {  	_ =	shalt  }
0x45: {  	_ =	shalt  }
0x46: {  	_ =	shalt  }
0x47: {  	_ =	shalt  }
0x48: {  	_ =	shalt  }
0x49: {  	_ =	shalt  }
0x4a: {  	_ =	shalt  }
0x4b: {  	_ =	shalt  }
0x4c: {  	_ =	shalt  }
0x4d: {  	_ =	shalt  }
0x4e: {  	_ =	shalt  }
0x4f: {  	_ =	shalt  }
0x50: {  	_ =	shalt  }
0x51: {  	_ =	shalt  }
0x52: {  	_ =	shalt  }
0x53: {  	_ =	shalt  }
0x54: {  	_ =	shalt  }
0x55: {  	_ =	shalt  }
0x56: {  	_ =	shalt  }
0x57: {  	_ =	shalt  }
0x58: {  	_ =	shalt  }
0x59: {  	_ =	shalt  }
0x5a: {  	_ =	shalt  }
0x5b: {  	_ =	shalt  }
0x5c: {  	_ =	shalt  }
0x5d: {  	_ =	shalt  }
0x5e: {  	_ =	shalt  }
0x5f: {  	_ =	shalt  }
0x60: {  	_ =	shalt  }
0x61: {  	_ =	shalt  }
0x62: {  	_ =	shalt  }
0x63: {  	_ =	shalt  }
0x64: {  	_ =	shalt  }
0x65: {  	_ =	shalt  }
0x66: {  	_ =	shalt  }
0x67: {  	_ =	shalt  }
0x68: {  	_ =	shalt  }
0x69: {  	_ =	shalt  }
0x6a: {  	_ =	shalt  }
0x6b: {  	_ =	shalt  }
0x6c: {  	_ =	shalt  }
0x6d: {  	_ =	shalt  }
0x6e: {  	_ =	shalt  }
0x6f: {  	_ =	shalt  }
0x70: {  	_ =	shalt  }
0x71: {  	_ =	shalt  }
0x72: {  	_ =	shalt  }
0x73: {  	_ =	shalt  }
0x74: {  	_ =	shalt  }
0x75: {  	_ =	shalt  }
0x76: {  	_ =	shalt  }
0x77: {  	_ =	shalt  }
0x78: {  	_ =	shalt  }
0x79: {  	_ =	shalt  }
0x7a: {  	_ =	shalt  }
0x7b: {  	_ =	shalt  }
0x7c: {  	_ =	shalt  }
0x7d: {  	_ =	shalt  }
0x7e: {  	_ =	shalt  }
0x7f: {  	_ =	shalt  }
0x80: {  	_ =	shalt  }
0x81: {  	_ =	shalt  }
0x82: {  	_ =	shalt  }
0x83: {  	_ =	shalt  }
0x84: {  	_ =	shalt  }
0x85: {  	_ =	shalt  }
0x86: {  	_ =	shalt  }
0x87: {  	_ =	shalt  }
.Lfunc_end0:
.L_simem_size_0:
called_computation.2_lowered:
.L_overlay_start_0:
0x88: {  	s2 =	sld [smem:$0x3FD9]  }
0x89: {  	s3 =	sld [smem:$0x3FFE];
	_ =	sdelay $0x1  }
0x8a: {  	s1 =	srdreg.scid  }
0x8b: {  	s0 =	sand.u32 $0x1, s1  }
0x8c: {  	s16 =	sshll.u32 s0, $0xA;
	s2 =	sadd.s32 s3, s2  }
0x8d: {  	s2 =	sadd.s32 s2, s16  }
0x8e: {  	[smem:$0x3FC0] =	sst s2  }
0x8f: {  	_ = 	snop  }
0x90: {  	(tm) =	ssettm $0x1  }
0x91: {  	s17 =	sld [smem:$0x3FFB];
	_ =	sdelay $0x3  }
0x92: {  	_ =	strace s17  }
0x93: {  	s2 =	sld [smem:$0x3FFC];
	_ =	sdelay $0x3  }
0x94: {  	_ =	strace s2  }
0x95: {  	s2 =	sld [smem:$0x3FFD];
	_ =	sdelay $0x3  }
0x96: {  	_ =	strace s2  }
0x97: {  	_ =	strace $0x8FFFFFFF  }
0x98: {  	s18 =	sld [smem:$0x3FDB];
	_ =	sdelay $0x1  }
0x99: {  	s19 =	simm.s32 $_scs_section_size  }
0x9a: {  	s4 =	simm.s32 $_size__tile_overlayer_lowered;
	s5 =	simm.s32 $_tile_overlayer_lowered  }
0x9b: {  	s22 =	simm.s32 $0x1BFF;
	s21 =	sshll.u32 s5, $0x1;
	s2 =	sadd.s32 s19, s18  }
0x9c: {  	s6 =	simm.s32 $0x0;
	s20 =	sshll.u32 s4, $0x1;
	s4 =	sadd.s32 s21, s2  }
0x9d: {  	[timem:s6], [sflag:s22] =	dma.local [hbm:s4], s20  }
0x9e: {  	_ =	swait.ge [sflag:s22], s20  }
0x9f: {  	s3 =	ssub.s32 $0x0, s20;
	[sflag:s22] =	ssyncset.done $0x0  }
0xa0: {  	[sflag:s22] =	ssyncadd.s32 s3;
	_ =	sdelay $0x1  }
0xa1: {  	s23 =	simm.s32 $0x1B8B  }
0xa2: {  	_ =	swait.ge [sflag:s23], $0x1  }
0xa3: {  	[sflag:s23] =	ssyncset.done $0x0  }
0xa4: {  	s25 =	simm.s32 $0x1B8E;
	s24 =	sld [smem:$0x3FFE];
	[sflag:s23] =	ssyncadd.s32 $0xFFFFFFFF  }
0xa5: {  	s26 =	simm.s32 $execute0_lowered;
	[smem:$0x3FD2] =	sst s25  }
0xa6: {  	s4 =	sshll.u32 s26, $0x1;
	_ =	strace $0x8000004C;
	[dreg:$0x1] =	wrdreg $0xFFFFFFFF  }
0xa7: {  	s28 =	simm.s32 $_size_execute0_lowered;
	s2 =	sadd.s32 s2, s4;
	[dreg:$0x0] =	wrdreg $0x0  }
0xa8: {  	s4 =	sshll.u32 s28, $0x1;
	[dreg:$0x2] =	wrdreg s2  }
0xa9: {  	[dreg:$0x3] =	wrdreg s4  }
0xaa: {  	[dreg:$0x4] =	wrdreg $0xC0  }
0xab: {  	_ =	task [dreg:s6], $0x5FFFF  }
0xac: {  	[dreg:$0x1] =	wrdreg $0xFFFFFFFF  }
0xad: {  	[dreg:$0x0] =	wrdreg $0x60  }
0xae: {  	[dreg:$0x2] =	wrdreg s24  }
0xaf: {  	[dreg:$0x3] =	wrdreg $0xC4000  }
0xb0: {  	[dreg:$0x4] =	wrdreg $0x9  }
0xb1: {  	_ =	task.clear_ibuf [dreg:s6], $0x5FFFF;
	_ =	strace $0x9000004C  }
0xb2: {  	s29 =	simm.s32 $0x9;
	_ =	strace $0x8000004E  }
0xb3: {  	_ =	swait.ge [sflag:s29], $0x1  }
0xb4: {  	[sflag:s29] =	ssyncadd.s32 $0xFFFFFFFF  }
0xb5: {  	_ =	strace $0x9000004E  }
0xb6: {  	_ =	sfence  }
0xb7: {  	s30 =	sld [smem:$0x0];
	_ =	sdelay $0x2  }
0xb8: {  	s31 =	sshll.u32 s1, $0xD;
	s1 =	sshrl.u32 s1, $0x2  }
0xb9: {  	s3 =	sand.u32 $0x4000, s31;
	s1 =	sadd.s32 s1, s30  }
0xba: {  	s0 =	sor.u32 s3, s0;
	s1 =	sshll.u32 s1, $0x11  }
0xbb: {  	s0 =	sor.u32 s1, s0  }
0xbc: {  	s0 =	sadd.s32 $0x8F2B, s0  }
0xbd: {  	[sflag:s0] =	ssyncadd.remote.s32 $0x1  }
0xbe: {  	_ =	sfence.sel $0xFFFF  }
0xbf: {  	[dreg:$0x0] =	wrdreg $0xFFFFFFFF;
	(pc) =	sbr.abs _section_cstart, $3  }
0xc0: {  	[dreg:$0x1] =	wrdreg $0xFFFFFFFF  }
0xc1: {  	_ =	task.clear_ibuf [dreg:s6], $0x2FFFF;
	_ =	strace $0x9FFFFFFF  }
0xc2: {  	(tm) =	ssettm $0x7FFFFFFF  }
0xc3: {  	_ =	shalt  }
tec
execute0_lowered:
.L_overlay_start_1:
0x0: {  	(tag) =	ssettag $0x1  }
0x1: {  	s0 =	rddreg [dreg:$0x0]  }
0x2: {  	s1 =	rddreg [dreg:$0x1];
	s2 =	simm.s32 $0x0  }
0x3: {  	s29 =	srdreg.scid;
	s12 =	stileid.u32;
	s31 =	simm.s32 $0x7  }
0x4: {  	[smem:$0x7FF] =	sst s2;
	s5 =	sadd.s32 $0x58400, s0;
	s8 =	sadd.s32 $0x53400, s0  }
0x5: {  	s3 =	sadd.s32 $0xAB600, s0;
	s4 =	sadd.s32 $0xD2800, s0;
	s6 =	sadd.s32 $0x4400, s0  }
0x6: {  	s7 =	sadd.s32 $0x2B600, s0;
	s9 =	sadd.s32 $0xF9A00, s0;
	s10 =	sadd.s32 $0x121200, s0  }
0x7: {  	s30 =	smul.u32 $0x4E200, s12;
	_ =	strace $0x8000004D;
	[dreg:$0x3] =	wrdreg s9  }
0x8: {  	s11 =	sadd.s32 $0x148A00, s0;
	s13 =	smul.u32 $0x2800, s12;
	[dreg:$0x4] =	wrdreg s10  }
0x9: {  	s0 =	sadd.s32 $0x170200, s0;
	s9 =	sand.u32 $0x1, s29;
	[dreg:$0x5] =	wrdreg s11  }
0xa: {  	s23 =	smul.u32 $0x500, s12;
	[dreg:$0x6] =	wrdreg s0;
	s14 =	ssub.s32 $0x2, s9  }
0xb: {  	s10 =	sshrl.u32 s30, $0x2;
	s16 =	sshrl.u32 s13, $0x3;
	p0 =	sne.s32 s9, $0x0  }
0xc: {  	s30 =	smul.u32 $0x2780, s12;
	s9 =	simm.s32 $0x180;
	s13 =	simm.s32 $0x300  }
0xd: {  	s15 =	sshrl.u32 s14, $0x1;
	s17 =	sadd.s32 s5, s16;
	s18 =	sadd.s32 s8, s16  }
0xe: {  	s19 =	sor.u32 $0x10, s16;
	s21 =	sor.u32 $0x20, s16;
	[dreg:$0x8] =	wrdreg s17  }
0xf: {  	s0 =	ssub.s32 s14, s15;
	s14 =	sadd.s32 s10, s1;
	[dreg:$0x9] =	wrdreg s18  }
0x10: {  	s20 =	sadd.s32 s5, s19;
	s11 =	sadd.s32 s8, s19;
	[dreg:$0x15] =	wrdreg s30  }
0x11: {  	s22 =	sadd.s32 s5, s21;
	s10 =	sor.u32 $0x30, s16;
	[dreg:$0xa] =	wrdreg s20  }
0x12: {  	s15 =	simm.s32 $0x1;
	s16 =	simm.s32 $0x2;
	[dreg:$0xb] =	wrdreg s11  }
0x13: {  	s17 =	simm.s32 $0x3;
	s18 =	simm.s32 $0x5;
	[dreg:$0xc] =	wrdreg s22  }
0x14: {  	s19 =	simm.s32 $0x4;
	s11 =	sadd.s32 s8, s21;
	[dreg:$0x7] =	wrdreg s14  }
0x15: {  	s24 =	sadd.s32 s5, s10;
	s10 =	sadd.s32 s8, s10;
	[dreg:$0xd] =	wrdreg s11  }
0x16: {  	s21 =	sadd.s32 s23, s8;
	s22 =	sadd.s32 s23, s5;
	[dreg:$0xe] =	wrdreg s24  }
0x17: {  	s25 =	sadd.s32 $0x3E80, s14;
	s26 =	sadd.s32 $0x7D00, s14;
	[dreg:$0xf] =	wrdreg s10  }
0x18: {  	s0 =	smax.u32 s0, $0x1;
	s28 =	sadd.s32 $0xBB80, s14;
	[dreg:$0x10] =	wrdreg s25  }
.Ltmp0:
0x19: {  	s29 =	sadd.s32 $0xFA00, s14;
	[dreg:$0x11] =	wrdreg s26;
	(pc) =	sbr.rel .LBB2_1-.Ltmp0, $4  }
0x1a: {  	s8 =	simm.s32 $0x100;
	s5 =	simm.s32 $0x200;
	[dreg:$0x12] =	wrdreg s0  }
0x1b: {  	s14 =	simm.s32 $0x380;
	s20 =	simm.s32 $0x6;
	[dreg:$0x13] =	wrdreg s28  }
0x1c: {  	s23 =	simm.s32 $0x0;
	[dreg:$0x14] =	wrdreg s29;
	s0 =	simm.s32 $0x80  }
0x1d: {  	v0 =	vimm.f32 $0.0e+00;
	s10 =	simm.s32 $0x400;
	s11 =	simm.s32 $0x4400;
	s25 =	simm.s32 $0x280  }
.LBB2_18:
0x1e: {  	s28 =	rddreg [dreg:$0x6]  }
0x1f: {  	s23 =	rddreg [dreg:$0x16]  }
.LBB2_19:
0x20: {  	_ =	swait.ge [sflag:s19], $0x4000  }
0x21: {  	[sflag:s19] =	ssyncset.done $0x0  }
0x22: {  	[sflag:s19] =	ssyncadd.s32 $0xFFFFC000  }
0x23: {  	s12 =	rddreg [dreg:$0x15];
	[bflag:$0x0] =	sbarrier.arrive $0xFFFF  }
0x24: {  	s24 =	rddreg [dreg:$0x17]  }
0x25: {  	s12 =	sadd.s32 s28, s12;
	s26 =	rddreg [dreg:$0x18]  }
0x26: {  	[hbm:s12], [sflag:s24] =	dma.local [spmem:s26], $0x2710  }
0x27: {  	_ =	swait.ge [sflag:s31], $0x2710  }
0x28: {  	s23 =	sadd.s32 $0x1, s23;
	s30 =	rddreg [dreg:$0x12]  }
0x29: {  	p1 =	sne.s32 s23, s30  }
.Ltmp1:
0x2a: {  	_ = 	snop;
	(pc) =	sbr.rel @!p1 .LBB2_20-.Ltmp1, $3  }
0x2b: {  	_ =	sdelay $0x1  }
0x2c: {  	[sflag:s31] =	ssyncset.done $0x0  }
0x2d: {  	[sflag:s31] =	ssyncadd.s32 $0xFFFFD8F0  }
.LBB2_1:
0x2e: {  	[dreg:$0x16] =	wrdreg s23;
	s24 =	simm.s32 $0x0;
	s26 =	simm.s32 $0x200  }
.LBB2_2:
0x2f: {  	p1 =	sne.s32 s26, $0xF800;
	[tilespmem:s24+$0x8470] =	vst v0  }
0x30: {  	[tilespmem:s24+$0x8400] =	vst v0  }
0x31: {  	[tilespmem:s24+$0x8410] =	vst v0  }
.Ltmp2:
0x32: {  	[tilespmem:s24+$0x8420] =	vst v0;
	(pc) =	sbr.rel @p1 .LBB2_2-.Ltmp2, $4  }
0x33: {  	[tilespmem:s24+$0x8430] =	vst v0  }
0x34: {  	[tilespmem:s24+$0x8440] =	vst v0  }
0x35: {  	[tilespmem:s24+$0x8450] =	vst v0  }
0x36: {  	[tilespmem:s24+$0x8460] =	vst v0;
	s24 =	sshra.s32 s26, $0x2;
	s26 =	sadd.s32 $0x200, s26  }
0x37: {  	[tilespmem:s24+$0x8470] =	vst v0  }
0x38: {  	[tilespmem:s24+$0x8400] =	vst v0  }
0x39: {  	[tilespmem:s24+$0x8410] =	vst v0  }
0x3a: {  	[tilespmem:s24+$0x8420] =	vst v0  }
0x3b: {  	[tilespmem:s24+$0x8430] =	vst v0  }
0x3c: {  	[tilespmem:s24+$0x8440] =	vst v0  }
0x3d: {  	[tilespmem:s24+$0x8450] =	vst v0  }
0x3e: {  	[tilespmem:s24+$0x8460] =	vst v0;
	s12 =	rddreg [dreg:$0x7];
	s23 =	simm.s32 $0x8400  }
0x3f: {  	[spmem:s12] =	stream.linear.scatter [tilespmem:s23], [sflag:$0x7], $0x3E80, $0x38;
	[tilespmem:$0x1FD00] =	vst v63  }
0x40: {  	_ =	swait.ge [sflag:s31], $0x3E80  }
0x41: {  	[sflag:s31] =	ssyncset.done $0x0  }
0x42: {  	s28 =	rddreg [dreg:$0x10];
	[sflag:s31] =	ssyncadd.s32 $0xFFFFC180  }
0x43: {  	[spmem:s28] =	stream.linear.scatter [tilespmem:s23], [sflag:$0x7], $0x3E80, $0x38;
	[tilespmem:$0x1FD00] =	vst v63  }
0x44: {  	_ =	swait.ge [sflag:s31], $0x3E80  }
0x45: {  	[sflag:s31] =	ssyncset.done $0x0  }
0x46: {  	s29 =	rddreg [dreg:$0x11];
	[sflag:s31] =	ssyncadd.s32 $0xFFFFC180  }
0x47: {  	[spmem:s29] =	stream.linear.scatter [tilespmem:s23], [sflag:$0x7], $0x3E80, $0x38;
	[tilespmem:$0x1FD00] =	vst v63  }
0x48: {  	_ =	swait.ge [sflag:s31], $0x3E80  }
0x49: {  	[sflag:s31] =	ssyncset.done $0x0  }
0x4a: {  	s30 =	rddreg [dreg:$0x13];
	[sflag:s31] =	ssyncadd.s32 $0xFFFFC180  }
0x4b: {  	[spmem:s30] =	stream.linear.scatter [tilespmem:s23], [sflag:$0x7], $0x3E80, $0x38;
	[tilespmem:$0x1FD00] =	vst v63  }
0x4c: {  	_ =	swait.ge [sflag:s31], $0x3E80  }
0x4d: {  	[sflag:s31] =	ssyncset.done $0x0  }
0x4e: {  	s24 =	rddreg [dreg:$0x14];
	[sflag:s31] =	ssyncadd.s32 $0xFFFFC180  }
0x4f: {  	[spmem:s24] =	stream.linear.scatter [tilespmem:s23], [sflag:$0x7], $0x3E80, $0x38;
	[tilespmem:$0x1FD00] =	vst v63  }
0x50: {  	_ =	swait.ge [sflag:s31], $0x3E80  }
0x51: {  	[sflag:s31] =	ssyncset.done $0x0  }
0x52: {  	[sflag:s31] =	ssyncadd.s32 $0xFFFFC180  }
0x53: {  	[bflag:$0x0] =	sbarrier.arrive $0xFFFF  }
0x54: {  	s26 =	rddreg [dreg:$0x8]  }
0x55: {  	[tilespmem:s2], [sflag:$0x7] =	stream.linear.gather [hbm4b:s26+s2], $0x80, $0x38;
	[tilespmem:$0x1FD00] =	vst v63  }
0x56: {  	_ =	swait.ge [sflag:s31], $0x80  }
0x57: {  	[sflag:s31] =	ssyncset.done $0x0  }
0x58: {  	s28 =	rddreg [dreg:$0x9];
	[sflag:s31] =	ssyncadd.s32 $0xFFFFFF80  }
0x59: {  	[tilespmem:s0], [sflag:$0x7] =	stream.linear.gather [hbm4b:s28+s2], $0x80, $0x38;
	[tilespmem:$0x1FD00] =	vst v63  }
0x5a: {  	_ =	swait.ge [sflag:s31], $0x80  }
0x5b: {  	[sflag:s31] =	ssyncset.done $0x0  }
0x5c: {  	s29 =	rddreg [dreg:$0xa];
	[sflag:s31] =	ssyncadd.s32 $0xFFFFFF80  }
0x5d: {  	[tilespmem:s8], [sflag:$0x7] =	stream.linear.gather [hbm4b:s29+s2], $0x80, $0x38;
	[tilespmem:$0x1FD00] =	vst v63  }
0x5e: {  	_ =	swait.ge [sflag:s31], $0x80  }
0x5f: {  	[sflag:s31] =	ssyncset.done $0x0  }
.Ltmp3:
0x60: {  	s30 =	rddreg [dreg:$0xb];
	[sflag:s31] =	ssyncadd.s32 $0xFFFFFF80;
	(pc) =	sbr.rel @p0 .LBB2_8-.Ltmp3, $4  }
0x61: {  	[tilespmem:s9], [sflag:$0x7] =	stream.linear.gather [hbm4b:s30+s2], $0x80, $0x38;
	[tilespmem:$0x1FD00] =	vst v63  }
0x62: {  	_ =	swait.ge [sflag:s31], $0x80  }
0x63: {  	[sflag:s31] =	ssyncset.done $0x0  }
0x64: {  	s24 =	simm.s32 $0x0;
	[sflag:s31] =	ssyncadd.s32 $0xFFFFFF80  }
0x65: {  	[tilespmem:s10], [sflag:$0x1] =	stream.indirect.gather [hbm4b:s3+s0], $0x80, s24, s0, $0xb8;
	[tilespmem:$0x1FD00] =	vst v63  }
0x66: {  	_ = 	snop  }
0x67: {  	[tilespmem:s11], [sflag:$0x2] =	stream.indirect.gather [hbm4b:s3+s0], $0x80, s8, s0, $0xb8;
	[tilespmem:$0x1FD00] =	vst v63  }
0x68: {  	s12 =	rddreg [dreg:$0xc]  }
0x69: {  	[tilespmem:s5], [sflag:$0x5] =	stream.linear.gather [hbm4b:s12+s24], $0x80, $0x38;
	[tilespmem:$0x1FD00] =	vst v63  }
0x6a: {  	s28 =	rddreg [dreg:$0xd]  }
0x6b: {  	[tilespmem:s25], [sflag:$0x5] =	stream.linear.gather [hbm4b:s28+s24], $0x80, $0x38;
	[tilespmem:$0x1FD00] =	vst v63  }
0x6c: {  	s29 =	rddreg [dreg:$0xe]  }
0x6d: {  	[tilespmem:s13], [sflag:$0x6] =	stream.linear.gather [hbm4b:s29+s24], $0x80, $0x38;
	[tilespmem:$0x1FD00] =	vst v63  }
0x6e: {  	s30 =	rddreg [dreg:$0xf]  }
0x6f: {  	[tilespmem:s14], [sflag:$0x6] =	stream.linear.gather [hbm4b:s30+s24], $0x80, $0x38;
	[tilespmem:$0x1FD00] =	vst v63  }
.LBB2_5:
0x70: {  	_ =	swait.ge [sflag:s15], $0x4000  }
0x71: {  	[sflag:s15] =	ssyncset.done $0x0  }
0x72: {  	[sflag:s15] =	ssyncadd.s32 $0xFFFFC000  }
0x73: {  	[spmem:s1] =	stream.indirect.scatter.add.f32 [tilespmem:s10], [sflag:$0x3], $0x80, s0, s0, $0xb8;
	[tilespmem:$0x1FD00] =	vst v63  }
0x74: {  	_ =	swait.ge [sflag:s16], $0x4000  }
0x75: {  	[sflag:s16] =	ssyncset.done $0x0  }
0x76: {  	[sflag:s16] =	ssyncadd.s32 $0xFFFFC000  }
0x77: {  	[spmem:s1] =	stream.indirect.scatter.add.f32 [tilespmem:s11], [sflag:$0x4], $0x80, s9, s0, $0xb8;
	[tilespmem:$0x1FD00] =	vst v63  }
0x78: {  	_ =	swait.ge [sflag:s17], $0x4000  }
0x79: {  	[sflag:s17] =	ssyncset.done $0x0  }
0x7a: {  	[sflag:s17] =	ssyncadd.s32 $0xFFFFC000  }
0x7b: {  	_ =	swait.ge [sflag:s18], $0x80  }
0x7c: {  	[sflag:s18] =	ssyncset.done $0x0  }
0x7d: {  	[sflag:s18] =	ssyncadd.s32 $0xFFFFFF80  }
0x7e: {  	_ =	swait.ge [sflag:s18], $0x80  }
0x7f: {  	p1 =	seq.s32 s24, $0x4C0;
	[sflag:s18] =	ssyncset.done $0x0  }
0x80: {  	s26 =	simm.s32 @p1 $0x4;
	[sflag:s18] =	ssyncadd.s32 $0xFFFFFF80  }
0x81: {  	[tilespmem:s10], [sflag:$0x1] =	stream.indirect.gather [hbm4b:s3+s0], $0x80, s5, s0, $0xb8;
	[tilespmem:$0x1FD00] =	vst v63  }
0x82: {  	_ =	swait.ge @p1 [sflag:s26], $0x4000  }
0x83: {  	[sflag:s26] =	ssyncset.done @p1 $0x0  }
0x84: {  	[sflag:s26] =	ssyncadd.s32 @p1 $0xFFFFC000;
	s26 =	simm.s32 @p1 $0x6  }
0x85: {  	_ =	swait.ge @p1 [sflag:s26], $0x80  }
0x86: {  	[sflag:s26] =	ssyncset.done @p1 $0x0  }
0x87: {  	[sflag:s26] =	ssyncadd.s32 @p1 $0xFFFFFF80  }
0x88: {  	_ =	swait.ge @p1 [sflag:s26], $0x80  }
0x89: {  	s28 =	simm.s32 @p1 $0x300;
	[sflag:s26] =	ssyncset.done @p1 $0x0  }
0x8a: {  	s29 =	simm.s32 @p1 $0x4400;
	[sflag:s26] =	ssyncadd.s32 @p1 $0xFFFFFF80;
	s26 =	simm.s32 @p1 $0x80  }
0x8b: {  	[tilespmem:s29], [sflag:$0x2] =	stream.indirect.gather @p1 [hbm4b:s3+s26], $0x80, s28, s26, $0xb8;
	[tilespmem:$0x1FD00] =	vst v63  }
0x8c: {  	s26 =	sadd.s32 @!p1 s24, s22  }
0x8d: {  	s29 =	simm.s32 @!p1 $0x0;
	s28 =	sadd.s32 @!p1 $0x40, s26  }
0x8e: {  	[tilespmem:s29], [sflag:$0x5] =	stream.linear.gather @!p1 [hbm4b:s28+s29], $0x80, $0x38;
	[tilespmem:$0x1FD00] =	vst v63  }
0x8f: {  	s28 =	sadd.s32 @!p1 s24, s21  }
0x90: {  	s30 =	simm.s32 @!p1 $0x80;
	s12 =	sadd.s32 @!p1 $0x40, s28  }
0x91: {  	[tilespmem:s30], [sflag:$0x5] =	stream.linear.gather @!p1 [hbm4b:s12+s29], $0x80, $0x38;
	[tilespmem:$0x1FD00] =	vst v63  }
0x92: {  	s12 =	simm.s32 @!p1 $0x4  }
0x93: {  	_ =	swait.ge @!p1 [sflag:s12], $0x4000  }
0x94: {  	[sflag:s12] =	ssyncset.done @!p1 $0x0  }
0x95: {  	[sflag:s12] =	ssyncadd.s32 @!p1 $0xFFFFC000;
	s12 =	simm.s32 @!p1 $0x6  }
0x96: {  	_ =	swait.ge @!p1 [sflag:s12], $0x80  }
0x97: {  	[sflag:s12] =	ssyncset.done @!p1 $0x0  }
0x98: {  	[sflag:s12] =	ssyncadd.s32 @!p1 $0xFFFFFF80  }
0x99: {  	_ =	swait.ge @!p1 [sflag:s12], $0x80  }
0x9a: {  	[sflag:s12] =	ssyncset.done @!p1 $0x0  }
0x9b: {  	s23 =	simm.s32 @!p1 $0x4400;
	[sflag:s12] =	ssyncadd.s32 @!p1 $0xFFFFFF80;
	s12 =	simm.s32 @!p1 $0x300  }
0x9c: {  	[tilespmem:s23], [sflag:$0x2] =	stream.indirect.gather @!p1 [hbm4b:s3+s30], $0x80, s12, s30, $0xb8;
	[tilespmem:$0x1FD00] =	vst v63  }
0x9d: {  	s12 =	sadd.s32 @!p1 $0x50, s26;
	s23 =	simm.s32 @!p1 $0x100  }
0x9e: {  	[tilespmem:s23], [sflag:$0x6] =	stream.linear.gather @!p1 [hbm4b:s12+s29], $0x80, $0x38;
	[tilespmem:$0x1FD00] =	vst v63  }
0x9f: {  	s12 =	sadd.s32 @!p1 $0x50, s28;
	s23 =	simm.s32 @!p1 $0x180  }
0xa0: {  	[tilespmem:s23], [sflag:$0x6] =	stream.linear.gather @!p1 [hbm4b:s12+s29], $0x80, $0x38;
	[tilespmem:$0x1FD00] =	vst v63  }
0xa1: {  	_ =	swait.ge [sflag:s15], $0x4000  }
0xa2: {  	[sflag:s15] =	ssyncset.done $0x0  }
0xa3: {  	[sflag:s15] =	ssyncadd.s32 $0xFFFFC000  }
0xa4: {  	[spmem:s1] =	stream.indirect.scatter.add.f32 [tilespmem:s10], [sflag:$0x3], $0x80, s25, s0, $0xb8;
	[tilespmem:$0x1FD00] =	vst v63  }
0xa5: {  	_ =	swait.ge [sflag:s16], $0x4000  }
0xa6: {  	[sflag:s16] =	ssyncset.done $0x0  }
.Ltmp4:
0xa7: {  	[sflag:s16] =	ssyncadd.s32 $0xFFFFC000;
	(pc) =	sbr.rel @p1 .LBB2_6-.Ltmp4, $4  }
0xa8: {  	[spmem:s1] =	stream.indirect.scatter.add.f32 [tilespmem:s11], [sflag:$0x4], $0x80, s14, s0, $0xb8;
	[tilespmem:$0x1FD00] =	vst v63  }
0xa9: {  	_ =	swait.ge [sflag:s17], $0x4000  }
0xaa: {  	[sflag:s17] =	ssyncset.done $0x0  }
0xab: {  	[sflag:s17] =	ssyncadd.s32 $0xFFFFC000  }
0xac: {  	_ =	swait.ge [sflag:s18], $0x80  }
0xad: {  	[sflag:s18] =	ssyncset.done $0x0  }
0xae: {  	[sflag:s18] =	ssyncadd.s32 $0xFFFFFF80  }
0xaf: {  	_ =	swait.ge [sflag:s18], $0x80  }
0xb0: {  	[sflag:s18] =	ssyncset.done $0x0  }
0xb1: {  	s12 =	sadd.s32 s24, s22;
	[sflag:s18] =	ssyncadd.s32 $0xFFFFFF80  }
0xb2: {  	[tilespmem:s10], [sflag:$0x1] =	stream.indirect.gather [hbm4b:s3+s0], $0x80, s2, s0, $0xb8;
	[tilespmem:$0x1FD00] =	vst v63  }
0xb3: {  	s29 =	sadd.s32 s24, s21;
	s23 =	sadd.s32 $0x60, s12  }
0xb4: {  	[tilespmem:s5], [sflag:$0x5] =	stream.linear.gather [hbm4b:s23+s2], $0x80, $0x38;
	[tilespmem:$0x1FD00] =	vst v63  }
0xb5: {  	s26 =	sadd.s32 $0x60, s29  }
0xb6: {  	[tilespmem:s25], [sflag:$0x5] =	stream.linear.gather [hbm4b:s26+s2], $0x80, $0x38;
	[tilespmem:$0x1FD00] =	vst v63  }
0xb7: {  	_ =	swait.ge [sflag:s19], $0x4000  }
0xb8: {  	[sflag:s19] =	ssyncset.done $0x0  }
0xb9: {  	[sflag:s19] =	ssyncadd.s32 $0xFFFFC000  }
0xba: {  	_ =	swait.ge [sflag:s20], $0x80  }
0xbb: {  	[sflag:s20] =	ssyncset.done $0x0  }
0xbc: {  	[sflag:s20] =	ssyncadd.s32 $0xFFFFFF80  }
0xbd: {  	_ =	swait.ge [sflag:s20], $0x80  }
0xbe: {  	[sflag:s20] =	ssyncset.done $0x0  }
0xbf: {  	[sflag:s20] =	ssyncadd.s32 $0xFFFFFF80  }
0xc0: {  	[tilespmem:s11], [sflag:$0x2] =	stream.indirect.gather [hbm4b:s3+s0], $0x80, s8, s0, $0xb8;
	[tilespmem:$0x1FD00] =	vst v63  }
.Ltmp5:
0xc1: {  	_ = 	snop;
	(pc) =	sbr.rel .LBB2_5-.Ltmp5, $4  }
0xc2: {  	s12 =	sadd.s32 $0x70, s12  }
0xc3: {  	[tilespmem:s13], [sflag:$0x6] =	stream.linear.gather [hbm4b:s12+s2], $0x80, $0x38;
	[tilespmem:$0x1FD00] =	vst v63  }
0xc4: {  	s24 =	sadd.s32 $0x40, s24;
	s30 =	sadd.s32 $0x70, s29  }
0xc5: {  	[tilespmem:s14], [sflag:$0x6] =	stream.linear.gather [hbm4b:s30+s2], $0x80, $0x38;
	[tilespmem:$0x1FD00] =	vst v63  }
.LBB2_8:
0xc6: {  	[tilespmem:s10], [sflag:$0x1] =	stream.indirect.gather [hbm4b:s6+s0], $0x80, s24, s0, $0xb8;
	[tilespmem:$0x1FD00] =	vst v63  }
0xc7: {  	_ = 	snop  }
0xc8: {  	[tilespmem:s11], [sflag:$0x2] =	stream.indirect.gather [hbm4b:s6+s0], $0x80, s8, s0, $0xb8;
	[tilespmem:$0x1FD00] =	vst v63  }
0xc9: {  	s12 =	rddreg [dreg:$0xc]  }
0xca: {  	[tilespmem:s5], [sflag:$0x5] =	stream.linear.gather [hbm4b:s12+s24], $0x80, $0x38;
	[tilespmem:$0x1FD00] =	vst v63  }
0xcb: {  	s28 =	rddreg [dreg:$0xd]  }
0xcc: {  	[tilespmem:s25], [sflag:$0x5] =	stream.linear.gather [hbm4b:s28+s24], $0x80, $0x38;
	[tilespmem:$0x1FD00] =	vst v63  }
0xcd: {  	s29 =	rddreg [dreg:$0xe]  }
0xce: {  	[tilespmem:s13], [sflag:$0x6] =	stream.linear.gather [hbm4b:s29+s24], $0x80, $0x38;
	[tilespmem:$0x1FD00] =	vst v63  }
0xcf: {  	s30 =	rddreg [dreg:$0xf]  }
0xd0: {  	[tilespmem:s14], [sflag:$0x6] =	stream.linear.gather [hbm4b:s30+s24], $0x80, $0x38;
	[tilespmem:$0x1FD00] =	vst v63  }
.LBB2_9:
0xd1: {  	_ =	swait.ge [sflag:s15], $0x4000  }
0xd2: {  	[sflag:s15] =	ssyncset.done $0x0  }
0xd3: {  	[sflag:s15] =	ssyncadd.s32 $0xFFFFC000  }
0xd4: {  	[spmem:s1] =	stream.indirect.scatter.add.f32 [tilespmem:s10], [sflag:$0x3], $0x80, s0, s0, $0xb8;
	[tilespmem:$0x1FD00] =	vst v63  }
0xd5: {  	_ =	swait.ge [sflag:s16], $0x4000  }
0xd6: {  	[sflag:s16] =	ssyncset.done $0x0  }
0xd7: {  	[sflag:s16] =	ssyncadd.s32 $0xFFFFC000  }
0xd8: {  	[spmem:s1] =	stream.indirect.scatter.add.f32 [tilespmem:s11], [sflag:$0x4], $0x80, s9, s0, $0xb8;
	[tilespmem:$0x1FD00] =	vst v63  }
0xd9: {  	_ =	swait.ge [sflag:s17], $0x4000  }
0xda: {  	[sflag:s17] =	ssyncset.done $0x0  }
0xdb: {  	[sflag:s17] =	ssyncadd.s32 $0xFFFFC000  }
0xdc: {  	_ =	swait.ge [sflag:s18], $0x80  }
0xdd: {  	[sflag:s18] =	ssyncset.done $0x0  }
0xde: {  	[sflag:s18] =	ssyncadd.s32 $0xFFFFFF80  }
0xdf: {  	_ =	swait.ge [sflag:s18], $0x80  }
0xe0: {  	p1 =	seq.s32 s24, $0x4C0;
	[sflag:s18] =	ssyncset.done $0x0  }
0xe1: {  	s12 =	simm.s32 @p1 $0x4;
	[sflag:s18] =	ssyncadd.s32 $0xFFFFFF80  }
0xe2: {  	[tilespmem:s10], [sflag:$0x1] =	stream.indirect.gather [hbm4b:s6+s0], $0x80, s5, s0, $0xb8;
	[tilespmem:$0x1FD00] =	vst v63  }
0xe3: {  	_ =	swait.ge @p1 [sflag:s12], $0x4000  }
0xe4: {  	[sflag:s12] =	ssyncset.done @p1 $0x0  }
0xe5: {  	[sflag:s12] =	ssyncadd.s32 @p1 $0xFFFFC000;
	s12 =	simm.s32 @p1 $0x6  }
0xe6: {  	_ =	swait.ge @p1 [sflag:s12], $0x80  }
0xe7: {  	[sflag:s12] =	ssyncset.done @p1 $0x0  }
0xe8: {  	[sflag:s12] =	ssyncadd.s32 @p1 $0xFFFFFF80  }
0xe9: {  	_ =	swait.ge @p1 [sflag:s12], $0x80  }
0xea: {  	s23 =	simm.s32 @p1 $0x300;
	[sflag:s12] =	ssyncset.done @p1 $0x0  }
0xeb: {  	s26 =	simm.s32 @p1 $0x4400;
	[sflag:s12] =	ssyncadd.s32 @p1 $0xFFFFFF80;
	s12 =	simm.s32 @p1 $0x80  }
0xec: {  	[tilespmem:s26], [sflag:$0x2] =	stream.indirect.gather @p1 [hbm4b:s6+s12], $0x80, s23, s12, $0xb8;
	[tilespmem:$0x1FD00] =	vst v63  }
0xed: {  	s12 =	sadd.s32 @!p1 s24, s22  }
0xee: {  	s26 =	simm.s32 @!p1 $0x0;
	s23 =	sadd.s32 @!p1 $0x40, s12  }
0xef: {  	[tilespmem:s26], [sflag:$0x5] =	stream.linear.gather @!p1 [hbm4b:s23+s26], $0x80, $0x38;
	[tilespmem:$0x1FD00] =	vst v63  }
0xf0: {  	s23 =	sadd.s32 @!p1 s24, s21  }
0xf1: {  	s29 =	simm.s32 @!p1 $0x80;
	s28 =	sadd.s32 @!p1 $0x40, s23  }
0xf2: {  	[tilespmem:s29], [sflag:$0x5] =	stream.linear.gather @!p1 [hbm4b:s28+s26], $0x80, $0x38;
	[tilespmem:$0x1FD00] =	vst v63  }
0xf3: {  	s28 =	simm.s32 @!p1 $0x4  }
0xf4: {  	_ =	swait.ge @!p1 [sflag:s28], $0x4000  }
0xf5: {  	[sflag:s28] =	ssyncset.done @!p1 $0x0  }
0xf6: {  	[sflag:s28] =	ssyncadd.s32 @!p1 $0xFFFFC000;
	s28 =	simm.s32 @!p1 $0x6  }
0xf7: {  	_ =	swait.ge @!p1 [sflag:s28], $0x80  }
0xf8: {  	[sflag:s28] =	ssyncset.done @!p1 $0x0  }
0xf9: {  	[sflag:s28] =	ssyncadd.s32 @!p1 $0xFFFFFF80  }
0xfa: {  	_ =	swait.ge @!p1 [sflag:s28], $0x80  }
0xfb: {  	[sflag:s28] =	ssyncset.done @!p1 $0x0  }
0xfc: {  	s30 =	simm.s32 @!p1 $0x4400;
	[sflag:s28] =	ssyncadd.s32 @!p1 $0xFFFFFF80;
	s28 =	simm.s32 @!p1 $0x300  }
0xfd: {  	[tilespmem:s30], [sflag:$0x2] =	stream.indirect.gather @!p1 [hbm4b:s6+s29], $0x80, s28, s29, $0xb8;
	[tilespmem:$0x1FD00] =	vst v63  }
0xfe: {  	s12 =	sadd.s32 @!p1 $0x50, s12;
	s28 =	simm.s32 @!p1 $0x100  }
0xff: {  	[tilespmem:s28], [sflag:$0x6] =	stream.linear.gather @!p1 [hbm4b:s12+s26], $0x80, $0x38;
	[tilespmem:$0x1FD00] =	vst v63  }
0x100: {  	s12 =	sadd.s32 @!p1 $0x50, s23;
	s23 =	simm.s32 @!p1 $0x180  }
0x101: {  	[tilespmem:s23], [sflag:$0x6] =	stream.linear.gather @!p1 [hbm4b:s12+s26], $0x80, $0x38;
	[tilespmem:$0x1FD00] =	vst v63  }
0x102: {  	_ =	swait.ge [sflag:s15], $0x4000  }
0x103: {  	[sflag:s15] =	ssyncset.done $0x0  }
0x104: {  	[sflag:s15] =	ssyncadd.s32 $0xFFFFC000  }
0x105: {  	[spmem:s1] =	stream.indirect.scatter.add.f32 [tilespmem:s10], [sflag:$0x3], $0x80, s25, s0, $0xb8;
	[tilespmem:$0x1FD00] =	vst v63  }
0x106: {  	_ =	swait.ge [sflag:s16], $0x4000  }
0x107: {  	[sflag:s16] =	ssyncset.done $0x0  }
.Ltmp6:
0x108: {  	[sflag:s16] =	ssyncadd.s32 $0xFFFFC000;
	(pc) =	sbr.rel @p1 .LBB2_10-.Ltmp6, $4  }
0x109: {  	[spmem:s1] =	stream.indirect.scatter.add.f32 [tilespmem:s11], [sflag:$0x4], $0x80, s14, s0, $0xb8;
	[tilespmem:$0x1FD00] =	vst v63  }
0x10a: {  	_ =	swait.ge [sflag:s17], $0x4000  }
0x10b: {  	[sflag:s17] =	ssyncset.done $0x0  }
0x10c: {  	[sflag:s17] =	ssyncadd.s32 $0xFFFFC000  }
0x10d: {  	_ =	swait.ge [sflag:s18], $0x80  }
0x10e: {  	[sflag:s18] =	ssyncset.done $0x0  }
0x10f: {  	[sflag:s18] =	ssyncadd.s32 $0xFFFFFF80  }
0x110: {  	_ =	swait.ge [sflag:s18], $0x80  }
0x111: {  	[sflag:s18] =	ssyncset.done $0x0  }
0x112: {  	s12 =	sadd.s32 s24, s22;
	[sflag:s18] =	ssyncadd.s32 $0xFFFFFF80  }
0x113: {  	[tilespmem:s10], [sflag:$0x1] =	stream.indirect.gather [hbm4b:s6+s0], $0x80, s2, s0, $0xb8;
	[tilespmem:$0x1FD00] =	vst v63  }
0x114: {  	s29 =	sadd.s32 s24, s21;
	s23 =	sadd.s32 $0x60, s12  }
0x115: {  	[tilespmem:s5], [sflag:$0x5] =	stream.linear.gather [hbm4b:s23+s2], $0x80, $0x38;
	[tilespmem:$0x1FD00] =	vst v63  }
0x116: {  	s26 =	sadd.s32 $0x60, s29  }
0x117: {  	[tilespmem:s25], [sflag:$0x5] =	stream.linear.gather [hbm4b:s26+s2], $0x80, $0x38;
	[tilespmem:$0x1FD00] =	vst v63  }
0x118: {  	_ =	swait.ge [sflag:s19], $0x4000  }
0x119: {  	[sflag:s19] =	ssyncset.done $0x0  }
0x11a: {  	[sflag:s19] =	ssyncadd.s32 $0xFFFFC000  }
0x11b: {  	_ =	swait.ge [sflag:s20], $0x80  }
0x11c: {  	[sflag:s20] =	ssyncset.done $0x0  }
0x11d: {  	[sflag:s20] =	ssyncadd.s32 $0xFFFFFF80  }
0x11e: {  	_ =	swait.ge [sflag:s20], $0x80  }
0x11f: {  	[sflag:s20] =	ssyncset.done $0x0  }
0x120: {  	[sflag:s20] =	ssyncadd.s32 $0xFFFFFF80  }
0x121: {  	[tilespmem:s11], [sflag:$0x2] =	stream.indirect.gather [hbm4b:s6+s0], $0x80, s8, s0, $0xb8;
	[tilespmem:$0x1FD00] =	vst v63  }
.Ltmp7:
0x122: {  	_ = 	snop;
	(pc) =	sbr.rel .LBB2_9-.Ltmp7, $4  }
0x123: {  	s12 =	sadd.s32 $0x70, s12  }
0x124: {  	[tilespmem:s13], [sflag:$0x6] =	stream.linear.gather [hbm4b:s12+s2], $0x80, $0x38;
	[tilespmem:$0x1FD00] =	vst v63  }
0x125: {  	s24 =	sadd.s32 $0x40, s24;
	s30 =	sadd.s32 $0x70, s29  }
0x126: {  	[tilespmem:s14], [sflag:$0x6] =	stream.linear.gather [hbm4b:s30+s2], $0x80, $0x38;
	[tilespmem:$0x1FD00] =	vst v63  }
.LBB2_6:
.Ltmp8:
0x127: {  	(pc) =	sbr.rel .LBB2_11-.Ltmp8, $2  }
0x128: {  	_ =	sdelay $0x2  }
0x129: {  	s24 =	rddreg [dreg:$0x3]  }
.LBB2_10:
0x12a: {  	s24 =	rddreg [dreg:$0x5]  }
.LBB2_11:
0x12b: {  	_ =	swait.ge [sflag:s19], $0x4000  }
0x12c: {  	[sflag:s19] =	ssyncset.done $0x0  }
0x12d: {  	s23 =	stileid.u32;
	[sflag:s19] =	ssyncadd.s32 $0xFFFFC000  }
0x12e: {  	s12 =	rddreg [dreg:$0x15];
	s23 =	sshll.u32 s23, $0x6;
	[bflag:$0x0] =	sbarrier.arrive $0xFFFF  }
0x12f: {  	s29 =	sor.u32 $0x1C07, s23;
	s30 =	rddreg [dreg:$0x7]  }
0x130: {  	[dreg:$0x17] =	wrdreg s29;
	s26 =	sshrl.u32 s30, $0x3  }
0x131: {  	s12 =	sadd.s32 s24, s12;
	[dreg:$0x18] =	wrdreg s26  }
0x132: {  	[hbm:s12], [sflag:s29] =	dma.local [spmem:s26], $0x2710  }
0x133: {  	_ =	swait.ge [sflag:s31], $0x2710  }
0x134: {  	[sflag:s31] =	ssyncset.done $0x0  }
0x135: {  	s24 =	simm.s32 $0x8400;
	[sflag:s31] =	ssyncadd.s32 $0xFFFFD8F0  }
0x136: {  	[spmem:s30] =	stream.linear.scatter [tilespmem:s24], [sflag:$0x7], $0x3E80, $0x38;
	[tilespmem:$0x1FD00] =	vst v63  }
0x137: {  	_ =	swait.ge [sflag:s31], $0x3E80  }
0x138: {  	[sflag:s31] =	ssyncset.done $0x0  }
0x139: {  	s26 =	rddreg [dreg:$0x10];
	[sflag:s31] =	ssyncadd.s32 $0xFFFFC180  }
0x13a: {  	[spmem:s26] =	stream.linear.scatter [tilespmem:s24], [sflag:$0x7], $0x3E80, $0x38;
	[tilespmem:$0x1FD00] =	vst v63  }
0x13b: {  	_ =	swait.ge [sflag:s31], $0x3E80  }
0x13c: {  	[sflag:s31] =	ssyncset.done $0x0  }
0x13d: {  	s29 =	rddreg [dreg:$0x11];
	[sflag:s31] =	ssyncadd.s32 $0xFFFFC180  }
0x13e: {  	[spmem:s29] =	stream.linear.scatter [tilespmem:s24], [sflag:$0x7], $0x3E80, $0x38;
	[tilespmem:$0x1FD00] =	vst v63  }
0x13f: {  	_ =	swait.ge [sflag:s31], $0x3E80  }
0x140: {  	[sflag:s31] =	ssyncset.done $0x0  }
0x141: {  	s30 =	rddreg [dreg:$0x13];
	[sflag:s31] =	ssyncadd.s32 $0xFFFFC180  }
0x142: {  	[spmem:s30] =	stream.linear.scatter [tilespmem:s24], [sflag:$0x7], $0x3E80, $0x38;
	[tilespmem:$0x1FD00] =	vst v63  }
0x143: {  	_ =	swait.ge [sflag:s31], $0x3E80  }
0x144: {  	[sflag:s31] =	ssyncset.done $0x0  }
0x145: {  	s23 =	rddreg [dreg:$0x14];
	[sflag:s31] =	ssyncadd.s32 $0xFFFFC180  }
0x146: {  	[spmem:s23] =	stream.linear.scatter [tilespmem:s24], [sflag:$0x7], $0x3E80, $0x38;
	[tilespmem:$0x1FD00] =	vst v63  }
0x147: {  	_ =	swait.ge [sflag:s31], $0x3E80  }
0x148: {  	[sflag:s31] =	ssyncset.done $0x0  }
0x149: {  	[sflag:s31] =	ssyncadd.s32 $0xFFFFC180  }
0x14a: {  	[bflag:$0x0] =	sbarrier.arrive $0xFFFF  }
0x14b: {  	s24 =	rddreg [dreg:$0x8]  }
0x14c: {  	[tilespmem:s2], [sflag:$0x7] =	stream.linear.gather [hbm4b:s24+s2], $0x80, $0x38;
	[tilespmem:$0x1FD00] =	vst v63  }
0x14d: {  	_ =	swait.ge [sflag:s31], $0x80  }
0x14e: {  	[sflag:s31] =	ssyncset.done $0x0  }
0x14f: {  	s26 =	rddreg [dreg:$0x9];
	[sflag:s31] =	ssyncadd.s32 $0xFFFFFF80  }
0x150: {  	[tilespmem:s0], [sflag:$0x7] =	stream.linear.gather [hbm4b:s26+s2], $0x80, $0x38;
	[tilespmem:$0x1FD00] =	vst v63  }
0x151: {  	_ =	swait.ge [sflag:s31], $0x80  }
0x152: {  	[sflag:s31] =	ssyncset.done $0x0  }
0x153: {  	s29 =	rddreg [dreg:$0xa];
	[sflag:s31] =	ssyncadd.s32 $0xFFFFFF80  }
0x154: {  	[tilespmem:s8], [sflag:$0x7] =	stream.linear.gather [hbm4b:s29+s2], $0x80, $0x38;
	[tilespmem:$0x1FD00] =	vst v63  }
0x155: {  	_ =	swait.ge [sflag:s31], $0x80  }
0x156: {  	[sflag:s31] =	ssyncset.done $0x0  }
.Ltmp9:
0x157: {  	s30 =	rddreg [dreg:$0xb];
	[sflag:s31] =	ssyncadd.s32 $0xFFFFFF80;
	(pc) =	sbr.rel @p0 .LBB2_16-.Ltmp9, $4  }
0x158: {  	[tilespmem:s9], [sflag:$0x7] =	stream.linear.gather [hbm4b:s30+s2], $0x80, $0x38;
	[tilespmem:$0x1FD00] =	vst v63  }
0x159: {  	_ =	swait.ge [sflag:s31], $0x80  }
0x15a: {  	[sflag:s31] =	ssyncset.done $0x0  }
0x15b: {  	s28 =	simm.s32 $0x0;
	[sflag:s31] =	ssyncadd.s32 $0xFFFFFF80  }
0x15c: {  	[tilespmem:s10], [sflag:$0x1] =	stream.indirect.gather [hbm4b:s4+s0], $0x80, s28, s0, $0xb8;
	[tilespmem:$0x1FD00] =	vst v63  }
0x15d: {  	_ = 	snop  }
0x15e: {  	[tilespmem:s11], [sflag:$0x2] =	stream.indirect.gather [hbm4b:s4+s0], $0x80, s8, s0, $0xb8;
	[tilespmem:$0x1FD00] =	vst v63  }
0x15f: {  	s12 =	rddreg [dreg:$0xc]  }
0x160: {  	[tilespmem:s5], [sflag:$0x5] =	stream.linear.gather [hbm4b:s12+s28], $0x80, $0x38;
	[tilespmem:$0x1FD00] =	vst v63  }
0x161: {  	s26 =	rddreg [dreg:$0xd]  }
0x162: {  	[tilespmem:s25], [sflag:$0x5] =	stream.linear.gather [hbm4b:s26+s28], $0x80, $0x38;
	[tilespmem:$0x1FD00] =	vst v63  }
0x163: {  	s29 =	rddreg [dreg:$0xe]  }
0x164: {  	[tilespmem:s13], [sflag:$0x6] =	stream.linear.gather [hbm4b:s29+s28], $0x80, $0x38;
	[tilespmem:$0x1FD00] =	vst v63  }
0x165: {  	s30 =	rddreg [dreg:$0xf]  }
0x166: {  	[tilespmem:s14], [sflag:$0x6] =	stream.linear.gather [hbm4b:s30+s28], $0x80, $0x38;
	[tilespmem:$0x1FD00] =	vst v63  }
.LBB2_13:
0x167: {  	_ =	swait.ge [sflag:s15], $0x4000  }
0x168: {  	[sflag:s15] =	ssyncset.done $0x0  }
0x169: {  	[sflag:s15] =	ssyncadd.s32 $0xFFFFC000  }
0x16a: {  	[spmem:s1] =	stream.indirect.scatter.add.f32 [tilespmem:s10], [sflag:$0x3], $0x80, s0, s0, $0xb8;
	[tilespmem:$0x1FD00] =	vst v63  }
0x16b: {  	_ =	swait.ge [sflag:s16], $0x4000  }
0x16c: {  	[sflag:s16] =	ssyncset.done $0x0  }
0x16d: {  	[sflag:s16] =	ssyncadd.s32 $0xFFFFC000  }
0x16e: {  	[spmem:s1] =	stream.indirect.scatter.add.f32 [tilespmem:s11], [sflag:$0x4], $0x80, s9, s0, $0xb8;
	[tilespmem:$0x1FD00] =	vst v63  }
0x16f: {  	_ =	swait.ge [sflag:s17], $0x4000  }
0x170: {  	[sflag:s17] =	ssyncset.done $0x0  }
0x171: {  	[sflag:s17] =	ssyncadd.s32 $0xFFFFC000  }
0x172: {  	_ =	swait.ge [sflag:s18], $0x80  }
0x173: {  	[sflag:s18] =	ssyncset.done $0x0  }
0x174: {  	[sflag:s18] =	ssyncadd.s32 $0xFFFFFF80  }
0x175: {  	_ =	swait.ge [sflag:s18], $0x80  }
0x176: {  	p1 =	seq.s32 s28, $0x4C0;
	[sflag:s18] =	ssyncset.done $0x0  }
0x177: {  	s12 =	simm.s32 @p1 $0x4;
	[sflag:s18] =	ssyncadd.s32 $0xFFFFFF80  }
0x178: {  	[tilespmem:s10], [sflag:$0x1] =	stream.indirect.gather [hbm4b:s4+s0], $0x80, s5, s0, $0xb8;
	[tilespmem:$0x1FD00] =	vst v63  }
0x179: {  	_ =	swait.ge @p1 [sflag:s12], $0x4000  }
0x17a: {  	[sflag:s12] =	ssyncset.done @p1 $0x0  }
0x17b: {  	[sflag:s12] =	ssyncadd.s32 @p1 $0xFFFFC000;
	s12 =	simm.s32 @p1 $0x6  }
0x17c: {  	_ =	swait.ge @p1 [sflag:s12], $0x80  }
0x17d: {  	[sflag:s12] =	ssyncset.done @p1 $0x0  }
0x17e: {  	[sflag:s12] =	ssyncadd.s32 @p1 $0xFFFFFF80  }
0x17f: {  	_ =	swait.ge @p1 [sflag:s12], $0x80  }
0x180: {  	s23 =	simm.s32 @p1 $0x300;
	[sflag:s12] =	ssyncset.done @p1 $0x0  }
0x181: {  	s29 =	simm.s32 @p1 $0x4400;
	[sflag:s12] =	ssyncadd.s32 @p1 $0xFFFFFF80;
	s12 =	simm.s32 @p1 $0x80  }
0x182: {  	[tilespmem:s29], [sflag:$0x2] =	stream.indirect.gather @p1 [hbm4b:s4+s12], $0x80, s23, s12, $0xb8;
	[tilespmem:$0x1FD00] =	vst v63  }
0x183: {  	s12 =	sadd.s32 @!p1 s28, s22  }
0x184: {  	s29 =	simm.s32 @!p1 $0x0;
	s23 =	sadd.s32 @!p1 $0x40, s12  }
0x185: {  	[tilespmem:s29], [sflag:$0x5] =	stream.linear.gather @!p1 [hbm4b:s23+s29], $0x80, $0x38;
	[tilespmem:$0x1FD00] =	vst v63  }
0x186: {  	s23 =	sadd.s32 @!p1 s28, s21  }
0x187: {  	s24 =	simm.s32 @!p1 $0x80;
	s30 =	sadd.s32 @!p1 $0x40, s23  }
0x188: {  	[tilespmem:s24], [sflag:$0x5] =	stream.linear.gather @!p1 [hbm4b:s30+s29], $0x80, $0x38;
	[tilespmem:$0x1FD00] =	vst v63  }
0x189: {  	s30 =	simm.s32 @!p1 $0x4  }
0x18a: {  	_ =	swait.ge @!p1 [sflag:s30], $0x4000  }
0x18b: {  	[sflag:s30] =	ssyncset.done @!p1 $0x0  }
0x18c: {  	[sflag:s30] =	ssyncadd.s32 @!p1 $0xFFFFC000;
	s30 =	simm.s32 @!p1 $0x6  }
0x18d: {  	_ =	swait.ge @!p1 [sflag:s30], $0x80  }
0x18e: {  	[sflag:s30] =	ssyncset.done @!p1 $0x0  }
0x18f: {  	[sflag:s30] =	ssyncadd.s32 @!p1 $0xFFFFFF80  }
0x190: {  	_ =	swait.ge @!p1 [sflag:s30], $0x80  }
0x191: {  	[sflag:s30] =	ssyncset.done @!p1 $0x0  }
0x192: {  	s26 =	simm.s32 @!p1 $0x4400;
	[sflag:s30] =	ssyncadd.s32 @!p1 $0xFFFFFF80;
	s30 =	simm.s32 @!p1 $0x300  }
0x193: {  	[tilespmem:s26], [sflag:$0x2] =	stream.indirect.gather @!p1 [hbm4b:s4+s24], $0x80, s30, s24, $0xb8;
	[tilespmem:$0x1FD00] =	vst v63  }
0x194: {  	s12 =	sadd.s32 @!p1 $0x50, s12;
	s24 =	simm.s32 @!p1 $0x100  }
0x195: {  	[tilespmem:s24], [sflag:$0x6] =	stream.linear.gather @!p1 [hbm4b:s12+s29], $0x80, $0x38;
	[tilespmem:$0x1FD00] =	vst v63  }
0x196: {  	s12 =	sadd.s32 @!p1 $0x50, s23;
	s23 =	simm.s32 @!p1 $0x180  }
0x197: {  	[tilespmem:s23], [sflag:$0x6] =	stream.linear.gather @!p1 [hbm4b:s12+s29], $0x80, $0x38;
	[tilespmem:$0x1FD00] =	vst v63  }
0x198: {  	_ =	swait.ge [sflag:s15], $0x4000  }
0x199: {  	[sflag:s15] =	ssyncset.done $0x0  }
0x19a: {  	[sflag:s15] =	ssyncadd.s32 $0xFFFFC000  }
0x19b: {  	[spmem:s1] =	stream.indirect.scatter.add.f32 [tilespmem:s10], [sflag:$0x3], $0x80, s25, s0, $0xb8;
	[tilespmem:$0x1FD00] =	vst v63  }
0x19c: {  	_ =	swait.ge [sflag:s16], $0x4000  }
0x19d: {  	[sflag:s16] =	ssyncset.done $0x0  }
.Ltmp10:
0x19e: {  	[sflag:s16] =	ssyncadd.s32 $0xFFFFC000;
	(pc) =	sbr.rel @p1 .LBB2_14-.Ltmp10, $4  }
0x19f: {  	[spmem:s1] =	stream.indirect.scatter.add.f32 [tilespmem:s11], [sflag:$0x4], $0x80, s14, s0, $0xb8;
	[tilespmem:$0x1FD00] =	vst v63  }
0x1a0: {  	_ =	swait.ge [sflag:s17], $0x4000  }
0x1a1: {  	[sflag:s17] =	ssyncset.done $0x0  }
0x1a2: {  	[sflag:s17] =	ssyncadd.s32 $0xFFFFC000  }
0x1a3: {  	_ =	swait.ge [sflag:s18], $0x80  }
0x1a4: {  	[sflag:s18] =	ssyncset.done $0x0  }
0x1a5: {  	[sflag:s18] =	ssyncadd.s32 $0xFFFFFF80  }
0x1a6: {  	_ =	swait.ge [sflag:s18], $0x80  }
0x1a7: {  	[sflag:s18] =	ssyncset.done $0x0  }
0x1a8: {  	s12 =	sadd.s32 s28, s22;
	[sflag:s18] =	ssyncadd.s32 $0xFFFFFF80  }
0x1a9: {  	[tilespmem:s10], [sflag:$0x1] =	stream.indirect.gather [hbm4b:s4+s0], $0x80, s2, s0, $0xb8;
	[tilespmem:$0x1FD00] =	vst v63  }
0x1aa: {  	s29 =	sadd.s32 s28, s21;
	s23 =	sadd.s32 $0x60, s12  }
0x1ab: {  	[tilespmem:s5], [sflag:$0x5] =	stream.linear.gather [hbm4b:s23+s2], $0x80, $0x38;
	[tilespmem:$0x1FD00] =	vst v63  }
0x1ac: {  	s24 =	sadd.s32 $0x60, s29  }
0x1ad: {  	[tilespmem:s25], [sflag:$0x5] =	stream.linear.gather [hbm4b:s24+s2], $0x80, $0x38;
	[tilespmem:$0x1FD00] =	vst v63  }
0x1ae: {  	_ =	swait.ge [sflag:s19], $0x4000  }
0x1af: {  	[sflag:s19] =	ssyncset.done $0x0  }
0x1b0: {  	[sflag:s19] =	ssyncadd.s32 $0xFFFFC000  }
0x1b1: {  	_ =	swait.ge [sflag:s20], $0x80  }
0x1b2: {  	[sflag:s20] =	ssyncset.done $0x0  }
0x1b3: {  	[sflag:s20] =	ssyncadd.s32 $0xFFFFFF80  }
0x1b4: {  	_ =	swait.ge [sflag:s20], $0x80  }
0x1b5: {  	[sflag:s20] =	ssyncset.done $0x0  }
0x1b6: {  	[sflag:s20] =	ssyncadd.s32 $0xFFFFFF80  }
0x1b7: {  	[tilespmem:s11], [sflag:$0x2] =	stream.indirect.gather [hbm4b:s4+s0], $0x80, s8, s0, $0xb8;
	[tilespmem:$0x1FD00] =	vst v63  }
.Ltmp11:
0x1b8: {  	_ = 	snop;
	(pc) =	sbr.rel .LBB2_13-.Ltmp11, $4  }
0x1b9: {  	s12 =	sadd.s32 $0x70, s12  }
0x1ba: {  	[tilespmem:s13], [sflag:$0x6] =	stream.linear.gather [hbm4b:s12+s2], $0x80, $0x38;
	[tilespmem:$0x1FD00] =	vst v63  }
0x1bb: {  	s28 =	sadd.s32 $0x40, s28;
	s30 =	sadd.s32 $0x70, s29  }
0x1bc: {  	[tilespmem:s14], [sflag:$0x6] =	stream.linear.gather [hbm4b:s30+s2], $0x80, $0x38;
	[tilespmem:$0x1FD00] =	vst v63  }
.LBB2_16:
0x1bd: {  	[tilespmem:s10], [sflag:$0x1] =	stream.indirect.gather [hbm4b:s7+s0], $0x80, s28, s0, $0xb8;
	[tilespmem:$0x1FD00] =	vst v63  }
0x1be: {  	_ = 	snop  }
0x1bf: {  	[tilespmem:s11], [sflag:$0x2] =	stream.indirect.gather [hbm4b:s7+s0], $0x80, s8, s0, $0xb8;
	[tilespmem:$0x1FD00] =	vst v63  }
0x1c0: {  	s12 =	rddreg [dreg:$0xc]  }
0x1c1: {  	[tilespmem:s5], [sflag:$0x5] =	stream.linear.gather [hbm4b:s12+s28], $0x80, $0x38;
	[tilespmem:$0x1FD00] =	vst v63  }
0x1c2: {  	s26 =	rddreg [dreg:$0xd]  }
0x1c3: {  	[tilespmem:s25], [sflag:$0x5] =	stream.linear.gather [hbm4b:s26+s28], $0x80, $0x38;
	[tilespmem:$0x1FD00] =	vst v63  }
0x1c4: {  	s29 =	rddreg [dreg:$0xe]  }
0x1c5: {  	[tilespmem:s13], [sflag:$0x6] =	stream.linear.gather [hbm4b:s29+s28], $0x80, $0x38;
	[tilespmem:$0x1FD00] =	vst v63  }
0x1c6: {  	s30 =	rddreg [dreg:$0xf]  }
0x1c7: {  	[tilespmem:s14], [sflag:$0x6] =	stream.linear.gather [hbm4b:s30+s28], $0x80, $0x38;
	[tilespmem:$0x1FD00] =	vst v63  }
.LBB2_17:
0x1c8: {  	_ =	swait.ge [sflag:s15], $0x4000  }
0x1c9: {  	[sflag:s15] =	ssyncset.done $0x0  }
0x1ca: {  	[sflag:s15] =	ssyncadd.s32 $0xFFFFC000  }
0x1cb: {  	[spmem:s1] =	stream.indirect.scatter.add.f32 [tilespmem:s10], [sflag:$0x3], $0x80, s0, s0, $0xb8;
	[tilespmem:$0x1FD00] =	vst v63  }
0x1cc: {  	_ =	swait.ge [sflag:s16], $0x4000  }
0x1cd: {  	[sflag:s16] =	ssyncset.done $0x0  }
0x1ce: {  	[sflag:s16] =	ssyncadd.s32 $0xFFFFC000  }
0x1cf: {  	[spmem:s1] =	stream.indirect.scatter.add.f32 [tilespmem:s11], [sflag:$0x4], $0x80, s9, s0, $0xb8;
	[tilespmem:$0x1FD00] =	vst v63  }
0x1d0: {  	_ =	swait.ge [sflag:s17], $0x4000  }
0x1d1: {  	[sflag:s17] =	ssyncset.done $0x0  }
0x1d2: {  	[sflag:s17] =	ssyncadd.s32 $0xFFFFC000  }
0x1d3: {  	_ =	swait.ge [sflag:s18], $0x80  }
0x1d4: {  	[sflag:s18] =	ssyncset.done $0x0  }
0x1d5: {  	[sflag:s18] =	ssyncadd.s32 $0xFFFFFF80  }
0x1d6: {  	_ =	swait.ge [sflag:s18], $0x80  }
0x1d7: {  	p1 =	seq.s32 s28, $0x4C0;
	[sflag:s18] =	ssyncset.done $0x0  }
0x1d8: {  	s12 =	simm.s32 @p1 $0x4;
	[sflag:s18] =	ssyncadd.s32 $0xFFFFFF80  }
0x1d9: {  	[tilespmem:s10], [sflag:$0x1] =	stream.indirect.gather [hbm4b:s7+s0], $0x80, s5, s0, $0xb8;
	[tilespmem:$0x1FD00] =	vst v63  }
0x1da: {  	_ =	swait.ge @p1 [sflag:s12], $0x4000  }
0x1db: {  	[sflag:s12] =	ssyncset.done @p1 $0x0  }
0x1dc: {  	[sflag:s12] =	ssyncadd.s32 @p1 $0xFFFFC000;
	s12 =	simm.s32 @p1 $0x6  }
0x1dd: {  	_ =	swait.ge @p1 [sflag:s12], $0x80  }
0x1de: {  	[sflag:s12] =	ssyncset.done @p1 $0x0  }
0x1df: {  	[sflag:s12] =	ssyncadd.s32 @p1 $0xFFFFFF80  }
0x1e0: {  	_ =	swait.ge @p1 [sflag:s12], $0x80  }
0x1e1: {  	s23 =	simm.s32 @p1 $0x300;
	[sflag:s12] =	ssyncset.done @p1 $0x0  }
0x1e2: {  	s24 =	simm.s32 @p1 $0x4400;
	[sflag:s12] =	ssyncadd.s32 @p1 $0xFFFFFF80;
	s12 =	simm.s32 @p1 $0x80  }
0x1e3: {  	[tilespmem:s24], [sflag:$0x2] =	stream.indirect.gather @p1 [hbm4b:s7+s12], $0x80, s23, s12, $0xb8;
	[tilespmem:$0x1FD00] =	vst v63  }
0x1e4: {  	s12 =	sadd.s32 @!p1 s28, s22  }
0x1e5: {  	s24 =	simm.s32 @!p1 $0x0;
	s23 =	sadd.s32 @!p1 $0x40, s12  }
0x1e6: {  	[tilespmem:s24], [sflag:$0x5] =	stream.linear.gather @!p1 [hbm4b:s23+s24], $0x80, $0x38;
	[tilespmem:$0x1FD00] =	vst v63  }
0x1e7: {  	s23 =	sadd.s32 @!p1 s28, s21  }
0x1e8: {  	s29 =	simm.s32 @!p1 $0x80;
	s26 =	sadd.s32 @!p1 $0x40, s23  }
0x1e9: {  	[tilespmem:s29], [sflag:$0x5] =	stream.linear.gather @!p1 [hbm4b:s26+s24], $0x80, $0x38;
	[tilespmem:$0x1FD00] =	vst v63  }
0x1ea: {  	s26 =	simm.s32 @!p1 $0x4  }
0x1eb: {  	_ =	swait.ge @!p1 [sflag:s26], $0x4000  }
0x1ec: {  	[sflag:s26] =	ssyncset.done @!p1 $0x0  }
0x1ed: {  	[sflag:s26] =	ssyncadd.s32 @!p1 $0xFFFFC000;
	s26 =	simm.s32 @!p1 $0x6  }
0x1ee: {  	_ =	swait.ge @!p1 [sflag:s26], $0x80  }
0x1ef: {  	[sflag:s26] =	ssyncset.done @!p1 $0x0  }
0x1f0: {  	[sflag:s26] =	ssyncadd.s32 @!p1 $0xFFFFFF80  }
0x1f1: {  	_ =	swait.ge @!p1 [sflag:s26], $0x80  }
0x1f2: {  	[sflag:s26] =	ssyncset.done @!p1 $0x0  }
0x1f3: {  	s30 =	simm.s32 @!p1 $0x4400;
	[sflag:s26] =	ssyncadd.s32 @!p1 $0xFFFFFF80;
	s26 =	simm.s32 @!p1 $0x300  }
0x1f4: {  	[tilespmem:s30], [sflag:$0x2] =	stream.indirect.gather @!p1 [hbm4b:s7+s29], $0x80, s26, s29, $0xb8;
	[tilespmem:$0x1FD00] =	vst v63  }
0x1f5: {  	s12 =	sadd.s32 @!p1 $0x50, s12;
	s26 =	simm.s32 @!p1 $0x100  }
0x1f6: {  	[tilespmem:s26], [sflag:$0x6] =	stream.linear.gather @!p1 [hbm4b:s12+s24], $0x80, $0x38;
	[tilespmem:$0x1FD00] =	vst v63  }
0x1f7: {  	s12 =	sadd.s32 @!p1 $0x50, s23;
	s23 =	simm.s32 @!p1 $0x180  }
0x1f8: {  	[tilespmem:s23], [sflag:$0x6] =	stream.linear.gather @!p1 [hbm4b:s12+s24], $0x80, $0x38;
	[tilespmem:$0x1FD00] =	vst v63  }
0x1f9: {  	_ =	swait.ge [sflag:s15], $0x4000  }
0x1fa: {  	[sflag:s15] =	ssyncset.done $0x0  }
0x1fb: {  	[sflag:s15] =	ssyncadd.s32 $0xFFFFC000  }
0x1fc: {  	[spmem:s1] =	stream.indirect.scatter.add.f32 [tilespmem:s10], [sflag:$0x3], $0x80, s25, s0, $0xb8;
	[tilespmem:$0x1FD00] =	vst v63  }
0x1fd: {  	_ =	swait.ge [sflag:s16], $0x4000  }
0x1fe: {  	[sflag:s16] =	ssyncset.done $0x0  }
.Ltmp12:
0x1ff: {  	[sflag:s16] =	ssyncadd.s32 $0xFFFFC000;
	(pc) =	sbr.rel @p1 .LBB2_18-.Ltmp12, $4  }
0x200: {  	[spmem:s1] =	stream.indirect.scatter.add.f32 [tilespmem:s11], [sflag:$0x4], $0x80, s14, s0, $0xb8;
	[tilespmem:$0x1FD00] =	vst v63  }
0x201: {  	_ =	swait.ge [sflag:s17], $0x4000  }
0x202: {  	[sflag:s17] =	ssyncset.done $0x0  }
0x203: {  	[sflag:s17] =	ssyncadd.s32 $0xFFFFC000  }
0x204: {  	_ =	swait.ge [sflag:s18], $0x80  }
0x205: {  	[sflag:s18] =	ssyncset.done $0x0  }
0x206: {  	[sflag:s18] =	ssyncadd.s32 $0xFFFFFF80  }
0x207: {  	_ =	swait.ge [sflag:s18], $0x80  }
0x208: {  	[sflag:s18] =	ssyncset.done $0x0  }
0x209: {  	s12 =	sadd.s32 s28, s22;
	[sflag:s18] =	ssyncadd.s32 $0xFFFFFF80  }
0x20a: {  	[tilespmem:s10], [sflag:$0x1] =	stream.indirect.gather [hbm4b:s7+s0], $0x80, s2, s0, $0xb8;
	[tilespmem:$0x1FD00] =	vst v63  }
0x20b: {  	s29 =	sadd.s32 s28, s21;
	s23 =	sadd.s32 $0x60, s12  }
0x20c: {  	[tilespmem:s5], [sflag:$0x5] =	stream.linear.gather [hbm4b:s23+s2], $0x80, $0x38;
	[tilespmem:$0x1FD00] =	vst v63  }
0x20d: {  	s24 =	sadd.s32 $0x60, s29  }
0x20e: {  	[tilespmem:s25], [sflag:$0x5] =	stream.linear.gather [hbm4b:s24+s2], $0x80, $0x38;
	[tilespmem:$0x1FD00] =	vst v63  }
0x20f: {  	_ =	swait.ge [sflag:s19], $0x4000  }
0x210: {  	[sflag:s19] =	ssyncset.done $0x0  }
0x211: {  	[sflag:s19] =	ssyncadd.s32 $0xFFFFC000  }
0x212: {  	_ =	swait.ge [sflag:s20], $0x80  }
0x213: {  	[sflag:s20] =	ssyncset.done $0x0  }
0x214: {  	[sflag:s20] =	ssyncadd.s32 $0xFFFFFF80  }
0x215: {  	_ =	swait.ge [sflag:s20], $0x80  }
0x216: {  	[sflag:s20] =	ssyncset.done $0x0  }
0x217: {  	[sflag:s20] =	ssyncadd.s32 $0xFFFFFF80  }
0x218: {  	[tilespmem:s11], [sflag:$0x2] =	stream.indirect.gather [hbm4b:s7+s0], $0x80, s8, s0, $0xb8;
	[tilespmem:$0x1FD00] =	vst v63  }
.Ltmp13:
0x219: {  	_ = 	snop;
	(pc) =	sbr.rel .LBB2_17-.Ltmp13, $4  }
0x21a: {  	s12 =	sadd.s32 $0x70, s12  }
0x21b: {  	[tilespmem:s13], [sflag:$0x6] =	stream.linear.gather [hbm4b:s12+s2], $0x80, $0x38;
	[tilespmem:$0x1FD00] =	vst v63  }
0x21c: {  	s28 =	sadd.s32 $0x40, s28;
	s30 =	sadd.s32 $0x70, s29  }
0x21d: {  	[tilespmem:s14], [sflag:$0x6] =	stream.linear.gather [hbm4b:s30+s2], $0x80, $0x38;
	[tilespmem:$0x1FD00] =	vst v63  }
.LBB2_14:
.Ltmp14:
0x21e: {  	(pc) =	sbr.rel .LBB2_19-.Ltmp14, $3  }
0x21f: {  	_ =	sdelay $0x1  }
0x220: {  	s28 =	rddreg [dreg:$0x4]  }
0x221: {  	s23 =	rddreg [dreg:$0x16]  }
.LBB2_20:
0x222: {  	_ =	sfence.sel $0x180000  }
0x223: {  	[bflag:$0x0] =	sbarrier.arrive $0xFFFF  }
0x224: {  	_ =	strace $0x9000004D  }
0x225: {  	s0 =	stileid.u32;
	[bflag:$0x2] =	sbarrier.arrive $0xFFFF  }
0x226: {  	p0 =	sne.s32 s0, $0x0;
	s0 =	rddreg [dreg:$0x2]  }
0x227: {  	s0 =	sadd.s32 @!p0 $0x100000, s0  }
0x228: {  	[sflag:s0] =	ssyncadd.tile.s32 @!p0 $0x1;
	_ =	shalt  }
.Lfunc_end2:
_tile_overlayer_lowered:
.L_overlay_start_2:
0x229: {  	(tag) =	ssettag $0x2  }
0x22a: {  	s0 =	rddreg [dreg:$0x0];
	s2 =	stileid.u32  }
0x22b: {  	s1 =	rddreg [dreg:$0x1];
	p0 =	sne.s32 s2, $0x0  }
0x22c: {  	s3 =	rddreg [dreg:$0x2];
	[bflag:$0x3] =	sbarrier.arrive $0xFFFF;
	s2 =	simm.s32 @!p0 $0x1C07  }
0x22d: {  	[timem:s3], [sflag:s2] =	dma.local @!p0 [hbm:s0], s1  }
0x22e: {  	s0 =	simm.s32 @!p0 $0x7  }
0x22f: {  	_ =	swait.ge @!p0 [sflag:s0], s1  }
0x230: {  	s1 =	ssub.s32 @!p0 $0x0, s1;
	[sflag:s0] =	ssyncset.done @!p0 $0x0  }
0x231: {  	[sflag:s0] =	ssyncadd.s32 @!p0 s1  }
0x232: {  	[bflag:$0x3] =	sbarrier.arrive $0xFFFF  }
0x233: {  	_ =	shalt  }

// kernel: kernel.19.cloned.1.call-start
scs
__scs_entry_jumppad:
0x0: {  	(pc) =	sbr.rel $0x88, $3  }
0x1: {  	(tag) =	ssettag $0x0;
	lr =	simm.s32 $0x1  }
0x2: {  	[smem:$0x3F99] =	sst lr;
	_ =	strace $0xD0000000  }
0x3: {  	_ = 	snop  }
0x4: {  	_ = 	snop  }
0x5: {  	_ = 	snop  }
0x6: {  	_ = 	snop  }
0x7: {  	_ = 	snop  }
__scs_overlays_trampoline_lowered:
0x8: {  	[smem:$0x3FA8] =	sst s0  }
0x9: {  	[smem:$0x3FA9] =	sst s1  }
0xa: {  	[smem:$0x3FAA] =	sst s2  }
0xb: {  	[smem:$0x3FAB] =	sst s3  }
0xc: {  	[smem:$0x3FAC] =	sst s4  }
0xd: {  	[smem:$0x3FAD] =	sst s5  }
0xe: {  	[smem:$0x3FAE] =	sst s6  }
0xf: {  	[smem:$0x3FAF] =	sst s7  }
0x10: {  	[smem:$0x3FB0] =	sst s8  }
0x11: {  	[smem:$0x3FB1] =	sst s9;
	s0 =	simm.s32 @!p0 $0x0  }
0x12: {  	s1 =	sld [smem:$0x3F97];
	s0 =	simm.s32 @p0 $0x1  }
0x13: {  	[smem:$0x3FB2] =	sst s0;
	s0 =	simm.s32 @!p1 $0x0  }
0x14: {  	s2 =	sld [smem:$0x3F96];
	s0 =	simm.s32 @p1 $0x1  }
0x15: {  	[smem:$0x3FB3] =	sst s0;
	s0 =	simm.s32 @!p2 $0x0  }
0x16: {  	s3 =	sld [smem:$0x3FDB];
	s0 =	simm.s32 @p2 $0x1  }
0x17: {  	s4 =	simm.s32 $0x1BF5;
	[smem:$0x3FB5] =	sst s0  }
0x18: {  	s0 =	sld [smem:$0x3F98];
	_ =	swait.ge [sflag:s4], $0x0  }
0x19: {  	s7 =	sld [smem:$0x3F99]  }
0x1a: {  	s8 =	sadd.s32 $0xFFFFE003, lr  }
0x1b: {  	s9 =	sadd.s32 $0xFFFFFEF7, lr;
	s5 =	simm.s32 $0xFFFFFFFF;
	p2 =	slt.u32 s8, $0xFFFFF086  }
0x1c: {  	p1 =	slt.u32 s9, $0xF7A;
	s5 =	simm.s32 @!p2 $0x0  }
0x1d: {  	s5 =	simm.s32 @p1 $0x1;
	p0 =	seq.s32 s7, s2  }
0x1e: {  	s7 =	smul.u32 @!p0 $0xF7A, s2;
	p2 =	seq.s32 @!p0 s5, $0x0  }
0x1f: {  	s9 =	smul.u32 $0xF7A, s1;
	s8 =	simm.s32 @!p0 $0x1BF5;
	p2 =	por !p2, p0  }
0x20: {  	[sflag:s8] =	ssyncset.s32 @!p0 $0xFFFFF086;
	s6 =	sadd.s32 @!p0 s3, s7;
	s7 =	simm.s32 @!p0 $0x108  }
0x21: {  	s3 =	sadd.s32 s3, s9;
	s6 =	sadd.s32 @!p0 $0x88, s6;
	s7 =	simm.s32 @p2 $0x1082  }
0x22: {  	[simem:s7], [sflag:s8] =	dma.local @!p0 [hbm:s6], $0xF7A  }
0x23: {  	s9 =	sor.u32 $0xD0000000, s2;
	s6 =	simm.s32 $0x108;
	_ =	swait.ge @!p0 [sflag:s8], $0x0  }
0x24: {  	s3 =	sadd.s32 $0x88, s3;
	s6 =	simm.s32 @!p1 $0x1082;
	[sflag:s4] =	ssyncset.s32 $0xFFFFF086  }
0x25: {  	[simem:s6], [sflag:s4] =	dma.local [hbm:s3], $0xF7A  }
0x26: {  	[smem:$0x3F99] =	sst s1;
	(tag) =	ssettag s2;
	_ =	strace s9  }
0x27: {  	s1 =	sld [smem:$0x3FA9]  }
0x28: {  	s2 =	sld [smem:$0x3FAA]  }
0x29: {  	s4 =	sld [smem:$0x3FAC]  }
0x2a: {  	p0 =	seq.s32 s5, $0x0;
	s5 =	sld [smem:$0x3FAD]  }
0x2b: {  	s6 =	sld [smem:$0x3FAE]  }
0x2c: {  	s7 =	sld [smem:$0x3FAF]  }
0x2d: {  	s3 =	simm.s32 $0x108;
	s8 =	sld [smem:$0x3FB0]  }
0x2e: {  	s3 =	simm.s32 @!p0 $0x1082;
	s9 =	sld [smem:$0x3FB1]  }
0x2f: {  	lr =	sadd.s32 s0, s3;
	s0 =	sld [smem:$0x3FA8]  }
0x30: {  	s3 =	sld [smem:$0x3FAB]  }
0x31: {  	[smem:$0x3FB4] =	sst s10  }
0x32: {  	s10 =	sld [smem:$0x3FB2];
	_ =	sdelay $0x3  }
0x33: {  	p0 =	seq.s32 s10, $0x1;
	s10 =	sld [smem:$0x3FB4];
	_ =	sdelay $0x3  }
0x34: {  	[smem:$0x3FB4] =	sst s10  }
0x35: {  	s10 =	sld [smem:$0x3FB3];
	_ =	sdelay $0x3  }
0x36: {  	p1 =	seq.s32 s10, $0x1;
	s10 =	sld [smem:$0x3FB4];
	_ =	sdelay $0x3  }
0x37: {  	[smem:$0x3FB4] =	sst s10  }
0x38: {  	s10 =	sld [smem:$0x3FB5]  }
0x39: {  	_ = 	snop;
	(pc) =	sbr.ind lr, $3  }
0x3a: {  	_ = 	snop  }
0x3b: {  	_ = 	snop  }
0x3c: {  	p2 =	seq.s32 s10, $0x1;
	s10 =	sld [smem:$0x3FB4]  }
0x3d: {  	_ =	shalt  }
0x3e: {  	_ =	shalt  }
0x3f: {  	_ =	shalt  }
0x40: {  	_ =	shalt  }
0x41: {  	_ =	shalt  }
0x42: {  	_ =	shalt  }
0x43: {  	_ =	shalt  }
0x44: {  	_ =	shalt  }
0x45: {  	_ =	shalt  }
0x46: {  	_ =	shalt  }
0x47: {  	_ =	shalt  }
0x48: {  	_ =	shalt  }
0x49: {  	_ =	shalt  }
0x4a: {  	_ =	shalt  }
0x4b: {  	_ =	shalt  }
0x4c: {  	_ =	shalt  }
0x4d: {  	_ =	shalt  }
0x4e: {  	_ =	shalt  }
0x4f: {  	_ =	shalt  }
0x50: {  	_ =	shalt  }
0x51: {  	_ =	shalt  }
0x52: {  	_ =	shalt  }
0x53: {  	_ =	shalt  }
0x54: {  	_ =	shalt  }
0x55: {  	_ =	shalt  }
0x56: {  	_ =	shalt  }
0x57: {  	_ =	shalt  }
0x58: {  	_ =	shalt  }
0x59: {  	_ =	shalt  }
0x5a: {  	_ =	shalt  }
0x5b: {  	_ =	shalt  }
0x5c: {  	_ =	shalt  }
0x5d: {  	_ =	shalt  }
0x5e: {  	_ =	shalt  }
0x5f: {  	_ =	shalt  }
0x60: {  	_ =	shalt  }
0x61: {  	_ =	shalt  }
0x62: {  	_ =	shalt  }
0x63: {  	_ =	shalt  }
0x64: {  	_ =	shalt  }
0x65: {  	_ =	shalt  }
0x66: {  	_ =	shalt  }
0x67: {  	_ =	shalt  }
0x68: {  	_ =	shalt  }
0x69: {  	_ =	shalt  }
0x6a: {  	_ =	shalt  }
0x6b: {  	_ =	shalt  }
0x6c: {  	_ =	shalt  }
0x6d: {  	_ =	shalt  }
0x6e: {  	_ =	shalt  }
0x6f: {  	_ =	shalt  }
0x70: {  	_ =	shalt  }
0x71: {  	_ =	shalt  }
0x72: {  	_ =	shalt  }
0x73: {  	_ =	shalt  }
0x74: {  	_ =	shalt  }
0x75: {  	_ =	shalt  }
0x76: {  	_ =	shalt  }
0x77: {  	_ =	shalt  }
0x78: {  	_ =	shalt  }
0x79: {  	_ =	shalt  }
0x7a: {  	_ =	shalt  }
0x7b: {  	_ =	shalt  }
0x7c: {  	_ =	shalt  }
0x7d: {  	_ =	shalt  }
0x7e: {  	_ =	shalt  }
0x7f: {  	_ =	shalt  }
0x80: {  	_ =	shalt  }
0x81: {  	_ =	shalt  }
0x82: {  	_ =	shalt  }
0x83: {  	_ =	shalt  }
0x84: {  	_ =	shalt  }
0x85: {  	_ =	shalt  }
0x86: {  	_ =	shalt  }
0x87: {  	_ =	shalt  }
.Lfunc_end0:
.L_simem_size_0:
called_computation.3_lowered:
.L_overlay_start_0:
0x88: {  	s2 =	sld [smem:$0x3FD9]  }
0x89: {  	s3 =	sld [smem:$0x3FFE];
	_ =	sdelay $0x1  }
0x8a: {  	s1 =	srdreg.scid  }
0x8b: {  	s0 =	sand.u32 $0x1, s1  }
0x8c: {  	s16 =	sshll.u32 s0, $0xA;
	s2 =	sadd.s32 s3, s2  }
0x8d: {  	s2 =	sadd.s32 s2, s16  }
0x8e: {  	[smem:$0x3FC0] =	sst s2  }
0x8f: {  	_ = 	snop  }
0x90: {  	(tm) =	ssettm $0x1  }
0x91: {  	s17 =	sld [smem:$0x3FFB];
	_ =	sdelay $0x3  }
0x92: {  	_ =	strace s17  }
0x93: {  	s2 =	sld [smem:$0x3FFC];
	_ =	sdelay $0x3  }
0x94: {  	_ =	strace s2  }
0x95: {  	s2 =	sld [smem:$0x3FFD];
	_ =	sdelay $0x3  }
0x96: {  	_ =	strace s2  }
0x97: {  	_ =	strace $0x8FFFFFFF  }
0x98: {  	s18 =	sld [smem:$0x3FDB];
	_ =	sdelay $0x1  }
0x99: {  	s19 =	simm.s32 $_scs_section_size  }
0x9a: {  	s4 =	simm.s32 $_size__tile_overlayer_lowered;
	s5 =	simm.s32 $_tile_overlayer_lowered  }
0x9b: {  	s22 =	simm.s32 $0x1BFF;
	s21 =	sshll.u32 s5, $0x1;
	s2 =	sadd.s32 s19, s18  }
0x9c: {  	s6 =	simm.s32 $0x0;
	s20 =	sshll.u32 s4, $0x1;
	s4 =	sadd.s32 s21, s2  }
0x9d: {  	[timem:s6], [sflag:s22] =	dma.local [hbm:s4], s20  }
0x9e: {  	_ =	swait.ge [sflag:s22], s20  }
0x9f: {  	s3 =	ssub.s32 $0x0, s20;
	[sflag:s22] =	ssyncset.done $0x0  }
0xa0: {  	[sflag:s22] =	ssyncadd.s32 s3;
	_ =	sdelay $0x1  }
0xa1: {  	s23 =	simm.s32 $0x1B8B  }
0xa2: {  	_ =	swait.ge [sflag:s23], $0x1  }
0xa3: {  	[sflag:s23] =	ssyncset.done $0x0  }
0xa4: {  	s25 =	simm.s32 $0x1B8E;
	s24 =	sld [smem:$0x3FFE];
	[sflag:s23] =	ssyncadd.s32 $0xFFFFFFFF  }
0xa5: {  	s26 =	simm.s32 $execute0_lowered;
	[smem:$0x3FD2] =	sst s25  }
0xa6: {  	s4 =	sshll.u32 s26, $0x1;
	_ =	strace $0x8000004F;
	[dreg:$0x1] =	wrdreg $0xFFFFFFFF  }
0xa7: {  	s28 =	simm.s32 $_size_execute0_lowered;
	s2 =	sadd.s32 s2, s4;
	[dreg:$0x0] =	wrdreg $0x0  }
0xa8: {  	s4 =	sshll.u32 s28, $0x1;
	[dreg:$0x2] =	wrdreg s2  }
0xa9: {  	[dreg:$0x3] =	wrdreg s4  }
0xaa: {  	[dreg:$0x4] =	wrdreg $0xC0  }
0xab: {  	_ =	task [dreg:s6], $0x5FFFF  }
0xac: {  	[dreg:$0x1] =	wrdreg $0xFFFFFFFF  }
0xad: {  	[dreg:$0x0] =	wrdreg $0x60  }
0xae: {  	[dreg:$0x2] =	wrdreg s24  }
0xaf: {  	[dreg:$0x3] =	wrdreg $0xC4000  }
0xb0: {  	[dreg:$0x4] =	wrdreg $0x9  }
0xb1: {  	_ =	task.clear_ibuf [dreg:s6], $0x5FFFF;
	_ =	strace $0x9000004F  }
0xb2: {  	s29 =	simm.s32 $0x9;
	_ =	strace $0x80000051  }
0xb3: {  	_ =	swait.ge [sflag:s29], $0x1  }
0xb4: {  	[sflag:s29] =	ssyncadd.s32 $0xFFFFFFFF  }
0xb5: {  	_ =	strace $0x90000051  }
0xb6: {  	_ =	sfence  }
0xb7: {  	s30 =	sld [smem:$0x0];
	_ =	sdelay $0x2  }
0xb8: {  	s31 =	sshll.u32 s1, $0xD;
	s1 =	sshrl.u32 s1, $0x2  }
0xb9: {  	s3 =	sand.u32 $0x4000, s31;
	s1 =	sadd.s32 s1, s30  }
0xba: {  	s0 =	sor.u32 s3, s0;
	s1 =	sshll.u32 s1, $0x11  }
0xbb: {  	s0 =	sor.u32 s1, s0  }
0xbc: {  	s0 =	sadd.s32 $0x8F2B, s0  }
0xbd: {  	[sflag:s0] =	ssyncadd.remote.s32 $0x1  }
0xbe: {  	_ =	sfence.sel $0xFFFF  }
0xbf: {  	[dreg:$0x0] =	wrdreg $0xFFFFFFFF;
	(pc) =	sbr.abs _section_cstart, $3  }
0xc0: {  	[dreg:$0x1] =	wrdreg $0xFFFFFFFF  }
0xc1: {  	_ =	task.clear_ibuf [dreg:s6], $0x2FFFF;
	_ =	strace $0x9FFFFFFF  }
0xc2: {  	(tm) =	ssettm $0x7FFFFFFF  }
0xc3: {  	_ =	shalt  }
tec
execute0_lowered:
.L_overlay_start_1:
0x0: {  	(tag) =	ssettag $0x1  }
0x1: {  	s0 =	rddreg [dreg:$0x0]  }
0x2: {  	s1 =	rddreg [dreg:$0x1]  }
0x3: {  	s3 =	simm.s32 $0x0;
	s2 =	srdreg.scid;
	s11 =	stileid.u32  }
0x4: {  	s30 =	simm.s32 $0x7;
	s31 =	simm.s32 $0x80;
	s7 =	smul.u32 $0x13C00, s11  }
0x5: {  	[smem:$0x7FF] =	sst s3;
	s2 =	sand.u32 $0x1, s2;
	s25 =	smul.u32 $0x4E200, s11  }
0x6: {  	s6 =	sadd.s32 $0x58400, s0;
	s8 =	sadd.s32 $0x53400, s0;
	s13 =	smul.u32 $0x1400, s11  }
0x7: {  	s4 =	sadd.s32 $0x4400, s0;
	s5 =	smul.u32 $0x13C000, s2;
	_ =	strace $0x80000050  }
0x8: {  	s9 =	sshll.u32 s2, $0x4;
	s10 =	ssub.s32 $0x2, s2;
	s2 =	smul.u32 $0x14000, s2  }
0x9: {  	s24 =	sor.u32 s11, s9;
	s26 =	sshrl.u32 s10, $0x1;
	s9 =	sshrl.u32 s25, $0x2  }
0xa: {  	s11 =	simm.s32 $0x380;
	s5 =	sadd.s32 s7, s5;
	s7 =	smul.u32 $0x1400, s24  }
0xb: {  	s29 =	sadd.s32 s9, s1;
	s2 =	sadd.s32 s13, s2;
	s13 =	simm.s32 $0x2  }
0xc: {  	s5 =	sshrl.u32 s5, $0x3;
	s9 =	sadd.s32 $0x3E80, s29;
	s18 =	sor.u32 $0x380, s2  }
0xd: {  	s20 =	sor.u32 $0x300, s2;
	s22 =	sor.u32 $0x280, s2;
	s2 =	sor.u32 $0x200, s2  }
0xe: {  	s24 =	sadd.s32 $0x7D00, s29;
	[dreg:$0x3] =	wrdreg s29;
	s0 =	sadd.s32 s5, s0  }
0xf: {  	s5 =	ssub.s32 s10, s26;
	s7 =	sshrl.u32 s7, $0x3;
	[dreg:$0x4] =	wrdreg s9  }
0x10: {  	s19 =	sshrl.u32 s18, $0x3;
	s21 =	sshrl.u32 s20, $0x3;
	s23 =	sshrl.u32 s22, $0x3  }
0x11: {  	s2 =	sshrl.u32 s2, $0x3;
	[dreg:$0xd] =	wrdreg s24;
	s26 =	sadd.s32 $0xBB80, s29  }
0x12: {  	s24 =	simm.s32 $0x4;
	s28 =	sadd.s32 s6, s7;
	s10 =	sadd.s32 s8, s7  }
0x13: {  	s12 =	sor.u32 $0x10, s7;
	s15 =	sor.u32 $0x20, s7;
	[dreg:$0x10] =	wrdreg s26  }
0x14: {  	s7 =	sor.u32 $0x30, s7;
	s18 =	sadd.s32 s21, s6;
	[dreg:$0x5] =	wrdreg s28  }
0x15: {  	s20 =	sadd.s32 s23, s6;
	s0 =	sadd.s32 $0xAB600, s0;
	[dreg:$0x6] =	wrdreg s10  }
0x16: {  	s22 =	sadd.s32 s2, s6;
	s25 =	smax.u32 s5, $0x1;
	[dreg:$0xe] =	wrdreg s0  }
0x17: {  	s26 =	simm.s32 $0x0;
	s14 =	sadd.s32 s6, s12;
	[dreg:$0xf] =	wrdreg s25  }
0x18: {  	s9 =	sadd.s32 s8, s12;
	s16 =	sadd.s32 s6, s15;
	[dreg:$0x7] =	wrdreg s14  }
0x19: {  	s17 =	sadd.s32 s6, s7;
	s7 =	sadd.s32 s8, s7;
	[dreg:$0x8] =	wrdreg s9  }
0x1a: {  	s28 =	sadd.s32 $0xFA00, s29;
	s0 =	simm.s32 $0x100;
	[dreg:$0x9] =	wrdreg s16  }
0x1b: {  	s10 =	simm.s32 $0x300;
	s12 =	simm.s32 $0x1;
	[dreg:$0xb] =	wrdreg s17  }
0x1c: {  	s25 =	simm.s32 $0x6;
	s9 =	sadd.s32 s8, s15;
	[dreg:$0xc] =	wrdreg s7  }
.Ltmp0:
0x1d: {  	s15 =	sadd.s32 s19, s8;
	s16 =	sadd.s32 s19, s6;
	(pc) =	sbr.rel .LBB2_1-.Ltmp0, $4  }
0x1e: {  	s17 =	sadd.s32 s21, s8;
	s19 =	sadd.s32 s23, s8;
	s21 =	sadd.s32 s2, s8  }
0x1f: {  	[dreg:$0x11] =	wrdreg s28;
	s2 =	simm.s32 $0x180;
	s6 =	simm.s32 $0x400  }
0x20: {  	s7 =	simm.s32 $0x4400;
	s8 =	simm.s32 $0x200;
	s14 =	simm.s32 $0x3  }
0x21: {  	v0 =	vimm.f32 $0.0e+00;
	s23 =	simm.s32 $0x5;
	[dreg:$0xa] =	wrdreg s9;
	s9 =	simm.s32 $0x280  }
.LBB2_6:
0x22: {  	_ =	swait.ge [sflag:s24], $0x4000  }
0x23: {  	[sflag:s24] =	ssyncset.done $0x0  }
0x24: {  	[sflag:s24] =	ssyncadd.s32 $0xFFFFC000  }
0x25: {  	s5 =	stileid.u32;
	[bflag:$0x0] =	sbarrier.arrive $0xFFFF  }
0x26: {  	s30 =	simm.s32 $0x7;
	s5 =	sshll.u32 s5, $0x6;
	s29 =	rddreg [dreg:$0x3]  }
0x27: {  	s5 =	sor.u32 $0x1C07, s5;
	s28 =	rddreg [dreg:$0xe];
	s26 =	sshrl.u32 s29, $0x3  }
0x28: {  	[hbm:s28], [sflag:s5] =	dma.local [spmem:s26], $0x2710  }
0x29: {  	_ =	swait.ge [sflag:s30], $0x2710  }
0x2a: {  	s5 =	rddreg [dreg:$0x12]  }
0x2b: {  	s28 =	rddreg [dreg:$0xf];
	s26 =	sadd.s32 $0x1, s5  }
0x2c: {  	p0 =	sne.s32 s26, s28  }
.Ltmp1:
0x2d: {  	_ = 	snop;
	(pc) =	sbr.rel @!p0 .LBB2_7-.Ltmp1, $3  }
0x2e: {  	_ =	sdelay $0x1  }
0x2f: {  	[sflag:s30] =	ssyncset.done $0x0  }
0x30: {  	[sflag:s30] =	ssyncadd.s32 $0xFFFFD8F0  }
.LBB2_1:
0x31: {  	[dreg:$0x12] =	wrdreg s26;
	s28 =	simm.s32 $0x0;
	s5 =	simm.s32 $0x200  }
.LBB2_2:
0x32: {  	p0 =	sne.s32 s5, $0xF800;
	[tilespmem:s28+$0x8470] =	vst v0  }
0x33: {  	[tilespmem:s28+$0x8400] =	vst v0  }
0x34: {  	[tilespmem:s28+$0x8410] =	vst v0  }
.Ltmp2:
0x35: {  	[tilespmem:s28+$0x8420] =	vst v0;
	(pc) =	sbr.rel @p0 .LBB2_2-.Ltmp2, $4  }
0x36: {  	[tilespmem:s28+$0x8430] =	vst v0  }
0x37: {  	[tilespmem:s28+$0x8440] =	vst v0  }
0x38: {  	[tilespmem:s28+$0x8450] =	vst v0  }
0x39: {  	[tilespmem:s28+$0x8460] =	vst v0;
	s28 =	sshra.s32 s5, $0x2;
	s5 =	sadd.s32 $0x200, s5  }
0x3a: {  	[tilespmem:s28+$0x8470] =	vst v0  }
0x3b: {  	[tilespmem:s28+$0x8400] =	vst v0  }
0x3c: {  	[tilespmem:s28+$0x8410] =	vst v0  }
0x3d: {  	[tilespmem:s28+$0x8420] =	vst v0  }
0x3e: {  	[tilespmem:s28+$0x8430] =	vst v0  }
0x3f: {  	[tilespmem:s28+$0x8440] =	vst v0  }
0x40: {  	[tilespmem:s28+$0x8450] =	vst v0  }
0x41: {  	[tilespmem:s28+$0x8460] =	vst v0;
	s26 =	simm.s32 $0x8400  }
0x42: {  	[spmem:s29] =	stream.linear.scatter [tilespmem:s26], [sflag:$0x7], $0x3E80, $0x38;
	[tilespmem:$0x1FD00] =	vst v63  }
0x43: {  	_ =	swait.ge [sflag:s30], $0x3E80  }
0x44: {  	[sflag:s30] =	ssyncset.done $0x0  }
0x45: {  	s5 =	rddreg [dreg:$0x4];
	[sflag:s30] =	ssyncadd.s32 $0xFFFFC180  }
0x46: {  	[spmem:s5] =	stream.linear.scatter [tilespmem:s26], [sflag:$0x7], $0x3E80, $0x38;
	[tilespmem:$0x1FD00] =	vst v63  }
0x47: {  	_ =	swait.ge [sflag:s30], $0x3E80  }
0x48: {  	[sflag:s30] =	ssyncset.done $0x0  }
0x49: {  	s29 =	rddreg [dreg:$0xd];
	[sflag:s30] =	ssyncadd.s32 $0xFFFFC180  }
0x4a: {  	[spmem:s29] =	stream.linear.scatter [tilespmem:s26], [sflag:$0x7], $0x3E80, $0x38;
	[tilespmem:$0x1FD00] =	vst v63  }
0x4b: {  	_ =	swait.ge [sflag:s30], $0x3E80  }
0x4c: {  	[sflag:s30] =	ssyncset.done $0x0  }
0x4d: {  	s29 =	rddreg [dreg:$0x10];
	[sflag:s30] =	ssyncadd.s32 $0xFFFFC180  }
0x4e: {  	[spmem:s29] =	stream.linear.scatter [tilespmem:s26], [sflag:$0x7], $0x3E80, $0x38;
	[tilespmem:$0x1FD00] =	vst v63  }
0x4f: {  	_ =	swait.ge [sflag:s30], $0x3E80  }
0x50: {  	[sflag:s30] =	ssyncset.done $0x0  }
0x51: {  	s29 =	rddreg [dreg:$0x11];
	[sflag:s30] =	ssyncadd.s32 $0xFFFFC180  }
0x52: {  	[spmem:s29] =	stream.linear.scatter [tilespmem:s26], [sflag:$0x7], $0x3E80, $0x38;
	[tilespmem:$0x1FD00] =	vst v63  }
0x53: {  	_ =	swait.ge [sflag:s30], $0x3E80  }
0x54: {  	[sflag:s30] =	ssyncset.done $0x0  }
0x55: {  	[sflag:s30] =	ssyncadd.s32 $0xFFFFC180  }
0x56: {  	[bflag:$0x0] =	sbarrier.arrive $0xFFFF  }
0x57: {  	s28 =	simm.s32 $0x0;
	s26 =	rddreg [dreg:$0x5]  }
0x58: {  	[tilespmem:s28], [sflag:$0x7] =	stream.linear.gather [hbm4b:s26+s28], $0x80, $0x38;
	[tilespmem:$0x1FD00] =	vst v63  }
0x59: {  	_ =	swait.ge [sflag:s30], $0x80  }
0x5a: {  	[sflag:s30] =	ssyncset.done $0x0  }
0x5b: {  	s29 =	rddreg [dreg:$0x6];
	[sflag:s30] =	ssyncadd.s32 $0xFFFFFF80  }
0x5c: {  	[tilespmem:s31], [sflag:$0x7] =	stream.linear.gather [hbm4b:s29+s28], $0x80, $0x38;
	[tilespmem:$0x1FD00] =	vst v63  }
0x5d: {  	_ =	swait.ge [sflag:s30], $0x80  }
0x5e: {  	[sflag:s30] =	ssyncset.done $0x0  }
0x5f: {  	s26 =	rddreg [dreg:$0x7];
	[sflag:s30] =	ssyncadd.s32 $0xFFFFFF80  }
0x60: {  	[tilespmem:s0], [sflag:$0x7] =	stream.linear.gather [hbm4b:s26+s28], $0x80, $0x38;
	[tilespmem:$0x1FD00] =	vst v63  }
0x61: {  	_ =	swait.ge [sflag:s30], $0x80  }
0x62: {  	[sflag:s30] =	ssyncset.done $0x0  }
0x63: {  	s29 =	rddreg [dreg:$0x8];
	[sflag:s30] =	ssyncadd.s32 $0xFFFFFF80  }
0x64: {  	[tilespmem:s2], [sflag:$0x7] =	stream.linear.gather [hbm4b:s29+s28], $0x80, $0x38;
	[tilespmem:$0x1FD00] =	vst v63  }
0x65: {  	_ =	swait.ge [sflag:s30], $0x80  }
0x66: {  	[sflag:s30] =	ssyncset.done $0x0  }
0x67: {  	[sflag:s30] =	ssyncadd.s32 $0xFFFFFF80  }
0x68: {  	[tilespmem:s6], [sflag:$0x1] =	stream.indirect.gather [hbm4b:s4+s31], $0x80, s28, s31, $0xb8;
	[tilespmem:$0x1FD00] =	vst v63  }
0x69: {  	_ = 	snop  }
0x6a: {  	[tilespmem:s7], [sflag:$0x2] =	stream.indirect.gather [hbm4b:s4+s31], $0x80, s0, s31, $0xb8;
	[tilespmem:$0x1FD00] =	vst v63  }
0x6b: {  	s30 =	rddreg [dreg:$0x9]  }
0x6c: {  	[tilespmem:s8], [sflag:$0x5] =	stream.linear.gather [hbm4b:s30+s28], $0x80, $0x38;
	[tilespmem:$0x1FD00] =	vst v63  }
0x6d: {  	s26 =	rddreg [dreg:$0xa]  }
0x6e: {  	[tilespmem:s9], [sflag:$0x5] =	stream.linear.gather [hbm4b:s26+s28], $0x80, $0x38;
	[tilespmem:$0x1FD00] =	vst v63  }
0x6f: {  	s29 =	rddreg [dreg:$0xb]  }
0x70: {  	[tilespmem:s10], [sflag:$0x6] =	stream.linear.gather [hbm4b:s29+s28], $0x80, $0x38;
	[tilespmem:$0x1FD00] =	vst v63  }
0x71: {  	s30 =	rddreg [dreg:$0xc]  }
0x72: {  	[tilespmem:s11], [sflag:$0x6] =	stream.linear.gather [hbm4b:s30+s28], $0x80, $0x38;
	[tilespmem:$0x1FD00] =	vst v63  }
.LBB2_4:
0x73: {  	_ =	swait.ge [sflag:s12], $0x4000  }
0x74: {  	[sflag:s12] =	ssyncset.done $0x0  }
0x75: {  	[sflag:s12] =	ssyncadd.s32 $0xFFFFC000  }
0x76: {  	[spmem:s1] =	stream.indirect.scatter.add.f32 [tilespmem:s6], [sflag:$0x3], $0x80, s31, s31, $0xb8;
	[tilespmem:$0x1FD00] =	vst v63  }
0x77: {  	_ =	swait.ge [sflag:s13], $0x4000  }
0x78: {  	[sflag:s13] =	ssyncset.done $0x0  }
0x79: {  	[sflag:s13] =	ssyncadd.s32 $0xFFFFC000  }
0x7a: {  	[spmem:s1] =	stream.indirect.scatter.add.f32 [tilespmem:s7], [sflag:$0x4], $0x80, s2, s31, $0xb8;
	[tilespmem:$0x1FD00] =	vst v63  }
0x7b: {  	_ =	swait.ge [sflag:s14], $0x4000  }
0x7c: {  	[sflag:s14] =	ssyncset.done $0x0  }
0x7d: {  	[sflag:s14] =	ssyncadd.s32 $0xFFFFC000  }
0x7e: {  	_ =	swait.ge [sflag:s23], $0x80  }
0x7f: {  	[sflag:s23] =	ssyncset.done $0x0  }
0x80: {  	[sflag:s23] =	ssyncadd.s32 $0xFFFFFF80  }
0x81: {  	_ =	swait.ge [sflag:s23], $0x80  }
0x82: {  	p0 =	seq.s32 s28, $0x240;
	[sflag:s23] =	ssyncset.done $0x0  }
0x83: {  	s5 =	simm.s32 @p0 $0x4;
	[sflag:s23] =	ssyncadd.s32 $0xFFFFFF80  }
0x84: {  	[tilespmem:s6], [sflag:$0x1] =	stream.indirect.gather [hbm4b:s4+s31], $0x80, s8, s31, $0xb8;
	[tilespmem:$0x1FD00] =	vst v63  }
0x85: {  	_ =	swait.ge @p0 [sflag:s5], $0x4000  }
0x86: {  	[sflag:s5] =	ssyncset.done @p0 $0x0  }
0x87: {  	[sflag:s5] =	ssyncadd.s32 @p0 $0xFFFFC000;
	s5 =	simm.s32 @p0 $0x6  }
0x88: {  	_ =	swait.ge @p0 [sflag:s5], $0x80  }
0x89: {  	[sflag:s5] =	ssyncset.done @p0 $0x0  }
0x8a: {  	[sflag:s5] =	ssyncadd.s32 @p0 $0xFFFFFF80  }
0x8b: {  	_ =	swait.ge @p0 [sflag:s5], $0x80  }
0x8c: {  	s29 =	simm.s32 @p0 $0x300;
	[sflag:s5] =	ssyncset.done @p0 $0x0  }
0x8d: {  	s26 =	simm.s32 @p0 $0x4400;
	[sflag:s5] =	ssyncadd.s32 @p0 $0xFFFFFF80;
	s5 =	simm.s32 @p0 $0x80  }
0x8e: {  	[tilespmem:s26], [sflag:$0x2] =	stream.indirect.gather @p0 [hbm4b:s4+s5], $0x80, s29, s5, $0xb8;
	[tilespmem:$0x1FD00] =	vst v63  }
0x8f: {  	s5 =	sadd.s32 @!p0 s28, s22;
	s26 =	simm.s32 @!p0 $0x0  }
0x90: {  	[tilespmem:s26], [sflag:$0x5] =	stream.linear.gather @!p0 [hbm4b:s5+s26], $0x80, $0x38;
	[tilespmem:$0x1FD00] =	vst v63  }
0x91: {  	s29 =	simm.s32 @!p0 $0x80;
	s5 =	sadd.s32 @!p0 s28, s21  }
0x92: {  	[tilespmem:s29], [sflag:$0x5] =	stream.linear.gather @!p0 [hbm4b:s5+s26], $0x80, $0x38;
	[tilespmem:$0x1FD00] =	vst v63  }
0x93: {  	s5 =	simm.s32 @!p0 $0x4  }
0x94: {  	_ =	swait.ge @!p0 [sflag:s5], $0x4000  }
0x95: {  	[sflag:s5] =	ssyncset.done @!p0 $0x0  }
0x96: {  	[sflag:s5] =	ssyncadd.s32 @!p0 $0xFFFFC000;
	s5 =	simm.s32 @!p0 $0x6  }
0x97: {  	_ =	swait.ge @!p0 [sflag:s5], $0x80  }
0x98: {  	[sflag:s5] =	ssyncset.done @!p0 $0x0  }
0x99: {  	[sflag:s5] =	ssyncadd.s32 @!p0 $0xFFFFFF80  }
0x9a: {  	_ =	swait.ge @!p0 [sflag:s5], $0x80  }
0x9b: {  	[sflag:s5] =	ssyncset.done @!p0 $0x0  }
0x9c: {  	s30 =	simm.s32 @!p0 $0x4400;
	[sflag:s5] =	ssyncadd.s32 @!p0 $0xFFFFFF80;
	s5 =	simm.s32 @!p0 $0x300  }
0x9d: {  	[tilespmem:s30], [sflag:$0x2] =	stream.indirect.gather @!p0 [hbm4b:s4+s29], $0x80, s5, s29, $0xb8;
	[tilespmem:$0x1FD00] =	vst v63  }
0x9e: {  	s5 =	sadd.s32 @!p0 s28, s20;
	s29 =	simm.s32 @!p0 $0x100  }
0x9f: {  	[tilespmem:s29], [sflag:$0x6] =	stream.linear.gather @!p0 [hbm4b:s5+s26], $0x80, $0x38;
	[tilespmem:$0x1FD00] =	vst v63  }
0xa0: {  	s5 =	sadd.s32 @!p0 s28, s19;
	s29 =	simm.s32 @!p0 $0x180  }
0xa1: {  	[tilespmem:s29], [sflag:$0x6] =	stream.linear.gather @!p0 [hbm4b:s5+s26], $0x80, $0x38;
	[tilespmem:$0x1FD00] =	vst v63  }
0xa2: {  	_ =	swait.ge [sflag:s12], $0x4000  }
0xa3: {  	[sflag:s12] =	ssyncset.done $0x0  }
0xa4: {  	[sflag:s12] =	ssyncadd.s32 $0xFFFFC000  }
0xa5: {  	[spmem:s1] =	stream.indirect.scatter.add.f32 [tilespmem:s6], [sflag:$0x3], $0x80, s9, s31, $0xb8;
	[tilespmem:$0x1FD00] =	vst v63  }
0xa6: {  	_ =	swait.ge [sflag:s13], $0x4000  }
0xa7: {  	[sflag:s13] =	ssyncset.done $0x0  }
.Ltmp3:
0xa8: {  	[sflag:s13] =	ssyncadd.s32 $0xFFFFC000;
	(pc) =	sbr.rel @p0 .LBB2_6-.Ltmp3, $4  }
0xa9: {  	[spmem:s1] =	stream.indirect.scatter.add.f32 [tilespmem:s7], [sflag:$0x4], $0x80, s11, s31, $0xb8;
	[tilespmem:$0x1FD00] =	vst v63  }
0xaa: {  	_ =	swait.ge [sflag:s14], $0x4000  }
0xab: {  	[sflag:s14] =	ssyncset.done $0x0  }
0xac: {  	[sflag:s14] =	ssyncadd.s32 $0xFFFFC000  }
0xad: {  	_ =	swait.ge [sflag:s23], $0x80  }
0xae: {  	[sflag:s23] =	ssyncset.done $0x0  }
0xaf: {  	[sflag:s23] =	ssyncadd.s32 $0xFFFFFF80  }
0xb0: {  	_ =	swait.ge [sflag:s23], $0x80  }
0xb1: {  	[sflag:s23] =	ssyncset.done $0x0  }
0xb2: {  	[sflag:s23] =	ssyncadd.s32 $0xFFFFFF80  }
0xb3: {  	[tilespmem:s6], [sflag:$0x1] =	stream.indirect.gather [hbm4b:s4+s31], $0x80, s3, s31, $0xb8;
	[tilespmem:$0x1FD00] =	vst v63  }
0xb4: {  	s5 =	sadd.s32 s28, s18  }
0xb5: {  	[tilespmem:s8], [sflag:$0x5] =	stream.linear.gather [hbm4b:s5+s3], $0x80, $0x38;
	[tilespmem:$0x1FD00] =	vst v63  }
0xb6: {  	s26 =	sadd.s32 s28, s17  }
0xb7: {  	[tilespmem:s9], [sflag:$0x5] =	stream.linear.gather [hbm4b:s26+s3], $0x80, $0x38;
	[tilespmem:$0x1FD00] =	vst v63  }
0xb8: {  	_ =	swait.ge [sflag:s24], $0x4000  }
0xb9: {  	[sflag:s24] =	ssyncset.done $0x0  }
0xba: {  	[sflag:s24] =	ssyncadd.s32 $0xFFFFC000  }
0xbb: {  	_ =	swait.ge [sflag:s25], $0x80  }
0xbc: {  	[sflag:s25] =	ssyncset.done $0x0  }
0xbd: {  	[sflag:s25] =	ssyncadd.s32 $0xFFFFFF80  }
0xbe: {  	_ =	swait.ge [sflag:s25], $0x80  }
0xbf: {  	[sflag:s25] =	ssyncset.done $0x0  }
0xc0: {  	[sflag:s25] =	ssyncadd.s32 $0xFFFFFF80  }
0xc1: {  	[tilespmem:s7], [sflag:$0x2] =	stream.indirect.gather [hbm4b:s4+s31], $0x80, s0, s31, $0xb8;
	[tilespmem:$0x1FD00] =	vst v63  }
.Ltmp4:
0xc2: {  	_ = 	snop;
	(pc) =	sbr.rel .LBB2_4-.Ltmp4, $4  }
0xc3: {  	s29 =	sadd.s32 s28, s16  }
0xc4: {  	[tilespmem:s10], [sflag:$0x6] =	stream.linear.gather [hbm4b:s29+s3], $0x80, $0x38;
	[tilespmem:$0x1FD00] =	vst v63  }
0xc5: {  	s30 =	sadd.s32 s28, s15;
	s28 =	sadd.s32 $0x40, s28  }
0xc6: {  	[tilespmem:s11], [sflag:$0x6] =	stream.linear.gather [hbm4b:s30+s3], $0x80, $0x38;
	[tilespmem:$0x1FD00] =	vst v63  }
.LBB2_7:
0xc7: {  	_ =	sfence.sel $0x180000  }
0xc8: {  	[bflag:$0x0] =	sbarrier.arrive $0xFFFF  }
0xc9: {  	_ =	strace $0x90000050  }
0xca: {  	s0 =	stileid.u32;
	[bflag:$0x2] =	sbarrier.arrive $0xFFFF  }
0xcb: {  	p0 =	sne.s32 s0, $0x0;
	s0 =	rddreg [dreg:$0x2]  }
0xcc: {  	s0 =	sadd.s32 @!p0 $0x100000, s0  }
0xcd: {  	[sflag:s0] =	ssyncadd.tile.s32 @!p0 $0x1;
	_ =	shalt  }
.Lfunc_end2:
_tile_overlayer_lowered:
.L_overlay_start_2:
0xce: {  	(tag) =	ssettag $0x2  }
0xcf: {  	s0 =	rddreg [dreg:$0x0];
	s2 =	stileid.u32  }
0xd0: {  	s1 =	rddreg [dreg:$0x1];
	p0 =	sne.s32 s2, $0x0  }
0xd1: {  	s3 =	rddreg [dreg:$0x2];
	[bflag:$0x3] =	sbarrier.arrive $0xFFFF;
	s2 =	simm.s32 @!p0 $0x1C07  }
0xd2: {  	[timem:s3], [sflag:s2] =	dma.local @!p0 [hbm:s0], s1  }
0xd3: {  	s0 =	simm.s32 @!p0 $0x7  }
0xd4: {  	_ =	swait.ge @!p0 [sflag:s0], s1  }
0xd5: {  	s1 =	ssub.s32 @!p0 $0x0, s1;
	[sflag:s0] =	ssyncset.done @!p0 $0x0  }
0xd6: {  	[sflag:s0] =	ssyncadd.s32 @!p0 s1  }
0xd7: {  	[bflag:$0x3] =	sbarrier.arrive $0xFFFF  }
0xd8: {  	_ =	shalt  }

</sc_bundles>
